<compile_context>
chip_gen: v7x
topology: tpu7x:2x2x1
jax: 0.10.2.dev20260603
libtpu: 0.0.44.dev20260713+nightly
codegen_flags: <defaults>
</compile_context>

<pallas_src>
import functools

import jax
import jax.numpy as jnp
import numpy as np
from jax import lax
from jax.experimental import pallas as pl
from jax.experimental.pallas import tpu as pltpu
from jax.experimental.pallas import tpu_sc as plsc

B = 2
C_IN = 96
H = 224
W = 224
SCALE = 2
KTAP = 4
SAMPLES = 16
C1 = (C_IN + 2) * SCALE * SCALE
H1 = H // SCALE
W1 = W // SCALE
N = H1 * W1
M = SAMPLES * SAMPLES
BN = B * N
CO = 96 * SCALE * SCALE
C98 = C_IN + 2
CP = 512
CF = KTAP * CP

TBLK = 896
NBLK = N // TBLK

NSPLIT = 2
NH = N // NSPLIT
BNH = B * NH
NBLKH = NH // TBLK

NC = 2
NS = 16
NW = NC * NS
PW = BNH // NW
CH = 56
NCHUNK = PW // CH

_x_ind = np.round(np.linspace(0, H1 - 1, SAMPLES)).astype(np.int32)
_y_ind = np.round(np.linspace(0, W1 - 1, SAMPLES)).astype(np.int32)
_xg, _yg = np.meshgrid(_x_ind, _y_ind, indexing="ij")
_FLAT_IDX = (_xg.flatten() * W1 + _yg.flatten()).astype(np.int32)
_PIN = np.full((N,), -1, dtype=np.int32)
_PIN[_FLAT_IDX] = np.arange(M, dtype=np.int32)


def _coords():
    xg, yg = jnp.meshgrid(
        jnp.arange(H, dtype=jnp.float32),
        jnp.arange(W, dtype=jnp.float32),
        indexing="ij",
    )
    xy = jnp.stack([xg, yg], axis=0)
    nrm = jnp.sqrt(jnp.sum(xy * xy, axis=0, keepdims=True))
    return xy / jnp.maximum(nrm, 1e-12)


def _stage1_body(xs_ref, wk_ref, bk_ref, wv_ref, bv_ref, knt_ref, vtab_ref):
    xs = xs_ref[0]
    k = jnp.dot(wk_ref[...], xs, preferred_element_type=jnp.float32) + bk_ref[...]
    knrm = jnp.sqrt(jnp.sum(k * k, axis=0, keepdims=True))
    knt_ref[0] = k / jnp.maximum(knrm, 1e-12)
    v = jnp.dot(wv_ref[...], xs, preferred_element_type=jnp.float32) + bv_ref[...]
    vtab_ref[0] = jnp.pad(v.T, ((0, 0), (0, CP - C1)))


def _stage1(xs, wk, bk2, wv, bv2):
    return pl.pallas_call(
        _stage1_body,
        grid=(B,),
        in_specs=[
            pl.BlockSpec((1, C1, M), lambda b: (b, 0, 0)),
            pl.BlockSpec((C1, C1), lambda b: (0, 0)),
            pl.BlockSpec((C1, 1), lambda b: (0, 0)),
            pl.BlockSpec((C1, C1), lambda b: (0, 0)),
            pl.BlockSpec((C1, 1), lambda b: (0, 0)),
        ],
        out_specs=[
            pl.BlockSpec((1, C1, M), lambda b: (b, 0, 0)),
            pl.BlockSpec((1, M, CP), lambda b: (b, 0, 0)),
        ],
        out_shape=[
            jax.ShapeDtypeStruct((B, C1, M), jnp.float32),
            jax.ShapeDtypeStruct((B, M, CP), jnp.float32),
        ],
    )(xs, wk, bk2, wv, bv2)


def _stage2_body(x_ref, wq_ref, bq_ref, knt_ref, pin_ref, gidx_ref, attn_ref):
    b = pl.program_id(0)
    x = x_ref[0]
    q = jnp.dot(wq_ref[...], x, preferred_element_type=jnp.float32) + bq_ref[...]
    qnrm = jnp.sqrt(jnp.sum(q * q, axis=0, keepdims=True))
    qn = q / jnp.maximum(qnrm, 1e-12)
    sim = lax.dot_general(
        qn, knt_ref[0], (((0,), (0,)), ((), ())),
        preferred_element_type=jnp.float32,
    )
    col = lax.broadcasted_iota(jnp.int32, (TBLK, M), 1)
    pin = pin_ref[0, 0]
    sim = jnp.where(col == pin[:, None], 1e9, sim)
    vals = []
    idxs = []
    for kt in range(KTAP):
        mval = jnp.max(sim, axis=1)
        midx = jnp.min(jnp.where(sim == mval[:, None], col, M), axis=1)
        vals.append(mval)
        idxs.append(midx)
        if kt + 1 < KTAP:
            sim = jnp.where(col == midx[:, None], -jnp.inf, sim)
    vv = jnp.stack(vals, axis=0)
    e = jnp.exp(vv - vv[0][None, :])
    attn_ref[...] = e / jnp.sum(e, axis=0, keepdims=True)
    gidx_ref[...] = jnp.stack(
        [idxs[kt] + b * M for kt in range(KTAP)], axis=0
    )


def _stage2(x2, wq, bq2, knt, pin3, h):
    return pl.pallas_call(
        _stage2_body,
        grid=(B, NBLKH),
        in_specs=[
            pl.BlockSpec((1, C1, TBLK), lambda b, nb: (b, 0, h * NBLKH + nb)),
            pl.BlockSpec((C1, C1), lambda b, nb: (0, 0)),
            pl.BlockSpec((C1, 1), lambda b, nb: (0, 0)),
            pl.BlockSpec((1, C1, M), lambda b, nb: (b, 0, 0)),
            pl.BlockSpec((1, 1, TBLK), lambda b, nb: (h * NBLKH + nb, 0, 0)),
        ],
        out_specs=[
            pl.BlockSpec((KTAP, TBLK), lambda b, nb: (0, b * NBLKH + nb)),
            pl.BlockSpec((KTAP, TBLK), lambda b, nb: (0, b * NBLKH + nb)),
        ],
        out_shape=[
            jax.ShapeDtypeStruct((KTAP, BNH), jnp.int32),
            jax.ShapeDtypeStruct((KTAP, BNH), jnp.float32),
        ],
    )(x2, wq, bq2, knt, pin3)


def _stage3_body(vtab_hbm, gidx_hbm, g_hbm, idx_v, rows_v, sem):
    wid = lax.axis_index("s") * NC + lax.axis_index("c")
    base = wid * PW

    def chunk(i, _):
        off = base + i * CH
        for kt in range(KTAP):
            pltpu.sync_copy(gidx_hbm.at[pl.ds(kt * BNH + off, CH)], idx_v[kt])
        copies = [
            pltpu.async_copy(vtab_hbm.at[idx_v[kt]], rows_v[kt], sem)
            for kt in range(KTAP)
        ]
        for c in copies:
            c.wait()
        for kt in range(KTAP):
            pltpu.sync_copy(rows_v[kt], g_hbm.at[kt, pl.ds(off, CH), :])
        return 0

    lax.fori_loop(0, NCHUNK, chunk, 0)


@functools.lru_cache(maxsize=1)
def _make_stage3():
    return pl.kernel(
        _stage3_body,
        out_type=jax.ShapeDtypeStruct((KTAP, BNH, CP), jnp.float32),
        mesh=plsc.VectorSubcoreMesh(core_axis_name="c", subcore_axis_name="s"),
        compiler_params=pltpu.CompilerParams(use_tc_tiling_on_sc=True),
        scratch_types=[
            [pltpu.VMEM((CH,), jnp.int32) for _ in range(KTAP)],
            [pltpu.VMEM((CH, CP), jnp.float32) for _ in range(KTAP)],
            pltpu.SemaphoreType.DMA,
        ],
    )


def _stage4_body(g_ref, attn_ref, wflat_ref, cb_ref, pfold_ref, pb_ref, out_ref):
    attn = attn_ref[...]
    parts = [g_ref[kt] * attn[kt][:, None] for kt in range(KTAP)]
    weighted = jnp.concatenate(parts, axis=1)
    out1d = (
        jnp.dot(weighted, wflat_ref[...], preferred_element_type=jnp.float32)
        + cb_ref[...]
    )
    out_ref[...] = (
        jnp.dot(out1d, pfold_ref[...], preferred_element_type=jnp.float32)
        + pb_ref[...]
    )


def _stage4(g, attn, wflat, cb2, pfold, pb2):
    nblk2 = BNH // TBLK
    return pl.pallas_call(
        _stage4_body,
        grid=(nblk2,),
        in_specs=[
            pl.BlockSpec((KTAP, TBLK, CP), lambda i: (0, i, 0)),
            pl.BlockSpec((KTAP, TBLK), lambda i: (0, i)),
            pl.BlockSpec((CF, C1), lambda i: (0, 0)),
            pl.BlockSpec((1, C1), lambda i: (0, 0)),
            pl.BlockSpec((C1, CO), lambda i: (0, 0)),
            pl.BlockSpec((1, CO), lambda i: (0, 0)),
        ],
        out_specs=pl.BlockSpec((TBLK, CO), lambda i: (i, 0)),
        out_shape=jax.ShapeDtypeStruct((BNH, CO), jnp.float32),
    )(g, attn, wflat, cb2, pfold, pb2)


def kernel(x, Wq, bq, Wk, bk, Wv, bv, conv_w, conv_b, pw_w, pw_b):
    coords = jnp.broadcast_to(_coords()[None], (B, 2, H, W))
    xc = jnp.concatenate([x, coords], axis=1)
    x2 = (
        xc.reshape(B, C98, H1, SCALE, W1, SCALE)
        .transpose(0, 1, 3, 5, 2, 4)
        .reshape(B, C1, N)
    )
    xs = x2[:, :, jnp.asarray(_FLAT_IDX)]

    wflat = jnp.pad(
        conv_w.transpose(2, 1, 0), ((0, 0), (0, CP - C1), (0, 0))
    ).reshape(CF, C1)
    eye4 = jnp.eye(SCALE * SCALE, dtype=pw_w.dtype)
    pfold = jnp.einsum(
        "oc,st->ctso", pw_w, eye4, precision=jax.lax.Precision.HIGHEST
    ).reshape(C1, CO)
    bq2 = bq.reshape(C1, 1)
    bk2 = bk.reshape(C1, 1)
    bv2 = bv.reshape(C1, 1)
    cb2 = conv_b.reshape(1, C1)
    pb2 = jnp.tile(pw_b, SCALE * SCALE).reshape(1, CO)
    pin3 = jnp.asarray(_PIN).reshape(NBLK, 1, TBLK)

    knt, vtab = _stage1(xs, Wk, bk2, Wv, bv2)
    vflat = vtab.reshape(B * M, CP)

    outs = []
    for h in range(NSPLIT):
        gidx, attn = _stage2(x2, Wq, bq2, knt, pin3, h)
        g = _make_stage3()(vflat, gidx.reshape(KTAP * BNH))
        outs.append(_stage4(g, attn, wflat, cb2, pfold, pb2))

    out_tok = jnp.concatenate(
        [o.reshape(B, NH, CO) for o in outs], axis=1
    )

    x5 = (
        out_tok.reshape(B, H1, W1, SCALE, SCALE, C_IN)
        .transpose(0, 5, 1, 3, 2, 4)
        .reshape(B, C_IN, H, W)
    )
    return x5

# --- scband reference (transcript-rebuilt; emitter-appended) ---
"""Pipeline reference for scband-conv2d-nn-attn-spatial-44976897523816 (READ-ONLY COPY).

The authoritative reference and input builder live on the scoring server;
editing this copy changes nothing except your own understanding.
"""

import jax, jax.numpy as jnp
import numpy as np

B = 2; C_IN = 96; H = 224; W = 224
SCALE = 2; K = 4; SAMPLES = 16; PAD = 0
C1 = (C_IN + 2) * SCALE * SCALE  # 392 channels after coord-cat + pixel-unshuffle

def pixel_unshuffle(x, r):
    b, c, h, w = x.shape
    x = x.reshape(b, c, h // r, r, w // r, r)
    x = x.transpose(0, 1, 3, 5, 2, 4)
    return x.reshape(b, c * r * r, h // r, w // r)

def pixel_shuffle(x, r):
    b, c, h, w = x.shape
    x = x.reshape(b, c // (r * r), r, r, h, w)
    x = x.transpose(0, 1, 4, 2, 5, 3)
    return x.reshape(b, c // (r * r), h * r, w * r)

def coordinate_channels(shape):
    b, _, h, w = shape
    xg, yg = jnp.meshgrid(jnp.arange(h, dtype=jnp.float32), jnp.arange(w, dtype=jnp.float32), indexing='ij')
    xy = jnp.stack([xg, yg], axis=0)
    norm = jnp.sqrt(jnp.sum(xy * xy, axis=0, keepdims=True))
    xy = xy / jnp.maximum(norm, 1e-12)
    return jnp.broadcast_to(xy[None], (b, 2, h, w))

def _forward(x, Wq, bq, Wk, bk, Wv, bv, conv_w, conv_b, pw_w, pw_b):
    coords = coordinate_channels(x.shape)
    xc = jnp.concatenate([x, coords], axis=1)
    x1 = pixel_unshuffle(xc, SCALE)
    b, c1, h1, w1 = x1.shape
    x_ind = jnp.round(jnp.linspace(PAD, h1 - PAD - 1, SAMPLES)).astype(jnp.int32)
    y_ind = jnp.round(jnp.linspace(PAD, w1 - PAD - 1, SAMPLES)).astype(jnp.int32)
    xg, yg = jnp.meshgrid(x_ind, y_ind, indexing='ij')
    flat_idx = xg.flatten() * w1 + yg.flatten()
    x_sample = x1[:, :, xg, yg].reshape(b, c1, -1)
    x2 = x1.reshape(b, c1, -1)
    # Conv1d_NN_Attn_Spatial: attention-style top-K nearest-neighbor conv over sampled tokens
    q = jnp.einsum('oc,bcn->bon', Wq, x2) + bq[None, :, None]
    k = jnp.einsum('oc,bcm->bom', Wk, x_sample) + bk[None, :, None]
    v = jnp.einsum('oc,bcm->bom', Wv, x_sample) + bv[None, :, None]
    qn = q / jnp.maximum(jnp.linalg.norm(q, axis=1, keepdims=True), 1e-12)
    kn = k / jnp.maximum(jnp.linalg.norm(k, axis=1, keepdims=True), 1e-12)
    sim = jnp.einsum('bcn,bcm->bnm', qn, kn)
    m = sim.shape[2]
    # pin each sampled token's similarity to itself so it is its own first neighbor
    sim = sim.at[:, flat_idx, jnp.arange(m)].set(1e9)
    vals, idx = jax.lax.top_k(sim, K)
    attn = jax.nn.softmax(vals, axis=-1)
    neigh = jnp.take_along_axis(v[:, :, None, :], idx[:, None, :, :], axis=3)
    weighted = neigh * attn[:, None, :, :]
    # Conv1d(kernel=K, stride=K) over interleaved neighbors == per-token K-tap mix
    out1d = jnp.einsum('bcnk,ock->bon', weighted, conv_w) + conv_b[None, :, None]
    x4 = out1d.reshape(b, out1d.shape[1], h1, w1)
    x4 = pixel_shuffle(x4, SCALE)
    x5 = jnp.einsum('oc,bchw->bohw', pw_w, x4) + pw_b[None, :, None, None]
    return x5

def setup_inputs(seed: int = 0):
    key = jax.random.key(seed)
    ks = jax.random.split(key, 11)
    x = jax.random.normal(ks[0], (B, C_IN, H, W), dtype=jnp.float32)
    Wq = jax.random.normal(ks[1], (C1, C1), dtype=jnp.float32) * 0.05
    bq = jnp.zeros((C1,), dtype=jnp.float32)
    Wk = jax.random.normal(ks[2], (C1, C1), dtype=jnp.float32) * 0.05
    bk = jnp.zeros((C1,), dtype=jnp.float32)
    Wv = jax.random.normal(ks[3], (C1, C1), dtype=jnp.float32) * 0.05
    bv = jnp.zeros((C1,), dtype=jnp.float32)
    conv_w = jax.random.normal(ks[4], (C1, C1, K), dtype=jnp.float32) * 0.05
    conv_b = jnp.zeros((C1,), dtype=jnp.float32)
    pw_w = jax.random.normal(ks[5], (C_IN, C_IN + 2), dtype=jnp.float32) * 0.05
    pw_b = jnp.zeros((C_IN,), dtype=jnp.float32)
    return {"x": x, "Wq": Wq, "bq": bq, "Wk": Wk, "bk": bk, "Wv": Wv, "bv": bv, "conv_w": conv_w, "conv_b": conv_b, "pw_w": pw_w, "pw_b": pw_b}

def reference(x, Wq, bq, Wk, bk, Wv, bv, conv_w, conv_b, pw_w, pw_b):
    return _forward(x, Wq, bq, Wk, bk, Wv, bv, conv_w, conv_b, pw_w, pw_b)

if __name__ == "__main__":
    import jax
    _d = setup_inputs()
    print(jax.jit(kernel)(*tuple(_d.values())))

</pallas_src>

<mosaic_0001>
#map = affine_map<(d0, d1) -> (0, 0)>
#map1 = affine_map<(d0, d1) -> (0)>
#map2 = affine_map<(d0, d1) -> (0, 0, 0)>
module attributes {stable_mosaic.version = 14 : i64} {
  func.func @_stage3_body(%arg0: i32, %arg1: i32, %arg2: memref<512x512xf32, #tpu.memory_space<hbm>>, %arg3: memref<50176xi32, #tpu.memory_space<hbm>>, %arg4: memref<4x12544x512xf32, #tpu.memory_space<hbm>>, %arg5: memref<56xi32, #tpu.memory_space<vmem>>, %arg6: memref<56xi32, #tpu.memory_space<vmem>>, %arg7: memref<56xi32, #tpu.memory_space<vmem>>, %arg8: memref<56xi32, #tpu.memory_space<vmem>>, %arg9: memref<56x512xf32, #tpu.memory_space<vmem>>, %arg10: memref<56x512xf32, #tpu.memory_space<vmem>>, %arg11: memref<56x512xf32, #tpu.memory_space<vmem>>, %arg12: memref<56x512xf32, #tpu.memory_space<vmem>>, %arg13: memref<!tpu.dma_semaphore, #tpu.memory_space<semaphore_mem>>) attributes {dimension_semantics = [#tpu.dimension_semantics<core_parallel>, #tpu.dimension_semantics<subcore_parallel>], iteration_bounds = array<i64: 2, 16>, scalar_prefetch = 0 : i64, scratch_operands = 9 : i64, tpu.core_type = #tpu.core_type<sc_vector_subcore>, window_params = [{transform_indices = #map}, {transform_indices = #map1}, {transform_indices = #map2}]} {
    %mul3A = arith.constant 2 : i32
    %mul3A_0 = arith.muli %arg1, %mul3A : i32
    %add3A = arith.addi %mul3A_0, %arg0 : i32
    %mul3A_1 = arith.constant 392 : i32
    %mul3A_2 = arith.muli %add3A, %mul3A_1 : i32
    %scan3A = arith.constant 0 : i32
    %scan3A_3 = arith.constant 0 : i32
    %scan3A_4 = arith.constant 7 : i32
    %scan3A_5 = arith.addi %scan3A_3, %scan3A_4 : i32
    %scan3A_6 = arith.constant 1 : i32
    %scan3A_7 = scf.for %scan3A_9 = %scan3A_3 to %scan3A_5 step %scan3A_6 iter_args(%scan3A_10 = %scan3A) -> (i32)  : i32 {
      %mul3A_11 = arith.constant 56 : i32
      %mul3A_12 = arith.muli %scan3A_9, %mul3A_11 : i32
      %add3A_13 = arith.addi %mul3A_2, %mul3A_12 : i32
      %add3A_14 = arith.constant 0 : i32
      %add3A_15 = arith.addi %add3A_14, %add3A_13 : i32
      "tpu.region"() ({
        %run_scoped3A_48 = tpu.sem_alloc : memref<!tpu.dma_semaphore, #tpu.memory_space<semaphore_mem>>
        %dma_start3A_49 = tpu.memref_slice %arg3[%add3A_15] : memref<50176xi32, #tpu.memory_space<hbm>> -> memref<56xi32, #tpu.memory_space<hbm>>
        %dma_start3A_50 = tpu.memref_slice %arg3[%add3A_15] : memref<50176xi32, #tpu.memory_space<hbm>> -> memref<56xi32, #tpu.memory_space<hbm>>
        tpu.enqueue_dma source(%dma_start3A_50 : memref<56xi32, #tpu.memory_space<hbm>>) target(%arg5 : memref<56xi32, #tpu.memory_space<vmem>>) target_semaphore(%run_scoped3A_48 : memref<!tpu.dma_semaphore, #tpu.memory_space<semaphore_mem>>)
        %dma_wait3A_51 = tpu.memref_slice %arg3[%add3A_15] : memref<50176xi32, #tpu.memory_space<hbm>> -> memref<56xi32, #tpu.memory_space<hbm>>
        %dma_wait3A_52 = tpu.memref_slice %arg3[%add3A_15] : memref<50176xi32, #tpu.memory_space<hbm>> -> memref<56xi32, #tpu.memory_space<hbm>>
        tpu.wait_dma2 semaphore(%run_scoped3A_48 : memref<!tpu.dma_semaphore, #tpu.memory_space<semaphore_mem>>) src(%dma_wait3A_52 : memref<56xi32, #tpu.memory_space<hbm>>) dst(%arg5 : memref<56xi32, #tpu.memory_space<vmem>>)
        tpu.yield
      }) : () -> ()
      %add3A_16 = arith.constant 12544 : i32
      %add3A_17 = arith.addi %add3A_16, %add3A_13 : i32
      "tpu.region"() ({
        %run_scoped3A_48 = tpu.sem_alloc : memref<!tpu.dma_semaphore, #tpu.memory_space<semaphore_mem>>
        %dma_start3A_49 = tpu.memref_slice %arg3[%add3A_17] : memref<50176xi32, #tpu.memory_space<hbm>> -> memref<56xi32, #tpu.memory_space<hbm>>
        %dma_start3A_50 = tpu.memref_slice %arg3[%add3A_17] : memref<50176xi32, #tpu.memory_space<hbm>> -> memref<56xi32, #tpu.memory_space<hbm>>
        tpu.enqueue_dma source(%dma_start3A_50 : memref<56xi32, #tpu.memory_space<hbm>>) target(%arg6 : memref<56xi32, #tpu.memory_space<vmem>>) target_semaphore(%run_scoped3A_48 : memref<!tpu.dma_semaphore, #tpu.memory_space<semaphore_mem>>)
        %dma_wait3A_51 = tpu.memref_slice %arg3[%add3A_17] : memref<50176xi32, #tpu.memory_space<hbm>> -> memref<56xi32, #tpu.memory_space<hbm>>
        %dma_wait3A_52 = tpu.memref_slice %arg3[%add3A_17] : memref<50176xi32, #tpu.memory_space<hbm>> -> memref<56xi32, #tpu.memory_space<hbm>>
        tpu.wait_dma2 semaphore(%run_scoped3A_48 : memref<!tpu.dma_semaphore, #tpu.memory_space<semaphore_mem>>) src(%dma_wait3A_52 : memref<56xi32, #tpu.memory_space<hbm>>) dst(%arg6 : memref<56xi32, #tpu.memory_space<vmem>>)
        tpu.yield
      }) : () -> ()
      %add3A_18 = arith.constant 25088 : i32
      %add3A_19 = arith.addi %add3A_18, %add3A_13 : i32
      "tpu.region"() ({
        %run_scoped3A_48 = tpu.sem_alloc : memref<!tpu.dma_semaphore, #tpu.memory_space<semaphore_mem>>
        %dma_start3A_49 = tpu.memref_slice %arg3[%add3A_19] : memref<50176xi32, #tpu.memory_space<hbm>> -> memref<56xi32, #tpu.memory_space<hbm>>
        %dma_start3A_50 = tpu.memref_slice %arg3[%add3A_19] : memref<50176xi32, #tpu.memory_space<hbm>> -> memref<56xi32, #tpu.memory_space<hbm>>
        tpu.enqueue_dma source(%dma_start3A_50 : memref<56xi32, #tpu.memory_space<hbm>>) target(%arg7 : memref<56xi32, #tpu.memory_space<vmem>>) target_semaphore(%run_scoped3A_48 : memref<!tpu.dma_semaphore, #tpu.memory_space<semaphore_mem>>)
        %dma_wait3A_51 = tpu.memref_slice %arg3[%add3A_19] : memref<50176xi32, #tpu.memory_space<hbm>> -> memref<56xi32, #tpu.memory_space<hbm>>
        %dma_wait3A_52 = tpu.memref_slice %arg3[%add3A_19] : memref<50176xi32, #tpu.memory_space<hbm>> -> memref<56xi32, #tpu.memory_space<hbm>>
        tpu.wait_dma2 semaphore(%run_scoped3A_48 : memref<!tpu.dma_semaphore, #tpu.memory_space<semaphore_mem>>) src(%dma_wait3A_52 : memref<56xi32, #tpu.memory_space<hbm>>) dst(%arg7 : memref<56xi32, #tpu.memory_space<vmem>>)
        tpu.yield
      }) : () -> ()
      %add3A_20 = arith.constant 37632 : i32
      %add3A_21 = arith.addi %add3A_20, %add3A_13 : i32
      "tpu.region"() ({
        %run_scoped3A_48 = tpu.sem_alloc : memref<!tpu.dma_semaphore, #tpu.memory_space<semaphore_mem>>
        %dma_start3A_49 = tpu.memref_slice %arg3[%add3A_21] : memref<50176xi32, #tpu.memory_space<hbm>> -> memref<56xi32, #tpu.memory_space<hbm>>
        %dma_start3A_50 = tpu.memref_slice %arg3[%add3A_21] : memref<50176xi32, #tpu.memory_space<hbm>> -> memref<56xi32, #tpu.memory_space<hbm>>
        tpu.enqueue_dma source(%dma_start3A_50 : memref<56xi32, #tpu.memory_space<hbm>>) target(%arg8 : memref<56xi32, #tpu.memory_space<vmem>>) target_semaphore(%run_scoped3A_48 : memref<!tpu.dma_semaphore, #tpu.memory_space<semaphore_mem>>)
        %dma_wait3A_51 = tpu.memref_slice %arg3[%add3A_21] : memref<50176xi32, #tpu.memory_space<hbm>> -> memref<56xi32, #tpu.memory_space<hbm>>
        %dma_wait3A_52 = tpu.memref_slice %arg3[%add3A_21] : memref<50176xi32, #tpu.memory_space<hbm>> -> memref<56xi32, #tpu.memory_space<hbm>>
        tpu.wait_dma2 semaphore(%run_scoped3A_48 : memref<!tpu.dma_semaphore, #tpu.memory_space<semaphore_mem>>) src(%dma_wait3A_52 : memref<56xi32, #tpu.memory_space<hbm>>) dst(%arg8 : memref<56xi32, #tpu.memory_space<vmem>>)
        tpu.yield
      }) : () -> ()
      %dma_start3A = arith.constant 0 : i32
      %dma_start3A_22 = arith.constant 0 : i32
      %dma_start3A_23 = tpu.memref_slice %arg2[%dma_start3A, %dma_start3A_22] : memref<512x512xf32, #tpu.memory_space<hbm>> -> memref<512x512xf32, #tpu.memory_space<hbm>>
      tpu.enqueue_indirect_dma source(%dma_start3A_23 : memref<512x512xf32, #tpu.memory_space<hbm>>) target(%arg9 : memref<56x512xf32, #tpu.memory_space<vmem>>) offsets(%arg5 : memref<56xi32, #tpu.memory_space<vmem>>) semaphore(%arg13 : memref<!tpu.dma_semaphore, #tpu.memory_space<semaphore_mem>>)
      %dma_start3A_24 = arith.constant 0 : i32
      %dma_start3A_25 = arith.constant 0 : i32
      %dma_start3A_26 = tpu.memref_slice %arg2[%dma_start3A_24, %dma_start3A_25] : memref<512x512xf32, #tpu.memory_space<hbm>> -> memref<512x512xf32, #tpu.memory_space<hbm>>
      tpu.enqueue_indirect_dma source(%dma_start3A_26 : memref<512x512xf32, #tpu.memory_space<hbm>>) target(%arg10 : memref<56x512xf32, #tpu.memory_space<vmem>>) offsets(%arg6 : memref<56xi32, #tpu.memory_space<vmem>>) semaphore(%arg13 : memref<!tpu.dma_semaphore, #tpu.memory_space<semaphore_mem>>)
      %dma_start3A_27 = arith.constant 0 : i32
      %dma_start3A_28 = arith.constant 0 : i32
      %dma_start3A_29 = tpu.memref_slice %arg2[%dma_start3A_27, %dma_start3A_28] : memref<512x512xf32, #tpu.memory_space<hbm>> -> memref<512x512xf32, #tpu.memory_space<hbm>>
      tpu.enqueue_indirect_dma source(%dma_start3A_29 : memref<512x512xf32, #tpu.memory_space<hbm>>) target(%arg11 : memref<56x512xf32, #tpu.memory_space<vmem>>) offsets(%arg7 : memref<56xi32, #tpu.memory_space<vmem>>) semaphore(%arg13 : memref<!tpu.dma_semaphore, #tpu.memory_space<semaphore_mem>>)
      %dma_start3A_30 = arith.constant 0 : i32
      %dma_start3A_31 = arith.constant 0 : i32
      %dma_start3A_32 = tpu.memref_slice %arg2[%dma_start3A_30, %dma_start3A_31] : memref<512x512xf32, #tpu.memory_space<hbm>> -> memref<512x512xf32, #tpu.memory_space<hbm>>
      tpu.enqueue_indirect_dma source(%dma_start3A_32 : memref<512x512xf32, #tpu.memory_space<hbm>>) target(%arg12 : memref<56x512xf32, #tpu.memory_space<vmem>>) offsets(%arg8 : memref<56xi32, #tpu.memory_space<vmem>>) semaphore(%arg13 : memref<!tpu.dma_semaphore, #tpu.memory_space<semaphore_mem>>)
      %dma_wait3A = arith.constant 0 : i32
      %dma_wait3A_33 = arith.constant 0 : i32
      %dma_wait3A_34 = tpu.memref_slice %arg2[%dma_wait3A, %dma_wait3A_33] : memref<512x512xf32, #tpu.memory_space<hbm>> -> memref<512x512xf32, #tpu.memory_space<hbm>>
      tpu.wait_indirect_dma semaphore(%arg13 : memref<!tpu.dma_semaphore, #tpu.memory_space<semaphore_mem>>) src(%dma_wait3A_34 : memref<512x512xf32, #tpu.memory_space<hbm>>) dst(%arg9 : memref<56x512xf32, #tpu.memory_space<vmem>>)
      %dma_wait3A_35 = arith.constant 0 : i32
      %dma_wait3A_36 = arith.constant 0 : i32
      %dma_wait3A_37 = tpu.memref_slice %arg2[%dma_wait3A_35, %dma_wait3A_36] : memref<512x512xf32, #tpu.memory_space<hbm>> -> memref<512x512xf32, #tpu.memory_space<hbm>>
      tpu.wait_indirect_dma semaphore(%arg13 : memref<!tpu.dma_semaphore, #tpu.memory_space<semaphore_mem>>) src(%dma_wait3A_37 : memref<512x512xf32, #tpu.memory_space<hbm>>) dst(%arg10 : memref<56x512xf32, #tpu.memory_space<vmem>>)
      %dma_wait3A_38 = arith.constant 0 : i32
      %dma_wait3A_39 = arith.constant 0 : i32
      %dma_wait3A_40 = tpu.memref_slice %arg2[%dma_wait3A_38, %dma_wait3A_39] : memref<512x512xf32, #tpu.memory_space<hbm>> -> memref<512x512xf32, #tpu.memory_space<hbm>>
      tpu.wait_indirect_dma semaphore(%arg13 : memref<!tpu.dma_semaphore, #tpu.memory_space<semaphore_mem>>) src(%dma_wait3A_40 : memref<512x512xf32, #tpu.memory_space<hbm>>) dst(%arg11 : memref<56x512xf32, #tpu.memory_space<vmem>>)
      %dma_wait3A_41 = arith.constant 0 : i32
      %dma_wait3A_42 = arith.constant 0 : i32
      %dma_wait3A_43 = tpu.memref_slice %arg2[%dma_wait3A_41, %dma_wait3A_42] : memref<512x512xf32, #tpu.memory_space<hbm>> -> memref<512x512xf32, #tpu.memory_space<hbm>>
      tpu.wait_indirect_dma semaphore(%arg13 : memref<!tpu.dma_semaphore, #tpu.memory_space<semaphore_mem>>) src(%dma_wait3A_43 : memref<512x512xf32, #tpu.memory_space<hbm>>) dst(%arg12 : memref<56x512xf32, #tpu.memory_space<vmem>>)
      %run_scoped3A = arith.constant 0 : i32
      "tpu.region"() ({
        %run_scoped3A_48 = tpu.sem_alloc : memref<!tpu.dma_semaphore, #tpu.memory_space<semaphore_mem>>
        %dma_start3A_49 = arith.constant 0 : i32
        %dma_start3A_50 = tpu.memref_slice %arg4[%run_scoped3A, %add3A_13, %dma_start3A_49] : memref<4x12544x512xf32, #tpu.memory_space<hbm>> -> memref<1x56x512xf32, #tpu.memory_space<hbm>>
        %dma_start3A_51 = tpu.memref_squeeze %dma_start3A_50 : memref<1x56x512xf32, #tpu.memory_space<hbm>> -> memref<56x512xf32, #tpu.memory_space<hbm>>
        %dma_start3A_52 = arith.constant 0 : i32
        %dma_start3A_53 = tpu.memref_slice %arg4[%run_scoped3A, %add3A_13, %dma_start3A_52] : memref<4x12544x512xf32, #tpu.memory_space<hbm>> -> memref<1x56x512xf32, #tpu.memory_space<hbm>>
        %dma_start3A_54 = tpu.memref_squeeze %dma_start3A_53 : memref<1x56x512xf32, #tpu.memory_space<hbm>> -> memref<56x512xf32, #tpu.memory_space<hbm>>
        tpu.enqueue_dma source(%arg9 : memref<56x512xf32, #tpu.memory_space<vmem>>) target(%dma_start3A_54 : memref<56x512xf32, #tpu.memory_space<hbm>>) target_semaphore(%run_scoped3A_48 : memref<!tpu.dma_semaphore, #tpu.memory_space<semaphore_mem>>)
        %dma_wait3A_55 = arith.constant 0 : i32
        %dma_wait3A_56 = tpu.memref_slice %arg4[%run_scoped3A, %add3A_13, %dma_wait3A_55] : memref<4x12544x512xf32, #tpu.memory_space<hbm>> -> memref<1x56x512xf32, #tpu.memory_space<hbm>>
        %dma_wait3A_57 = tpu.memref_squeeze %dma_wait3A_56 : memref<1x56x512xf32, #tpu.memory_space<hbm>> -> memref<56x512xf32, #tpu.memory_space<hbm>>
        %dma_wait3A_58 = arith.constant 0 : i32
        %dma_wait3A_59 = tpu.memref_slice %arg4[%run_scoped3A, %add3A_13, %dma_wait3A_58] : memref<4x12544x512xf32, #tpu.memory_space<hbm>> -> memref<1x56x512xf32, #tpu.memory_space<hbm>>
        %dma_wait3A_60 = tpu.memref_squeeze %dma_wait3A_59 : memref<1x56x512xf32, #tpu.memory_space<hbm>> -> memref<56x512xf32, #tpu.memory_space<hbm>>
        tpu.wait_dma2 semaphore(%run_scoped3A_48 : memref<!tpu.dma_semaphore, #tpu.memory_space<semaphore_mem>>) src(%arg9 : memref<56x512xf32, #tpu.memory_space<vmem>>) dst(%dma_wait3A_60 : memref<56x512xf32, #tpu.memory_space<hbm>>)
        tpu.yield
      }) : () -> ()
      %run_scoped3A_44 = arith.constant 1 : i32
      "tpu.region"() ({
        %run_scoped3A_48 = tpu.sem_alloc : memref<!tpu.dma_semaphore, #tpu.memory_space<semaphore_mem>>
        %dma_start3A_49 = arith.constant 0 : i32
        %dma_start3A_50 = tpu.memref_slice %arg4[%run_scoped3A_44, %add3A_13, %dma_start3A_49] : memref<4x12544x512xf32, #tpu.memory_space<hbm>> -> memref<1x56x512xf32, #tpu.memory_space<hbm>>
        %dma_start3A_51 = tpu.memref_squeeze %dma_start3A_50 : memref<1x56x512xf32, #tpu.memory_space<hbm>> -> memref<56x512xf32, #tpu.memory_space<hbm>>
        %dma_start3A_52 = arith.constant 0 : i32
        %dma_start3A_53 = tpu.memref_slice %arg4[%run_scoped3A_44, %add3A_13, %dma_start3A_52] : memref<4x12544x512xf32, #tpu.memory_space<hbm>> -> memref<1x56x512xf32, #tpu.memory_space<hbm>>
        %dma_start3A_54 = tpu.memref_squeeze %dma_start3A_53 : memref<1x56x512xf32, #tpu.memory_space<hbm>> -> memref<56x512xf32, #tpu.memory_space<hbm>>
        tpu.enqueue_dma source(%arg10 : memref<56x512xf32, #tpu.memory_space<vmem>>) target(%dma_start3A_54 : memref<56x512xf32, #tpu.memory_space<hbm>>) target_semaphore(%run_scoped3A_48 : memref<!tpu.dma_semaphore, #tpu.memory_space<semaphore_mem>>)
        %dma_wait3A_55 = arith.constant 0 : i32
        %dma_wait3A_56 = tpu.memref_slice %arg4[%run_scoped3A_44, %add3A_13, %dma_wait3A_55] : memref<4x12544x512xf32, #tpu.memory_space<hbm>> -> memref<1x56x512xf32, #tpu.memory_space<hbm>>
        %dma_wait3A_57 = tpu.memref_squeeze %dma_wait3A_56 : memref<1x56x512xf32, #tpu.memory_space<hbm>> -> memref<56x512xf32, #tpu.memory_space<hbm>>
        %dma_wait3A_58 = arith.constant 0 : i32
        %dma_wait3A_59 = tpu.memref_slice %arg4[%run_scoped3A_44, %add3A_13, %dma_wait3A_58] : memref<4x12544x512xf32, #tpu.memory_space<hbm>> -> memref<1x56x512xf32, #tpu.memory_space<hbm>>
        %dma_wait3A_60 = tpu.memref_squeeze %dma_wait3A_59 : memref<1x56x512xf32, #tpu.memory_space<hbm>> -> memref<56x512xf32, #tpu.memory_space<hbm>>
        tpu.wait_dma2 semaphore(%run_scoped3A_48 : memref<!tpu.dma_semaphore, #tpu.memory_space<semaphore_mem>>) src(%arg10 : memref<56x512xf32, #tpu.memory_space<vmem>>) dst(%dma_wait3A_60 : memref<56x512xf32, #tpu.memory_space<hbm>>)
        tpu.yield
      }) : () -> ()
      %run_scoped3A_45 = arith.constant 2 : i32
      "tpu.region"() ({
        %run_scoped3A_48 = tpu.sem_alloc : memref<!tpu.dma_semaphore, #tpu.memory_space<semaphore_mem>>
        %dma_start3A_49 = arith.constant 0 : i32
        %dma_start3A_50 = tpu.memref_slice %arg4[%run_scoped3A_45, %add3A_13, %dma_start3A_49] : memref<4x12544x512xf32, #tpu.memory_space<hbm>> -> memref<1x56x512xf32, #tpu.memory_space<hbm>>
        %dma_start3A_51 = tpu.memref_squeeze %dma_start3A_50 : memref<1x56x512xf32, #tpu.memory_space<hbm>> -> memref<56x512xf32, #tpu.memory_space<hbm>>
        %dma_start3A_52 = arith.constant 0 : i32
        %dma_start3A_53 = tpu.memref_slice %arg4[%run_scoped3A_45, %add3A_13, %dma_start3A_52] : memref<4x12544x512xf32, #tpu.memory_space<hbm>> -> memref<1x56x512xf32, #tpu.memory_space<hbm>>
        %dma_start3A_54 = tpu.memref_squeeze %dma_start3A_53 : memref<1x56x512xf32, #tpu.memory_space<hbm>> -> memref<56x512xf32, #tpu.memory_space<hbm>>
        tpu.enqueue_dma source(%arg11 : memref<56x512xf32, #tpu.memory_space<vmem>>) target(%dma_start3A_54 : memref<56x512xf32, #tpu.memory_space<hbm>>) target_semaphore(%run_scoped3A_48 : memref<!tpu.dma_semaphore, #tpu.memory_space<semaphore_mem>>)
        %dma_wait3A_55 = arith.constant 0 : i32
        %dma_wait3A_56 = tpu.memref_slice %arg4[%run_scoped3A_45, %add3A_13, %dma_wait3A_55] : memref<4x12544x512xf32, #tpu.memory_space<hbm>> -> memref<1x56x512xf32, #tpu.memory_space<hbm>>
        %dma_wait3A_57 = tpu.memref_squeeze %dma_wait3A_56 : memref<1x56x512xf32, #tpu.memory_space<hbm>> -> memref<56x512xf32, #tpu.memory_space<hbm>>
        %dma_wait3A_58 = arith.constant 0 : i32
        %dma_wait3A_59 = tpu.memref_slice %arg4[%run_scoped3A_45, %add3A_13, %dma_wait3A_58] : memref<4x12544x512xf32, #tpu.memory_space<hbm>> -> memref<1x56x512xf32, #tpu.memory_space<hbm>>
        %dma_wait3A_60 = tpu.memref_squeeze %dma_wait3A_59 : memref<1x56x512xf32, #tpu.memory_space<hbm>> -> memref<56x512xf32, #tpu.memory_space<hbm>>
        tpu.wait_dma2 semaphore(%run_scoped3A_48 : memref<!tpu.dma_semaphore, #tpu.memory_space<semaphore_mem>>) src(%arg11 : memref<56x512xf32, #tpu.memory_space<vmem>>) dst(%dma_wait3A_60 : memref<56x512xf32, #tpu.memory_space<hbm>>)
        tpu.yield
      }) : () -> ()
      %run_scoped3A_46 = arith.constant 3 : i32
      "tpu.region"() ({
        %run_scoped3A_48 = tpu.sem_alloc : memref<!tpu.dma_semaphore, #tpu.memory_space<semaphore_mem>>
        %dma_start3A_49 = arith.constant 0 : i32
        %dma_start3A_50 = tpu.memref_slice %arg4[%run_scoped3A_46, %add3A_13, %dma_start3A_49] : memref<4x12544x512xf32, #tpu.memory_space<hbm>> -> memref<1x56x512xf32, #tpu.memory_space<hbm>>
        %dma_start3A_51 = tpu.memref_squeeze %dma_start3A_50 : memref<1x56x512xf32, #tpu.memory_space<hbm>> -> memref<56x512xf32, #tpu.memory_space<hbm>>
        %dma_start3A_52 = arith.constant 0 : i32
        %dma_start3A_53 = tpu.memref_slice %arg4[%run_scoped3A_46, %add3A_13, %dma_start3A_52] : memref<4x12544x512xf32, #tpu.memory_space<hbm>> -> memref<1x56x512xf32, #tpu.memory_space<hbm>>
        %dma_start3A_54 = tpu.memref_squeeze %dma_start3A_53 : memref<1x56x512xf32, #tpu.memory_space<hbm>> -> memref<56x512xf32, #tpu.memory_space<hbm>>
        tpu.enqueue_dma source(%arg12 : memref<56x512xf32, #tpu.memory_space<vmem>>) target(%dma_start3A_54 : memref<56x512xf32, #tpu.memory_space<hbm>>) target_semaphore(%run_scoped3A_48 : memref<!tpu.dma_semaphore, #tpu.memory_space<semaphore_mem>>)
        %dma_wait3A_55 = arith.constant 0 : i32
        %dma_wait3A_56 = tpu.memref_slice %arg4[%run_scoped3A_46, %add3A_13, %dma_wait3A_55] : memref<4x12544x512xf32, #tpu.memory_space<hbm>> -> memref<1x56x512xf32, #tpu.memory_space<hbm>>
        %dma_wait3A_57 = tpu.memref_squeeze %dma_wait3A_56 : memref<1x56x512xf32, #tpu.memory_space<hbm>> -> memref<56x512xf32, #tpu.memory_space<hbm>>
        %dma_wait3A_58 = arith.constant 0 : i32
        %dma_wait3A_59 = tpu.memref_slice %arg4[%run_scoped3A_46, %add3A_13, %dma_wait3A_58] : memref<4x12544x512xf32, #tpu.memory_space<hbm>> -> memref<1x56x512xf32, #tpu.memory_space<hbm>>
        %dma_wait3A_60 = tpu.memref_squeeze %dma_wait3A_59 : memref<1x56x512xf32, #tpu.memory_space<hbm>> -> memref<56x512xf32, #tpu.memory_space<hbm>>
        tpu.wait_dma2 semaphore(%run_scoped3A_48 : memref<!tpu.dma_semaphore, #tpu.memory_space<semaphore_mem>>) src(%arg12 : memref<56x512xf32, #tpu.memory_space<vmem>>) dst(%dma_wait3A_60 : memref<56x512xf32, #tpu.memory_space<hbm>>)
        tpu.yield
      }) : () -> ()
      %scan3A_47 = arith.constant 0 : i32
      scf.yield %scan3A_47 : i32
    }
    %scan3A_8 = arith.constant 7 : i32
    return
  }
}

#map = affine_map<(d0, d1) -> (0, 0)>
#map1 = affine_map<(d0, d1) -> (0)>
#map2 = affine_map<(d0, d1) -> (0, 0, 0)>
module attributes {stable_mosaic.version = 14 : i64} {
  func.func @_stage3_body(%arg0: i32, %arg1: i32, %arg2: memref<512x512xf32, #tpu.memory_space<hbm>>, %arg3: memref<50176xi32, #tpu.memory_space<hbm>>, %arg4: memref<4x12544x512xf32, #tpu.memory_space<hbm>>, %arg5: memref<56xi32, #tpu.memory_space<vmem>>, %arg6: memref<56xi32, #tpu.memory_space<vmem>>, %arg7: memref<56xi32, #tpu.memory_space<vmem>>, %arg8: memref<56xi32, #tpu.memory_space<vmem>>, %arg9: memref<56x512xf32, #tpu.memory_space<vmem>>, %arg10: memref<56x512xf32, #tpu.memory_space<vmem>>, %arg11: memref<56x512xf32, #tpu.memory_space<vmem>>, %arg12: memref<56x512xf32, #tpu.memory_space<vmem>>, %arg13: memref<!tpu.dma_semaphore, #tpu.memory_space<semaphore_mem>>) attributes {dimension_semantics = [#tpu.dimension_semantics<core_parallel>, #tpu.dimension_semantics<subcore_parallel>], iteration_bounds = array<i64: 2, 16>, scalar_prefetch = 0 : i64, scratch_operands = 9 : i64, tpu.core_type = #tpu.core_type<sc_vector_subcore>, window_params = [{transform_indices = #map}, {transform_indices = #map1}, {transform_indices = #map2}]} {
    %mul3A = arith.constant 2 : i32
    %mul3A_0 = arith.muli %arg1, %mul3A : i32
    %add3A = arith.addi %mul3A_0, %arg0 : i32
    %mul3A_1 = arith.constant 392 : i32
    %mul3A_2 = arith.muli %add3A, %mul3A_1 : i32
    %scan3A = arith.constant 0 : i32
    %scan3A_3 = arith.constant 0 : i32
    %scan3A_4 = arith.constant 7 : i32
    %scan3A_5 = arith.addi %scan3A_3, %scan3A_4 : i32
    %scan3A_6 = arith.constant 1 : i32
    %scan3A_7 = scf.for %scan3A_9 = %scan3A_3 to %scan3A_5 step %scan3A_6 iter_args(%scan3A_10 = %scan3A) -> (i32)  : i32 {
      %mul3A_11 = arith.constant 56 : i32
      %mul3A_12 = arith.muli %scan3A_9, %mul3A_11 : i32
      %add3A_13 = arith.addi %mul3A_2, %mul3A_12 : i32
      %add3A_14 = arith.constant 0 : i32
      %add3A_15 = arith.addi %add3A_14, %add3A_13 : i32
      "tpu.region"() ({
        %run_scoped3A_48 = tpu.sem_alloc : memref<!tpu.dma_semaphore, #tpu.memory_space<semaphore_mem>>
        %dma_start3A_49 = tpu.memref_slice %arg3[%add3A_15] : memref<50176xi32, #tpu.memory_space<hbm>> -> memref<56xi32, #tpu.memory_space<hbm>>
        %dma_start3A_50 = tpu.memref_slice %arg3[%add3A_15] : memref<50176xi32, #tpu.memory_space<hbm>> -> memref<56xi32, #tpu.memory_space<hbm>>
        tpu.enqueue_dma source(%dma_start3A_50 : memref<56xi32, #tpu.memory_space<hbm>>) target(%arg5 : memref<56xi32, #tpu.memory_space<vmem>>) target_semaphore(%run_scoped3A_48 : memref<!tpu.dma_semaphore, #tpu.memory_space<semaphore_mem>>)
        %dma_wait3A_51 = tpu.memref_slice %arg3[%add3A_15] : memref<50176xi32, #tpu.memory_space<hbm>> -> memref<56xi32, #tpu.memory_space<hbm>>
        %dma_wait3A_52 = tpu.memref_slice %arg3[%add3A_15] : memref<50176xi32, #tpu.memory_space<hbm>> -> memref<56xi32, #tpu.memory_space<hbm>>
        tpu.wait_dma2 semaphore(%run_scoped3A_48 : memref<!tpu.dma_semaphore, #tpu.memory_space<semaphore_mem>>) src(%dma_wait3A_52 : memref<56xi32, #tpu.memory_space<hbm>>) dst(%arg5 : memref<56xi32, #tpu.memory_space<vmem>>)
        tpu.yield
      }) : () -> ()
      %add3A_16 = arith.constant 12544 : i32
      %add3A_17 = arith.addi %add3A_16, %add3A_13 : i32
      "tpu.region"() ({
        %run_scoped3A_48 = tpu.sem_alloc : memref<!tpu.dma_semaphore, #tpu.memory_space<semaphore_mem>>
        %dma_start3A_49 = tpu.memref_slice %arg3[%add3A_17] : memref<50176xi32, #tpu.memory_space<hbm>> -> memref<56xi32, #tpu.memory_space<hbm>>
        %dma_start3A_50 = tpu.memref_slice %arg3[%add3A_17] : memref<50176xi32, #tpu.memory_space<hbm>> -> memref<56xi32, #tpu.memory_space<hbm>>
        tpu.enqueue_dma source(%dma_start3A_50 : memref<56xi32, #tpu.memory_space<hbm>>) target(%arg6 : memref<56xi32, #tpu.memory_space<vmem>>) target_semaphore(%run_scoped3A_48 : memref<!tpu.dma_semaphore, #tpu.memory_space<semaphore_mem>>)
        %dma_wait3A_51 = tpu.memref_slice %arg3[%add3A_17] : memref<50176xi32, #tpu.memory_space<hbm>> -> memref<56xi32, #tpu.memory_space<hbm>>
        %dma_wait3A_52 = tpu.memref_slice %arg3[%add3A_17] : memref<50176xi32, #tpu.memory_space<hbm>> -> memref<56xi32, #tpu.memory_space<hbm>>
        tpu.wait_dma2 semaphore(%run_scoped3A_48 : memref<!tpu.dma_semaphore, #tpu.memory_space<semaphore_mem>>) src(%dma_wait3A_52 : memref<56xi32, #tpu.memory_space<hbm>>) dst(%arg6 : memref<56xi32, #tpu.memory_space<vmem>>)
        tpu.yield
      }) : () -> ()
      %add3A_18 = arith.constant 25088 : i32
      %add3A_19 = arith.addi %add3A_18, %add3A_13 : i32
      "tpu.region"() ({
        %run_scoped3A_48 = tpu.sem_alloc : memref<!tpu.dma_semaphore, #tpu.memory_space<semaphore_mem>>
        %dma_start3A_49 = tpu.memref_slice %arg3[%add3A_19] : memref<50176xi32, #tpu.memory_space<hbm>> -> memref<56xi32, #tpu.memory_space<hbm>>
        %dma_start3A_50 = tpu.memref_slice %arg3[%add3A_19] : memref<50176xi32, #tpu.memory_space<hbm>> -> memref<56xi32, #tpu.memory_space<hbm>>
        tpu.enqueue_dma source(%dma_start3A_50 : memref<56xi32, #tpu.memory_space<hbm>>) target(%arg7 : memref<56xi32, #tpu.memory_space<vmem>>) target_semaphore(%run_scoped3A_48 : memref<!tpu.dma_semaphore, #tpu.memory_space<semaphore_mem>>)
        %dma_wait3A_51 = tpu.memref_slice %arg3[%add3A_19] : memref<50176xi32, #tpu.memory_space<hbm>> -> memref<56xi32, #tpu.memory_space<hbm>>
        %dma_wait3A_52 = tpu.memref_slice %arg3[%add3A_19] : memref<50176xi32, #tpu.memory_space<hbm>> -> memref<56xi32, #tpu.memory_space<hbm>>
        tpu.wait_dma2 semaphore(%run_scoped3A_48 : memref<!tpu.dma_semaphore, #tpu.memory_space<semaphore_mem>>) src(%dma_wait3A_52 : memref<56xi32, #tpu.memory_space<hbm>>) dst(%arg7 : memref<56xi32, #tpu.memory_space<vmem>>)
        tpu.yield
      }) : () -> ()
      %add3A_20 = arith.constant 37632 : i32
      %add3A_21 = arith.addi %add3A_20, %add3A_13 : i32
      "tpu.region"() ({
        %run_scoped3A_48 = tpu.sem_alloc : memref<!tpu.dma_semaphore, #tpu.memory_space<semaphore_mem>>
        %dma_start3A_49 = tpu.memref_slice %arg3[%add3A_21] : memref<50176xi32, #tpu.memory_space<hbm>> -> memref<56xi32, #tpu.memory_space<hbm>>
        %dma_start3A_50 = tpu.memref_slice %arg3[%add3A_21] : memref<50176xi32, #tpu.memory_space<hbm>> -> memref<56xi32, #tpu.memory_space<hbm>>
        tpu.enqueue_dma source(%dma_start3A_50 : memref<56xi32, #tpu.memory_space<hbm>>) target(%arg8 : memref<56xi32, #tpu.memory_space<vmem>>) target_semaphore(%run_scoped3A_48 : memref<!tpu.dma_semaphore, #tpu.memory_space<semaphore_mem>>)
        %dma_wait3A_51 = tpu.memref_slice %arg3[%add3A_21] : memref<50176xi32, #tpu.memory_space<hbm>> -> memref<56xi32, #tpu.memory_space<hbm>>
        %dma_wait3A_52 = tpu.memref_slice %arg3[%add3A_21] : memref<50176xi32, #tpu.memory_space<hbm>> -> memref<56xi32, #tpu.memory_space<hbm>>
        tpu.wait_dma2 semaphore(%run_scoped3A_48 : memref<!tpu.dma_semaphore, #tpu.memory_space<semaphore_mem>>) src(%dma_wait3A_52 : memref<56xi32, #tpu.memory_space<hbm>>) dst(%arg8 : memref<56xi32, #tpu.memory_space<vmem>>)
        tpu.yield
      }) : () -> ()
      %dma_start3A = arith.constant 0 : i32
      %dma_start3A_22 = arith.constant 0 : i32
      %dma_start3A_23 = tpu.memref_slice %arg2[%dma_start3A, %dma_start3A_22] : memref<512x512xf32, #tpu.memory_space<hbm>> -> memref<512x512xf32, #tpu.memory_space<hbm>>
      tpu.enqueue_indirect_dma source(%dma_start3A_23 : memref<512x512xf32, #tpu.memory_space<hbm>>) target(%arg9 : memref<56x512xf32, #tpu.memory_space<vmem>>) offsets(%arg5 : memref<56xi32, #tpu.memory_space<vmem>>) semaphore(%arg13 : memref<!tpu.dma_semaphore, #tpu.memory_space<semaphore_mem>>)
      %dma_start3A_24 = arith.constant 0 : i32
      %dma_start3A_25 = arith.constant 0 : i32
      %dma_start3A_26 = tpu.memref_slice %arg2[%dma_start3A_24, %dma_start3A_25] : memref<512x512xf32, #tpu.memory_space<hbm>> -> memref<512x512xf32, #tpu.memory_space<hbm>>
      tpu.enqueue_indirect_dma source(%dma_start3A_26 : memref<512x512xf32, #tpu.memory_space<hbm>>) target(%arg10 : memref<56x512xf32, #tpu.memory_space<vmem>>) offsets(%arg6 : memref<56xi32, #tpu.memory_space<vmem>>) semaphore(%arg13 : memref<!tpu.dma_semaphore, #tpu.memory_space<semaphore_mem>>)
      %dma_start3A_27 = arith.constant 0 : i32
      %dma_start3A_28 = arith.constant 0 : i32
      %dma_start3A_29 = tpu.memref_slice %arg2[%dma_start3A_27, %dma_start3A_28] : memref<512x512xf32, #tpu.memory_space<hbm>> -> memref<512x512xf32, #tpu.memory_space<hbm>>
      tpu.enqueue_indirect_dma source(%dma_start3A_29 : memref<512x512xf32, #tpu.memory_space<hbm>>) target(%arg11 : memref<56x512xf32, #tpu.memory_space<vmem>>) offsets(%arg7 : memref<56xi32, #tpu.memory_space<vmem>>) semaphore(%arg13 : memref<!tpu.dma_semaphore, #tpu.memory_space<semaphore_mem>>)
      %dma_start3A_30 = arith.constant 0 : i32
      %dma_start3A_31 = arith.constant 0 : i32
      %dma_start3A_32 = tpu.memref_slice %arg2[%dma_start3A_30, %dma_start3A_31] : memref<512x512xf32, #tpu.memory_space<hbm>> -> memref<512x512xf32, #tpu.memory_space<hbm>>
      tpu.enqueue_indirect_dma source(%dma_start3A_32 : memref<512x512xf32, #tpu.memory_space<hbm>>) target(%arg12 : memref<56x512xf32, #tpu.memory_space<vmem>>) offsets(%arg8 : memref<56xi32, #tpu.memory_space<vmem>>) semaphore(%arg13 : memref<!tpu.dma_semaphore, #tpu.memory_space<semaphore_mem>>)
      %dma_wait3A = arith.constant 0 : i32
      %dma_wait3A_33 = arith.constant 0 : i32
      %dma_wait3A_34 = tpu.memref_slice %arg2[%dma_wait3A, %dma_wait3A_33] : memref<512x512xf32, #tpu.memory_space<hbm>> -> memref<512x512xf32, #tpu.memory_space<hbm>>
      tpu.wait_indirect_dma semaphore(%arg13 : memref<!tpu.dma_semaphore, #tpu.memory_space<semaphore_mem>>) src(%dma_wait3A_34 : memref<512x512xf32, #tpu.memory_space<hbm>>) dst(%arg9 : memref<56x512xf32, #tpu.memory_space<vmem>>)
      %dma_wait3A_35 = arith.constant 0 : i32
      %dma_wait3A_36 = arith.constant 0 : i32
      %dma_wait3A_37 = tpu.memref_slice %arg2[%dma_wait3A_35, %dma_wait3A_36] : memref<512x512xf32, #tpu.memory_space<hbm>> -> memref<512x512xf32, #tpu.memory_space<hbm>>
      tpu.wait_indirect_dma semaphore(%arg13 : memref<!tpu.dma_semaphore, #tpu.memory_space<semaphore_mem>>) src(%dma_wait3A_37 : memref<512x512xf32, #tpu.memory_space<hbm>>) dst(%arg10 : memref<56x512xf32, #tpu.memory_space<vmem>>)
      %dma_wait3A_38 = arith.constant 0 : i32
      %dma_wait3A_39 = arith.constant 0 : i32
      %dma_wait3A_40 = tpu.memref_slice %arg2[%dma_wait3A_38, %dma_wait3A_39] : memref<512x512xf32, #tpu.memory_space<hbm>> -> memref<512x512xf32, #tpu.memory_space<hbm>>
      tpu.wait_indirect_dma semaphore(%arg13 : memref<!tpu.dma_semaphore, #tpu.memory_space<semaphore_mem>>) src(%dma_wait3A_40 : memref<512x512xf32, #tpu.memory_space<hbm>>) dst(%arg11 : memref<56x512xf32, #tpu.memory_space<vmem>>)
      %dma_wait3A_41 = arith.constant 0 : i32
      %dma_wait3A_42 = arith.constant 0 : i32
      %dma_wait3A_43 = tpu.memref_slice %arg2[%dma_wait3A_41, %dma_wait3A_42] : memref<512x512xf32, #tpu.memory_space<hbm>> -> memref<512x512xf32, #tpu.memory_space<hbm>>
      tpu.wait_indirect_dma semaphore(%arg13 : memref<!tpu.dma_semaphore, #tpu.memory_space<semaphore_mem>>) src(%dma_wait3A_43 : memref<512x512xf32, #tpu.memory_space<hbm>>) dst(%arg12 : memref<56x512xf32, #tpu.memory_space<vmem>>)
      %run_scoped3A = arith.constant 0 : i32
      "tpu.region"() ({
        %run_scoped3A_48 = tpu.sem_alloc : memref<!tpu.dma_semaphore, #tpu.memory_space<semaphore_mem>>
        %dma_start3A_49 = arith.constant 0 : i32
        %dma_start3A_50 = tpu.memref_slice %arg4[%run_scoped3A, %add3A_13, %dma_start3A_49] : memref<4x12544x512xf32, #tpu.memory_space<hbm>> -> memref<1x56x512xf32, #tpu.memory_space<hbm>>
        %dma_start3A_51 = tpu.memref_squeeze %dma_start3A_50 : memref<1x56x512xf32, #tpu.memory_space<hbm>> -> memref<56x512xf32, #tpu.memory_space<hbm>>
        %dma_start3A_52 = arith.constant 0 : i32
        %dma_start3A_53 = tpu.memref_slice %arg4[%run_scoped3A, %add3A_13, %dma_start3A_52] : memref<4x12544x512xf32, #tpu.memory_space<hbm>> -> memref<1x56x512xf32, #tpu.memory_space<hbm>>
        %dma_start3A_54 = tpu.memref_squeeze %dma_start3A_53 : memref<1x56x512xf32, #tpu.memory_space<hbm>> -> memref<56x512xf32, #tpu.memory_space<hbm>>
        tpu.enqueue_dma source(%arg9 : memref<56x512xf32, #tpu.memory_space<vmem>>) target(%dma_start3A_54 : memref<56x512xf32, #tpu.memory_space<hbm>>) target_semaphore(%run_scoped3A_48 : memref<!tpu.dma_semaphore, #tpu.memory_space<semaphore_mem>>)
        %dma_wait3A_55 = arith.constant 0 : i32
        %dma_wait3A_56 = tpu.memref_slice %arg4[%run_scoped3A, %add3A_13, %dma_wait3A_55] : memref<4x12544x512xf32, #tpu.memory_space<hbm>> -> memref<1x56x512xf32, #tpu.memory_space<hbm>>
        %dma_wait3A_57 = tpu.memref_squeeze %dma_wait3A_56 : memref<1x56x512xf32, #tpu.memory_space<hbm>> -> memref<56x512xf32, #tpu.memory_space<hbm>>
        %dma_wait3A_58 = arith.constant 0 : i32
        %dma_wait3A_59 = tpu.memref_slice %arg4[%run_scoped3A, %add3A_13, %dma_wait3A_58] : memref<4x12544x512xf32, #tpu.memory_space<hbm>> -> memref<1x56x512xf32, #tpu.memory_space<hbm>>
        %dma_wait3A_60 = tpu.memref_squeeze %dma_wait3A_59 : memref<1x56x512xf32, #tpu.memory_space<hbm>> -> memref<56x512xf32, #tpu.memory_space<hbm>>
        tpu.wait_dma2 semaphore(%run_scoped3A_48 : memref<!tpu.dma_semaphore, #tpu.memory_space<semaphore_mem>>) src(%arg9 : memref<56x512xf32, #tpu.memory_space<vmem>>) dst(%dma_wait3A_60 : memref<56x512xf32, #tpu.memory_space<hbm>>)
        tpu.yield
      }) : () -> ()
      %run_scoped3A_44 = arith.constant 1 : i32
      "tpu.region"() ({
        %run_scoped3A_48 = tpu.sem_alloc : memref<!tpu.dma_semaphore, #tpu.memory_space<semaphore_mem>>
        %dma_start3A_49 = arith.constant 0 : i32
        %dma_start3A_50 = tpu.memref_slice %arg4[%run_scoped3A_44, %add3A_13, %dma_start3A_49] : memref<4x12544x512xf32, #tpu.memory_space<hbm>> -> memref<1x56x512xf32, #tpu.memory_space<hbm>>
        %dma_start3A_51 = tpu.memref_squeeze %dma_start3A_50 : memref<1x56x512xf32, #tpu.memory_space<hbm>> -> memref<56x512xf32, #tpu.memory_space<hbm>>
        %dma_start3A_52 = arith.constant 0 : i32
        %dma_start3A_53 = tpu.memref_slice %arg4[%run_scoped3A_44, %add3A_13, %dma_start3A_52] : memref<4x12544x512xf32, #tpu.memory_space<hbm>> -> memref<1x56x512xf32, #tpu.memory_space<hbm>>
        %dma_start3A_54 = tpu.memref_squeeze %dma_start3A_53 : memref<1x56x512xf32, #tpu.memory_space<hbm>> -> memref<56x512xf32, #tpu.memory_space<hbm>>
        tpu.enqueue_dma source(%arg10 : memref<56x512xf32, #tpu.memory_space<vmem>>) target(%dma_start3A_54 : memref<56x512xf32, #tpu.memory_space<hbm>>) target_semaphore(%run_scoped3A_48 : memref<!tpu.dma_semaphore, #tpu.memory_space<semaphore_mem>>)
        %dma_wait3A_55 = arith.constant 0 : i32
        %dma_wait3A_56 = tpu.memref_slice %arg4[%run_scoped3A_44, %add3A_13, %dma_wait3A_55] : memref<4x12544x512xf32, #tpu.memory_space<hbm>> -> memref<1x56x512xf32, #tpu.memory_space<hbm>>
        %dma_wait3A_57 = tpu.memref_squeeze %dma_wait3A_56 : memref<1x56x512xf32, #tpu.memory_space<hbm>> -> memref<56x512xf32, #tpu.memory_space<hbm>>
        %dma_wait3A_58 = arith.constant 0 : i32
        %dma_wait3A_59 = tpu.memref_slice %arg4[%run_scoped3A_44, %add3A_13, %dma_wait3A_58] : memref<4x12544x512xf32, #tpu.memory_space<hbm>> -> memref<1x56x512xf32, #tpu.memory_space<hbm>>
        %dma_wait3A_60 = tpu.memref_squeeze %dma_wait3A_59 : memref<1x56x512xf32, #tpu.memory_space<hbm>> -> memref<56x512xf32, #tpu.memory_space<hbm>>
        tpu.wait_dma2 semaphore(%run_scoped3A_48 : memref<!tpu.dma_semaphore, #tpu.memory_space<semaphore_mem>>) src(%arg10 : memref<56x512xf32, #tpu.memory_space<vmem>>) dst(%dma_wait3A_60 : memref<56x512xf32, #tpu.memory_space<hbm>>)
        tpu.yield
      }) : () -> ()
      %run_scoped3A_45 = arith.constant 2 : i32
      "tpu.region"() ({
        %run_scoped3A_48 = tpu.sem_alloc : memref<!tpu.dma_semaphore, #tpu.memory_space<semaphore_mem>>
        %dma_start3A_49 = arith.constant 0 : i32
        %dma_start3A_50 = tpu.memref_slice %arg4[%run_scoped3A_45, %add3A_13, %dma_start3A_49] : memref<4x12544x512xf32, #tpu.memory_space<hbm>> -> memref<1x56x512xf32, #tpu.memory_space<hbm>>
        %dma_start3A_51 = tpu.memref_squeeze %dma_start3A_50 : memref<1x56x512xf32, #tpu.memory_space<hbm>> -> memref<56x512xf32, #tpu.memory_space<hbm>>
        %dma_start3A_52 = arith.constant 0 : i32
        %dma_start3A_53 = tpu.memref_slice %arg4[%run_scoped3A_45, %add3A_13, %dma_start3A_52] : memref<4x12544x512xf32, #tpu.memory_space<hbm>> -> memref<1x56x512xf32, #tpu.memory_space<hbm>>
        %dma_start3A_54 = tpu.memref_squeeze %dma_start3A_53 : memref<1x56x512xf32, #tpu.memory_space<hbm>> -> memref<56x512xf32, #tpu.memory_space<hbm>>
        tpu.enqueue_dma source(%arg11 : memref<56x512xf32, #tpu.memory_space<vmem>>) target(%dma_start3A_54 : memref<56x512xf32, #tpu.memory_space<hbm>>) target_semaphore(%run_scoped3A_48 : memref<!tpu.dma_semaphore, #tpu.memory_space<semaphore_mem>>)
        %dma_wait3A_55 = arith.constant 0 : i32
        %dma_wait3A_56 = tpu.memref_slice %arg4[%run_scoped3A_45, %add3A_13, %dma_wait3A_55] : memref<4x12544x512xf32, #tpu.memory_space<hbm>> -> memref<1x56x512xf32, #tpu.memory_space<hbm>>
        %dma_wait3A_57 = tpu.memref_squeeze %dma_wait3A_56 : memref<1x56x512xf32, #tpu.memory_space<hbm>> -> memref<56x512xf32, #tpu.memory_space<hbm>>
        %dma_wait3A_58 = arith.constant 0 : i32
        %dma_wait3A_59 = tpu.memref_slice %arg4[%run_scoped3A_45, %add3A_13, %dma_wait3A_58] : memref<4x12544x512xf32, #tpu.memory_space<hbm>> -> memref<1x56x512xf32, #tpu.memory_space<hbm>>
        %dma_wait3A_60 = tpu.memref_squeeze %dma_wait3A_59 : memref<1x56x512xf32, #tpu.memory_space<hbm>> -> memref<56x512xf32, #tpu.memory_space<hbm>>
        tpu.wait_dma2 semaphore(%run_scoped3A_48 : memref<!tpu.dma_semaphore, #tpu.memory_space<semaphore_mem>>) src(%arg11 : memref<56x512xf32, #tpu.memory_space<vmem>>) dst(%dma_wait3A_60 : memref<56x512xf32, #tpu.memory_space<hbm>>)
        tpu.yield
      }) : () -> ()
      %run_scoped3A_46 = arith.constant 3 : i32
      "tpu.region"() ({
        %run_scoped3A_48 = tpu.sem_alloc : memref<!tpu.dma_semaphore, #tpu.memory_space<semaphore_mem>>
        %dma_start3A_49 = arith.constant 0 : i32
        %dma_start3A_50 = tpu.memref_slice %arg4[%run_scoped3A_46, %add3A_13, %dma_start3A_49] : memref<4x12544x512xf32, #tpu.memory_space<hbm>> -> memref<1x56x512xf32, #tpu.memory_space<hbm>>
        %dma_start3A_51 = tpu.memref_squeeze %dma_start3A_50 : memref<1x56x512xf32, #tpu.memory_space<hbm>> -> memref<56x512xf32, #tpu.memory_space<hbm>>
        %dma_start3A_52 = arith.constant 0 : i32
        %dma_start3A_53 = tpu.memref_slice %arg4[%run_scoped3A_46, %add3A_13, %dma_start3A_52] : memref<4x12544x512xf32, #tpu.memory_space<hbm>> -> memref<1x56x512xf32, #tpu.memory_space<hbm>>
        %dma_start3A_54 = tpu.memref_squeeze %dma_start3A_53 : memref<1x56x512xf32, #tpu.memory_space<hbm>> -> memref<56x512xf32, #tpu.memory_space<hbm>>
        tpu.enqueue_dma source(%arg12 : memref<56x512xf32, #tpu.memory_space<vmem>>) target(%dma_start3A_54 : memref<56x512xf32, #tpu.memory_space<hbm>>) target_semaphore(%run_scoped3A_48 : memref<!tpu.dma_semaphore, #tpu.memory_space<semaphore_mem>>)
        %dma_wait3A_55 = arith.constant 0 : i32
        %dma_wait3A_56 = tpu.memref_slice %arg4[%run_scoped3A_46, %add3A_13, %dma_wait3A_55] : memref<4x12544x512xf32, #tpu.memory_space<hbm>> -> memref<1x56x512xf32, #tpu.memory_space<hbm>>
        %dma_wait3A_57 = tpu.memref_squeeze %dma_wait3A_56 : memref<1x56x512xf32, #tpu.memory_space<hbm>> -> memref<56x512xf32, #tpu.memory_space<hbm>>
        %dma_wait3A_58 = arith.constant 0 : i32
        %dma_wait3A_59 = tpu.memref_slice %arg4[%run_scoped3A_46, %add3A_13, %dma_wait3A_58] : memref<4x12544x512xf32, #tpu.memory_space<hbm>> -> memref<1x56x512xf32, #tpu.memory_space<hbm>>
        %dma_wait3A_60 = tpu.memref_squeeze %dma_wait3A_59 : memref<1x56x512xf32, #tpu.memory_space<hbm>> -> memref<56x512xf32, #tpu.memory_space<hbm>>
        tpu.wait_dma2 semaphore(%run_scoped3A_48 : memref<!tpu.dma_semaphore, #tpu.memory_space<semaphore_mem>>) src(%arg12 : memref<56x512xf32, #tpu.memory_space<vmem>>) dst(%dma_wait3A_60 : memref<56x512xf32, #tpu.memory_space<hbm>>)
        tpu.yield
      }) : () -> ()
      %scan3A_47 = arith.constant 0 : i32
      scf.yield %scan3A_47 : i32
    }
    %scan3A_8 = arith.constant 7 : i32
    return
  }
}

module attributes {stable_mosaic.version = 14 : i64} {
  func.func @_stage1_body(%arg0: i32, %arg1: memref<1x392x256xf32, #tpu.memory_space<vmem>>, %arg2: memref<392x392xf32, #tpu.memory_space<vmem>>, %arg3: memref<392x1xf32, #tpu.memory_space<vmem>>, %arg4: memref<392x392xf32, #tpu.memory_space<vmem>>, %arg5: memref<392x1xf32, #tpu.memory_space<vmem>>, %arg6: memref<1x392x256xf32, #tpu.memory_space<vmem>>, %arg7: memref<1x256x512xf32, #tpu.memory_space<vmem>>) attributes {dimension_semantics = [#tpu.dimension_semantics<arbitrary>], iteration_bounds = array<i64: 2>, scalar_prefetch = 0 : i64, scratch_operands = 0 : i64, tpu.core_type = #tpu.core_type<tc>, window_params = [{transform_indices = @transform_0, window_bounds = array<i64: 1, 392, 256>}, {pipeline_mode = #tpu.pipeline_mode<synchronous>, transform_indices = @transform_1, window_bounds = array<i64: 392, 392>}, {pipeline_mode = #tpu.pipeline_mode<synchronous>, transform_indices = @transform_2, window_bounds = array<i64: 392, 1>}, {pipeline_mode = #tpu.pipeline_mode<synchronous>, transform_indices = @transform_3, window_bounds = array<i64: 392, 392>}, {pipeline_mode = #tpu.pipeline_mode<synchronous>, transform_indices = @transform_4, window_bounds = array<i64: 392, 1>}, {transform_indices = @transform_5, window_bounds = array<i64: 1, 392, 256>}, {transform_indices = @transform_6, window_bounds = array<i64: 1, 256, 512>}]} {
    %get3A = arith.constant 0 : index
    %get3A_0 = arith.constant 0 : index
    %get3A_1 = arith.constant 0 : index
    %get3A_2 = vector.load %arg1[%get3A, %get3A_0, %get3A_1] : memref<1x392x256xf32, #tpu.memory_space<vmem>>, vector<1x392x256xf32>
    %get3A_3 = vector.shape_cast %get3A_2 : vector<1x392x256xf32> to vector<392x256xf32>
    %get3A_4 = arith.constant 0 : index
    %get3A_5 = arith.constant 0 : index
    %get3A_6 = vector.load %arg2[%get3A_4, %get3A_5] : memref<392x392xf32, #tpu.memory_space<vmem>>, vector<392x392xf32>
    %dot_general3A = arith.constant dense<0.000000e+00> : vector<392x256xf32>
    %dot_general3A_7 = tpu.matmul %get3A_6, %get3A_3, %dot_general3A {dimension_numbers = #tpu.dot_dimension_numbers<[1], [0], [0], [1], [0, 0, 1, 1], [], []>, transpose_lhs_hint = false} : vector<392x392xf32>, vector<392x256xf32>, vector<392x256xf32> -> vector<392x256xf32>
    %get3A_8 = arith.constant 0 : index
    %get3A_9 = arith.constant 0 : index
    %get3A_10 = vector.load %arg3[%get3A_8, %get3A_9] : memref<392x1xf32, #tpu.memory_space<vmem>>, vector<392x1xf32>
    %add3A = vector.broadcast %get3A_10 : vector<392x1xf32> to vector<392x256xf32>
    %add3A_11 = arith.addf %dot_general3A_7, %add3A : vector<392x256xf32>
    %mul3A = arith.mulf %add3A_11, %add3A_11 : vector<392x256xf32>
    %reduce_sum3A = arith.constant dense<0.000000e+00> : vector<256xf32>
    %reduce_sum3A_12 = vector.multi_reduction <add>, %mul3A, %reduce_sum3A [0] : vector<392x256xf32> to vector<256xf32>
    %broadcast_in_dim3A = vector.shape_cast %reduce_sum3A_12 : vector<256xf32> to vector<1x256xf32>
    %sqrt3A = math.sqrt %broadcast_in_dim3A : vector<1x256xf32>
    %max3A = arith.constant 9.99999996E-13 : f32
    %max3A_13 = vector.broadcast %max3A : f32 to vector<1x256xf32>
    %max3A_14 = arith.maximumf %sqrt3A, %max3A_13 : vector<1x256xf32>
    %div3A = vector.broadcast %max3A_14 : vector<1x256xf32> to vector<392x256xf32>
    %div3A_15 = arith.divf %add3A_11, %div3A : vector<392x256xf32>
    %swap3A = arith.constant 0 : index
    %swap3A_16 = arith.constant 0 : index
    %swap3A_17 = arith.constant 0 : index
    %swap3A_18 = vector.load %arg6[%swap3A, %swap3A_16, %swap3A_17] : memref<1x392x256xf32, #tpu.memory_space<vmem>>, vector<1x392x256xf32>
    %swap3A_19 = vector.shape_cast %swap3A_18 : vector<1x392x256xf32> to vector<392x256xf32>
    %swap3A_20 = vector.shape_cast %div3A_15 : vector<392x256xf32> to vector<1x392x256xf32>
    tpu.vector_store %arg6[%swap3A, %swap3A_16, %swap3A_17], %swap3A_20 {strides = array<i32>} : memref<1x392x256xf32, #tpu.memory_space<vmem>>, vector<1x392x256xf32>,
    %get3A_21 = arith.constant 0 : index
    %get3A_22 = arith.constant 0 : index
    %get3A_23 = vector.load %arg4[%get3A_21, %get3A_22] : memref<392x392xf32, #tpu.memory_space<vmem>>, vector<392x392xf32>
    %dot_general3A_24 = arith.constant dense<0.000000e+00> : vector<392x256xf32>
    %dot_general3A_25 = tpu.matmul %get3A_23, %get3A_3, %dot_general3A_24 {dimension_numbers = #tpu.dot_dimension_numbers<[1], [0], [0], [1], [0, 0, 1, 1], [], []>, transpose_lhs_hint = false} : vector<392x392xf32>, vector<392x256xf32>, vector<392x256xf32> -> vector<392x256xf32>
    %get3A_26 = arith.constant 0 : index
    %get3A_27 = arith.constant 0 : index
    %get3A_28 = vector.load %arg5[%get3A_26, %get3A_27] : memref<392x1xf32, #tpu.memory_space<vmem>>, vector<392x1xf32>
    %add3A_29 = vector.broadcast %get3A_28 : vector<392x1xf32> to vector<392x256xf32>
    %add3A_30 = arith.addf %dot_general3A_25, %add3A_29 : vector<392x256xf32>
    %transpose3A = tpu.transpose %add3A_30, [1, 0] : vector<392x256xf32> -> vector<256x392xf32>
    %jit3A = arith.constant 0 : i32
    %convert_element_type3A = arith.sitofp %jit3A : i32 to f32
    %pad3A = vector.broadcast %convert_element_type3A : f32 to vector<256x120xf32>
    %pad3A_31 = tpu.concatenate %transpose3A, %pad3A in 1 : vector<256x392xf32>, vector<256x120xf32> -> vector<256x512xf32>
    %swap3A_32 = arith.constant 0 : index
    %swap3A_33 = arith.constant 0 : index
    %swap3A_34 = arith.constant 0 : index
    %swap3A_35 = vector.load %arg7[%swap3A_32, %swap3A_33, %swap3A_34] : memref<1x256x512xf32, #tpu.memory_space<vmem>>, vector<1x256x512xf32>
    %swap3A_36 = vector.shape_cast %swap3A_35 : vector<1x256x512xf32> to vector<256x512xf32>
    %swap3A_37 = vector.shape_cast %pad3A_31 : vector<256x512xf32> to vector<1x256x512xf32>
    tpu.vector_store %arg7[%swap3A_32, %swap3A_33, %swap3A_34], %swap3A_37 {strides = array<i32>} : memref<1x256x512xf32, #tpu.memory_space<vmem>>, vector<1x256x512xf32>,
    return
  }
  func.func @transform_0(%arg0: i32) -> (i32, i32, i32) {
    %c0_i32 = arith.constant 0 : i32
    %c0_i32_0 = arith.constant 0 : i32
    %c0_i32_1 = arith.constant 0 : i32
    return %arg0, %c0_i32, %c0_i32_0 : i32, i32, i32
  }
  func.func @transform_1(%arg0: i32) -> (i32, i32) {
    %c0_i32 = arith.constant 0 : i32
    %c0_i32_0 = arith.constant 0 : i32
    %c0_i32_1 = arith.constant 0 : i32
    return %c0_i32, %c0_i32_0 : i32, i32
  }
  func.func @transform_2(%arg0: i32) -> (i32, i32) {
    %c0_i32 = arith.constant 0 : i32
    %c0_i32_0 = arith.constant 0 : i32
    %c0_i32_1 = arith.constant 0 : i32
    return %c0_i32, %c0_i32_0 : i32, i32
  }
  func.func @transform_3(%arg0: i32) -> (i32, i32) {
    %c0_i32 = arith.constant 0 : i32
    %c0_i32_0 = arith.constant 0 : i32
    %c0_i32_1 = arith.constant 0 : i32
    return %c0_i32, %c0_i32_0 : i32, i32
  }
  func.func @transform_4(%arg0: i32) -> (i32, i32) {
    %c0_i32 = arith.constant 0 : i32
    %c0_i32_0 = arith.constant 0 : i32
    %c0_i32_1 = arith.constant 0 : i32
    return %c0_i32, %c0_i32_0 : i32, i32
  }
  func.func @transform_5(%arg0: i32) -> (i32, i32, i32) {
    %c0_i32 = arith.constant 0 : i32
    %c0_i32_0 = arith.constant 0 : i32
    %c0_i32_1 = arith.constant 0 : i32
    return %arg0, %c0_i32, %c0_i32_0 : i32, i32, i32
  }
  func.func @transform_6(%arg0: i32) -> (i32, i32, i32) {
    %c0_i32 = arith.constant 0 : i32
    %c0_i32_0 = arith.constant 0 : i32
    %c0_i32_1 = arith.constant 0 : i32
    return %arg0, %c0_i32, %c0_i32_0 : i32, i32, i32
  }
}

module attributes {stable_mosaic.version = 14 : i64} {
  func.func @_stage2_body(%arg0: i32, %arg1: i32, %arg2: memref<1x392x896xf32, #tpu.memory_space<vmem>>, %arg3: memref<392x392xf32, #tpu.memory_space<vmem>>, %arg4: memref<392x1xf32, #tpu.memory_space<vmem>>, %arg5: memref<1x392x256xf32, #tpu.memory_space<vmem>>, %arg6: memref<1x1x896xi32, #tpu.memory_space<vmem>>, %arg7: memref<4x896xi32, #tpu.memory_space<vmem>>, %arg8: memref<4x896xf32, #tpu.memory_space<vmem>>) attributes {dimension_semantics = [#tpu.dimension_semantics<arbitrary>, #tpu.dimension_semantics<arbitrary>], iteration_bounds = array<i64: 2, 7>, scalar_prefetch = 0 : i64, scratch_operands = 0 : i64, tpu.core_type = #tpu.core_type<tc>, window_params = [{transform_indices = @transform_0, window_bounds = array<i64: 1, 392, 896>}, {pipeline_mode = #tpu.pipeline_mode<synchronous>, transform_indices = @transform_1, window_bounds = array<i64: 392, 392>}, {pipeline_mode = #tpu.pipeline_mode<synchronous>, transform_indices = @transform_2, window_bounds = array<i64: 392, 1>}, {transform_indices = @transform_3, window_bounds = array<i64: 1, 392, 256>}, {transform_indices = @transform_4, window_bounds = array<i64: 1, 1, 896>}, {transform_indices = @transform_5, window_bounds = array<i64: 4, 896>}, {transform_indices = @transform_6, window_bounds = array<i64: 4, 896>}]} {
    %get3A = arith.constant 0 : index
    %get3A_0 = arith.constant 0 : index
    %get3A_1 = arith.constant 0 : index
    %get3A_2 = vector.load %arg2[%get3A, %get3A_0, %get3A_1] : memref<1x392x896xf32, #tpu.memory_space<vmem>>, vector<1x392x896xf32>
    %get3A_3 = vector.shape_cast %get3A_2 : vector<1x392x896xf32> to vector<392x896xf32>
    %get3A_4 = arith.constant 0 : index
    %get3A_5 = arith.constant 0 : index
    %get3A_6 = vector.load %arg3[%get3A_4, %get3A_5] : memref<392x392xf32, #tpu.memory_space<vmem>>, vector<392x392xf32>
    %dot_general3A = arith.constant dense<0.000000e+00> : vector<392x896xf32>
    %dot_general3A_7 = tpu.matmul %get3A_6, %get3A_3, %dot_general3A {dimension_numbers = #tpu.dot_dimension_numbers<[1], [0], [0], [1], [0, 0, 1, 1], [], []>, transpose_lhs_hint = false} : vector<392x392xf32>, vector<392x896xf32>, vector<392x896xf32> -> vector<392x896xf32>
    %get3A_8 = arith.constant 0 : index
    %get3A_9 = arith.constant 0 : index
    %get3A_10 = vector.load %arg4[%get3A_8, %get3A_9] : memref<392x1xf32, #tpu.memory_space<vmem>>, vector<392x1xf32>
    %add3A = vector.broadcast %get3A_10 : vector<392x1xf32> to vector<392x896xf32>
    %add3A_11 = arith.addf %dot_general3A_7, %add3A : vector<392x896xf32>
    %mul3A = arith.mulf %add3A_11, %add3A_11 : vector<392x896xf32>
    %reduce_sum3A = arith.constant dense<0.000000e+00> : vector<896xf32>
    %reduce_sum3A_12 = vector.multi_reduction <add>, %mul3A, %reduce_sum3A [0] : vector<392x896xf32> to vector<896xf32>
    %broadcast_in_dim3A = vector.shape_cast %reduce_sum3A_12 : vector<896xf32> to vector<1x896xf32>
    %sqrt3A = math.sqrt %broadcast_in_dim3A : vector<1x896xf32>
    %max3A = arith.constant 9.99999996E-13 : f32
    %max3A_13 = vector.broadcast %max3A : f32 to vector<1x896xf32>
    %max3A_14 = arith.maximumf %sqrt3A, %max3A_13 : vector<1x896xf32>
    %div3A = vector.broadcast %max3A_14 : vector<1x896xf32> to vector<392x896xf32>
    %div3A_15 = arith.divf %add3A_11, %div3A : vector<392x896xf32>
    %get3A_16 = arith.constant 0 : index
    %get3A_17 = arith.constant 0 : index
    %get3A_18 = arith.constant 0 : index
    %get3A_19 = vector.load %arg5[%get3A_16, %get3A_17, %get3A_18] : memref<1x392x256xf32, #tpu.memory_space<vmem>>, vector<1x392x256xf32>
    %get3A_20 = vector.shape_cast %get3A_19 : vector<1x392x256xf32> to vector<392x256xf32>
    %dot_general3A_21 = arith.constant dense<0.000000e+00> : vector<896x256xf32>
    %dot_general3A_22 = tpu.matmul %div3A_15, %get3A_20, %dot_general3A_21 {dimension_numbers = #tpu.dot_dimension_numbers<[0], [0], [1], [1], [0, 1, 1, 1], [], []>, transpose_lhs_hint = false} : vector<392x896xf32>, vector<392x256xf32>, vector<896x256xf32> -> vector<896x256xf32>
    %iota3A = tpu.iota {dimensions = array<i32: 1>} : vector<896x256xi32>
    %get3A_23 = arith.constant 0 : index
    %get3A_24 = arith.constant 0 : index
    %get3A_25 = arith.constant 0 : index
    %get3A_26 = vector.load %arg6[%get3A_23, %get3A_24, %get3A_25] : memref<1x1x896xi32, #tpu.memory_space<vmem>>, vector<1x1x896xi32>
    %get3A_27 = vector.shape_cast %get3A_26 : vector<1x1x896xi32> to vector<896xi32>
    %broadcast_in_dim3A_28 = vector.shape_cast %get3A_27 : vector<896xi32> to vector<896x1xi32>
    %eq3A = vector.broadcast %broadcast_in_dim3A_28 : vector<896x1xi32> to vector<896x256xi32>
    %eq3A_29 = arith.cmpi eq, %iota3A, %eq3A : vector<896x256xi32>
    %jit3A = arith.constant 1.000000e+09 : f32
    %broadcast_in_dim3A_30 = vector.broadcast %jit3A : f32 to vector<896x256xf32>
    %select_n3A = arith.select %eq3A_29, %broadcast_in_dim3A_30, %dot_general3A_22 : vector<896x256xi1>, vector<896x256xf32>
    %reduce_max3A = arith.constant dense<0xFF800000> : vector<896xf32>
    %reduce_max3A_31 = vector.multi_reduction <maximumf>, %select_n3A, %reduce_max3A [1] : vector<896x256xf32> to vector<896xf32>
    %broadcast_in_dim3A_32 = vector.shape_cast %reduce_max3A_31 : vector<896xf32> to vector<896x1xf32>
    %eq3A_33 = vector.broadcast %broadcast_in_dim3A_32 : vector<896x1xf32> to vector<896x256xf32>
    %eq3A_34 = arith.cmpf oeq, %select_n3A, %eq3A_33 : vector<896x256xf32>
    %jit3A_35 = arith.constant 256 : i32
    %broadcast_in_dim3A_36 = vector.broadcast %jit3A_35 : i32 to vector<896x256xi32>
    %select_n3A_37 = arith.select %eq3A_34, %iota3A, %broadcast_in_dim3A_36 : vector<896x256xi1>, vector<896x256xi32>
    %reduce_min3A = arith.constant dense<2147483647> : vector<896xi32>
    %reduce_min3A_38 = vector.multi_reduction <minsi>, %select_n3A_37, %reduce_min3A [1] : vector<896x256xi32> to vector<896xi32>
    %broadcast_in_dim3A_39 = vector.shape_cast %reduce_min3A_38 : vector<896xi32> to vector<896x1xi32>
    %eq3A_40 = vector.broadcast %broadcast_in_dim3A_39 : vector<896x1xi32> to vector<896x256xi32>
    %eq3A_41 = arith.cmpi eq, %iota3A, %eq3A_40 : vector<896x256xi32>
    %jit3A_42 = arith.constant 0xFF800000 : f32
    %broadcast_in_dim3A_43 = vector.broadcast %jit3A_42 : f32 to vector<896x256xf32>
    %select_n3A_44 = arith.select %eq3A_41, %broadcast_in_dim3A_43, %select_n3A : vector<896x256xi1>, vector<896x256xf32>
    %reduce_max3A_45 = arith.constant dense<0xFF800000> : vector<896xf32>
    %reduce_max3A_46 = vector.multi_reduction <maximumf>, %select_n3A_44, %reduce_max3A_45 [1] : vector<896x256xf32> to vector<896xf32>
    %broadcast_in_dim3A_47 = vector.shape_cast %reduce_max3A_46 : vector<896xf32> to vector<896x1xf32>
    %eq3A_48 = vector.broadcast %broadcast_in_dim3A_47 : vector<896x1xf32> to vector<896x256xf32>
    %eq3A_49 = arith.cmpf oeq, %select_n3A_44, %eq3A_48 : vector<896x256xf32>
    %jit3A_50 = arith.constant 256 : i32
    %broadcast_in_dim3A_51 = vector.broadcast %jit3A_50 : i32 to vector<896x256xi32>
    %select_n3A_52 = arith.select %eq3A_49, %iota3A, %broadcast_in_dim3A_51 : vector<896x256xi1>, vector<896x256xi32>
    %reduce_min3A_53 = arith.constant dense<2147483647> : vector<896xi32>
    %reduce_min3A_54 = vector.multi_reduction <minsi>, %select_n3A_52, %reduce_min3A_53 [1] : vector<896x256xi32> to vector<896xi32>
    %broadcast_in_dim3A_55 = vector.shape_cast %reduce_min3A_54 : vector<896xi32> to vector<896x1xi32>
    %eq3A_56 = vector.broadcast %broadcast_in_dim3A_55 : vector<896x1xi32> to vector<896x256xi32>
    %eq3A_57 = arith.cmpi eq, %iota3A, %eq3A_56 : vector<896x256xi32>
    %jit3A_58 = arith.constant 0xFF800000 : f32
    %broadcast_in_dim3A_59 = vector.broadcast %jit3A_58 : f32 to vector<896x256xf32>
    %select_n3A_60 = arith.select %eq3A_57, %broadcast_in_dim3A_59, %select_n3A_44 : vector<896x256xi1>, vector<896x256xf32>
    %reduce_max3A_61 = arith.constant dense<0xFF800000> : vector<896xf32>
    %reduce_max3A_62 = vector.multi_reduction <maximumf>, %select_n3A_60, %reduce_max3A_61 [1] : vector<896x256xf32> to vector<896xf32>
    %broadcast_in_dim3A_63 = vector.shape_cast %reduce_max3A_62 : vector<896xf32> to vector<896x1xf32>
    %eq3A_64 = vector.broadcast %broadcast_in_dim3A_63 : vector<896x1xf32> to vector<896x256xf32>
    %eq3A_65 = arith.cmpf oeq, %select_n3A_60, %eq3A_64 : vector<896x256xf32>
    %jit3A_66 = arith.constant 256 : i32
    %broadcast_in_dim3A_67 = vector.broadcast %jit3A_66 : i32 to vector<896x256xi32>
    %select_n3A_68 = arith.select %eq3A_65, %iota3A, %broadcast_in_dim3A_67 : vector<896x256xi1>, vector<896x256xi32>
    %reduce_min3A_69 = arith.constant dense<2147483647> : vector<896xi32>
    %reduce_min3A_70 = vector.multi_reduction <minsi>, %select_n3A_68, %reduce_min3A_69 [1] : vector<896x256xi32> to vector<896xi32>
    %broadcast_in_dim3A_71 = vector.shape_cast %reduce_min3A_70 : vector<896xi32> to vector<896x1xi32>
    %eq3A_72 = vector.broadcast %broadcast_in_dim3A_71 : vector<896x1xi32> to vector<896x256xi32>
    %eq3A_73 = arith.cmpi eq, %iota3A, %eq3A_72 : vector<896x256xi32>
    %jit3A_74 = arith.constant 0xFF800000 : f32
    %broadcast_in_dim3A_75 = vector.broadcast %jit3A_74 : f32 to vector<896x256xf32>
    %select_n3A_76 = arith.select %eq3A_73, %broadcast_in_dim3A_75, %select_n3A_60 : vector<896x256xi1>, vector<896x256xf32>
    %reduce_max3A_77 = arith.constant dense<0xFF800000> : vector<896xf32>
    %reduce_max3A_78 = vector.multi_reduction <maximumf>, %select_n3A_76, %reduce_max3A_77 [1] : vector<896x256xf32> to vector<896xf32>
    %broadcast_in_dim3A_79 = vector.shape_cast %reduce_max3A_78 : vector<896xf32> to vector<896x1xf32>
    %eq3A_80 = vector.broadcast %broadcast_in_dim3A_79 : vector<896x1xf32> to vector<896x256xf32>
    %eq3A_81 = arith.cmpf oeq, %select_n3A_76, %eq3A_80 : vector<896x256xf32>
    %jit3A_82 = arith.constant 256 : i32
    %broadcast_in_dim3A_83 = vector.broadcast %jit3A_82 : i32 to vector<896x256xi32>
    %select_n3A_84 = arith.select %eq3A_81, %iota3A, %broadcast_in_dim3A_83 : vector<896x256xi1>, vector<896x256xi32>
    %reduce_min3A_85 = arith.constant dense<2147483647> : vector<896xi32>
    %reduce_min3A_86 = vector.multi_reduction <minsi>, %select_n3A_84, %reduce_min3A_85 [1] : vector<896x256xi32> to vector<896xi32>
    %stack3A = vector.shape_cast %reduce_max3A_31 : vector<896xf32> to vector<1x896xf32>
    %stack3A_87 = vector.shape_cast %reduce_max3A_46 : vector<896xf32> to vector<1x896xf32>
    %stack3A_88 = vector.shape_cast %reduce_max3A_62 : vector<896xf32> to vector<1x896xf32>
    %stack3A_89 = vector.shape_cast %reduce_max3A_78 : vector<896xf32> to vector<1x896xf32>
    %stack3A_90 = tpu.concatenate %stack3A, %stack3A_87, %stack3A_88, %stack3A_89 in 0 : vector<1x896xf32>, vector<1x896xf32>, vector<1x896xf32>, vector<1x896xf32> -> vector<4x896xf32>
    %slice3A = vector.extract_strided_slice %stack3A_90 {offsets = [0, 0], sizes = [1, 896], strides = [1, 1]} : vector<4x896xf32> to vector<1x896xf32>
    %squeeze3A = vector.shape_cast %slice3A : vector<1x896xf32> to vector<896xf32>
    %broadcast_in_dim3A_91 = vector.shape_cast %squeeze3A : vector<896xf32> to vector<1x896xf32>
    %sub3A = vector.broadcast %broadcast_in_dim3A_91 : vector<1x896xf32> to vector<4x896xf32>
    %sub3A_92 = arith.subf %stack3A_90, %sub3A : vector<4x896xf32>
    %exp3A = math.exp %sub3A_92 : vector<4x896xf32>
    %reduce_sum3A_93 = arith.constant dense<0.000000e+00> : vector<896xf32>
    %reduce_sum3A_94 = vector.multi_reduction <add>, %exp3A, %reduce_sum3A_93 [0] : vector<4x896xf32> to vector<896xf32>
    %broadcast_in_dim3A_95 = vector.shape_cast %reduce_sum3A_94 : vector<896xf32> to vector<1x896xf32>
    %div3A_96 = vector.broadcast %broadcast_in_dim3A_95 : vector<1x896xf32> to vector<4x896xf32>
    %div3A_97 = arith.divf %exp3A, %div3A_96 : vector<4x896xf32>
    %swap3A = arith.constant 0 : index
    %swap3A_98 = arith.constant 0 : index
    %swap3A_99 = vector.load %arg8[%swap3A, %swap3A_98] : memref<4x896xf32, #tpu.memory_space<vmem>>, vector<4x896xf32>
    tpu.vector_store %arg8[%swap3A, %swap3A_98], %div3A_97 {strides = array<i32>} : memref<4x896xf32, #tpu.memory_space<vmem>>, vector<4x896xf32>,
    %mul3A_100 = arith.constant 256 : i32
    %mul3A_101 = arith.muli %arg0, %mul3A_100 : i32
    %add3A_102 = vector.broadcast %mul3A_101 : i32 to vector<896xi32>
    %add3A_103 = arith.addi %reduce_min3A_38, %add3A_102 : vector<896xi32>
    %mul3A_104 = arith.constant 256 : i32
    %mul3A_105 = arith.muli %arg0, %mul3A_104 : i32
    %add3A_106 = vector.broadcast %mul3A_105 : i32 to vector<896xi32>
    %add3A_107 = arith.addi %reduce_min3A_54, %add3A_106 : vector<896xi32>
    %mul3A_108 = arith.constant 256 : i32
    %mul3A_109 = arith.muli %arg0, %mul3A_108 : i32
    %add3A_110 = vector.broadcast %mul3A_109 : i32 to vector<896xi32>
    %add3A_111 = arith.addi %reduce_min3A_70, %add3A_110 : vector<896xi32>
    %mul3A_112 = arith.constant 256 : i32
    %mul3A_113 = arith.muli %arg0, %mul3A_112 : i32
    %add3A_114 = vector.broadcast %mul3A_113 : i32 to vector<896xi32>
    %add3A_115 = arith.addi %reduce_min3A_86, %add3A_114 : vector<896xi32>
    %stack3A_116 = vector.shape_cast %add3A_103 : vector<896xi32> to vector<1x896xi32>
    %stack3A_117 = vector.shape_cast %add3A_107 : vector<896xi32> to vector<1x896xi32>
    %stack3A_118 = vector.shape_cast %add3A_111 : vector<896xi32> to vector<1x896xi32>
    %stack3A_119 = vector.shape_cast %add3A_115 : vector<896xi32> to vector<1x896xi32>
    %stack3A_120 = tpu.concatenate %stack3A_116, %stack3A_117, %stack3A_118, %stack3A_119 in 0 : vector<1x896xi32>, vector<1x896xi32>, vector<1x896xi32>, vector<1x896xi32> -> vector<4x896xi32>
    %swap3A_121 = arith.constant 0 : index
    %swap3A_122 = arith.constant 0 : index
    %swap3A_123 = vector.load %arg7[%swap3A_121, %swap3A_122] : memref<4x896xi32, #tpu.memory_space<vmem>>, vector<4x896xi32>
    tpu.vector_store %arg7[%swap3A_121, %swap3A_122], %stack3A_120 {strides = array<i32>} : memref<4x896xi32, #tpu.memory_space<vmem>>, vector<4x896xi32>,
    return
  }
  func.func @transform_0(%arg0: i32, %arg1: i32) -> (i32, i32, i32) {
    %add3A = arith.constant 7 : i32
    %add3A_0 = arith.addi %add3A, %arg1 : i32
    %c0_i32 = arith.constant 0 : i32
    %c0_i32_1 = arith.constant 0 : i32
    return %arg0, %c0_i32, %add3A_0 : i32, i32, i32
  }
  func.func @transform_1(%arg0: i32, %arg1: i32) -> (i32, i32) {
    %c0_i32 = arith.constant 0 : i32
    %c0_i32_0 = arith.constant 0 : i32
    %c0_i32_1 = arith.constant 0 : i32
    return %c0_i32, %c0_i32_0 : i32, i32
  }
  func.func @transform_2(%arg0: i32, %arg1: i32) -> (i32, i32) {
    %c0_i32 = arith.constant 0 : i32
    %c0_i32_0 = arith.constant 0 : i32
    %c0_i32_1 = arith.constant 0 : i32
    return %c0_i32, %c0_i32_0 : i32, i32
  }
  func.func @transform_3(%arg0: i32, %arg1: i32) -> (i32, i32, i32) {
    %c0_i32 = arith.constant 0 : i32
    %c0_i32_0 = arith.constant 0 : i32
    %c0_i32_1 = arith.constant 0 : i32
    return %arg0, %c0_i32, %c0_i32_0 : i32, i32, i32
  }
  func.func @transform_4(%arg0: i32, %arg1: i32) -> (i32, i32, i32) {
    %add3A = arith.constant 7 : i32
    %add3A_0 = arith.addi %add3A, %arg1 : i32
    %c0_i32 = arith.constant 0 : i32
    %c0_i32_1 = arith.constant 0 : i32
    %c0_i32_2 = arith.constant 0 : i32
    return %add3A_0, %c0_i32, %c0_i32_1 : i32, i32, i32
  }
  func.func @transform_5(%arg0: i32, %arg1: i32) -> (i32, i32) {
    %mul3A = arith.constant 7 : i32
    %mul3A_0 = arith.muli %arg0, %mul3A : i32
    %add3A = arith.addi %mul3A_0, %arg1 : i32
    %c0_i32 = arith.constant 0 : i32
    %c0_i32_1 = arith.constant 0 : i32
    return %c0_i32, %add3A : i32, i32
  }
  func.func @transform_6(%arg0: i32, %arg1: i32) -> (i32, i32) {
    %mul3A = arith.constant 7 : i32
    %mul3A_0 = arith.muli %arg0, %mul3A : i32
    %add3A = arith.addi %mul3A_0, %arg1 : i32
    %c0_i32 = arith.constant 0 : i32
    %c0_i32_1 = arith.constant 0 : i32
    return %c0_i32, %add3A : i32, i32
  }
}

module attributes {stable_mosaic.version = 14 : i64} {
  func.func @_stage2_body(%arg0: i32, %arg1: i32, %arg2: memref<1x392x896xf32, #tpu.memory_space<vmem>>, %arg3: memref<392x392xf32, #tpu.memory_space<vmem>>, %arg4: memref<392x1xf32, #tpu.memory_space<vmem>>, %arg5: memref<1x392x256xf32, #tpu.memory_space<vmem>>, %arg6: memref<1x1x896xi32, #tpu.memory_space<vmem>>, %arg7: memref<4x896xi32, #tpu.memory_space<vmem>>, %arg8: memref<4x896xf32, #tpu.memory_space<vmem>>) attributes {dimension_semantics = [#tpu.dimension_semantics<arbitrary>, #tpu.dimension_semantics<arbitrary>], iteration_bounds = array<i64: 2, 7>, scalar_prefetch = 0 : i64, scratch_operands = 0 : i64, tpu.core_type = #tpu.core_type<tc>, window_params = [{transform_indices = @transform_0, window_bounds = array<i64: 1, 392, 896>}, {pipeline_mode = #tpu.pipeline_mode<synchronous>, transform_indices = @transform_1, window_bounds = array<i64: 392, 392>}, {pipeline_mode = #tpu.pipeline_mode<synchronous>, transform_indices = @transform_2, window_bounds = array<i64: 392, 1>}, {transform_indices = @transform_3, window_bounds = array<i64: 1, 392, 256>}, {transform_indices = @transform_4, window_bounds = array<i64: 1, 1, 896>}, {transform_indices = @transform_5, window_bounds = array<i64: 4, 896>}, {transform_indices = @transform_6, window_bounds = array<i64: 4, 896>}]} {
    %get3A = arith.constant 0 : index
    %get3A_0 = arith.constant 0 : index
    %get3A_1 = arith.constant 0 : index
    %get3A_2 = vector.load %arg2[%get3A, %get3A_0, %get3A_1] : memref<1x392x896xf32, #tpu.memory_space<vmem>>, vector<1x392x896xf32>
    %get3A_3 = vector.shape_cast %get3A_2 : vector<1x392x896xf32> to vector<392x896xf32>
    %get3A_4 = arith.constant 0 : index
    %get3A_5 = arith.constant 0 : index
    %get3A_6 = vector.load %arg3[%get3A_4, %get3A_5] : memref<392x392xf32, #tpu.memory_space<vmem>>, vector<392x392xf32>
    %dot_general3A = arith.constant dense<0.000000e+00> : vector<392x896xf32>
    %dot_general3A_7 = tpu.matmul %get3A_6, %get3A_3, %dot_general3A {dimension_numbers = #tpu.dot_dimension_numbers<[1], [0], [0], [1], [0, 0, 1, 1], [], []>, transpose_lhs_hint = false} : vector<392x392xf32>, vector<392x896xf32>, vector<392x896xf32> -> vector<392x896xf32>
    %get3A_8 = arith.constant 0 : index
    %get3A_9 = arith.constant 0 : index
    %get3A_10 = vector.load %arg4[%get3A_8, %get3A_9] : memref<392x1xf32, #tpu.memory_space<vmem>>, vector<392x1xf32>
    %add3A = vector.broadcast %get3A_10 : vector<392x1xf32> to vector<392x896xf32>
    %add3A_11 = arith.addf %dot_general3A_7, %add3A : vector<392x896xf32>
    %mul3A = arith.mulf %add3A_11, %add3A_11 : vector<392x896xf32>
    %reduce_sum3A = arith.constant dense<0.000000e+00> : vector<896xf32>
    %reduce_sum3A_12 = vector.multi_reduction <add>, %mul3A, %reduce_sum3A [0] : vector<392x896xf32> to vector<896xf32>
    %broadcast_in_dim3A = vector.shape_cast %reduce_sum3A_12 : vector<896xf32> to vector<1x896xf32>
    %sqrt3A = math.sqrt %broadcast_in_dim3A : vector<1x896xf32>
    %max3A = arith.constant 9.99999996E-13 : f32
    %max3A_13 = vector.broadcast %max3A : f32 to vector<1x896xf32>
    %max3A_14 = arith.maximumf %sqrt3A, %max3A_13 : vector<1x896xf32>
    %div3A = vector.broadcast %max3A_14 : vector<1x896xf32> to vector<392x896xf32>
    %div3A_15 = arith.divf %add3A_11, %div3A : vector<392x896xf32>
    %get3A_16 = arith.constant 0 : index
    %get3A_17 = arith.constant 0 : index
    %get3A_18 = arith.constant 0 : index
    %get3A_19 = vector.load %arg5[%get3A_16, %get3A_17, %get3A_18] : memref<1x392x256xf32, #tpu.memory_space<vmem>>, vector<1x392x256xf32>
    %get3A_20 = vector.shape_cast %get3A_19 : vector<1x392x256xf32> to vector<392x256xf32>
    %dot_general3A_21 = arith.constant dense<0.000000e+00> : vector<896x256xf32>
    %dot_general3A_22 = tpu.matmul %div3A_15, %get3A_20, %dot_general3A_21 {dimension_numbers = #tpu.dot_dimension_numbers<[0], [0], [1], [1], [0, 1, 1, 1], [], []>, transpose_lhs_hint = false} : vector<392x896xf32>, vector<392x256xf32>, vector<896x256xf32> -> vector<896x256xf32>
    %iota3A = tpu.iota {dimensions = array<i32: 1>} : vector<896x256xi32>
    %get3A_23 = arith.constant 0 : index
    %get3A_24 = arith.constant 0 : index
    %get3A_25 = arith.constant 0 : index
    %get3A_26 = vector.load %arg6[%get3A_23, %get3A_24, %get3A_25] : memref<1x1x896xi32, #tpu.memory_space<vmem>>, vector<1x1x896xi32>
    %get3A_27 = vector.shape_cast %get3A_26 : vector<1x1x896xi32> to vector<896xi32>
    %broadcast_in_dim3A_28 = vector.shape_cast %get3A_27 : vector<896xi32> to vector<896x1xi32>
    %eq3A = vector.broadcast %broadcast_in_dim3A_28 : vector<896x1xi32> to vector<896x256xi32>
    %eq3A_29 = arith.cmpi eq, %iota3A, %eq3A : vector<896x256xi32>
    %jit3A = arith.constant 1.000000e+09 : f32
    %broadcast_in_dim3A_30 = vector.broadcast %jit3A : f32 to vector<896x256xf32>
    %select_n3A = arith.select %eq3A_29, %broadcast_in_dim3A_30, %dot_general3A_22 : vector<896x256xi1>, vector<896x256xf32>
    %reduce_max3A = arith.constant dense<0xFF800000> : vector<896xf32>
    %reduce_max3A_31 = vector.multi_reduction <maximumf>, %select_n3A, %reduce_max3A [1] : vector<896x256xf32> to vector<896xf32>
    %broadcast_in_dim3A_32 = vector.shape_cast %reduce_max3A_31 : vector<896xf32> to vector<896x1xf32>
    %eq3A_33 = vector.broadcast %broadcast_in_dim3A_32 : vector<896x1xf32> to vector<896x256xf32>
    %eq3A_34 = arith.cmpf oeq, %select_n3A, %eq3A_33 : vector<896x256xf32>
    %jit3A_35 = arith.constant 256 : i32
    %broadcast_in_dim3A_36 = vector.broadcast %jit3A_35 : i32 to vector<896x256xi32>
    %select_n3A_37 = arith.select %eq3A_34, %iota3A, %broadcast_in_dim3A_36 : vector<896x256xi1>, vector<896x256xi32>
    %reduce_min3A = arith.constant dense<2147483647> : vector<896xi32>
    %reduce_min3A_38 = vector.multi_reduction <minsi>, %select_n3A_37, %reduce_min3A [1] : vector<896x256xi32> to vector<896xi32>
    %broadcast_in_dim3A_39 = vector.shape_cast %reduce_min3A_38 : vector<896xi32> to vector<896x1xi32>
    %eq3A_40 = vector.broadcast %broadcast_in_dim3A_39 : vector<896x1xi32> to vector<896x256xi32>
    %eq3A_41 = arith.cmpi eq, %iota3A, %eq3A_40 : vector<896x256xi32>
    %jit3A_42 = arith.constant 0xFF800000 : f32
    %broadcast_in_dim3A_43 = vector.broadcast %jit3A_42 : f32 to vector<896x256xf32>
    %select_n3A_44 = arith.select %eq3A_41, %broadcast_in_dim3A_43, %select_n3A : vector<896x256xi1>, vector<896x256xf32>
    %reduce_max3A_45 = arith.constant dense<0xFF800000> : vector<896xf32>
    %reduce_max3A_46 = vector.multi_reduction <maximumf>, %select_n3A_44, %reduce_max3A_45 [1] : vector<896x256xf32> to vector<896xf32>
    %broadcast_in_dim3A_47 = vector.shape_cast %reduce_max3A_46 : vector<896xf32> to vector<896x1xf32>
    %eq3A_48 = vector.broadcast %broadcast_in_dim3A_47 : vector<896x1xf32> to vector<896x256xf32>
    %eq3A_49 = arith.cmpf oeq, %select_n3A_44, %eq3A_48 : vector<896x256xf32>
    %jit3A_50 = arith.constant 256 : i32
    %broadcast_in_dim3A_51 = vector.broadcast %jit3A_50 : i32 to vector<896x256xi32>
    %select_n3A_52 = arith.select %eq3A_49, %iota3A, %broadcast_in_dim3A_51 : vector<896x256xi1>, vector<896x256xi32>
    %reduce_min3A_53 = arith.constant dense<2147483647> : vector<896xi32>
    %reduce_min3A_54 = vector.multi_reduction <minsi>, %select_n3A_52, %reduce_min3A_53 [1] : vector<896x256xi32> to vector<896xi32>
    %broadcast_in_dim3A_55 = vector.shape_cast %reduce_min3A_54 : vector<896xi32> to vector<896x1xi32>
    %eq3A_56 = vector.broadcast %broadcast_in_dim3A_55 : vector<896x1xi32> to vector<896x256xi32>
    %eq3A_57 = arith.cmpi eq, %iota3A, %eq3A_56 : vector<896x256xi32>
    %jit3A_58 = arith.constant 0xFF800000 : f32
    %broadcast_in_dim3A_59 = vector.broadcast %jit3A_58 : f32 to vector<896x256xf32>
    %select_n3A_60 = arith.select %eq3A_57, %broadcast_in_dim3A_59, %select_n3A_44 : vector<896x256xi1>, vector<896x256xf32>
    %reduce_max3A_61 = arith.constant dense<0xFF800000> : vector<896xf32>
    %reduce_max3A_62 = vector.multi_reduction <maximumf>, %select_n3A_60, %reduce_max3A_61 [1] : vector<896x256xf32> to vector<896xf32>
    %broadcast_in_dim3A_63 = vector.shape_cast %reduce_max3A_62 : vector<896xf32> to vector<896x1xf32>
    %eq3A_64 = vector.broadcast %broadcast_in_dim3A_63 : vector<896x1xf32> to vector<896x256xf32>
    %eq3A_65 = arith.cmpf oeq, %select_n3A_60, %eq3A_64 : vector<896x256xf32>
    %jit3A_66 = arith.constant 256 : i32
    %broadcast_in_dim3A_67 = vector.broadcast %jit3A_66 : i32 to vector<896x256xi32>
    %select_n3A_68 = arith.select %eq3A_65, %iota3A, %broadcast_in_dim3A_67 : vector<896x256xi1>, vector<896x256xi32>
    %reduce_min3A_69 = arith.constant dense<2147483647> : vector<896xi32>
    %reduce_min3A_70 = vector.multi_reduction <minsi>, %select_n3A_68, %reduce_min3A_69 [1] : vector<896x256xi32> to vector<896xi32>
    %broadcast_in_dim3A_71 = vector.shape_cast %reduce_min3A_70 : vector<896xi32> to vector<896x1xi32>
    %eq3A_72 = vector.broadcast %broadcast_in_dim3A_71 : vector<896x1xi32> to vector<896x256xi32>
    %eq3A_73 = arith.cmpi eq, %iota3A, %eq3A_72 : vector<896x256xi32>
    %jit3A_74 = arith.constant 0xFF800000 : f32
    %broadcast_in_dim3A_75 = vector.broadcast %jit3A_74 : f32 to vector<896x256xf32>
    %select_n3A_76 = arith.select %eq3A_73, %broadcast_in_dim3A_75, %select_n3A_60 : vector<896x256xi1>, vector<896x256xf32>
    %reduce_max3A_77 = arith.constant dense<0xFF800000> : vector<896xf32>
    %reduce_max3A_78 = vector.multi_reduction <maximumf>, %select_n3A_76, %reduce_max3A_77 [1] : vector<896x256xf32> to vector<896xf32>
    %broadcast_in_dim3A_79 = vector.shape_cast %reduce_max3A_78 : vector<896xf32> to vector<896x1xf32>
    %eq3A_80 = vector.broadcast %broadcast_in_dim3A_79 : vector<896x1xf32> to vector<896x256xf32>
    %eq3A_81 = arith.cmpf oeq, %select_n3A_76, %eq3A_80 : vector<896x256xf32>
    %jit3A_82 = arith.constant 256 : i32
    %broadcast_in_dim3A_83 = vector.broadcast %jit3A_82 : i32 to vector<896x256xi32>
    %select_n3A_84 = arith.select %eq3A_81, %iota3A, %broadcast_in_dim3A_83 : vector<896x256xi1>, vector<896x256xi32>
    %reduce_min3A_85 = arith.constant dense<2147483647> : vector<896xi32>
    %reduce_min3A_86 = vector.multi_reduction <minsi>, %select_n3A_84, %reduce_min3A_85 [1] : vector<896x256xi32> to vector<896xi32>
    %stack3A = vector.shape_cast %reduce_max3A_31 : vector<896xf32> to vector<1x896xf32>
    %stack3A_87 = vector.shape_cast %reduce_max3A_46 : vector<896xf32> to vector<1x896xf32>
    %stack3A_88 = vector.shape_cast %reduce_max3A_62 : vector<896xf32> to vector<1x896xf32>
    %stack3A_89 = vector.shape_cast %reduce_max3A_78 : vector<896xf32> to vector<1x896xf32>
    %stack3A_90 = tpu.concatenate %stack3A, %stack3A_87, %stack3A_88, %stack3A_89 in 0 : vector<1x896xf32>, vector<1x896xf32>, vector<1x896xf32>, vector<1x896xf32> -> vector<4x896xf32>
    %slice3A = vector.extract_strided_slice %stack3A_90 {offsets = [0, 0], sizes = [1, 896], strides = [1, 1]} : vector<4x896xf32> to vector<1x896xf32>
    %squeeze3A = vector.shape_cast %slice3A : vector<1x896xf32> to vector<896xf32>
    %broadcast_in_dim3A_91 = vector.shape_cast %squeeze3A : vector<896xf32> to vector<1x896xf32>
    %sub3A = vector.broadcast %broadcast_in_dim3A_91 : vector<1x896xf32> to vector<4x896xf32>
    %sub3A_92 = arith.subf %stack3A_90, %sub3A : vector<4x896xf32>
    %exp3A = math.exp %sub3A_92 : vector<4x896xf32>
    %reduce_sum3A_93 = arith.constant dense<0.000000e+00> : vector<896xf32>
    %reduce_sum3A_94 = vector.multi_reduction <add>, %exp3A, %reduce_sum3A_93 [0] : vector<4x896xf32> to vector<896xf32>
    %broadcast_in_dim3A_95 = vector.shape_cast %reduce_sum3A_94 : vector<896xf32> to vector<1x896xf32>
    %div3A_96 = vector.broadcast %broadcast_in_dim3A_95 : vector<1x896xf32> to vector<4x896xf32>
    %div3A_97 = arith.divf %exp3A, %div3A_96 : vector<4x896xf32>
    %swap3A = arith.constant 0 : index
    %swap3A_98 = arith.constant 0 : index
    %swap3A_99 = vector.load %arg8[%swap3A, %swap3A_98] : memref<4x896xf32, #tpu.memory_space<vmem>>, vector<4x896xf32>
    tpu.vector_store %arg8[%swap3A, %swap3A_98], %div3A_97 {strides = array<i32>} : memref<4x896xf32, #tpu.memory_space<vmem>>, vector<4x896xf32>,
    %mul3A_100 = arith.constant 256 : i32
    %mul3A_101 = arith.muli %arg0, %mul3A_100 : i32
    %add3A_102 = vector.broadcast %mul3A_101 : i32 to vector<896xi32>
    %add3A_103 = arith.addi %reduce_min3A_38, %add3A_102 : vector<896xi32>
    %mul3A_104 = arith.constant 256 : i32
    %mul3A_105 = arith.muli %arg0, %mul3A_104 : i32
    %add3A_106 = vector.broadcast %mul3A_105 : i32 to vector<896xi32>
    %add3A_107 = arith.addi %reduce_min3A_54, %add3A_106 : vector<896xi32>
    %mul3A_108 = arith.constant 256 : i32
    %mul3A_109 = arith.muli %arg0, %mul3A_108 : i32
    %add3A_110 = vector.broadcast %mul3A_109 : i32 to vector<896xi32>
    %add3A_111 = arith.addi %reduce_min3A_70, %add3A_110 : vector<896xi32>
    %mul3A_112 = arith.constant 256 : i32
    %mul3A_113 = arith.muli %arg0, %mul3A_112 : i32
    %add3A_114 = vector.broadcast %mul3A_113 : i32 to vector<896xi32>
    %add3A_115 = arith.addi %reduce_min3A_86, %add3A_114 : vector<896xi32>
    %stack3A_116 = vector.shape_cast %add3A_103 : vector<896xi32> to vector<1x896xi32>
    %stack3A_117 = vector.shape_cast %add3A_107 : vector<896xi32> to vector<1x896xi32>
    %stack3A_118 = vector.shape_cast %add3A_111 : vector<896xi32> to vector<1x896xi32>
    %stack3A_119 = vector.shape_cast %add3A_115 : vector<896xi32> to vector<1x896xi32>
    %stack3A_120 = tpu.concatenate %stack3A_116, %stack3A_117, %stack3A_118, %stack3A_119 in 0 : vector<1x896xi32>, vector<1x896xi32>, vector<1x896xi32>, vector<1x896xi32> -> vector<4x896xi32>
    %swap3A_121 = arith.constant 0 : index
    %swap3A_122 = arith.constant 0 : index
    %swap3A_123 = vector.load %arg7[%swap3A_121, %swap3A_122] : memref<4x896xi32, #tpu.memory_space<vmem>>, vector<4x896xi32>
    tpu.vector_store %arg7[%swap3A_121, %swap3A_122], %stack3A_120 {strides = array<i32>} : memref<4x896xi32, #tpu.memory_space<vmem>>, vector<4x896xi32>,
    return
  }
  func.func @transform_0(%arg0: i32, %arg1: i32) -> (i32, i32, i32) {
    %add3A = arith.constant 0 : i32
    %add3A_0 = arith.addi %add3A, %arg1 : i32
    %c0_i32 = arith.constant 0 : i32
    %c0_i32_1 = arith.constant 0 : i32
    return %arg0, %c0_i32, %add3A_0 : i32, i32, i32
  }
  func.func @transform_1(%arg0: i32, %arg1: i32) -> (i32, i32) {
    %c0_i32 = arith.constant 0 : i32
    %c0_i32_0 = arith.constant 0 : i32
    %c0_i32_1 = arith.constant 0 : i32
    return %c0_i32, %c0_i32_0 : i32, i32
  }
  func.func @transform_2(%arg0: i32, %arg1: i32) -> (i32, i32) {
    %c0_i32 = arith.constant 0 : i32
    %c0_i32_0 = arith.constant 0 : i32
    %c0_i32_1 = arith.constant 0 : i32
    return %c0_i32, %c0_i32_0 : i32, i32
  }
  func.func @transform_3(%arg0: i32, %arg1: i32) -> (i32, i32, i32) {
    %c0_i32 = arith.constant 0 : i32
    %c0_i32_0 = arith.constant 0 : i32
    %c0_i32_1 = arith.constant 0 : i32
    return %arg0, %c0_i32, %c0_i32_0 : i32, i32, i32
  }
  func.func @transform_4(%arg0: i32, %arg1: i32) -> (i32, i32, i32) {
    %add3A = arith.constant 0 : i32
    %add3A_0 = arith.addi %add3A, %arg1 : i32
    %c0_i32 = arith.constant 0 : i32
    %c0_i32_1 = arith.constant 0 : i32
    %c0_i32_2 = arith.constant 0 : i32
    return %add3A_0, %c0_i32, %c0_i32_1 : i32, i32, i32
  }
  func.func @transform_5(%arg0: i32, %arg1: i32) -> (i32, i32) {
    %mul3A = arith.constant 7 : i32
    %mul3A_0 = arith.muli %arg0, %mul3A : i32
    %add3A = arith.addi %mul3A_0, %arg1 : i32
    %c0_i32 = arith.constant 0 : i32
    %c0_i32_1 = arith.constant 0 : i32
    return %c0_i32, %add3A : i32, i32
  }
  func.func @transform_6(%arg0: i32, %arg1: i32) -> (i32, i32) {
    %mul3A = arith.constant 7 : i32
    %mul3A_0 = arith.muli %arg0, %mul3A : i32
    %add3A = arith.addi %mul3A_0, %arg1 : i32
    %c0_i32 = arith.constant 0 : i32
    %c0_i32_1 = arith.constant 0 : i32
    return %c0_i32, %add3A : i32, i32
  }
}

module attributes {stable_mosaic.version = 14 : i64} {
  func.func @_stage4_body(%arg0: i32, %arg1: memref<4x896x512xf32, #tpu.memory_space<vmem>>, %arg2: memref<4x896xf32, #tpu.memory_space<vmem>>, %arg3: memref<2048x392xf32, #tpu.memory_space<vmem>>, %arg4: memref<1x392xf32, #tpu.memory_space<vmem>>, %arg5: memref<392x384xf32, #tpu.memory_space<vmem>>, %arg6: memref<1x384xf32, #tpu.memory_space<vmem>>, %arg7: memref<896x384xf32, #tpu.memory_space<vmem>>) attributes {dimension_semantics = [#tpu.dimension_semantics<arbitrary>], iteration_bounds = array<i64: 14>, scalar_prefetch = 0 : i64, scratch_operands = 0 : i64, tpu.core_type = #tpu.core_type<tc>, window_params = [{transform_indices = @transform_0, window_bounds = array<i64: 4, 896, 512>}, {transform_indices = @transform_1, window_bounds = array<i64: 4, 896>}, {pipeline_mode = #tpu.pipeline_mode<synchronous>, transform_indices = @transform_2, window_bounds = array<i64: 2048, 392>}, {pipeline_mode = #tpu.pipeline_mode<synchronous>, transform_indices = @transform_3, window_bounds = array<i64: 1, 392>}, {pipeline_mode = #tpu.pipeline_mode<synchronous>, transform_indices = @transform_4, window_bounds = array<i64: 392, 384>}, {pipeline_mode = #tpu.pipeline_mode<synchronous>, transform_indices = @transform_5, window_bounds = array<i64: 1, 384>}, {transform_indices = @transform_6, window_bounds = array<i64: 896, 384>}]} {
    %get3A = arith.constant 0 : index
    %get3A_0 = arith.constant 0 : index
    %get3A_1 = vector.load %arg2[%get3A, %get3A_0] : memref<4x896xf32, #tpu.memory_space<vmem>>, vector<4x896xf32>
    %get3A_2 = arith.constant 0 : index
    %get3A_3 = arith.constant 0 : index
    %get3A_4 = arith.constant 0 : index
    %get3A_5 = vector.load %arg1[%get3A_2, %get3A_3, %get3A_4] : memref<4x896x512xf32, #tpu.memory_space<vmem>>, vector<1x896x512xf32>
    %get3A_6 = vector.shape_cast %get3A_5 : vector<1x896x512xf32> to vector<896x512xf32>
    %slice3A = vector.extract_strided_slice %get3A_1 {offsets = [0, 0], sizes = [1, 896], strides = [1, 1]} : vector<4x896xf32> to vector<1x896xf32>
    %squeeze3A = vector.shape_cast %slice3A : vector<1x896xf32> to vector<896xf32>
    %broadcast_in_dim3A = vector.shape_cast %squeeze3A : vector<896xf32> to vector<896x1xf32>
    %mul3A = vector.broadcast %broadcast_in_dim3A : vector<896x1xf32> to vector<896x512xf32>
    %mul3A_7 = arith.mulf %get3A_6, %mul3A : vector<896x512xf32>
    %get3A_8 = arith.constant 1 : index
    %get3A_9 = arith.constant 0 : index
    %get3A_10 = arith.constant 0 : index
    %get3A_11 = vector.load %arg1[%get3A_8, %get3A_9, %get3A_10] : memref<4x896x512xf32, #tpu.memory_space<vmem>>, vector<1x896x512xf32>
    %get3A_12 = vector.shape_cast %get3A_11 : vector<1x896x512xf32> to vector<896x512xf32>
    %slice3A_13 = vector.extract_strided_slice %get3A_1 {offsets = [1, 0], sizes = [1, 896], strides = [1, 1]} : vector<4x896xf32> to vector<1x896xf32>
    %squeeze3A_14 = vector.shape_cast %slice3A_13 : vector<1x896xf32> to vector<896xf32>
    %broadcast_in_dim3A_15 = vector.shape_cast %squeeze3A_14 : vector<896xf32> to vector<896x1xf32>
    %mul3A_16 = vector.broadcast %broadcast_in_dim3A_15 : vector<896x1xf32> to vector<896x512xf32>
    %mul3A_17 = arith.mulf %get3A_12, %mul3A_16 : vector<896x512xf32>
    %get3A_18 = arith.constant 2 : index
    %get3A_19 = arith.constant 0 : index
    %get3A_20 = arith.constant 0 : index
    %get3A_21 = vector.load %arg1[%get3A_18, %get3A_19, %get3A_20] : memref<4x896x512xf32, #tpu.memory_space<vmem>>, vector<1x896x512xf32>
    %get3A_22 = vector.shape_cast %get3A_21 : vector<1x896x512xf32> to vector<896x512xf32>
    %slice3A_23 = vector.extract_strided_slice %get3A_1 {offsets = [2, 0], sizes = [1, 896], strides = [1, 1]} : vector<4x896xf32> to vector<1x896xf32>
    %squeeze3A_24 = vector.shape_cast %slice3A_23 : vector<1x896xf32> to vector<896xf32>
    %broadcast_in_dim3A_25 = vector.shape_cast %squeeze3A_24 : vector<896xf32> to vector<896x1xf32>
    %mul3A_26 = vector.broadcast %broadcast_in_dim3A_25 : vector<896x1xf32> to vector<896x512xf32>
    %mul3A_27 = arith.mulf %get3A_22, %mul3A_26 : vector<896x512xf32>
    %get3A_28 = arith.constant 3 : index
    %get3A_29 = arith.constant 0 : index
    %get3A_30 = arith.constant 0 : index
    %get3A_31 = vector.load %arg1[%get3A_28, %get3A_29, %get3A_30] : memref<4x896x512xf32, #tpu.memory_space<vmem>>, vector<1x896x512xf32>
    %get3A_32 = vector.shape_cast %get3A_31 : vector<1x896x512xf32> to vector<896x512xf32>
    %slice3A_33 = vector.extract_strided_slice %get3A_1 {offsets = [3, 0], sizes = [1, 896], strides = [1, 1]} : vector<4x896xf32> to vector<1x896xf32>
    %squeeze3A_34 = vector.shape_cast %slice3A_33 : vector<1x896xf32> to vector<896xf32>
    %broadcast_in_dim3A_35 = vector.shape_cast %squeeze3A_34 : vector<896xf32> to vector<896x1xf32>
    %mul3A_36 = vector.broadcast %broadcast_in_dim3A_35 : vector<896x1xf32> to vector<896x512xf32>
    %mul3A_37 = arith.mulf %get3A_32, %mul3A_36 : vector<896x512xf32>
    %concatenate3A = tpu.concatenate %mul3A_7, %mul3A_17, %mul3A_27, %mul3A_37 in 1 : vector<896x512xf32>, vector<896x512xf32>, vector<896x512xf32>, vector<896x512xf32> -> vector<896x2048xf32>
    %get3A_38 = arith.constant 0 : index
    %get3A_39 = arith.constant 0 : index
    %get3A_40 = vector.load %arg3[%get3A_38, %get3A_39] : memref<2048x392xf32, #tpu.memory_space<vmem>>, vector<2048x392xf32>
    %dot_general3A = arith.constant dense<0.000000e+00> : vector<896x392xf32>
    %dot_general3A_41 = tpu.matmul %concatenate3A, %get3A_40, %dot_general3A {dimension_numbers = #tpu.dot_dimension_numbers<[1], [0], [0], [1], [0, 0, 1, 1], [], []>, transpose_lhs_hint = false} : vector<896x2048xf32>, vector<2048x392xf32>, vector<896x392xf32> -> vector<896x392xf32>
    %get3A_42 = arith.constant 0 : index
    %get3A_43 = arith.constant 0 : index
    %get3A_44 = vector.load %arg4[%get3A_42, %get3A_43] : memref<1x392xf32, #tpu.memory_space<vmem>>, vector<1x392xf32>
    %add3A = vector.broadcast %get3A_44 : vector<1x392xf32> to vector<896x392xf32>
    %add3A_45 = arith.addf %dot_general3A_41, %add3A : vector<896x392xf32>
    %get3A_46 = arith.constant 0 : index
    %get3A_47 = arith.constant 0 : index
    %get3A_48 = vector.load %arg5[%get3A_46, %get3A_47] : memref<392x384xf32, #tpu.memory_space<vmem>>, vector<392x384xf32>
    %dot_general3A_49 = arith.constant dense<0.000000e+00> : vector<896x384xf32>
    %dot_general3A_50 = tpu.matmul %add3A_45, %get3A_48, %dot_general3A_49 {dimension_numbers = #tpu.dot_dimension_numbers<[1], [0], [0], [1], [0, 0, 1, 1], [], []>, transpose_lhs_hint = false} : vector<896x392xf32>, vector<392x384xf32>, vector<896x384xf32> -> vector<896x384xf32>
    %get3A_51 = arith.constant 0 : index
    %get3A_52 = arith.constant 0 : index
    %get3A_53 = vector.load %arg6[%get3A_51, %get3A_52] : memref<1x384xf32, #tpu.memory_space<vmem>>, vector<1x384xf32>
    %add3A_54 = vector.broadcast %get3A_53 : vector<1x384xf32> to vector<896x384xf32>
    %add3A_55 = arith.addf %dot_general3A_50, %add3A_54 : vector<896x384xf32>
    %swap3A = arith.constant 0 : index
    %swap3A_56 = arith.constant 0 : index
    %swap3A_57 = vector.load %arg7[%swap3A, %swap3A_56] : memref<896x384xf32, #tpu.memory_space<vmem>>, vector<896x384xf32>
    tpu.vector_store %arg7[%swap3A, %swap3A_56], %add3A_55 {strides = array<i32>} : memref<896x384xf32, #tpu.memory_space<vmem>>, vector<896x384xf32>,
    return
  }
  func.func @transform_0(%arg0: i32) -> (i32, i32, i32) {
    %c0_i32 = arith.constant 0 : i32
    %c0_i32_0 = arith.constant 0 : i32
    %c0_i32_1 = arith.constant 0 : i32
    return %c0_i32, %arg0, %c0_i32_0 : i32, i32, i32
  }
  func.func @transform_1(%arg0: i32) -> (i32, i32) {
    %c0_i32 = arith.constant 0 : i32
    %c0_i32_0 = arith.constant 0 : i32
    return %c0_i32, %arg0 : i32, i32
  }
  func.func @transform_2(%arg0: i32) -> (i32, i32) {
    %c0_i32 = arith.constant 0 : i32
    %c0_i32_0 = arith.constant 0 : i32
    %c0_i32_1 = arith.constant 0 : i32
    return %c0_i32, %c0_i32_0 : i32, i32
  }
  func.func @transform_3(%arg0: i32) -> (i32, i32) {
    %c0_i32 = arith.constant 0 : i32
    %c0_i32_0 = arith.constant 0 : i32
    %c0_i32_1 = arith.constant 0 : i32
    return %c0_i32, %c0_i32_0 : i32, i32
  }
  func.func @transform_4(%arg0: i32) -> (i32, i32) {
    %c0_i32 = arith.constant 0 : i32
    %c0_i32_0 = arith.constant 0 : i32
    %c0_i32_1 = arith.constant 0 : i32
    return %c0_i32, %c0_i32_0 : i32, i32
  }
  func.func @transform_5(%arg0: i32) -> (i32, i32) {
    %c0_i32 = arith.constant 0 : i32
    %c0_i32_0 = arith.constant 0 : i32
    %c0_i32_1 = arith.constant 0 : i32
    return %c0_i32, %c0_i32_0 : i32, i32
  }
  func.func @transform_6(%arg0: i32) -> (i32, i32) {
    %c0_i32 = arith.constant 0 : i32
    %c0_i32_0 = arith.constant 0 : i32
    return %arg0, %c0_i32 : i32, i32
  }
}

</mosaic_0001>

<sc_bundles>
// kernel: kernel.12.cloned.1.call-start
scs
__scs_entry_jumppad:
0x0: {  	(pc) =	sbr.rel $0x88, $3  }
0x1: {  	(tag) =	ssettag $0x0;
	lr =	simm.s32 $0x1  }
0x2: {  	[smem:$0x3F96] =	sst lr;
	_ =	strace $0xD0000000  }
0x3: {  	_ = 	snop  }
0x4: {  	_ = 	snop  }
0x5: {  	_ = 	snop  }
0x6: {  	_ = 	snop  }
0x7: {  	_ = 	snop  }
__scs_overlays_trampoline_lowered:
0x8: {  	[smem:$0x3FA5] =	sst s0  }
0x9: {  	[smem:$0x3FA6] =	sst s1  }
0xa: {  	[smem:$0x3FA7] =	sst s2  }
0xb: {  	[smem:$0x3FA8] =	sst s3  }
0xc: {  	[smem:$0x3FA9] =	sst s4  }
0xd: {  	[smem:$0x3FAA] =	sst s5  }
0xe: {  	[smem:$0x3FAB] =	sst s6  }
0xf: {  	[smem:$0x3FAC] =	sst s7  }
0x10: {  	[smem:$0x3FAD] =	sst s8  }
0x11: {  	[smem:$0x3FAE] =	sst s9;
	s0 =	simm.s32 @!p0 $0x0  }
0x12: {  	s1 =	sld [smem:$0x3F94];
	s0 =	simm.s32 @p0 $0x1  }
0x13: {  	[smem:$0x3FAF] =	sst s0;
	s0 =	simm.s32 @!p1 $0x0  }
0x14: {  	s2 =	sld [smem:$0x3F93];
	s0 =	simm.s32 @p1 $0x1  }
0x15: {  	[smem:$0x3FB0] =	sst s0;
	s0 =	simm.s32 @!p2 $0x0  }
0x16: {  	s3 =	sld [smem:$0x3FDB];
	s0 =	simm.s32 @p2 $0x1  }
0x17: {  	s4 =	simm.s32 $0x1BF5;
	[smem:$0x3FB2] =	sst s0  }
0x18: {  	s0 =	sld [smem:$0x3F95];
	_ =	swait.ge [sflag:s4], $0x0  }
0x19: {  	s7 =	sld [smem:$0x3F96]  }
0x1a: {  	s8 =	sadd.s32 $0xFFFFE003, lr  }
0x1b: {  	s9 =	sadd.s32 $0xFFFFFEF7, lr;
	s5 =	simm.s32 $0xFFFFFFFF;
	p2 =	slt.u32 s8, $0xFFFFF086  }
0x1c: {  	p1 =	slt.u32 s9, $0xF7A;
	s5 =	simm.s32 @!p2 $0x0  }
0x1d: {  	s5 =	simm.s32 @p1 $0x1;
	p0 =	seq.s32 s7, s2  }
0x1e: {  	s7 =	smul.u32 @!p0 $0xF7A, s2;
	p2 =	seq.s32 @!p0 s5, $0x0  }
0x1f: {  	s9 =	smul.u32 $0xF7A, s1;
	s8 =	simm.s32 @!p0 $0x1BF5;
	p2 =	por !p2, p0  }
0x20: {  	[sflag:s8] =	ssyncset.s32 @!p0 $0xFFFFF086;
	s6 =	sadd.s32 @!p0 s3, s7;
	s7 =	simm.s32 @!p0 $0x108  }
0x21: {  	s3 =	sadd.s32 s3, s9;
	s6 =	sadd.s32 @!p0 $0x88, s6;
	s7 =	simm.s32 @p2 $0x1082  }
0x22: {  	[simem:s7], [sflag:s8] =	dma.local @!p0 [hbm:s6], $0xF7A  }
0x23: {  	s9 =	sor.u32 $0xD0000000, s2;
	s6 =	simm.s32 $0x108;
	_ =	swait.ge @!p0 [sflag:s8], $0x0  }
0x24: {  	s3 =	sadd.s32 $0x88, s3;
	s6 =	simm.s32 @!p1 $0x1082;
	[sflag:s4] =	ssyncset.s32 $0xFFFFF086  }
0x25: {  	[simem:s6], [sflag:s4] =	dma.local [hbm:s3], $0xF7A  }
0x26: {  	[smem:$0x3F96] =	sst s1;
	(tag) =	ssettag s2;
	_ =	strace s9  }
0x27: {  	s1 =	sld [smem:$0x3FA6]  }
0x28: {  	s2 =	sld [smem:$0x3FA7]  }
0x29: {  	s4 =	sld [smem:$0x3FA9]  }
0x2a: {  	p0 =	seq.s32 s5, $0x0;
	s5 =	sld [smem:$0x3FAA]  }
0x2b: {  	s6 =	sld [smem:$0x3FAB]  }
0x2c: {  	s7 =	sld [smem:$0x3FAC]  }
0x2d: {  	s3 =	simm.s32 $0x108;
	s8 =	sld [smem:$0x3FAD]  }
0x2e: {  	s3 =	simm.s32 @!p0 $0x1082;
	s9 =	sld [smem:$0x3FAE]  }
0x2f: {  	lr =	sadd.s32 s0, s3;
	s0 =	sld [smem:$0x3FA5]  }
0x30: {  	s3 =	sld [smem:$0x3FA8]  }
0x31: {  	[smem:$0x3FB1] =	sst s10  }
0x32: {  	s10 =	sld [smem:$0x3FAF];
	_ =	sdelay $0x3  }
0x33: {  	p0 =	seq.s32 s10, $0x1;
	s10 =	sld [smem:$0x3FB1];
	_ =	sdelay $0x3  }
0x34: {  	[smem:$0x3FB1] =	sst s10  }
0x35: {  	s10 =	sld [smem:$0x3FB0];
	_ =	sdelay $0x3  }
0x36: {  	p1 =	seq.s32 s10, $0x1;
	s10 =	sld [smem:$0x3FB1];
	_ =	sdelay $0x3  }
0x37: {  	[smem:$0x3FB1] =	sst s10  }
0x38: {  	s10 =	sld [smem:$0x3FB2]  }
0x39: {  	_ = 	snop;
	(pc) =	sbr.ind lr, $3  }
0x3a: {  	_ = 	snop  }
0x3b: {  	_ = 	snop  }
0x3c: {  	p2 =	seq.s32 s10, $0x1;
	s10 =	sld [smem:$0x3FB1]  }
0x3d: {  	_ =	shalt  }
0x3e: {  	_ =	shalt  }
0x3f: {  	_ =	shalt  }
0x40: {  	_ =	shalt  }
0x41: {  	_ =	shalt  }
0x42: {  	_ =	shalt  }
0x43: {  	_ =	shalt  }
0x44: {  	_ =	shalt  }
0x45: {  	_ =	shalt  }
0x46: {  	_ =	shalt  }
0x47: {  	_ =	shalt  }
0x48: {  	_ =	shalt  }
0x49: {  	_ =	shalt  }
0x4a: {  	_ =	shalt  }
0x4b: {  	_ =	shalt  }
0x4c: {  	_ =	shalt  }
0x4d: {  	_ =	shalt  }
0x4e: {  	_ =	shalt  }
0x4f: {  	_ =	shalt  }
0x50: {  	_ =	shalt  }
0x51: {  	_ =	shalt  }
0x52: {  	_ =	shalt  }
0x53: {  	_ =	shalt  }
0x54: {  	_ =	shalt  }
0x55: {  	_ =	shalt  }
0x56: {  	_ =	shalt  }
0x57: {  	_ =	shalt  }
0x58: {  	_ =	shalt  }
0x59: {  	_ =	shalt  }
0x5a: {  	_ =	shalt  }
0x5b: {  	_ =	shalt  }
0x5c: {  	_ =	shalt  }
0x5d: {  	_ =	shalt  }
0x5e: {  	_ =	shalt  }
0x5f: {  	_ =	shalt  }
0x60: {  	_ =	shalt  }
0x61: {  	_ =	shalt  }
0x62: {  	_ =	shalt  }
0x63: {  	_ =	shalt  }
0x64: {  	_ =	shalt  }
0x65: {  	_ =	shalt  }
0x66: {  	_ =	shalt  }
0x67: {  	_ =	shalt  }
0x68: {  	_ =	shalt  }
0x69: {  	_ =	shalt  }
0x6a: {  	_ =	shalt  }
0x6b: {  	_ =	shalt  }
0x6c: {  	_ =	shalt  }
0x6d: {  	_ =	shalt  }
0x6e: {  	_ =	shalt  }
0x6f: {  	_ =	shalt  }
0x70: {  	_ =	shalt  }
0x71: {  	_ =	shalt  }
0x72: {  	_ =	shalt  }
0x73: {  	_ =	shalt  }
0x74: {  	_ =	shalt  }
0x75: {  	_ =	shalt  }
0x76: {  	_ =	shalt  }
0x77: {  	_ =	shalt  }
0x78: {  	_ =	shalt  }
0x79: {  	_ =	shalt  }
0x7a: {  	_ =	shalt  }
0x7b: {  	_ =	shalt  }
0x7c: {  	_ =	shalt  }
0x7d: {  	_ =	shalt  }
0x7e: {  	_ =	shalt  }
0x7f: {  	_ =	shalt  }
0x80: {  	_ =	shalt  }
0x81: {  	_ =	shalt  }
0x82: {  	_ =	shalt  }
0x83: {  	_ =	shalt  }
0x84: {  	_ =	shalt  }
0x85: {  	_ =	shalt  }
0x86: {  	_ =	shalt  }
0x87: {  	_ =	shalt  }
.Lfunc_end0:
.L_simem_size_0:
called_computation.6_lowered:
.L_overlay_start_0:
0x88: {  	s2 =	sld [smem:$0x3FD9]  }
0x89: {  	s3 =	sld [smem:$0x3FFE];
	_ =	sdelay $0x1  }
0x8a: {  	s1 =	srdreg.scid  }
0x8b: {  	s0 =	sand.u32 $0x1, s1  }
0x8c: {  	s16 =	sshll.u32 s0, $0xA;
	s2 =	sadd.s32 s3, s2  }
0x8d: {  	s2 =	sadd.s32 s2, s16  }
0x8e: {  	[smem:$0x3FBD] =	sst s2  }
0x8f: {  	_ = 	snop  }
0x90: {  	(tm) =	ssettm $0x1  }
0x91: {  	s17 =	sld [smem:$0x3FFB];
	_ =	sdelay $0x3  }
0x92: {  	_ =	strace s17  }
0x93: {  	s2 =	sld [smem:$0x3FFC];
	_ =	sdelay $0x3  }
0x94: {  	_ =	strace s2  }
0x95: {  	s2 =	sld [smem:$0x3FFD];
	_ =	sdelay $0x3  }
0x96: {  	_ =	strace s2  }
0x97: {  	_ =	strace $0x8FFFFFFF  }
0x98: {  	s18 =	sld [smem:$0x3FDB];
	_ =	sdelay $0x1  }
0x99: {  	s19 =	simm.s32 $_scs_section_size  }
0x9a: {  	s4 =	simm.s32 $_size__tile_overlayer_lowered;
	s5 =	simm.s32 $_tile_overlayer_lowered  }
0x9b: {  	s22 =	simm.s32 $0x1BFF;
	s21 =	sshll.u32 s5, $0x1;
	s2 =	sadd.s32 s19, s18  }
0x9c: {  	s6 =	simm.s32 $0x0;
	s20 =	sshll.u32 s4, $0x1;
	s4 =	sadd.s32 s21, s2  }
0x9d: {  	[timem:s6], [sflag:s22] =	dma.local [hbm:s4], s20  }
0x9e: {  	_ =	swait.ge [sflag:s22], s20  }
0x9f: {  	s3 =	ssub.s32 $0x0, s20;
	[sflag:s22] =	ssyncset.done $0x0  }
0xa0: {  	[sflag:s22] =	ssyncadd.s32 s3;
	_ =	sdelay $0x1  }
0xa1: {  	s23 =	simm.s32 $0x1B8B  }
0xa2: {  	_ =	swait.ge [sflag:s23], $0x1  }
0xa3: {  	[sflag:s23] =	ssyncset.done $0x0  }
0xa4: {  	s25 =	simm.s32 $0x1B8E;
	s24 =	sld [smem:$0x3FFE];
	[sflag:s23] =	ssyncadd.s32 $0xFFFFFFFF  }
0xa5: {  	s26 =	simm.s32 $execute0_lowered;
	[smem:$0x3FD2] =	sst s25  }
0xa6: {  	s4 =	sshll.u32 s26, $0x1;
	_ =	strace $0x8000004F;
	[dreg:$0x1] =	wrdreg $0xFFFFFFFF  }
0xa7: {  	s28 =	simm.s32 $_size_execute0_lowered;
	s2 =	sadd.s32 s2, s4;
	[dreg:$0x0] =	wrdreg $0x0  }
0xa8: {  	s4 =	sshll.u32 s28, $0x1;
	[dreg:$0x2] =	wrdreg s2  }
0xa9: {  	[dreg:$0x3] =	wrdreg s4  }
0xaa: {  	[dreg:$0x4] =	wrdreg $0xC0  }
0xab: {  	_ =	task [dreg:s6], $0x5FFFF  }
0xac: {  	[dreg:$0x1] =	wrdreg $0xFFFFFFFF  }
0xad: {  	[dreg:$0x0] =	wrdreg $0x60  }
0xae: {  	[dreg:$0x2] =	wrdreg s24  }
0xaf: {  	[dreg:$0x3] =	wrdreg $0xA  }
0xb0: {  	_ =	task.clear_ibuf [dreg:s6], $0x4FFFF;
	_ =	strace $0x9000004F  }
0xb1: {  	s29 =	simm.s32 $0xA;
	_ =	strace $0x80000051  }
0xb2: {  	_ =	swait.ge [sflag:s29], $0x1  }
0xb3: {  	[sflag:s29] =	ssyncadd.s32 $0xFFFFFFFF  }
0xb4: {  	_ =	strace $0x90000051  }
0xb5: {  	_ =	sfence  }
0xb6: {  	s30 =	sld [smem:$0x0];
	_ =	sdelay $0x2  }
0xb7: {  	s31 =	sshll.u32 s1, $0xD;
	s1 =	sshrl.u32 s1, $0x2  }
0xb8: {  	s3 =	sand.u32 $0x4000, s31;
	s1 =	sadd.s32 s1, s30  }
0xb9: {  	s0 =	sor.u32 s3, s0;
	s1 =	sshll.u32 s1, $0x11  }
0xba: {  	s0 =	sor.u32 s1, s0  }
0xbb: {  	s0 =	sadd.s32 $0x8F2B, s0  }
0xbc: {  	[sflag:s0] =	ssyncadd.remote.s32 $0x1  }
0xbd: {  	_ =	sfence.sel $0xFFFF  }
0xbe: {  	[dreg:$0x0] =	wrdreg $0xFFFFFFFF;
	(pc) =	sbr.abs _section_cstart, $3  }
0xbf: {  	[dreg:$0x1] =	wrdreg $0xFFFFFFFF  }
0xc0: {  	_ =	task.clear_ibuf [dreg:s6], $0x2FFFF;
	_ =	strace $0x9FFFFFFF  }
0xc1: {  	(tm) =	ssettm $0x7FFFFFFF  }
tec
execute0_lowered:
.L_overlay_start_1:
0x0: {  	(tag) =	ssettag $0x1  }
0x1: {  	s4 =	rddreg [dreg:$0x0];
	s2 =	simm.s32 $0x0  }
0x2: {  	s10 =	simm.s32 $0x1200;
	[smem:$0x7FF] =	sst s2  }
0x3: {  	s11 =	simm.s32 $0x1A00;
	_ =	strace $0x80000050;
	[dreg:$0xa] =	wrdreg s10  }
0x4: {  	s12 =	simm.s32 $0x2200;
	[dreg:$0xb] =	wrdreg s11  }
0x5: {  	s13 =	simm.s32 $0x2A00;
	[dreg:$0xc] =	wrdreg s12  }
0x6: {  	s14 =	simm.s32 $0x3200;
	[dreg:$0xd] =	wrdreg s13  }
0x7: {  	s15 =	simm.s32 $0x3A00;
	[dreg:$0xe] =	wrdreg s14  }
0x8: {  	s16 =	simm.s32 $0x4200;
	[dreg:$0xf] =	wrdreg s15  }
0x9: {  	s17 =	simm.s32 $0x4A00;
	[dreg:$0x10] =	wrdreg s16  }
0xa: {  	s18 =	simm.s32 $0x5200;
	[dreg:$0x11] =	wrdreg s17  }
0xb: {  	s19 =	simm.s32 $0x5A00;
	[dreg:$0x12] =	wrdreg s18  }
0xc: {  	s20 =	simm.s32 $0x6200;
	[dreg:$0x13] =	wrdreg s19  }
0xd: {  	s21 =	simm.s32 $0x6A00;
	[dreg:$0x14] =	wrdreg s20  }
0xe: {  	s22 =	simm.s32 $0x7A00;
	[dreg:$0x15] =	wrdreg s21  }
0xf: {  	s23 =	simm.s32 $0x8200;
	[dreg:$0x16] =	wrdreg s22  }
0x10: {  	s24 =	simm.s32 $0x8A00;
	[dreg:$0x17] =	wrdreg s23  }
0x11: {  	s25 =	simm.s32 $0x9200;
	[dreg:$0x18] =	wrdreg s24  }
0x12: {  	s26 =	simm.s32 $0x9A00;
	[dreg:$0x19] =	wrdreg s25  }
0x13: {  	s28 =	simm.s32 $0xA200;
	[dreg:$0x1a] =	wrdreg s26  }
0x14: {  	[dreg:$0x1b] =	wrdreg s28;
	s10 =	simm.s32 $0xBA00  }
0x15: {  	s11 =	simm.s32 $0xC200;
	[dreg:$0x1e] =	wrdreg s10  }
0x16: {  	s0 =	stileid.u32;
	s13 =	simm.s32 $0xCA00;
	[dreg:$0x1f] =	wrdreg s11  }
0x17: {  	s1 =	srdreg.scid;
	s14 =	simm.s32 $0xD200;
	[smem:$0x7EA] =	sst s13  }
0x18: {  	s3 =	smul.u32 $0xC400, s0;
	s15 =	simm.s32 $0xDA00;
	[smem:$0x7EB] =	sst s14  }
0x19: {  	s5 =	sand.u32 $0x1, s1;
	s16 =	simm.s32 $0xEA00;
	[smem:$0x7EC] =	sst s15  }
0x1a: {  	s6 =	smul.u32 $0x62000, s0;
	s18 =	simm.s32 $0xF200;
	[smem:$0x7ED] =	sst s16  }
0x1b: {  	s8 =	sadd.s32 $0xF400, s4;
	s19 =	simm.s32 $0xFA00;
	[smem:$0x7EE] =	sst s18  }
0x1c: {  	s7 =	smul.u32 $0x31000, s5;
	s21 =	simm.s32 $0x10200;
	[smem:$0x7EF] =	sst s19  }
0x1d: {  	s9 =	smul.u32 $0x6200, s5;
	s22 =	simm.s32 $0x11200;
	[smem:$0x7F0] =	sst s21  }
0x1e: {  	s12 =	smul.u32 $0x310, s0;
	s24 =	simm.s32 $0x11A00;
	[smem:$0x7F2] =	sst s22  }
0x1f: {  	s25 =	simm.s32 $0x12A00;
	s26 =	simm.s32 $0x13200;
	[smem:$0x7F3] =	sst s24  }
0x20: {  	s28 =	simm.s32 $0x13A00;
	s3 =	sadd.s32 s3, s8;
	[smem:$0x7F5] =	sst s25  }
0x21: {  	s10 =	smul.u32 $0x188, s5;
	s11 =	simm.s32 $0x10A00;
	[smem:$0x7F6] =	sst s26  }
0x22: {  	[smem:$0x7F7] =	sst s28;
	s13 =	simm.s32 $0x15A00;
	s14 =	simm.s32 $0x16200  }
0x23: {  	s15 =	simm.s32 $0x16A00;
	s16 =	simm.s32 $0x18200;
	s18 =	simm.s32 $0x19200  }
0x24: {  	s19 =	simm.s32 $0x19A00;
	s21 =	simm.s32 $0x1AA00;
	s22 =	simm.s32 $0x1B200  }
0x25: {  	s24 =	simm.s32 $0x1;
	s25 =	simm.s32 $0x0;
	[smem:$0x7F1] =	sst s11  }
0x26: {  	s6 =	sadd.s32 s7, s6;
	s3 =	sadd.s32 s9, s3;
	[smem:$0x7FA] =	sst s13  }
0x27: {  	s9 =	simm.s32 $0xA00;
	s13 =	simm.s32 $0xE200;
	[smem:$0x7FB] =	sst s14  }
0x28: {  	s14 =	simm.s32 $0x15200;
	[smem:$0x7FC] =	sst s15;
	s15 =	simm.s32 $0x17A00  }
0x29: {  	s7 =	sadd.s32 $0x620000, s6;
	[dreg:$0x2] =	wrdreg s3;
	s30 =	sadd.s32 $0xC40000, s6  }
0x2a: {  	s6 =	sadd.s32 $0x1260000, s6;
	[dreg:$0x9] =	wrdreg s9;
	s9 =	sadd.s32 $0xDA00, s4  }
0x2b: {  	s10 =	sadd.s32 s10, s12;
	s12 =	simm.s32 $0x12200;
	s29 =	sshrl.u32 s7, $0x3  }
0x2c: {  	s7 =	sshrl.u32 s30, $0x3;
	s6 =	sshrl.u32 s6, $0x3;
	s30 =	simm.s32 $0xAA00  }
0x2d: {  	s17 =	sshrl.u32 s10, $0x3;
	s20 =	sadd.s32 $0x9300, s10;
	[smem:$0x7F4] =	sst s12  }
0x2e: {  	s23 =	sadd.s32 $0x6200, s10;
	s3 =	sadd.s32 s29, s8;
	[dreg:$0x1c] =	wrdreg s30  }
0x2f: {  	s10 =	sadd.s32 $0x3100, s10;
	s31 =	sadd.s32 s7, s8;
	[dreg:$0x3] =	wrdreg s3  }
0x30: {  	s12 =	simm.s32 $0x7200;
	s1 =	sadd.s32 s6, s8;
	[dreg:$0x4] =	wrdreg s31  }
0x31: {  	s6 =	simm.s32 $0x80;
	s7 =	simm.s32 $0x100;
	[dreg:$0x5] =	wrdreg s1  }
0x32: {  	s8 =	simm.s32 $0x180;
	s29 =	ssub.s32 $0x2, s5;
	[dreg:$0x6] =	wrdreg s6  }
0x33: {  	s11 =	sshrl.u32 s23, $0x3;
	s10 =	sshrl.u32 s10, $0x3;
	[dreg:$0x7] =	wrdreg s7  }
0x34: {  	s30 =	simm.s32 $0x14A00;
	s23 =	simm.s32 $0x1BA00;
	[dreg:$0x8] =	wrdreg s8  }
0x35: {  	s3 =	sadd.s32 $0x4000, s4;
	s31 =	sshrl.u32 s29, $0x1;
	s1 =	simm.s32 $0xB200  }
0x36: {  	s4 =	sadd.s32 $0x4100, s4;
	s6 =	sadd.s32 s17, s9;
	s8 =	sshrl.u32 s20, $0x3  }
0x37: {  	[smem:$0x7F9] =	sst s30;
	s17 =	simm.s32 $0x18A00;
	s20 =	simm.s32 $0x1A200  }
0x38: {  	s7 =	ssub.s32 s29, s31;
	[dreg:$0x1d] =	wrdreg s1;
	s29 =	simm.s32 $0x14200  }
0x39: {  	v2 =	vlaneseq.u32;
	s31 =	simm.s32 $0x17200;
	s5 =	smax.u32 s7, $0x1;
	s7 =	sadd.s32 s8, s9  }
0x3a: {  	vm0 =	vmmov $0xffff;
	v1 =	vshrl.u32 v2, $0x3;
	s8 =	sadd.s32 s11, s9;
	s9 =	sadd.s32 s10, s9;
	[smem:$0x7F8] =	sst s29  }
0x3b: {  	v0 =	vand.u32 $0x7, v2;
	v2 =	vor.u32 $0x8, v2;
	v1 =	vmul.u32 $0x8, v1;
	s10 =	simm.s32 $0x2;
	s11 =	simm.s32 $0x200;
	[smem:$0x7FD] =	sst s31  }
.LBB2_1:
0x3c: {  	s26 =	smov.u32 s9;
	s28 =	smov.u32 s8  }
0x3d: {  	s29 =	smov.u32 s7;
	s30 =	smov.u32 s6;
	s31 =	simm.s32 $0x0  }
.LBB2_2:
0x3e: {  	[tilespmem:s2], [sflag:$0x2] =	stream.linear.gather [hbm4b:s30+s2], $0x38, $0x38;
	[tilespmem:$0x1C200] =	vst v63  }
0x3f: {  	_ =	swait.ge [sflag:s10], $0x38  }
0x40: {  	[sflag:s10] =	ssyncset.done $0x0  }
0x41: {  	s1 =	rddreg [dreg:$0x6];
	[sflag:s10] =	ssyncadd.s32 $0xFFFFFFC8  }
0x42: {  	[tilespmem:s1], [sflag:$0x2] =	stream.linear.gather [hbm4b:s26+s2], $0x38, $0x38;
	[tilespmem:$0x1C200] =	vst v63  }
0x43: {  	_ =	swait.ge [sflag:s10], $0x38  }
0x44: {  	[sflag:s10] =	ssyncset.done $0x0  }
0x45: {  	s0 =	rddreg [dreg:$0x7];
	[sflag:s10] =	ssyncadd.s32 $0xFFFFFFC8  }
0x46: {  	[tilespmem:s0], [sflag:$0x2] =	stream.linear.gather [hbm4b:s28+s2], $0x38, $0x38;
	[tilespmem:$0x1C200] =	vst v63  }
0x47: {  	_ =	swait.ge [sflag:s10], $0x38  }
0x48: {  	[sflag:s10] =	ssyncset.done $0x0  }
0x49: {  	s0 =	rddreg [dreg:$0x8];
	[sflag:s10] =	ssyncadd.s32 $0xFFFFFFC8  }
0x4a: {  	[tilespmem:s0], [sflag:$0x2] =	stream.linear.gather [hbm4b:s29+s2], $0x38, $0x38;
	[tilespmem:$0x1C200] =	vst v63  }
0x4b: {  	_ =	swait.ge [sflag:s10], $0x38  }
0x4c: {  	[sflag:s10] =	ssyncset.done $0x0  }
0x4d: {  	[sflag:s10] =	ssyncadd.s32 $0xFFFFFFC8  }
0x4e: {  	v3 =	vld [tilespmem:$0x0];
	_ =	sdelay $0x4  }
0x4f: {  	v4 =	vshll.u32 v3, $0x2  }
0x50: {  	v3 =	vand.u32 $0x7, v3;
	v4 =	vand.u32 $0xFFFFFFE0, v4  }
0x51: {  	v3 =	vor.u32 v3, v4  }
0x52: {  	v4 =	vperm.xlane v3, v0;
	_ =	sdelay $0x1  }
0x53: {  	v4 =	vadd.s32 v1, v4;
	_ =	sdelay $0x1  }
0x54: {  	v3 =	vperm.xlane v3, v2;
	_ =	sdelay $0x1  }
0x55: {  	v3 =	vadd.s32 v1, v3  }
0x56: {  	[tilespmem:s11], [sflag:$0x1] =	stream.indirect_vreg.gather [hbm4b:s3+s2], $0x80, v4, vm0, $0xb8;
	[tilespmem:$0x1C200] =	vst v63  }
0x57: {  	s1 =	rddreg [dreg:$0x9]  }
0x58: {  	[tilespmem:s1], [sflag:$0x1] =	stream.indirect_vreg.gather [hbm4b:s4+s2], $0x80, v4, vm0, $0xb8;
	[tilespmem:$0x1C200] =	vst v63  }
0x59: {  	s0 =	rddreg [dreg:$0xa]  }
0x5a: {  	[tilespmem:s0], [sflag:$0x1] =	stream.indirect_vreg.gather [hbm4b:s3+s2], $0x80, v3, vm0, $0xb8;
	[tilespmem:$0x1C200] =	vst v63  }
0x5b: {  	s1 =	rddreg [dreg:$0xb]  }
0x5c: {  	[tilespmem:s1], [sflag:$0x1] =	stream.indirect_vreg.gather [hbm4b:s4+s2], $0x80, v3, vm0, $0xb8;
	[tilespmem:$0x1C200] =	vst v63  }
0x5d: {  	v3 =	vld [tilespmem:$0x10];
	_ =	sdelay $0x4  }
0x5e: {  	v49 =	vshll.u32 v3, $0x2  }
0x5f: {  	v3 =	vand.u32 $0x7, v3;
	v4 =	vand.u32 $0xFFFFFFE0, v49  }
0x60: {  	v3 =	vor.u32 v3, v4  }
0x61: {  	v4 =	vperm.xlane v3, v0;
	_ =	sdelay $0x1  }
0x62: {  	v4 =	vadd.s32 v1, v4;
	_ =	sdelay $0x1  }
0x63: {  	v3 =	vperm.xlane v3, v2;
	_ =	sdelay $0x1  }
0x64: {  	s0 =	rddreg [dreg:$0xc];
	v3 =	vadd.s32 v1, v3  }
0x65: {  	[tilespmem:s0], [sflag:$0x1] =	stream.indirect_vreg.gather [hbm4b:s3+s2], $0x80, v4, vm0, $0xb8;
	[tilespmem:$0x1C200] =	vst v63  }
0x66: {  	s1 =	rddreg [dreg:$0xd]  }
0x67: {  	[tilespmem:s1], [sflag:$0x1] =	stream.indirect_vreg.gather [hbm4b:s4+s2], $0x80, v4, vm0, $0xb8;
	[tilespmem:$0x1C200] =	vst v63  }
0x68: {  	s0 =	rddreg [dreg:$0xe]  }
0x69: {  	[tilespmem:s0], [sflag:$0x1] =	stream.indirect_vreg.gather [hbm4b:s3+s2], $0x80, v3, vm0, $0xb8;
	[tilespmem:$0x1C200] =	vst v63  }
0x6a: {  	s1 =	rddreg [dreg:$0xf]  }
0x6b: {  	[tilespmem:s1], [sflag:$0x1] =	stream.indirect_vreg.gather [hbm4b:s4+s2], $0x80, v3, vm0, $0xb8;
	[tilespmem:$0x1C200] =	vst v63  }
0x6c: {  	v3 =	vld [tilespmem:$0x20];
	_ =	sdelay $0x4  }
0x6d: {  	v50 =	vshll.u32 v3, $0x2  }
0x6e: {  	v3 =	vand.u32 $0x7, v3;
	v4 =	vand.u32 $0xFFFFFFE0, v50  }
0x6f: {  	v3 =	vor.u32 v3, v4  }
0x70: {  	v4 =	vperm.xlane v3, v0;
	_ =	sdelay $0x1  }
0x71: {  	v4 =	vadd.s32 v1, v4;
	_ =	sdelay $0x1  }
0x72: {  	v3 =	vperm.xlane v3, v2;
	_ =	sdelay $0x1  }
0x73: {  	s0 =	rddreg [dreg:$0x10];
	v3 =	vadd.s32 v1, v3  }
0x74: {  	[tilespmem:s0], [sflag:$0x1] =	stream.indirect_vreg.gather [hbm4b:s3+s2], $0x80, v4, vm0, $0xb8;
	[tilespmem:$0x1C200] =	vst v63  }
0x75: {  	s1 =	rddreg [dreg:$0x11]  }
0x76: {  	[tilespmem:s1], [sflag:$0x1] =	stream.indirect_vreg.gather [hbm4b:s4+s2], $0x80, v4, vm0, $0xb8;
	[tilespmem:$0x1C200] =	vst v63  }
0x77: {  	s0 =	rddreg [dreg:$0x12]  }
0x78: {  	[tilespmem:s0], [sflag:$0x1] =	stream.indirect_vreg.gather [hbm4b:s3+s2], $0x80, v3, vm0, $0xb8;
	[tilespmem:$0x1C200] =	vst v63  }
0x79: {  	s1 =	rddreg [dreg:$0x13]  }
0x7a: {  	[tilespmem:s1], [sflag:$0x1] =	stream.indirect_vreg.gather [hbm4b:s4+s2], $0x80, v3, vm0, $0xb8;
	[tilespmem:$0x1C200] =	vst v63  }
0x7b: {  	v3 =	vld.msk [tilespmem:$0x30], $0xff;
	_ =	sdelay $0x4  }
0x7c: {  	v51 =	vshll.u32 v3, $0x2  }
0x7d: {  	v3 =	vand.u32 $0x7, v3;
	v4 =	vand.u32 $0xFFFFFFE0, v51  }
0x7e: {  	v3 =	vor.u32 v3, v4  }
0x7f: {  	v3 =	vperm.xlane v3, v0;
	_ =	sdelay $0x1  }
0x80: {  	v3 =	vadd.s32 v1, v3;
	_ =	sdelay $0x3  }
0x81: {  	s0 =	rddreg [dreg:$0x14]  }
0x82: {  	[tilespmem:s0], [sflag:$0x1] =	stream.indirect_vreg.gather [hbm4b:s3+s2], $0x80, v3, vm0, $0xb8;
	[tilespmem:$0x1C200] =	vst v63  }
0x83: {  	s1 =	rddreg [dreg:$0x15]  }
0x84: {  	[tilespmem:s1], [sflag:$0x1] =	stream.indirect_vreg.gather [hbm4b:s4+s2], $0x80, v3, vm0, $0xb8;
	[tilespmem:$0x1C200] =	vst v63  }
0x85: {  	v3 =	vld [tilespmem:$0x80];
	_ =	sdelay $0x4  }
0x86: {  	v52 =	vshll.u32 v3, $0x2  }
0x87: {  	v3 =	vand.u32 $0x7, v3;
	v4 =	vand.u32 $0xFFFFFFE0, v52  }
0x88: {  	v3 =	vor.u32 v3, v4  }
0x89: {  	v4 =	vperm.xlane v3, v0;
	_ =	sdelay $0x1  }
0x8a: {  	v4 =	vadd.s32 v1, v4;
	_ =	sdelay $0x1  }
0x8b: {  	v3 =	vperm.xlane v3, v2;
	_ =	sdelay $0x1  }
0x8c: {  	v3 =	vadd.s32 v1, v3  }
0x8d: {  	[tilespmem:s12], [sflag:$0x1] =	stream.indirect_vreg.gather [hbm4b:s3+s2], $0x80, v4, vm0, $0xb8;
	[tilespmem:$0x1C200] =	vst v63  }
0x8e: {  	s0 =	rddreg [dreg:$0x16]  }
0x8f: {  	[tilespmem:s0], [sflag:$0x1] =	stream.indirect_vreg.gather [hbm4b:s4+s2], $0x80, v4, vm0, $0xb8;
	[tilespmem:$0x1C200] =	vst v63  }
0x90: {  	s1 =	rddreg [dreg:$0x17]  }
0x91: {  	[tilespmem:s1], [sflag:$0x1] =	stream.indirect_vreg.gather [hbm4b:s3+s2], $0x80, v3, vm0, $0xb8;
	[tilespmem:$0x1C200] =	vst v63  }
0x92: {  	s0 =	rddreg [dreg:$0x18]  }
0x93: {  	[tilespmem:s0], [sflag:$0x1] =	stream.indirect_vreg.gather [hbm4b:s4+s2], $0x80, v3, vm0, $0xb8;
	[tilespmem:$0x1C200] =	vst v63  }
0x94: {  	v3 =	vld [tilespmem:$0x90];
	_ =	sdelay $0x4  }
0x95: {  	v53 =	vshll.u32 v3, $0x2  }
0x96: {  	v3 =	vand.u32 $0x7, v3;
	v4 =	vand.u32 $0xFFFFFFE0, v53  }
0x97: {  	v3 =	vor.u32 v3, v4  }
0x98: {  	v4 =	vperm.xlane v3, v0;
	_ =	sdelay $0x1  }
0x99: {  	v4 =	vadd.s32 v1, v4;
	_ =	sdelay $0x1  }
0x9a: {  	v3 =	vperm.xlane v3, v2;
	_ =	sdelay $0x1  }
0x9b: {  	s0 =	rddreg [dreg:$0x19];
	v3 =	vadd.s32 v1, v3  }
0x9c: {  	[tilespmem:s0], [sflag:$0x1] =	stream.indirect_vreg.gather [hbm4b:s3+s2], $0x80, v4, vm0, $0xb8;
	[tilespmem:$0x1C200] =	vst v63  }
0x9d: {  	s1 =	rddreg [dreg:$0x1a]  }
0x9e: {  	[tilespmem:s1], [sflag:$0x1] =	stream.indirect_vreg.gather [hbm4b:s4+s2], $0x80, v4, vm0, $0xb8;
	[tilespmem:$0x1C200] =	vst v63  }
0x9f: {  	s0 =	rddreg [dreg:$0x1b]  }
0xa0: {  	[tilespmem:s0], [sflag:$0x1] =	stream.indirect_vreg.gather [hbm4b:s3+s2], $0x80, v3, vm0, $0xb8;
	[tilespmem:$0x1C200] =	vst v63  }
0xa1: {  	s1 =	rddreg [dreg:$0x1c]  }
0xa2: {  	[tilespmem:s1], [sflag:$0x1] =	stream.indirect_vreg.gather [hbm4b:s4+s2], $0x80, v3, vm0, $0xb8;
	[tilespmem:$0x1C200] =	vst v63  }
0xa3: {  	v3 =	vld [tilespmem:$0xA0];
	_ =	sdelay $0x4  }
0xa4: {  	v54 =	vshll.u32 v3, $0x2  }
0xa5: {  	v3 =	vand.u32 $0x7, v3;
	v4 =	vand.u32 $0xFFFFFFE0, v54  }
0xa6: {  	v3 =	vor.u32 v3, v4  }
0xa7: {  	v4 =	vperm.xlane v3, v0;
	_ =	sdelay $0x1  }
0xa8: {  	v4 =	vadd.s32 v1, v4;
	_ =	sdelay $0x1  }
0xa9: {  	v3 =	vperm.xlane v3, v2  }
0xaa: {  	s0 =	rddreg [dreg:$0x1d]  }
0xab: {  	s1 =	rddreg [dreg:$0x1e];
	v3 =	vadd.s32 v1, v3  }
0xac: {  	[tilespmem:s0], [sflag:$0x1] =	stream.indirect_vreg.gather [hbm4b:s3+s2], $0x80, v4, vm0, $0xb8;
	[tilespmem:$0x1C200] =	vst v63  }
0xad: {  	s0 =	rddreg [dreg:$0x1f]  }
0xae: {  	[tilespmem:s1], [sflag:$0x1] =	stream.indirect_vreg.gather [hbm4b:s4+s2], $0x80, v4, vm0, $0xb8;
	[tilespmem:$0x1C200] =	vst v63  }
0xaf: {  	s1 =	sld [smem:$0x7EA]  }
0xb0: {  	[tilespmem:s0], [sflag:$0x1] =	stream.indirect_vreg.gather [hbm4b:s3+s2], $0x80, v3, vm0, $0xb8;
	[tilespmem:$0x1C200] =	vst v63  }
0xb1: {  	_ = 	snop  }
0xb2: {  	[tilespmem:s1], [sflag:$0x1] =	stream.indirect_vreg.gather [hbm4b:s4+s2], $0x80, v3, vm0, $0xb8;
	[tilespmem:$0x1C200] =	vst v63  }
0xb3: {  	v3 =	vld.msk [tilespmem:$0xB0], $0xff;
	_ =	sdelay $0x4  }
0xb4: {  	v55 =	vshll.u32 v3, $0x2  }
0xb5: {  	v3 =	vand.u32 $0x7, v3;
	v4 =	vand.u32 $0xFFFFFFE0, v55  }
0xb6: {  	v3 =	vor.u32 v3, v4  }
0xb7: {  	v3 =	vperm.xlane v3, v0;
	_ =	sdelay $0x1  }
0xb8: {  	v3 =	vadd.s32 v1, v3;
	_ =	sdelay $0x1  }
0xb9: {  	s0 =	sld [smem:$0x7EB];
	_ =	sdelay $0x1  }
0xba: {  	s1 =	sld [smem:$0x7EC]  }
0xbb: {  	[tilespmem:s0], [sflag:$0x1] =	stream.indirect_vreg.gather [hbm4b:s3+s2], $0x80, v3, vm0, $0xb8;
	[tilespmem:$0x1C200] =	vst v63  }
0xbc: {  	_ = 	snop  }
0xbd: {  	[tilespmem:s1], [sflag:$0x1] =	stream.indirect_vreg.gather [hbm4b:s4+s2], $0x80, v3, vm0, $0xb8;
	[tilespmem:$0x1C200] =	vst v63  }
0xbe: {  	v3 =	vld [tilespmem:$0x100];
	_ =	sdelay $0x4  }
0xbf: {  	v56 =	vshll.u32 v3, $0x2  }
0xc0: {  	v3 =	vand.u32 $0x7, v3;
	v4 =	vand.u32 $0xFFFFFFE0, v56  }
0xc1: {  	v3 =	vor.u32 v3, v4  }
0xc2: {  	v4 =	vperm.xlane v3, v0;
	_ =	sdelay $0x1  }
0xc3: {  	v4 =	vadd.s32 v1, v4;
	_ =	sdelay $0x1  }
0xc4: {  	v3 =	vperm.xlane v3, v2;
	_ =	sdelay $0x1  }
0xc5: {  	s0 =	sld [smem:$0x7ED];
	v3 =	vadd.s32 v1, v3  }
0xc6: {  	[tilespmem:s13], [sflag:$0x1] =	stream.indirect_vreg.gather [hbm4b:s3+s2], $0x80, v4, vm0, $0xb8;
	[tilespmem:$0x1C200] =	vst v63  }
0xc7: {  	s1 =	sld [smem:$0x7EE]  }
0xc8: {  	[tilespmem:s0], [sflag:$0x1] =	stream.indirect_vreg.gather [hbm4b:s4+s2], $0x80, v4, vm0, $0xb8;
	[tilespmem:$0x1C200] =	vst v63  }
0xc9: {  	s0 =	sld [smem:$0x7EF]  }
0xca: {  	[tilespmem:s1], [sflag:$0x1] =	stream.indirect_vreg.gather [hbm4b:s3+s2], $0x80, v3, vm0, $0xb8;
	[tilespmem:$0x1C200] =	vst v63  }
0xcb: {  	_ = 	snop  }
0xcc: {  	[tilespmem:s0], [sflag:$0x1] =	stream.indirect_vreg.gather [hbm4b:s4+s2], $0x80, v3, vm0, $0xb8;
	[tilespmem:$0x1C200] =	vst v63  }
0xcd: {  	v3 =	vld [tilespmem:$0x110];
	_ =	sdelay $0x4  }
0xce: {  	v57 =	vshll.u32 v3, $0x2  }
0xcf: {  	v3 =	vand.u32 $0x7, v3;
	v4 =	vand.u32 $0xFFFFFFE0, v57  }
0xd0: {  	v3 =	vor.u32 v3, v4  }
0xd1: {  	v4 =	vperm.xlane v3, v0;
	_ =	sdelay $0x1  }
0xd2: {  	v4 =	vadd.s32 v1, v4;
	_ =	sdelay $0x1  }
0xd3: {  	s0 =	sld [smem:$0x7F0];
	v3 =	vperm.xlane v3, v2;
	_ =	sdelay $0x1  }
0xd4: {  	s1 =	sld [smem:$0x7F1];
	v3 =	vadd.s32 v1, v3  }
0xd5: {  	[tilespmem:s0], [sflag:$0x1] =	stream.indirect_vreg.gather [hbm4b:s3+s2], $0x80, v4, vm0, $0xb8;
	[tilespmem:$0x1C200] =	vst v63  }
0xd6: {  	s0 =	sld [smem:$0x7F2]  }
0xd7: {  	[tilespmem:s1], [sflag:$0x1] =	stream.indirect_vreg.gather [hbm4b:s4+s2], $0x80, v4, vm0, $0xb8;
	[tilespmem:$0x1C200] =	vst v63  }
0xd8: {  	s1 =	sld [smem:$0x7F3]  }
0xd9: {  	[tilespmem:s0], [sflag:$0x1] =	stream.indirect_vreg.gather [hbm4b:s3+s2], $0x80, v3, vm0, $0xb8;
	[tilespmem:$0x1C200] =	vst v63  }
0xda: {  	_ = 	snop  }
0xdb: {  	[tilespmem:s1], [sflag:$0x1] =	stream.indirect_vreg.gather [hbm4b:s4+s2], $0x80, v3, vm0, $0xb8;
	[tilespmem:$0x1C200] =	vst v63  }
0xdc: {  	v3 =	vld [tilespmem:$0x120];
	_ =	sdelay $0x4  }
0xdd: {  	v58 =	vshll.u32 v3, $0x2  }
0xde: {  	v3 =	vand.u32 $0x7, v3;
	v4 =	vand.u32 $0xFFFFFFE0, v58  }
0xdf: {  	v3 =	vor.u32 v3, v4  }
0xe0: {  	v4 =	vperm.xlane v3, v0;
	_ =	sdelay $0x1  }
0xe1: {  	v4 =	vadd.s32 v1, v4;
	_ =	sdelay $0x1  }
0xe2: {  	s0 =	sld [smem:$0x7F4];
	v3 =	vperm.xlane v3, v2;
	_ =	sdelay $0x1  }
0xe3: {  	s1 =	sld [smem:$0x7F5];
	v3 =	vadd.s32 v1, v3  }
0xe4: {  	[tilespmem:s0], [sflag:$0x1] =	stream.indirect_vreg.gather [hbm4b:s3+s2], $0x80, v4, vm0, $0xb8;
	[tilespmem:$0x1C200] =	vst v63  }
0xe5: {  	s0 =	sld [smem:$0x7F6]  }
0xe6: {  	[tilespmem:s1], [sflag:$0x1] =	stream.indirect_vreg.gather [hbm4b:s4+s2], $0x80, v4, vm0, $0xb8;
	[tilespmem:$0x1C200] =	vst v63  }
0xe7: {  	s1 =	sld [smem:$0x7F7]  }
0xe8: {  	[tilespmem:s0], [sflag:$0x1] =	stream.indirect_vreg.gather [hbm4b:s3+s2], $0x80, v3, vm0, $0xb8;
	[tilespmem:$0x1C200] =	vst v63  }
0xe9: {  	_ = 	snop  }
0xea: {  	[tilespmem:s1], [sflag:$0x1] =	stream.indirect_vreg.gather [hbm4b:s4+s2], $0x80, v3, vm0, $0xb8;
	[tilespmem:$0x1C200] =	vst v63  }
0xeb: {  	v3 =	vld.msk [tilespmem:$0x130], $0xff;
	_ =	sdelay $0x4  }
0xec: {  	v59 =	vshll.u32 v3, $0x2  }
0xed: {  	v3 =	vand.u32 $0x7, v3;
	v4 =	vand.u32 $0xFFFFFFE0, v59  }
0xee: {  	v3 =	vor.u32 v3, v4  }
0xef: {  	v3 =	vperm.xlane v3, v0;
	_ =	sdelay $0x1  }
0xf0: {  	v3 =	vadd.s32 v1, v3;
	_ =	sdelay $0x1  }
0xf1: {  	s0 =	sld [smem:$0x7F8];
	_ =	sdelay $0x1  }
0xf2: {  	s1 =	sld [smem:$0x7F9]  }
0xf3: {  	[tilespmem:s0], [sflag:$0x1] =	stream.indirect_vreg.gather [hbm4b:s3+s2], $0x80, v3, vm0, $0xb8;
	[tilespmem:$0x1C200] =	vst v63  }
0xf4: {  	_ = 	snop  }
0xf5: {  	[tilespmem:s1], [sflag:$0x1] =	stream.indirect_vreg.gather [hbm4b:s4+s2], $0x80, v3, vm0, $0xb8;
	[tilespmem:$0x1C200] =	vst v63  }
0xf6: {  	v3 =	vld [tilespmem:$0x180];
	_ =	sdelay $0x4  }
0xf7: {  	v60 =	vshll.u32 v3, $0x2  }
0xf8: {  	v3 =	vand.u32 $0x7, v3;
	v4 =	vand.u32 $0xFFFFFFE0, v60  }
0xf9: {  	v3 =	vor.u32 v3, v4  }
0xfa: {  	v4 =	vperm.xlane v3, v0;
	_ =	sdelay $0x1  }
0xfb: {  	v4 =	vadd.s32 v1, v4;
	_ =	sdelay $0x1  }
0xfc: {  	v3 =	vperm.xlane v3, v2;
	_ =	sdelay $0x1  }
0xfd: {  	s0 =	sld [smem:$0x7FA];
	v3 =	vadd.s32 v1, v3  }
0xfe: {  	[tilespmem:s14], [sflag:$0x1] =	stream.indirect_vreg.gather [hbm4b:s3+s2], $0x80, v4, vm0, $0xb8;
	[tilespmem:$0x1C200] =	vst v63  }
0xff: {  	s1 =	sld [smem:$0x7FB]  }
0x100: {  	[tilespmem:s0], [sflag:$0x1] =	stream.indirect_vreg.gather [hbm4b:s4+s2], $0x80, v4, vm0, $0xb8;
	[tilespmem:$0x1C200] =	vst v63  }
0x101: {  	s0 =	sld [smem:$0x7FC]  }
0x102: {  	[tilespmem:s1], [sflag:$0x1] =	stream.indirect_vreg.gather [hbm4b:s3+s2], $0x80, v3, vm0, $0xb8;
	[tilespmem:$0x1C200] =	vst v63  }
0x103: {  	_ = 	snop  }
0x104: {  	[tilespmem:s0], [sflag:$0x1] =	stream.indirect_vreg.gather [hbm4b:s4+s2], $0x80, v3, vm0, $0xb8;
	[tilespmem:$0x1C200] =	vst v63  }
0x105: {  	v3 =	vld [tilespmem:$0x190];
	_ =	sdelay $0x4  }
0x106: {  	v61 =	vshll.u32 v3, $0x2  }
0x107: {  	v3 =	vand.u32 $0x7, v3;
	v4 =	vand.u32 $0xFFFFFFE0, v61  }
0x108: {  	v3 =	vor.u32 v3, v4  }
0x109: {  	v4 =	vperm.xlane v3, v0;
	_ =	sdelay $0x1  }
0x10a: {  	v4 =	vadd.s32 v1, v4;
	_ =	sdelay $0x1  }
0x10b: {  	s1 =	sld [smem:$0x7FD];
	v3 =	vperm.xlane v3, v2;
	_ =	sdelay $0x1  }
0x10c: {  	v3 =	vadd.s32 v1, v3  }
0x10d: {  	[tilespmem:s1], [sflag:$0x1] =	stream.indirect_vreg.gather [hbm4b:s3+s2], $0x80, v4, vm0, $0xb8;
	[tilespmem:$0x1C200] =	vst v63  }
0x10e: {  	_ = 	snop  }
0x10f: {  	[tilespmem:s15], [sflag:$0x1] =	stream.indirect_vreg.gather [hbm4b:s4+s2], $0x80, v4, vm0, $0xb8;
	[tilespmem:$0x1C200] =	vst v63  }
0x110: {  	_ = 	snop  }
0x111: {  	[tilespmem:s16], [sflag:$0x1] =	stream.indirect_vreg.gather [hbm4b:s3+s2], $0x80, v3, vm0, $0xb8;
	[tilespmem:$0x1C200] =	vst v63  }
0x112: {  	_ = 	snop  }
0x113: {  	[tilespmem:s17], [sflag:$0x1] =	stream.indirect_vreg.gather [hbm4b:s4+s2], $0x80, v3, vm0, $0xb8;
	[tilespmem:$0x1C200] =	vst v63  }
0x114: {  	v3 =	vld [tilespmem:$0x1A0];
	_ =	sdelay $0x4  }
0x115: {  	v62 =	vshll.u32 v3, $0x2  }
0x116: {  	v3 =	vand.u32 $0x7, v3;
	v4 =	vand.u32 $0xFFFFFFE0, v62  }
0x117: {  	v3 =	vor.u32 v3, v4  }
0x118: {  	v4 =	vperm.xlane v3, v0;
	_ =	sdelay $0x1  }
0x119: {  	v4 =	vadd.s32 v1, v4;
	_ =	sdelay $0x1  }
0x11a: {  	v3 =	vperm.xlane v3, v2;
	_ =	sdelay $0x1  }
0x11b: {  	v3 =	vadd.s32 v1, v3  }
0x11c: {  	[tilespmem:s18], [sflag:$0x1] =	stream.indirect_vreg.gather [hbm4b:s3+s2], $0x80, v4, vm0, $0xb8;
	[tilespmem:$0x1C200] =	vst v63  }
0x11d: {  	_ = 	snop  }
0x11e: {  	[tilespmem:s19], [sflag:$0x1] =	stream.indirect_vreg.gather [hbm4b:s4+s2], $0x80, v4, vm0, $0xb8;
	[tilespmem:$0x1C200] =	vst v63  }
0x11f: {  	_ = 	snop  }
0x120: {  	[tilespmem:s20], [sflag:$0x1] =	stream.indirect_vreg.gather [hbm4b:s3+s2], $0x80, v3, vm0, $0xb8;
	[tilespmem:$0x1C200] =	vst v63  }
0x121: {  	_ = 	snop  }
0x122: {  	[tilespmem:s21], [sflag:$0x1] =	stream.indirect_vreg.gather [hbm4b:s4+s2], $0x80, v3, vm0, $0xb8;
	[tilespmem:$0x1C200] =	vst v63  }
0x123: {  	v3 =	vld.msk [tilespmem:$0x1B0], $0xff;
	_ =	sdelay $0x4  }
0x124: {  	v63 =	vshll.u32 v3, $0x2  }
0x125: {  	v3 =	vand.u32 $0x7, v3;
	v4 =	vand.u32 $0xFFFFFFE0, v63  }
0x126: {  	v3 =	vor.u32 v3, v4  }
0x127: {  	v3 =	vperm.xlane v3, v0;
	_ =	sdelay $0x1  }
0x128: {  	v3 =	vadd.s32 v1, v3;
	_ =	sdelay $0x4  }
0x129: {  	[tilespmem:s22], [sflag:$0x1] =	stream.indirect_vreg.gather [hbm4b:s3+s2], $0x80, v3, vm0, $0xb8;
	[tilespmem:$0x1C200] =	vst v63  }
0x12a: {  	_ = 	snop  }
0x12b: {  	[tilespmem:s23], [sflag:$0x1] =	stream.indirect_vreg.gather [hbm4b:s4+s2], $0x80, v3, vm0, $0xb8;
	[tilespmem:$0x1C200] =	vst v63  }
0x12c: {  	_ =	swait.ge [sflag:s24], $0x7000  }
0x12d: {  	[sflag:s24] =	ssyncset.done $0x0  }
0x12e: {  	[sflag:s24] =	ssyncadd.s32 $0xFFFF9000  }
0x12f: {  	_ =	swait.ge [sflag:s24], $0x7000  }
0x130: {  	[sflag:s24] =	ssyncset.done $0x0  }
0x131: {  	[sflag:s24] =	ssyncadd.s32 $0xFFFF9000  }
0x132: {  	_ =	swait.ge [sflag:s24], $0x7000  }
0x133: {  	[sflag:s24] =	ssyncset.done $0x0  }
0x134: {  	[sflag:s24] =	ssyncadd.s32 $0xFFFF9000  }
0x135: {  	_ =	swait.ge [sflag:s24], $0x7000  }
0x136: {  	s1 =	rddreg [dreg:$0x2];
	[sflag:s24] =	ssyncset.done $0x0  }
0x137: {  	[sflag:s24] =	ssyncadd.s32 $0xFFFF9000;
	s0 =	sadd.s32 s31, s1  }
0x138: {  	[hbm4b:s0+s2] =	stream.linear.scatter [tilespmem:s11], [sflag:$0x2], $0x7000, $0x38;
	[tilespmem:$0x1C200] =	vst v63  }
0x139: {  	_ =	swait.ge [sflag:s10], $0x7000  }
0x13a: {  	s1 =	rddreg [dreg:$0x3];
	[sflag:s10] =	ssyncset.done $0x0  }
0x13b: {  	[sflag:s10] =	ssyncadd.s32 $0xFFFF9000;
	s0 =	sadd.s32 s31, s1  }
0x13c: {  	[hbm4b:s0+s2] =	stream.linear.scatter [tilespmem:s12], [sflag:$0x2], $0x7000, $0x38;
	[tilespmem:$0x1C200] =	vst v63  }
0x13d: {  	_ =	swait.ge [sflag:s10], $0x7000  }
0x13e: {  	s1 =	rddreg [dreg:$0x4];
	[sflag:s10] =	ssyncset.done $0x0  }
0x13f: {  	[sflag:s10] =	ssyncadd.s32 $0xFFFF9000;
	s0 =	sadd.s32 s31, s1  }
0x140: {  	[hbm4b:s0+s2] =	stream.linear.scatter [tilespmem:s13], [sflag:$0x2], $0x7000, $0x38;
	[tilespmem:$0x1C200] =	vst v63  }
0x141: {  	_ =	swait.ge [sflag:s10], $0x7000  }
0x142: {  	p0 =	sne.s32 s31, $0x5400;
	s1 =	rddreg [dreg:$0x5];
	[sflag:s10] =	ssyncset.done $0x0  }
.Ltmp0:
0x143: {  	[sflag:s10] =	ssyncadd.s32 $0xFFFF9000;
	s0 =	sadd.s32 s31, s1;
	(pc) =	sbr.rel @p0 .LBB2_2-.Ltmp0, $4  }
0x144: {  	[hbm4b:s0+s2] =	stream.linear.scatter [tilespmem:s14], [sflag:$0x2], $0x7000, $0x38;
	[tilespmem:$0x1C200] =	vst v63  }
0x145: {  	s30 =	sadd.s32 $0x7, s30;
	_ =	swait.ge [sflag:s10], $0x7000  }
0x146: {  	s26 =	sadd.s32 $0x7, s26;
	s28 =	sadd.s32 $0x7, s28;
	[sflag:s10] =	ssyncset.done $0x0  }
0x147: {  	s29 =	sadd.s32 $0x7, s29;
	s31 =	sadd.s32 $0xE00, s31;
	[sflag:s10] =	ssyncadd.s32 $0xFFFF9000  }
0x148: {  	s25 =	sadd.s32 $0x1, s25  }
0x149: {  	p0 =	sne.s32 s25, s5  }
.Ltmp1:
0x14a: {  	_ = 	snop;
	(pc) =	sbr.rel @p0 .LBB2_1-.Ltmp1, $1  }
0x14b: {  	_ =	sdelay $0x3  }
0x14c: {  	_ =	sfence.sel $0x180000  }
0x14d: {  	[bflag:$0x0] =	sbarrier.arrive $0xFFFF  }
0x14e: {  	_ =	strace $0x90000050  }
0x14f: {  	s0 =	stileid.u32;
	[bflag:$0x2] =	sbarrier.arrive $0xFFFF  }
0x150: {  	p0 =	sne.s32 s0, $0x0;
	s0 =	rddreg [dreg:$0x1]  }
0x151: {  	s0 =	sadd.s32 @!p0 $0x100000, s0  }
0x152: {  	[sflag:s0] =	ssyncadd.tile.s32 @!p0 $0x1;
	_ =	shalt  }
.Lfunc_end2:
_tile_overlayer_lowered:
.L_overlay_start_2:
0x153: {  	(tag) =	ssettag $0x2  }
0x154: {  	s0 =	rddreg [dreg:$0x0];
	s2 =	stileid.u32  }
0x155: {  	s1 =	rddreg [dreg:$0x1];
	p0 =	sne.s32 s2, $0x0  }
0x156: {  	s3 =	rddreg [dreg:$0x2];
	[bflag:$0x3] =	sbarrier.arrive $0xFFFF;
	s2 =	simm.s32 @!p0 $0x1C02  }
0x157: {  	[timem:s3], [sflag:s2] =	dma.local @!p0 [hbm:s0], s1  }
0x158: {  	s0 =	simm.s32 @!p0 $0x2  }
0x159: {  	_ =	swait.ge @!p0 [sflag:s0], s1  }
0x15a: {  	s1 =	ssub.s32 @!p0 $0x0, s1;
	[sflag:s0] =	ssyncset.done @!p0 $0x0  }
0x15b: {  	[sflag:s0] =	ssyncadd.s32 @!p0 s1  }
0x15c: {  	[bflag:$0x3] =	sbarrier.arrive $0xFFFF  }
0x15d: {  	_ =	shalt  }

// kernel: kernel.9.cloned.1.call-start
scs
__scs_entry_jumppad:
0x0: {  	(pc) =	sbr.rel $0x88, $3  }
0x1: {  	(tag) =	ssettag $0x0;
	lr =	simm.s32 $0x1  }
0x2: {  	[smem:$0x3F96] =	sst lr;
	_ =	strace $0xD0000000  }
0x3: {  	_ = 	snop  }
0x4: {  	_ = 	snop  }
0x5: {  	_ = 	snop  }
0x6: {  	_ = 	snop  }
0x7: {  	_ = 	snop  }
__scs_overlays_trampoline_lowered:
0x8: {  	[smem:$0x3FA5] =	sst s0  }
0x9: {  	[smem:$0x3FA6] =	sst s1  }
0xa: {  	[smem:$0x3FA7] =	sst s2  }
0xb: {  	[smem:$0x3FA8] =	sst s3  }
0xc: {  	[smem:$0x3FA9] =	sst s4  }
0xd: {  	[smem:$0x3FAA] =	sst s5  }
0xe: {  	[smem:$0x3FAB] =	sst s6  }
0xf: {  	[smem:$0x3FAC] =	sst s7  }
0x10: {  	[smem:$0x3FAD] =	sst s8  }
0x11: {  	[smem:$0x3FAE] =	sst s9;
	s0 =	simm.s32 @!p0 $0x0  }
0x12: {  	s1 =	sld [smem:$0x3F94];
	s0 =	simm.s32 @p0 $0x1  }
0x13: {  	[smem:$0x3FAF] =	sst s0;
	s0 =	simm.s32 @!p1 $0x0  }
0x14: {  	s2 =	sld [smem:$0x3F93];
	s0 =	simm.s32 @p1 $0x1  }
0x15: {  	[smem:$0x3FB0] =	sst s0;
	s0 =	simm.s32 @!p2 $0x0  }
0x16: {  	s3 =	sld [smem:$0x3FDB];
	s0 =	simm.s32 @p2 $0x1  }
0x17: {  	s4 =	simm.s32 $0x1BF5;
	[smem:$0x3FB2] =	sst s0  }
0x18: {  	s0 =	sld [smem:$0x3F95];
	_ =	swait.ge [sflag:s4], $0x0  }
0x19: {  	s7 =	sld [smem:$0x3F96]  }
0x1a: {  	s8 =	sadd.s32 $0xFFFFE003, lr  }
0x1b: {  	s9 =	sadd.s32 $0xFFFFFEF7, lr;
	s5 =	simm.s32 $0xFFFFFFFF;
	p2 =	slt.u32 s8, $0xFFFFF086  }
0x1c: {  	p1 =	slt.u32 s9, $0xF7A;
	s5 =	simm.s32 @!p2 $0x0  }
0x1d: {  	s5 =	simm.s32 @p1 $0x1;
	p0 =	seq.s32 s7, s2  }
0x1e: {  	s7 =	smul.u32 @!p0 $0xF7A, s2;
	p2 =	seq.s32 @!p0 s5, $0x0  }
0x1f: {  	s9 =	smul.u32 $0xF7A, s1;
	s8 =	simm.s32 @!p0 $0x1BF5;
	p2 =	por !p2, p0  }
0x20: {  	[sflag:s8] =	ssyncset.s32 @!p0 $0xFFFFF086;
	s6 =	sadd.s32 @!p0 s3, s7;
	s7 =	simm.s32 @!p0 $0x108  }
0x21: {  	s3 =	sadd.s32 s3, s9;
	s6 =	sadd.s32 @!p0 $0x88, s6;
	s7 =	simm.s32 @p2 $0x1082  }
0x22: {  	[simem:s7], [sflag:s8] =	dma.local @!p0 [hbm:s6], $0xF7A  }
0x23: {  	s9 =	sor.u32 $0xD0000000, s2;
	s6 =	simm.s32 $0x108;
	_ =	swait.ge @!p0 [sflag:s8], $0x0  }
0x24: {  	s3 =	sadd.s32 $0x88, s3;
	s6 =	simm.s32 @!p1 $0x1082;
	[sflag:s4] =	ssyncset.s32 $0xFFFFF086  }
0x25: {  	[simem:s6], [sflag:s4] =	dma.local [hbm:s3], $0xF7A  }
0x26: {  	[smem:$0x3F96] =	sst s1;
	(tag) =	ssettag s2;
	_ =	strace s9  }
0x27: {  	s1 =	sld [smem:$0x3FA6]  }
0x28: {  	s2 =	sld [smem:$0x3FA7]  }
0x29: {  	s4 =	sld [smem:$0x3FA9]  }
0x2a: {  	p0 =	seq.s32 s5, $0x0;
	s5 =	sld [smem:$0x3FAA]  }
0x2b: {  	s6 =	sld [smem:$0x3FAB]  }
0x2c: {  	s7 =	sld [smem:$0x3FAC]  }
0x2d: {  	s3 =	simm.s32 $0x108;
	s8 =	sld [smem:$0x3FAD]  }
0x2e: {  	s3 =	simm.s32 @!p0 $0x1082;
	s9 =	sld [smem:$0x3FAE]  }
0x2f: {  	lr =	sadd.s32 s0, s3;
	s0 =	sld [smem:$0x3FA5]  }
0x30: {  	s3 =	sld [smem:$0x3FA8]  }
0x31: {  	[smem:$0x3FB1] =	sst s10  }
0x32: {  	s10 =	sld [smem:$0x3FAF];
	_ =	sdelay $0x3  }
0x33: {  	p0 =	seq.s32 s10, $0x1;
	s10 =	sld [smem:$0x3FB1];
	_ =	sdelay $0x3  }
0x34: {  	[smem:$0x3FB1] =	sst s10  }
0x35: {  	s10 =	sld [smem:$0x3FB0];
	_ =	sdelay $0x3  }
0x36: {  	p1 =	seq.s32 s10, $0x1;
	s10 =	sld [smem:$0x3FB1];
	_ =	sdelay $0x3  }
0x37: {  	[smem:$0x3FB1] =	sst s10  }
0x38: {  	s10 =	sld [smem:$0x3FB2]  }
0x39: {  	_ = 	snop;
	(pc) =	sbr.ind lr, $3  }
0x3a: {  	_ = 	snop  }
0x3b: {  	_ = 	snop  }
0x3c: {  	p2 =	seq.s32 s10, $0x1;
	s10 =	sld [smem:$0x3FB1]  }
0x3d: {  	_ =	shalt  }
0x3e: {  	_ =	shalt  }
0x3f: {  	_ =	shalt  }
0x40: {  	_ =	shalt  }
0x41: {  	_ =	shalt  }
0x42: {  	_ =	shalt  }
0x43: {  	_ =	shalt  }
0x44: {  	_ =	shalt  }
0x45: {  	_ =	shalt  }
0x46: {  	_ =	shalt  }
0x47: {  	_ =	shalt  }
0x48: {  	_ =	shalt  }
0x49: {  	_ =	shalt  }
0x4a: {  	_ =	shalt  }
0x4b: {  	_ =	shalt  }
0x4c: {  	_ =	shalt  }
0x4d: {  	_ =	shalt  }
0x4e: {  	_ =	shalt  }
0x4f: {  	_ =	shalt  }
0x50: {  	_ =	shalt  }
0x51: {  	_ =	shalt  }
0x52: {  	_ =	shalt  }
0x53: {  	_ =	shalt  }
0x54: {  	_ =	shalt  }
0x55: {  	_ =	shalt  }
0x56: {  	_ =	shalt  }
0x57: {  	_ =	shalt  }
0x58: {  	_ =	shalt  }
0x59: {  	_ =	shalt  }
0x5a: {  	_ =	shalt  }
0x5b: {  	_ =	shalt  }
0x5c: {  	_ =	shalt  }
0x5d: {  	_ =	shalt  }
0x5e: {  	_ =	shalt  }
0x5f: {  	_ =	shalt  }
0x60: {  	_ =	shalt  }
0x61: {  	_ =	shalt  }
0x62: {  	_ =	shalt  }
0x63: {  	_ =	shalt  }
0x64: {  	_ =	shalt  }
0x65: {  	_ =	shalt  }
0x66: {  	_ =	shalt  }
0x67: {  	_ =	shalt  }
0x68: {  	_ =	shalt  }
0x69: {  	_ =	shalt  }
0x6a: {  	_ =	shalt  }
0x6b: {  	_ =	shalt  }
0x6c: {  	_ =	shalt  }
0x6d: {  	_ =	shalt  }
0x6e: {  	_ =	shalt  }
0x6f: {  	_ =	shalt  }
0x70: {  	_ =	shalt  }
0x71: {  	_ =	shalt  }
0x72: {  	_ =	shalt  }
0x73: {  	_ =	shalt  }
0x74: {  	_ =	shalt  }
0x75: {  	_ =	shalt  }
0x76: {  	_ =	shalt  }
0x77: {  	_ =	shalt  }
0x78: {  	_ =	shalt  }
0x79: {  	_ =	shalt  }
0x7a: {  	_ =	shalt  }
0x7b: {  	_ =	shalt  }
0x7c: {  	_ =	shalt  }
0x7d: {  	_ =	shalt  }
0x7e: {  	_ =	shalt  }
0x7f: {  	_ =	shalt  }
0x80: {  	_ =	shalt  }
0x81: {  	_ =	shalt  }
0x82: {  	_ =	shalt  }
0x83: {  	_ =	shalt  }
0x84: {  	_ =	shalt  }
0x85: {  	_ =	shalt  }
0x86: {  	_ =	shalt  }
0x87: {  	_ =	shalt  }
.Lfunc_end0:
.L_simem_size_0:
called_computation.5_lowered:
.L_overlay_start_0:
0x88: {  	s2 =	sld [smem:$0x3FD9]  }
0x89: {  	s3 =	sld [smem:$0x3FFE];
	_ =	sdelay $0x1  }
0x8a: {  	s1 =	srdreg.scid  }
0x8b: {  	s0 =	sand.u32 $0x1, s1  }
0x8c: {  	s17 =	sshll.u32 s0, $0xA;
	s2 =	sadd.s32 s3, s2  }
0x8d: {  	s2 =	sadd.s32 s2, s17  }
0x8e: {  	[smem:$0x3FBD] =	sst s2  }
0x8f: {  	_ = 	snop  }
0x90: {  	(tm) =	ssettm $0x1  }
0x91: {  	s18 =	sld [smem:$0x3FFB];
	_ =	sdelay $0x3  }
0x92: {  	_ =	strace s18  }
0x93: {  	s2 =	sld [smem:$0x3FFC];
	_ =	sdelay $0x3  }
0x94: {  	_ =	strace s2  }
0x95: {  	s2 =	sld [smem:$0x3FFD];
	_ =	sdelay $0x3  }
0x96: {  	_ =	strace s2  }
0x97: {  	_ =	strace $0x8FFFFFFF  }
0x98: {  	s19 =	sld [smem:$0x3FDB];
	_ =	sdelay $0x1  }
0x99: {  	s20 =	simm.s32 $_scs_section_size  }
0x9a: {  	s4 =	simm.s32 $_size__tile_overlayer_lowered;
	s5 =	simm.s32 $_tile_overlayer_lowered  }
0x9b: {  	s6 =	simm.s32 $0x1BFF;
	s21 =	sshll.u32 s5, $0x1;
	s3 =	sadd.s32 s20, s19  }
0x9c: {  	s22 =	simm.s32 $0x0;
	s4 =	sshll.u32 s4, $0x1;
	s5 =	sadd.s32 s21, s3  }
0x9d: {  	[timem:s22], [sflag:s6] =	dma.local [hbm:s5], s4  }
0x9e: {  	_ =	swait.ge [sflag:s6], s4  }
0x9f: {  	s4 =	ssub.s32 $0x0, s4;
	[sflag:s6] =	ssyncset.done $0x0  }
0xa0: {  	[sflag:s6] =	ssyncadd.s32 s4;
	_ =	sdelay $0x1  }
0xa1: {  	s23 =	simm.s32 $0x1B8B  }
0xa2: {  	_ =	swait.ge [sflag:s23], $0x1  }
0xa3: {  	[sflag:s23] =	ssyncset.done $0x0  }
0xa4: {  	[sflag:s23] =	ssyncadd.s32 $0xFFFFFFFF  }
0xa5: {  	s4 =	sld [smem:$0x0]  }
0xa6: {  	s5 =	sand.u32 $0xFFFFFFFE, s1  }
0xa7: {  	p0 =	sne.s32 s1, s5  }
0xa8: {  	s5 =	sshll.u32 @p0 s5, $0xE  }
0xa9: {  	s5 =	sadd.s32 @p0 $0x11B8D, s5;
	s6 =	sshll.u32 @p0 s4, $0x11  }
0xaa: {  	s5 =	sor.u32 @p0 s6, s5  }
0xab: {  	[sflag:s5] =	ssyncadd.remote.s32 @p0 $0x1;
	_ =	sdelay $0x1  }
0xac: {  	s5 =	simm.s32 @p0 $0x1B8D  }
0xad: {  	_ =	swait.eq @p0 [sflag:s5], $0x1  }
0xae: {  	[sflag:s5] =	ssyncadd.s32 @p0 $0xFFFFFFFF  }
0xaf: {  	s6 =	sshll.u32 @!p0 s1, $0xE  }
0xb0: {  	s6 =	sor.u32 @!p0 $0x4000, s6;
	s5 =	simm.s32 @!p0 $0x1B8D  }
0xb1: {  	s4 =	sshll.u32 @!p0 s4, $0x11;
	s6 =	sadd.s32 @!p0 $0x11B8D, s6;
	_ =	swait.eq @!p0 [sflag:s5], $0x1  }
0xb2: {  	s4 =	sor.u32 @!p0 s4, s6;
	[sflag:s5] =	ssyncadd.s32 @!p0 $0xFFFFFFFF  }
0xb3: {  	s25 =	simm.s32 $0x1B8E;
	s24 =	sld [smem:$0x3FFE];
	[sflag:s4] =	ssyncadd.remote.s32 @!p0 $0x1  }
0xb4: {  	s26 =	simm.s32 $execute0_lowered;
	[smem:$0x3FD2] =	sst s25  }
0xb5: {  	s5 =	sshll.u32 s26, $0x1;
	_ =	strace $0x80000052;
	[dreg:$0x1] =	wrdreg $0xFFFFFFFF  }
0xb6: {  	s28 =	simm.s32 $_size_execute0_lowered;
	s3 =	sadd.s32 s3, s5;
	[dreg:$0x0] =	wrdreg $0x0  }
0xb7: {  	s5 =	sshll.u32 s28, $0x1;
	[dreg:$0x2] =	wrdreg s3  }
0xb8: {  	[dreg:$0x3] =	wrdreg s5  }
0xb9: {  	[dreg:$0x4] =	wrdreg $0xC0  }
0xba: {  	_ =	task [dreg:s22], $0x5FFFF  }
0xbb: {  	[dreg:$0x1] =	wrdreg $0xFFFFFFFF  }
0xbc: {  	[dreg:$0x0] =	wrdreg $0x60  }
0xbd: {  	[dreg:$0x2] =	wrdreg s24  }
0xbe: {  	[dreg:$0x3] =	wrdreg $0x9  }
0xbf: {  	_ =	task.clear_ibuf [dreg:s22], $0x4FFFF;
	_ =	strace $0x90000052  }
0xc0: {  	s29 =	simm.s32 $0x9;
	_ =	strace $0x80000054  }
0xc1: {  	_ =	swait.ge [sflag:s29], $0x1  }
0xc2: {  	[sflag:s29] =	ssyncadd.s32 $0xFFFFFFFF  }
0xc3: {  	_ =	strace $0x90000054  }
0xc4: {  	_ =	sfence  }
0xc5: {  	s30 =	sld [smem:$0x0];
	_ =	sdelay $0x2  }
0xc6: {  	s31 =	sshll.u32 s1, $0xD;
	s1 =	sshrl.u32 s1, $0x2  }
0xc7: {  	s4 =	sand.u32 $0x4000, s31;
	s1 =	sadd.s32 s1, s30  }
0xc8: {  	s0 =	sor.u32 s4, s0;
	s1 =	sshll.u32 s1, $0x11  }
0xc9: {  	s0 =	sor.u32 s1, s0  }
0xca: {  	s0 =	sadd.s32 $0x8F2B, s0  }
0xcb: {  	[sflag:s0] =	ssyncadd.remote.s32 $0x1  }
0xcc: {  	_ =	sfence.sel $0xFFFF  }
0xcd: {  	[dreg:$0x0] =	wrdreg $0xFFFFFFFF;
	(pc) =	sbr.abs _section_cstart, $3  }
0xce: {  	[dreg:$0x1] =	wrdreg $0xFFFFFFFF  }
0xcf: {  	_ =	task.clear_ibuf [dreg:s22], $0x2FFFF;
	_ =	strace $0x9FFFFFFF  }
0xd0: {  	(tm) =	ssettm $0x7FFFFFFF  }
0xd1: {  	_ =	shalt  }
tec
execute0_lowered:
.L_overlay_start_1:
0x0: {  	(tag) =	ssettag $0x1  }
0x1: {  	s4 =	rddreg [dreg:$0x0];
	s2 =	simm.s32 $0x0  }
0x2: {  	s10 =	simm.s32 $0x1200;
	[smem:$0x7FF] =	sst s2  }
0x3: {  	s11 =	simm.s32 $0x1A00;
	_ =	strace $0x80000053;
	[dreg:$0xa] =	wrdreg s10  }
0x4: {  	s12 =	simm.s32 $0x2200;
	[dreg:$0xb] =	wrdreg s11  }
0x5: {  	s13 =	simm.s32 $0x2A00;
	[dreg:$0xc] =	wrdreg s12  }
0x6: {  	s14 =	simm.s32 $0x3200;
	[dreg:$0xd] =	wrdreg s13  }
0x7: {  	s15 =	simm.s32 $0x3A00;
	[dreg:$0xe] =	wrdreg s14  }
0x8: {  	s16 =	simm.s32 $0x4200;
	[dreg:$0xf] =	wrdreg s15  }
0x9: {  	s17 =	simm.s32 $0x4A00;
	[dreg:$0x10] =	wrdreg s16  }
0xa: {  	s18 =	simm.s32 $0x5200;
	[dreg:$0x11] =	wrdreg s17  }
0xb: {  	s19 =	simm.s32 $0x5A00;
	[dreg:$0x12] =	wrdreg s18  }
0xc: {  	s20 =	simm.s32 $0x6200;
	[dreg:$0x13] =	wrdreg s19  }
0xd: {  	s21 =	simm.s32 $0x6A00;
	[dreg:$0x14] =	wrdreg s20  }
0xe: {  	s22 =	simm.s32 $0x7A00;
	[dreg:$0x15] =	wrdreg s21  }
0xf: {  	s23 =	simm.s32 $0x8200;
	[dreg:$0x16] =	wrdreg s22  }
0x10: {  	s24 =	simm.s32 $0x8A00;
	[dreg:$0x17] =	wrdreg s23  }
0x11: {  	s25 =	simm.s32 $0x9200;
	[dreg:$0x18] =	wrdreg s24  }
0x12: {  	s26 =	simm.s32 $0x9A00;
	[dreg:$0x19] =	wrdreg s25  }
0x13: {  	s28 =	simm.s32 $0xA200;
	[dreg:$0x1a] =	wrdreg s26  }
0x14: {  	[dreg:$0x1b] =	wrdreg s28;
	s10 =	simm.s32 $0xBA00  }
0x15: {  	s11 =	simm.s32 $0xC200;
	[dreg:$0x1e] =	wrdreg s10  }
0x16: {  	s0 =	stileid.u32;
	s13 =	simm.s32 $0xCA00;
	[dreg:$0x1f] =	wrdreg s11  }
0x17: {  	s1 =	srdreg.scid;
	s14 =	simm.s32 $0xD200;
	[smem:$0x7EA] =	sst s13  }
0x18: {  	s3 =	smul.u32 $0xC400, s0;
	s15 =	simm.s32 $0xDA00;
	[smem:$0x7EB] =	sst s14  }
0x19: {  	s5 =	sand.u32 $0x1, s1;
	s16 =	simm.s32 $0xEA00;
	[smem:$0x7EC] =	sst s15  }
0x1a: {  	s6 =	smul.u32 $0x62000, s0;
	s18 =	simm.s32 $0xF200;
	[smem:$0x7ED] =	sst s16  }
0x1b: {  	s8 =	sadd.s32 $0x322800, s4;
	s19 =	simm.s32 $0xFA00;
	[smem:$0x7EE] =	sst s18  }
0x1c: {  	s7 =	smul.u32 $0x31000, s5;
	s21 =	simm.s32 $0x10200;
	[smem:$0x7EF] =	sst s19  }
0x1d: {  	s9 =	smul.u32 $0x6200, s5;
	s22 =	simm.s32 $0x11200;
	[smem:$0x7F0] =	sst s21  }
0x1e: {  	s12 =	smul.u32 $0x310, s0;
	s24 =	simm.s32 $0x11A00;
	[smem:$0x7F2] =	sst s22  }
0x1f: {  	s25 =	simm.s32 $0x12A00;
	s26 =	simm.s32 $0x13200;
	[smem:$0x7F3] =	sst s24  }
0x20: {  	s28 =	simm.s32 $0x13A00;
	s3 =	sadd.s32 s3, s8;
	[smem:$0x7F5] =	sst s25  }
0x21: {  	s10 =	smul.u32 $0x188, s5;
	s11 =	simm.s32 $0x10A00;
	[smem:$0x7F6] =	sst s26  }
0x22: {  	[smem:$0x7F7] =	sst s28;
	s13 =	simm.s32 $0x15A00;
	s14 =	simm.s32 $0x16200  }
0x23: {  	s15 =	simm.s32 $0x16A00;
	s16 =	simm.s32 $0x18200;
	s18 =	simm.s32 $0x19200  }
0x24: {  	s19 =	simm.s32 $0x19A00;
	s21 =	simm.s32 $0x1AA00;
	s22 =	simm.s32 $0x1B200  }
0x25: {  	s24 =	simm.s32 $0x1;
	s25 =	simm.s32 $0x0;
	[smem:$0x7F1] =	sst s11  }
0x26: {  	s6 =	sadd.s32 s7, s6;
	s3 =	sadd.s32 s9, s3;
	[smem:$0x7FA] =	sst s13  }
0x27: {  	s9 =	simm.s32 $0xA00;
	s13 =	simm.s32 $0xE200;
	[smem:$0x7FB] =	sst s14  }
0x28: {  	s14 =	simm.s32 $0x15200;
	[smem:$0x7FC] =	sst s15;
	s15 =	simm.s32 $0x17A00  }
0x29: {  	s7 =	sadd.s32 $0x620000, s6;
	[dreg:$0x2] =	wrdreg s3;
	s30 =	sadd.s32 $0xC40000, s6  }
0x2a: {  	s6 =	sadd.s32 $0x1260000, s6;
	[dreg:$0x9] =	wrdreg s9;
	s9 =	sadd.s32 $0x320E00, s4  }
0x2b: {  	s10 =	sadd.s32 s10, s12;
	s12 =	simm.s32 $0x12200;
	s29 =	sshrl.u32 s7, $0x3  }
0x2c: {  	s7 =	sshrl.u32 s30, $0x3;
	s6 =	sshrl.u32 s6, $0x3;
	s30 =	simm.s32 $0xAA00  }
0x2d: {  	s17 =	sshrl.u32 s10, $0x3;
	s20 =	sadd.s32 $0x9300, s10;
	[smem:$0x7F4] =	sst s12  }
0x2e: {  	s23 =	sadd.s32 $0x6200, s10;
	s3 =	sadd.s32 s29, s8;
	[dreg:$0x1c] =	wrdreg s30  }
0x2f: {  	s10 =	sadd.s32 $0x3100, s10;
	s31 =	sadd.s32 s7, s8;
	[dreg:$0x3] =	wrdreg s3  }
0x30: {  	s12 =	simm.s32 $0x7200;
	s1 =	sadd.s32 s6, s8;
	[dreg:$0x4] =	wrdreg s31  }
0x31: {  	s6 =	simm.s32 $0x80;
	s7 =	simm.s32 $0x100;
	[dreg:$0x5] =	wrdreg s1  }
0x32: {  	s8 =	simm.s32 $0x180;
	s29 =	ssub.s32 $0x2, s5;
	[dreg:$0x6] =	wrdreg s6  }
0x33: {  	s11 =	sshrl.u32 s23, $0x3;
	s10 =	sshrl.u32 s10, $0x3;
	[dreg:$0x7] =	wrdreg s7  }
0x34: {  	s30 =	simm.s32 $0x14A00;
	s23 =	simm.s32 $0x1BA00;
	[dreg:$0x8] =	wrdreg s8  }
0x35: {  	s3 =	sadd.s32 $0x4000, s4;
	s31 =	sshrl.u32 s29, $0x1;
	s1 =	simm.s32 $0xB200  }
0x36: {  	s4 =	sadd.s32 $0x4100, s4;
	s6 =	sadd.s32 s17, s9;
	s8 =	sshrl.u32 s20, $0x3  }
0x37: {  	[smem:$0x7F9] =	sst s30;
	s17 =	simm.s32 $0x18A00;
	s20 =	simm.s32 $0x1A200  }
0x38: {  	s7 =	ssub.s32 s29, s31;
	[dreg:$0x1d] =	wrdreg s1;
	s29 =	simm.s32 $0x14200  }
0x39: {  	v2 =	vlaneseq.u32;
	s31 =	simm.s32 $0x17200;
	s5 =	smax.u32 s7, $0x1;
	s7 =	sadd.s32 s8, s9  }
0x3a: {  	vm0 =	vmmov $0xffff;
	v1 =	vshrl.u32 v2, $0x3;
	s8 =	sadd.s32 s11, s9;
	s9 =	sadd.s32 s10, s9;
	[smem:$0x7F8] =	sst s29  }
0x3b: {  	v0 =	vand.u32 $0x7, v2;
	v2 =	vor.u32 $0x8, v2;
	v1 =	vmul.u32 $0x8, v1;
	s10 =	simm.s32 $0x2;
	s11 =	simm.s32 $0x200;
	[smem:$0x7FD] =	sst s31  }
.LBB2_1:
0x3c: {  	s26 =	smov.u32 s9;
	s28 =	smov.u32 s8  }
0x3d: {  	s29 =	smov.u32 s7;
	s30 =	smov.u32 s6;
	s31 =	simm.s32 $0x0  }
.LBB2_2:
0x3e: {  	[tilespmem:s2], [sflag:$0x2] =	stream.linear.gather [hbm4b:s30+s2], $0x38, $0x38;
	[tilespmem:$0x1C200] =	vst v63  }
0x3f: {  	_ =	swait.ge [sflag:s10], $0x38  }
0x40: {  	[sflag:s10] =	ssyncset.done $0x0  }
0x41: {  	s1 =	rddreg [dreg:$0x6];
	[sflag:s10] =	ssyncadd.s32 $0xFFFFFFC8  }
0x42: {  	[tilespmem:s1], [sflag:$0x2] =	stream.linear.gather [hbm4b:s26+s2], $0x38, $0x38;
	[tilespmem:$0x1C200] =	vst v63  }
0x43: {  	_ =	swait.ge [sflag:s10], $0x38  }
0x44: {  	[sflag:s10] =	ssyncset.done $0x0  }
0x45: {  	s0 =	rddreg [dreg:$0x7];
	[sflag:s10] =	ssyncadd.s32 $0xFFFFFFC8  }
0x46: {  	[tilespmem:s0], [sflag:$0x2] =	stream.linear.gather [hbm4b:s28+s2], $0x38, $0x38;
	[tilespmem:$0x1C200] =	vst v63  }
0x47: {  	_ =	swait.ge [sflag:s10], $0x38  }
0x48: {  	[sflag:s10] =	ssyncset.done $0x0  }
0x49: {  	s0 =	rddreg [dreg:$0x8];
	[sflag:s10] =	ssyncadd.s32 $0xFFFFFFC8  }
0x4a: {  	[tilespmem:s0], [sflag:$0x2] =	stream.linear.gather [hbm4b:s29+s2], $0x38, $0x38;
	[tilespmem:$0x1C200] =	vst v63  }
0x4b: {  	_ =	swait.ge [sflag:s10], $0x38  }
0x4c: {  	[sflag:s10] =	ssyncset.done $0x0  }
0x4d: {  	[sflag:s10] =	ssyncadd.s32 $0xFFFFFFC8  }
0x4e: {  	v3 =	vld [tilespmem:$0x0];
	_ =	sdelay $0x4  }
0x4f: {  	v4 =	vshll.u32 v3, $0x2  }
0x50: {  	v3 =	vand.u32 $0x7, v3;
	v4 =	vand.u32 $0xFFFFFFE0, v4  }
0x51: {  	v3 =	vor.u32 v3, v4  }
0x52: {  	v4 =	vperm.xlane v3, v0;
	_ =	sdelay $0x1  }
0x53: {  	v4 =	vadd.s32 v1, v4;
	_ =	sdelay $0x1  }
0x54: {  	v3 =	vperm.xlane v3, v2;
	_ =	sdelay $0x1  }
0x55: {  	v3 =	vadd.s32 v1, v3  }
0x56: {  	[tilespmem:s11], [sflag:$0x1] =	stream.indirect_vreg.gather [hbm4b:s3+s2], $0x80, v4, vm0, $0xb8;
	[tilespmem:$0x1C200] =	vst v63  }
0x57: {  	s1 =	rddreg [dreg:$0x9]  }
0x58: {  	[tilespmem:s1], [sflag:$0x1] =	stream.indirect_vreg.gather [hbm4b:s4+s2], $0x80, v4, vm0, $0xb8;
	[tilespmem:$0x1C200] =	vst v63  }
0x59: {  	s0 =	rddreg [dreg:$0xa]  }
0x5a: {  	[tilespmem:s0], [sflag:$0x1] =	stream.indirect_vreg.gather [hbm4b:s3+s2], $0x80, v3, vm0, $0xb8;
	[tilespmem:$0x1C200] =	vst v63  }
0x5b: {  	s1 =	rddreg [dreg:$0xb]  }
0x5c: {  	[tilespmem:s1], [sflag:$0x1] =	stream.indirect_vreg.gather [hbm4b:s4+s2], $0x80, v3, vm0, $0xb8;
	[tilespmem:$0x1C200] =	vst v63  }
0x5d: {  	v3 =	vld [tilespmem:$0x10];
	_ =	sdelay $0x4  }
0x5e: {  	v49 =	vshll.u32 v3, $0x2  }
0x5f: {  	v3 =	vand.u32 $0x7, v3;
	v4 =	vand.u32 $0xFFFFFFE0, v49  }
0x60: {  	v3 =	vor.u32 v3, v4  }
0x61: {  	v4 =	vperm.xlane v3, v0;
	_ =	sdelay $0x1  }
0x62: {  	v4 =	vadd.s32 v1, v4;
	_ =	sdelay $0x1  }
0x63: {  	v3 =	vperm.xlane v3, v2;
	_ =	sdelay $0x1  }
0x64: {  	s0 =	rddreg [dreg:$0xc];
	v3 =	vadd.s32 v1, v3  }
0x65: {  	[tilespmem:s0], [sflag:$0x1] =	stream.indirect_vreg.gather [hbm4b:s3+s2], $0x80, v4, vm0, $0xb8;
	[tilespmem:$0x1C200] =	vst v63  }
0x66: {  	s1 =	rddreg [dreg:$0xd]  }
0x67: {  	[tilespmem:s1], [sflag:$0x1] =	stream.indirect_vreg.gather [hbm4b:s4+s2], $0x80, v4, vm0, $0xb8;
	[tilespmem:$0x1C200] =	vst v63  }
0x68: {  	s0 =	rddreg [dreg:$0xe]  }
0x69: {  	[tilespmem:s0], [sflag:$0x1] =	stream.indirect_vreg.gather [hbm4b:s3+s2], $0x80, v3, vm0, $0xb8;
	[tilespmem:$0x1C200] =	vst v63  }
0x6a: {  	s1 =	rddreg [dreg:$0xf]  }
0x6b: {  	[tilespmem:s1], [sflag:$0x1] =	stream.indirect_vreg.gather [hbm4b:s4+s2], $0x80, v3, vm0, $0xb8;
	[tilespmem:$0x1C200] =	vst v63  }
0x6c: {  	v3 =	vld [tilespmem:$0x20];
	_ =	sdelay $0x4  }
0x6d: {  	v50 =	vshll.u32 v3, $0x2  }
0x6e: {  	v3 =	vand.u32 $0x7, v3;
	v4 =	vand.u32 $0xFFFFFFE0, v50  }
0x6f: {  	v3 =	vor.u32 v3, v4  }
0x70: {  	v4 =	vperm.xlane v3, v0;
	_ =	sdelay $0x1  }
0x71: {  	v4 =	vadd.s32 v1, v4;
	_ =	sdelay $0x1  }
0x72: {  	v3 =	vperm.xlane v3, v2;
	_ =	sdelay $0x1  }
0x73: {  	s0 =	rddreg [dreg:$0x10];
	v3 =	vadd.s32 v1, v3  }
0x74: {  	[tilespmem:s0], [sflag:$0x1] =	stream.indirect_vreg.gather [hbm4b:s3+s2], $0x80, v4, vm0, $0xb8;
	[tilespmem:$0x1C200] =	vst v63  }
0x75: {  	s1 =	rddreg [dreg:$0x11]  }
0x76: {  	[tilespmem:s1], [sflag:$0x1] =	stream.indirect_vreg.gather [hbm4b:s4+s2], $0x80, v4, vm0, $0xb8;
	[tilespmem:$0x1C200] =	vst v63  }
0x77: {  	s0 =	rddreg [dreg:$0x12]  }
0x78: {  	[tilespmem:s0], [sflag:$0x1] =	stream.indirect_vreg.gather [hbm4b:s3+s2], $0x80, v3, vm0, $0xb8;
	[tilespmem:$0x1C200] =	vst v63  }
0x79: {  	s1 =	rddreg [dreg:$0x13]  }
0x7a: {  	[tilespmem:s1], [sflag:$0x1] =	stream.indirect_vreg.gather [hbm4b:s4+s2], $0x80, v3, vm0, $0xb8;
	[tilespmem:$0x1C200] =	vst v63  }
0x7b: {  	v3 =	vld.msk [tilespmem:$0x30], $0xff;
	_ =	sdelay $0x4  }
0x7c: {  	v51 =	vshll.u32 v3, $0x2  }
0x7d: {  	v3 =	vand.u32 $0x7, v3;
	v4 =	vand.u32 $0xFFFFFFE0, v51  }
0x7e: {  	v3 =	vor.u32 v3, v4  }
0x7f: {  	v3 =	vperm.xlane v3, v0;
	_ =	sdelay $0x1  }
0x80: {  	v3 =	vadd.s32 v1, v3;
	_ =	sdelay $0x3  }
0x81: {  	s0 =	rddreg [dreg:$0x14]  }
0x82: {  	[tilespmem:s0], [sflag:$0x1] =	stream.indirect_vreg.gather [hbm4b:s3+s2], $0x80, v3, vm0, $0xb8;
	[tilespmem:$0x1C200] =	vst v63  }
0x83: {  	s1 =	rddreg [dreg:$0x15]  }
0x84: {  	[tilespmem:s1], [sflag:$0x1] =	stream.indirect_vreg.gather [hbm4b:s4+s2], $0x80, v3, vm0, $0xb8;
	[tilespmem:$0x1C200] =	vst v63  }
0x85: {  	v3 =	vld [tilespmem:$0x80];
	_ =	sdelay $0x4  }
0x86: {  	v52 =	vshll.u32 v3, $0x2  }
0x87: {  	v3 =	vand.u32 $0x7, v3;
	v4 =	vand.u32 $0xFFFFFFE0, v52  }
0x88: {  	v3 =	vor.u32 v3, v4  }
0x89: {  	v4 =	vperm.xlane v3, v0;
	_ =	sdelay $0x1  }
0x8a: {  	v4 =	vadd.s32 v1, v4;
	_ =	sdelay $0x1  }
0x8b: {  	v3 =	vperm.xlane v3, v2;
	_ =	sdelay $0x1  }
0x8c: {  	v3 =	vadd.s32 v1, v3  }
0x8d: {  	[tilespmem:s12], [sflag:$0x1] =	stream.indirect_vreg.gather [hbm4b:s3+s2], $0x80, v4, vm0, $0xb8;
	[tilespmem:$0x1C200] =	vst v63  }
0x8e: {  	s0 =	rddreg [dreg:$0x16]  }
0x8f: {  	[tilespmem:s0], [sflag:$0x1] =	stream.indirect_vreg.gather [hbm4b:s4+s2], $0x80, v4, vm0, $0xb8;
	[tilespmem:$0x1C200] =	vst v63  }
0x90: {  	s1 =	rddreg [dreg:$0x17]  }
0x91: {  	[tilespmem:s1], [sflag:$0x1] =	stream.indirect_vreg.gather [hbm4b:s3+s2], $0x80, v3, vm0, $0xb8;
	[tilespmem:$0x1C200] =	vst v63  }
0x92: {  	s0 =	rddreg [dreg:$0x18]  }
0x93: {  	[tilespmem:s0], [sflag:$0x1] =	stream.indirect_vreg.gather [hbm4b:s4+s2], $0x80, v3, vm0, $0xb8;
	[tilespmem:$0x1C200] =	vst v63  }
0x94: {  	v3 =	vld [tilespmem:$0x90];
	_ =	sdelay $0x4  }
0x95: {  	v53 =	vshll.u32 v3, $0x2  }
0x96: {  	v3 =	vand.u32 $0x7, v3;
	v4 =	vand.u32 $0xFFFFFFE0, v53  }
0x97: {  	v3 =	vor.u32 v3, v4  }
0x98: {  	v4 =	vperm.xlane v3, v0;
	_ =	sdelay $0x1  }
0x99: {  	v4 =	vadd.s32 v1, v4;
	_ =	sdelay $0x1  }
0x9a: {  	v3 =	vperm.xlane v3, v2;
	_ =	sdelay $0x1  }
0x9b: {  	s0 =	rddreg [dreg:$0x19];
	v3 =	vadd.s32 v1, v3  }
0x9c: {  	[tilespmem:s0], [sflag:$0x1] =	stream.indirect_vreg.gather [hbm4b:s3+s2], $0x80, v4, vm0, $0xb8;
	[tilespmem:$0x1C200] =	vst v63  }
0x9d: {  	s1 =	rddreg [dreg:$0x1a]  }
0x9e: {  	[tilespmem:s1], [sflag:$0x1] =	stream.indirect_vreg.gather [hbm4b:s4+s2], $0x80, v4, vm0, $0xb8;
	[tilespmem:$0x1C200] =	vst v63  }
0x9f: {  	s0 =	rddreg [dreg:$0x1b]  }
0xa0: {  	[tilespmem:s0], [sflag:$0x1] =	stream.indirect_vreg.gather [hbm4b:s3+s2], $0x80, v3, vm0, $0xb8;
	[tilespmem:$0x1C200] =	vst v63  }
0xa1: {  	s1 =	rddreg [dreg:$0x1c]  }
0xa2: {  	[tilespmem:s1], [sflag:$0x1] =	stream.indirect_vreg.gather [hbm4b:s4+s2], $0x80, v3, vm0, $0xb8;
	[tilespmem:$0x1C200] =	vst v63  }
0xa3: {  	v3 =	vld [tilespmem:$0xA0];
	_ =	sdelay $0x4  }
0xa4: {  	v54 =	vshll.u32 v3, $0x2  }
0xa5: {  	v3 =	vand.u32 $0x7, v3;
	v4 =	vand.u32 $0xFFFFFFE0, v54  }
0xa6: {  	v3 =	vor.u32 v3, v4  }
0xa7: {  	v4 =	vperm.xlane v3, v0;
	_ =	sdelay $0x1  }
0xa8: {  	v4 =	vadd.s32 v1, v4;
	_ =	sdelay $0x1  }
0xa9: {  	v3 =	vperm.xlane v3, v2  }
0xaa: {  	s0 =	rddreg [dreg:$0x1d]  }
0xab: {  	s1 =	rddreg [dreg:$0x1e];
	v3 =	vadd.s32 v1, v3  }
0xac: {  	[tilespmem:s0], [sflag:$0x1] =	stream.indirect_vreg.gather [hbm4b:s3+s2], $0x80, v4, vm0, $0xb8;
	[tilespmem:$0x1C200] =	vst v63  }
0xad: {  	s0 =	rddreg [dreg:$0x1f]  }
0xae: {  	[tilespmem:s1], [sflag:$0x1] =	stream.indirect_vreg.gather [hbm4b:s4+s2], $0x80, v4, vm0, $0xb8;
	[tilespmem:$0x1C200] =	vst v63  }
0xaf: {  	s1 =	sld [smem:$0x7EA]  }
0xb0: {  	[tilespmem:s0], [sflag:$0x1] =	stream.indirect_vreg.gather [hbm4b:s3+s2], $0x80, v3, vm0, $0xb8;
	[tilespmem:$0x1C200] =	vst v63  }
0xb1: {  	_ = 	snop  }
0xb2: {  	[tilespmem:s1], [sflag:$0x1] =	stream.indirect_vreg.gather [hbm4b:s4+s2], $0x80, v3, vm0, $0xb8;
	[tilespmem:$0x1C200] =	vst v63  }
0xb3: {  	v3 =	vld.msk [tilespmem:$0xB0], $0xff;
	_ =	sdelay $0x4  }
0xb4: {  	v55 =	vshll.u32 v3, $0x2  }
0xb5: {  	v3 =	vand.u32 $0x7, v3;
	v4 =	vand.u32 $0xFFFFFFE0, v55  }
0xb6: {  	v3 =	vor.u32 v3, v4  }
0xb7: {  	v3 =	vperm.xlane v3, v0;
	_ =	sdelay $0x1  }
0xb8: {  	v3 =	vadd.s32 v1, v3;
	_ =	sdelay $0x1  }
0xb9: {  	s0 =	sld [smem:$0x7EB];
	_ =	sdelay $0x1  }
0xba: {  	s1 =	sld [smem:$0x7EC]  }
0xbb: {  	[tilespmem:s0], [sflag:$0x1] =	stream.indirect_vreg.gather [hbm4b:s3+s2], $0x80, v3, vm0, $0xb8;
	[tilespmem:$0x1C200] =	vst v63  }
0xbc: {  	_ = 	snop  }
0xbd: {  	[tilespmem:s1], [sflag:$0x1] =	stream.indirect_vreg.gather [hbm4b:s4+s2], $0x80, v3, vm0, $0xb8;
	[tilespmem:$0x1C200] =	vst v63  }
0xbe: {  	v3 =	vld [tilespmem:$0x100];
	_ =	sdelay $0x4  }
0xbf: {  	v56 =	vshll.u32 v3, $0x2  }
0xc0: {  	v3 =	vand.u32 $0x7, v3;
	v4 =	vand.u32 $0xFFFFFFE0, v56  }
0xc1: {  	v3 =	vor.u32 v3, v4  }
0xc2: {  	v4 =	vperm.xlane v3, v0;
	_ =	sdelay $0x1  }
0xc3: {  	v4 =	vadd.s32 v1, v4;
	_ =	sdelay $0x1  }
0xc4: {  	v3 =	vperm.xlane v3, v2;
	_ =	sdelay $0x1  }
0xc5: {  	s0 =	sld [smem:$0x7ED];
	v3 =	vadd.s32 v1, v3  }
0xc6: {  	[tilespmem:s13], [sflag:$0x1] =	stream.indirect_vreg.gather [hbm4b:s3+s2], $0x80, v4, vm0, $0xb8;
	[tilespmem:$0x1C200] =	vst v63  }
0xc7: {  	s1 =	sld [smem:$0x7EE]  }
0xc8: {  	[tilespmem:s0], [sflag:$0x1] =	stream.indirect_vreg.gather [hbm4b:s4+s2], $0x80, v4, vm0, $0xb8;
	[tilespmem:$0x1C200] =	vst v63  }
0xc9: {  	s0 =	sld [smem:$0x7EF]  }
0xca: {  	[tilespmem:s1], [sflag:$0x1] =	stream.indirect_vreg.gather [hbm4b:s3+s2], $0x80, v3, vm0, $0xb8;
	[tilespmem:$0x1C200] =	vst v63  }
0xcb: {  	_ = 	snop  }
0xcc: {  	[tilespmem:s0], [sflag:$0x1] =	stream.indirect_vreg.gather [hbm4b:s4+s2], $0x80, v3, vm0, $0xb8;
	[tilespmem:$0x1C200] =	vst v63  }
0xcd: {  	v3 =	vld [tilespmem:$0x110];
	_ =	sdelay $0x4  }
0xce: {  	v57 =	vshll.u32 v3, $0x2  }
0xcf: {  	v3 =	vand.u32 $0x7, v3;
	v4 =	vand.u32 $0xFFFFFFE0, v57  }
0xd0: {  	v3 =	vor.u32 v3, v4  }
0xd1: {  	v4 =	vperm.xlane v3, v0;
	_ =	sdelay $0x1  }
0xd2: {  	v4 =	vadd.s32 v1, v4;
	_ =	sdelay $0x1  }
0xd3: {  	s0 =	sld [smem:$0x7F0];
	v3 =	vperm.xlane v3, v2;
	_ =	sdelay $0x1  }
0xd4: {  	s1 =	sld [smem:$0x7F1];
	v3 =	vadd.s32 v1, v3  }
0xd5: {  	[tilespmem:s0], [sflag:$0x1] =	stream.indirect_vreg.gather [hbm4b:s3+s2], $0x80, v4, vm0, $0xb8;
	[tilespmem:$0x1C200] =	vst v63  }
0xd6: {  	s0 =	sld [smem:$0x7F2]  }
0xd7: {  	[tilespmem:s1], [sflag:$0x1] =	stream.indirect_vreg.gather [hbm4b:s4+s2], $0x80, v4, vm0, $0xb8;
	[tilespmem:$0x1C200] =	vst v63  }
0xd8: {  	s1 =	sld [smem:$0x7F3]  }
0xd9: {  	[tilespmem:s0], [sflag:$0x1] =	stream.indirect_vreg.gather [hbm4b:s3+s2], $0x80, v3, vm0, $0xb8;
	[tilespmem:$0x1C200] =	vst v63  }
0xda: {  	_ = 	snop  }
0xdb: {  	[tilespmem:s1], [sflag:$0x1] =	stream.indirect_vreg.gather [hbm4b:s4+s2], $0x80, v3, vm0, $0xb8;
	[tilespmem:$0x1C200] =	vst v63  }
0xdc: {  	v3 =	vld [tilespmem:$0x120];
	_ =	sdelay $0x4  }
0xdd: {  	v58 =	vshll.u32 v3, $0x2  }
0xde: {  	v3 =	vand.u32 $0x7, v3;
	v4 =	vand.u32 $0xFFFFFFE0, v58  }
0xdf: {  	v3 =	vor.u32 v3, v4  }
0xe0: {  	v4 =	vperm.xlane v3, v0;
	_ =	sdelay $0x1  }
0xe1: {  	v4 =	vadd.s32 v1, v4;
	_ =	sdelay $0x1  }
0xe2: {  	s0 =	sld [smem:$0x7F4];
	v3 =	vperm.xlane v3, v2;
	_ =	sdelay $0x1  }
0xe3: {  	s1 =	sld [smem:$0x7F5];
	v3 =	vadd.s32 v1, v3  }
0xe4: {  	[tilespmem:s0], [sflag:$0x1] =	stream.indirect_vreg.gather [hbm4b:s3+s2], $0x80, v4, vm0, $0xb8;
	[tilespmem:$0x1C200] =	vst v63  }
0xe5: {  	s0 =	sld [smem:$0x7F6]  }
0xe6: {  	[tilespmem:s1], [sflag:$0x1] =	stream.indirect_vreg.gather [hbm4b:s4+s2], $0x80, v4, vm0, $0xb8;
	[tilespmem:$0x1C200] =	vst v63  }
0xe7: {  	s1 =	sld [smem:$0x7F7]  }
0xe8: {  	[tilespmem:s0], [sflag:$0x1] =	stream.indirect_vreg.gather [hbm4b:s3+s2], $0x80, v3, vm0, $0xb8;
	[tilespmem:$0x1C200] =	vst v63  }
0xe9: {  	_ = 	snop  }
0xea: {  	[tilespmem:s1], [sflag:$0x1] =	stream.indirect_vreg.gather [hbm4b:s4+s2], $0x80, v3, vm0, $0xb8;
	[tilespmem:$0x1C200] =	vst v63  }
0xeb: {  	v3 =	vld.msk [tilespmem:$0x130], $0xff;
	_ =	sdelay $0x4  }
0xec: {  	v59 =	vshll.u32 v3, $0x2  }
0xed: {  	v3 =	vand.u32 $0x7, v3;
	v4 =	vand.u32 $0xFFFFFFE0, v59  }
0xee: {  	v3 =	vor.u32 v3, v4  }
0xef: {  	v3 =	vperm.xlane v3, v0;
	_ =	sdelay $0x1  }
0xf0: {  	v3 =	vadd.s32 v1, v3;
	_ =	sdelay $0x1  }
0xf1: {  	s0 =	sld [smem:$0x7F8];
	_ =	sdelay $0x1  }
0xf2: {  	s1 =	sld [smem:$0x7F9]  }
0xf3: {  	[tilespmem:s0], [sflag:$0x1] =	stream.indirect_vreg.gather [hbm4b:s3+s2], $0x80, v3, vm0, $0xb8;
	[tilespmem:$0x1C200] =	vst v63  }
0xf4: {  	_ = 	snop  }
0xf5: {  	[tilespmem:s1], [sflag:$0x1] =	stream.indirect_vreg.gather [hbm4b:s4+s2], $0x80, v3, vm0, $0xb8;
	[tilespmem:$0x1C200] =	vst v63  }
0xf6: {  	v3 =	vld [tilespmem:$0x180];
	_ =	sdelay $0x4  }
0xf7: {  	v60 =	vshll.u32 v3, $0x2  }
0xf8: {  	v3 =	vand.u32 $0x7, v3;
	v4 =	vand.u32 $0xFFFFFFE0, v60  }
0xf9: {  	v3 =	vor.u32 v3, v4  }
0xfa: {  	v4 =	vperm.xlane v3, v0;
	_ =	sdelay $0x1  }
0xfb: {  	v4 =	vadd.s32 v1, v4;
	_ =	sdelay $0x1  }
0xfc: {  	v3 =	vperm.xlane v3, v2;
	_ =	sdelay $0x1  }
0xfd: {  	s0 =	sld [smem:$0x7FA];
	v3 =	vadd.s32 v1, v3  }
0xfe: {  	[tilespmem:s14], [sflag:$0x1] =	stream.indirect_vreg.gather [hbm4b:s3+s2], $0x80, v4, vm0, $0xb8;
	[tilespmem:$0x1C200] =	vst v63  }
0xff: {  	s1 =	sld [smem:$0x7FB]  }
0x100: {  	[tilespmem:s0], [sflag:$0x1] =	stream.indirect_vreg.gather [hbm4b:s4+s2], $0x80, v4, vm0, $0xb8;
	[tilespmem:$0x1C200] =	vst v63  }
0x101: {  	s0 =	sld [smem:$0x7FC]  }
0x102: {  	[tilespmem:s1], [sflag:$0x1] =	stream.indirect_vreg.gather [hbm4b:s3+s2], $0x80, v3, vm0, $0xb8;
	[tilespmem:$0x1C200] =	vst v63  }
0x103: {  	_ = 	snop  }
0x104: {  	[tilespmem:s0], [sflag:$0x1] =	stream.indirect_vreg.gather [hbm4b:s4+s2], $0x80, v3, vm0, $0xb8;
	[tilespmem:$0x1C200] =	vst v63  }
0x105: {  	v3 =	vld [tilespmem:$0x190];
	_ =	sdelay $0x4  }
0x106: {  	v61 =	vshll.u32 v3, $0x2  }
0x107: {  	v3 =	vand.u32 $0x7, v3;
	v4 =	vand.u32 $0xFFFFFFE0, v61  }
0x108: {  	v3 =	vor.u32 v3, v4  }
0x109: {  	v4 =	vperm.xlane v3, v0;
	_ =	sdelay $0x1  }
0x10a: {  	v4 =	vadd.s32 v1, v4;
	_ =	sdelay $0x1  }
0x10b: {  	s1 =	sld [smem:$0x7FD];
	v3 =	vperm.xlane v3, v2;
	_ =	sdelay $0x1  }
0x10c: {  	v3 =	vadd.s32 v1, v3  }
0x10d: {  	[tilespmem:s1], [sflag:$0x1] =	stream.indirect_vreg.gather [hbm4b:s3+s2], $0x80, v4, vm0, $0xb8;
	[tilespmem:$0x1C200] =	vst v63  }
0x10e: {  	_ = 	snop  }
0x10f: {  	[tilespmem:s15], [sflag:$0x1] =	stream.indirect_vreg.gather [hbm4b:s4+s2], $0x80, v4, vm0, $0xb8;
	[tilespmem:$0x1C200] =	vst v63  }
0x110: {  	_ = 	snop  }
0x111: {  	[tilespmem:s16], [sflag:$0x1] =	stream.indirect_vreg.gather [hbm4b:s3+s2], $0x80, v3, vm0, $0xb8;
	[tilespmem:$0x1C200] =	vst v63  }
0x112: {  	_ = 	snop  }
0x113: {  	[tilespmem:s17], [sflag:$0x1] =	stream.indirect_vreg.gather [hbm4b:s4+s2], $0x80, v3, vm0, $0xb8;
	[tilespmem:$0x1C200] =	vst v63  }
0x114: {  	v3 =	vld [tilespmem:$0x1A0];
	_ =	sdelay $0x4  }
0x115: {  	v62 =	vshll.u32 v3, $0x2  }
0x116: {  	v3 =	vand.u32 $0x7, v3;
	v4 =	vand.u32 $0xFFFFFFE0, v62  }
0x117: {  	v3 =	vor.u32 v3, v4  }
0x118: {  	v4 =	vperm.xlane v3, v0;
	_ =	sdelay $0x1  }
0x119: {  	v4 =	vadd.s32 v1, v4;
	_ =	sdelay $0x1  }
0x11a: {  	v3 =	vperm.xlane v3, v2;
	_ =	sdelay $0x1  }
0x11b: {  	v3 =	vadd.s32 v1, v3  }
0x11c: {  	[tilespmem:s18], [sflag:$0x1] =	stream.indirect_vreg.gather [hbm4b:s3+s2], $0x80, v4, vm0, $0xb8;
	[tilespmem:$0x1C200] =	vst v63  }
0x11d: {  	_ = 	snop  }
0x11e: {  	[tilespmem:s19], [sflag:$0x1] =	stream.indirect_vreg.gather [hbm4b:s4+s2], $0x80, v4, vm0, $0xb8;
	[tilespmem:$0x1C200] =	vst v63  }
0x11f: {  	_ = 	snop  }
0x120: {  	[tilespmem:s20], [sflag:$0x1] =	stream.indirect_vreg.gather [hbm4b:s3+s2], $0x80, v3, vm0, $0xb8;
	[tilespmem:$0x1C200] =	vst v63  }
0x121: {  	_ = 	snop  }
0x122: {  	[tilespmem:s21], [sflag:$0x1] =	stream.indirect_vreg.gather [hbm4b:s4+s2], $0x80, v3, vm0, $0xb8;
	[tilespmem:$0x1C200] =	vst v63  }
0x123: {  	v3 =	vld.msk [tilespmem:$0x1B0], $0xff;
	_ =	sdelay $0x4  }
0x124: {  	v63 =	vshll.u32 v3, $0x2  }
0x125: {  	v3 =	vand.u32 $0x7, v3;
	v4 =	vand.u32 $0xFFFFFFE0, v63  }
0x126: {  	v3 =	vor.u32 v3, v4  }
0x127: {  	v3 =	vperm.xlane v3, v0;
	_ =	sdelay $0x1  }
0x128: {  	v3 =	vadd.s32 v1, v3;
	_ =	sdelay $0x4  }
0x129: {  	[tilespmem:s22], [sflag:$0x1] =	stream.indirect_vreg.gather [hbm4b:s3+s2], $0x80, v3, vm0, $0xb8;
	[tilespmem:$0x1C200] =	vst v63  }
0x12a: {  	_ = 	snop  }
0x12b: {  	[tilespmem:s23], [sflag:$0x1] =	stream.indirect_vreg.gather [hbm4b:s4+s2], $0x80, v3, vm0, $0xb8;
	[tilespmem:$0x1C200] =	vst v63  }
0x12c: {  	_ =	swait.ge [sflag:s24], $0x7000  }
0x12d: {  	[sflag:s24] =	ssyncset.done $0x0  }
0x12e: {  	[sflag:s24] =	ssyncadd.s32 $0xFFFF9000  }
0x12f: {  	_ =	swait.ge [sflag:s24], $0x7000  }
0x130: {  	[sflag:s24] =	ssyncset.done $0x0  }
0x131: {  	[sflag:s24] =	ssyncadd.s32 $0xFFFF9000  }
0x132: {  	_ =	swait.ge [sflag:s24], $0x7000  }
0x133: {  	[sflag:s24] =	ssyncset.done $0x0  }
0x134: {  	[sflag:s24] =	ssyncadd.s32 $0xFFFF9000  }
0x135: {  	_ =	swait.ge [sflag:s24], $0x7000  }
0x136: {  	s1 =	rddreg [dreg:$0x2];
	[sflag:s24] =	ssyncset.done $0x0  }
0x137: {  	[sflag:s24] =	ssyncadd.s32 $0xFFFF9000;
	s0 =	sadd.s32 s31, s1  }
0x138: {  	[hbm4b:s0+s2] =	stream.linear.scatter [tilespmem:s11], [sflag:$0x2], $0x7000, $0x38;
	[tilespmem:$0x1C200] =	vst v63  }
0x139: {  	_ =	swait.ge [sflag:s10], $0x7000  }
0x13a: {  	s1 =	rddreg [dreg:$0x3];
	[sflag:s10] =	ssyncset.done $0x0  }
0x13b: {  	[sflag:s10] =	ssyncadd.s32 $0xFFFF9000;
	s0 =	sadd.s32 s31, s1  }
0x13c: {  	[hbm4b:s0+s2] =	stream.linear.scatter [tilespmem:s12], [sflag:$0x2], $0x7000, $0x38;
	[tilespmem:$0x1C200] =	vst v63  }
0x13d: {  	_ =	swait.ge [sflag:s10], $0x7000  }
0x13e: {  	s1 =	rddreg [dreg:$0x4];
	[sflag:s10] =	ssyncset.done $0x0  }
0x13f: {  	[sflag:s10] =	ssyncadd.s32 $0xFFFF9000;
	s0 =	sadd.s32 s31, s1  }
0x140: {  	[hbm4b:s0+s2] =	stream.linear.scatter [tilespmem:s13], [sflag:$0x2], $0x7000, $0x38;
	[tilespmem:$0x1C200] =	vst v63  }
0x141: {  	_ =	swait.ge [sflag:s10], $0x7000  }
0x142: {  	p0 =	sne.s32 s31, $0x5400;
	s1 =	rddreg [dreg:$0x5];
	[sflag:s10] =	ssyncset.done $0x0  }
.Ltmp0:
0x143: {  	[sflag:s10] =	ssyncadd.s32 $0xFFFF9000;
	s0 =	sadd.s32 s31, s1;
	(pc) =	sbr.rel @p0 .LBB2_2-.Ltmp0, $4  }
0x144: {  	[hbm4b:s0+s2] =	stream.linear.scatter [tilespmem:s14], [sflag:$0x2], $0x7000, $0x38;
	[tilespmem:$0x1C200] =	vst v63  }
0x145: {  	s30 =	sadd.s32 $0x7, s30;
	_ =	swait.ge [sflag:s10], $0x7000  }
0x146: {  	s26 =	sadd.s32 $0x7, s26;
	s28 =	sadd.s32 $0x7, s28;
	[sflag:s10] =	ssyncset.done $0x0  }
0x147: {  	s29 =	sadd.s32 $0x7, s29;
	s31 =	sadd.s32 $0xE00, s31;
	[sflag:s10] =	ssyncadd.s32 $0xFFFF9000  }
0x148: {  	s25 =	sadd.s32 $0x1, s25  }
0x149: {  	p0 =	sne.s32 s25, s5  }
.Ltmp1:
0x14a: {  	_ = 	snop;
	(pc) =	sbr.rel @p0 .LBB2_1-.Ltmp1, $1  }
0x14b: {  	_ =	sdelay $0x3  }
0x14c: {  	_ =	sfence.sel $0x180000  }
0x14d: {  	[bflag:$0x0] =	sbarrier.arrive $0xFFFF  }
0x14e: {  	_ =	strace $0x90000053  }
0x14f: {  	s0 =	stileid.u32;
	[bflag:$0x2] =	sbarrier.arrive $0xFFFF  }
0x150: {  	p0 =	sne.s32 s0, $0x0;
	s0 =	rddreg [dreg:$0x1]  }
0x151: {  	s0 =	sadd.s32 @!p0 $0x100000, s0  }
0x152: {  	[sflag:s0] =	ssyncadd.tile.s32 @!p0 $0x1;
	_ =	shalt  }
.Lfunc_end2:
_tile_overlayer_lowered:
.L_overlay_start_2:
0x153: {  	(tag) =	ssettag $0x2  }
0x154: {  	s0 =	rddreg [dreg:$0x0];
	s2 =	stileid.u32  }
0x155: {  	s1 =	rddreg [dreg:$0x1];
	p0 =	sne.s32 s2, $0x0  }
0x156: {  	s3 =	rddreg [dreg:$0x2];
	[bflag:$0x3] =	sbarrier.arrive $0xFFFF;
	s2 =	simm.s32 @!p0 $0x1C02  }
0x157: {  	[timem:s3], [sflag:s2] =	dma.local @!p0 [hbm:s0], s1  }
0x158: {  	s0 =	simm.s32 @!p0 $0x2  }
0x159: {  	_ =	swait.ge @!p0 [sflag:s0], s1  }
0x15a: {  	s1 =	ssub.s32 @!p0 $0x0, s1;
	[sflag:s0] =	ssyncset.done @!p0 $0x0  }
0x15b: {  	[sflag:s0] =	ssyncadd.s32 @!p0 s1  }
0x15c: {  	[bflag:$0x3] =	sbarrier.arrive $0xFFFF  }
0x15d: {  	_ =	shalt  }

// kernel: sparse-core-data-format-call.1.cloned.1.call-start
scs
called_computation.1_lowered:
.L_overlay_start_0:
0x0: {  	s2 =	sld [smem:$0x3FD9]  }
0x1: {  	s3 =	sld [smem:$0x3FFE];
	_ =	sdelay $0x1  }
0x2: {  	s1 =	srdreg.scid  }
0x3: {  	s0 =	sand.u32 $0x1, s1  }
0x4: {  	s18 =	sshll.u32 s0, $0xA;
	s2 =	sadd.s32 s3, s2  }
0x5: {  	s2 =	sadd.s32 s2, s18  }
0x6: {  	[smem:$0x3FBD] =	sst s2  }
0x7: {  	_ = 	snop  }
0x8: {  	s2 =	sld [smem:$0x3FD0];
	(tm) =	ssettm $0x1  }
0x9: {  	s19 =	sld [smem:$0x3FFB];
	_ =	sdelay $0x3  }
0xa: {  	_ =	strace s19  }
0xb: {  	s3 =	sld [smem:$0x3FFC];
	_ =	sdelay $0x3  }
0xc: {  	_ =	strace s3  }
0xd: {  	s3 =	sld [smem:$0x3FFD];
	_ =	sdelay $0x3  }
0xe: {  	_ =	strace s3  }
0xf: {  	_ =	strace $0x8FFFFFFF  }
0x10: {  	s20 =	sld [smem:$0x3FDB];
	_ =	sdelay $0x1  }
0x11: {  	s4 =	simm.s32 $_scs_section_size  }
0x12: {  	s5 =	simm.s32 $_size__tile_overlayer_lowered;
	s6 =	simm.s32 $_tile_overlayer_lowered  }
0x13: {  	s23 =	simm.s32 $0x1BFF;
	s22 =	sshll.u32 s6, $0x1;
	s3 =	sadd.s32 s4, s20  }
0x14: {  	s7 =	simm.s32 $0x0;
	s21 =	sshll.u32 s5, $0x1;
	s5 =	sadd.s32 s22, s3  }
0x15: {  	[timem:s7], [sflag:s23] =	dma.local [hbm:s5], s21  }
0x16: {  	_ =	swait.ge [sflag:s23], s21  }
0x17: {  	s4 =	ssub.s32 $0x0, s21;
	[sflag:s23] =	ssyncset.done $0x0  }
0x18: {  	[sflag:s23] =	ssyncadd.s32 s4;
	_ =	sdelay $0x1  }
0x19: {  	s24 =	simm.s32 $0x1B8B  }
0x1a: {  	_ =	swait.ge [sflag:s24], $0x1  }
0x1b: {  	[sflag:s24] =	ssyncset.done $0x0  }
0x1c: {  	s26 =	simm.s32 $0x1B8E;
	s25 =	sld [smem:$0x3FFE];
	[sflag:s24] =	ssyncadd.s32 $0xFFFFFFFF  }
0x1d: {  	s27 =	simm.s32 $execute0_lowered;
	[smem:$0x3FD2] =	sst s26  }
0x1e: {  	s5 =	sshll.u32 s27, $0x1;
	_ =	strace $0x80000055;
	[dreg:$0x1] =	wrdreg $0xFFFFFFFF  }
0x1f: {  	s28 =	simm.s32 $_size_execute0_lowered;
	s3 =	sadd.s32 s3, s5;
	[dreg:$0x0] =	wrdreg $0x0  }
0x20: {  	s5 =	sshll.u32 s28, $0x1;
	[dreg:$0x2] =	wrdreg s3  }
0x21: {  	[dreg:$0x3] =	wrdreg s5  }
0x22: {  	[dreg:$0x4] =	wrdreg $0xC0  }
0x23: {  	_ =	task [dreg:s7], $0x5FFFF  }
0x24: {  	[dreg:$0x1] =	wrdreg $0xFFFFFFFF  }
0x25: {  	[dreg:$0x0] =	wrdreg $0x60  }
0x26: {  	[dreg:$0x2] =	wrdreg s2  }
0x27: {  	[dreg:$0x3] =	wrdreg s25  }
0x28: {  	[dreg:$0x4] =	wrdreg $0x9  }
0x29: {  	_ =	task.clear_ibuf [dreg:s7], $0x5FFFF;
	_ =	strace $0x90000055  }
0x2a: {  	s29 =	simm.s32 $0x9;
	_ =	strace $0x80000057  }
0x2b: {  	_ =	swait.ge [sflag:s29], $0x1  }
0x2c: {  	[sflag:s29] =	ssyncadd.s32 $0xFFFFFFFF  }
0x2d: {  	_ =	strace $0x90000057  }
0x2e: {  	_ =	sfence  }
0x2f: {  	s30 =	sld [smem:$0x0];
	_ =	sdelay $0x2  }
0x30: {  	s31 =	sshll.u32 s1, $0xD;
	s1 =	sshrl.u32 s1, $0x2  }
0x31: {  	s3 =	sand.u32 $0x4000, s31;
	s1 =	sadd.s32 s1, s30  }
0x32: {  	s0 =	sor.u32 s3, s0;
	s1 =	sshll.u32 s1, $0x11  }
0x33: {  	s0 =	sor.u32 s1, s0  }
0x34: {  	s0 =	sadd.s32 $0x8F2B, s0  }
0x35: {  	[sflag:s0] =	ssyncadd.remote.s32 $0x1  }
0x36: {  	_ =	sfence.sel $0xFFFF  }
0x37: {  	[dreg:$0x0] =	wrdreg $0xFFFFFFFF;
	(pc) =	sbr.abs _section_cstart, $3  }
0x38: {  	[dreg:$0x1] =	wrdreg $0xFFFFFFFF  }
0x39: {  	_ =	task.clear_ibuf [dreg:s7], $0x2FFFF;
	_ =	strace $0x9FFFFFFF  }
0x3a: {  	(tm) =	ssettm $0x7FFFFFFF  }
0x3b: {  	_ =	shalt  }
tec
execute0_lowered:
.L_overlay_start_1:
0x0: {  	(tag) =	ssettag $0x1  }
0x1: {  	s5 =	stileid.u32;
	s23 =	rddreg [dreg:$0x1]  }
0x2: {  	s4 =	srdreg.scid;
	_ =	strace $0x80000056;
	s26 =	simm.s32 $0x1  }
0x3: {  	s31 =	simm.s32 $0x2;
	s28 =	simm.s32 $0x0;
	p0 =	por $0x0, $0x0  }
0x4: {  	s27 =	simm.s32 $0x0;
	s29 =	simm.s32 $0x0;
	s30 =	simm.s32 $0x0  }
0x5: {  	s15 =	simm.s32 $0x0;
	s16 =	simm.s32 $0x0;
	s17 =	simm.s32 $0x0  }
0x6: {  	s9 =	sand.u32 $0x1, s5;
	s0 =	sshrl.u32 s5, $0x1;
	s18 =	sshrl.u32 s5, $0x2  }
0x7: {  	s24 =	sshll.u32 s4, $0x4;
	[sflag:s26] =	ssyncpa.u1 $0x0;
	s26 =	simm.s32 $0x0  }
0x8: {  	s10 =	sand.u32 $0x1, s0;
	s1 =	ssub.s32 $0x2, s9;
	s11 =	sand.u32 $0x1, s18  }
0x9: {  	s25 =	sand.u32 $0x10, s24;
	[sflag:s31] =	ssyncpa.u1 $0x0;
	s18 =	simm.s32 $0x0  }
0xa: {  	[dreg:$0x3] =	wrdreg s9;
	s19 =	sshrl.u32 s1, $0x1;
	s2 =	ssub.s32 $0x2, s10  }
0xb: {  	s1 =	sand.u32 $0x1, s1;
	s3 =	sshrl.u32 s2, $0x1;
	s2 =	sand.u32 $0x1, s2  }
0xc: {  	s21 =	ssub.s32 $0x2, s11;
	s0 =	sadd.s32 s1, s19;
	s20 =	sadd.s32 s2, s3  }
0xd: {  	s22 =	sshrl.u32 s21, $0x1;
	s2 =	sand.u32 $0x1, s21;
	s0 =	smul.u32 s20, s0  }
0xe: {  	s24 =	smov.u32 s9;
	[dreg:$0x4] =	wrdreg s10;
	s2 =	sadd.s32 s2, s22  }
0xf: {  	[dreg:$0x5] =	wrdreg s11;
	s1 =	sadd.s32 $0x4000, s23;
	s0 =	smul.u32 s2, s0  }
.Ltmp0:
0x10: {  	[dreg:$0x6] =	wrdreg s1;
	s1 =	sor.u32 s5, s25;
	(pc) =	sbr.rel .LBB1_1-.Ltmp0, $4  }
0x11: {  	s19 =	simm.s32 $0x0;
	s13 =	sshrl.u32 s1, $0x3;
	s12 =	smul.u32 $0x1C, s0  }
0x12: {  	s23 =	smov.u32 s10;
	s21 =	simm.s32 $0x0;
	[dreg:$0x8] =	wrdreg s13  }
0x13: {  	s25 =	simm.s32 $0x0;
	s14 =	sor.u32 $0x1, s12;
	[dreg:$0x7] =	wrdreg s12  }
0x14: {  	s22 =	smov.u32 s11;
	s20 =	smov.u32 s13;
	[dreg:$0x9] =	wrdreg s14  }
.LBB1_21:
0x15: {  	s16 =	rddreg [dreg:$0xb]  }
0x16: {  	s1 =	rddreg [dreg:$0x1a]  }
0x17: {  	s20 =	rddreg [dreg:$0x1b]  }
0x18: {  	s21 =	rddreg [dreg:$0x1c]  }
0x19: {  	s22 =	rddreg [dreg:$0x1d]  }
0x1a: {  	s19 =	rddreg [dreg:$0xe]  }
0x1b: {  	s18 =	rddreg [dreg:$0xd]  }
0x1c: {  	s17 =	rddreg [dreg:$0xc]  }
0x1d: {  	s5 =	rddreg [dreg:$0x6]  }
0x1e: {  	s15 =	rddreg [dreg:$0xa]  }
0x1f: {  	s9 =	rddreg [dreg:$0x3]  }
0x20: {  	s10 =	rddreg [dreg:$0x4]  }
0x21: {  	s11 =	rddreg [dreg:$0x5]  }
0x22: {  	s12 =	rddreg [dreg:$0x7]  }
0x23: {  	s13 =	rddreg [dreg:$0x8]  }
0x24: {  	s14 =	rddreg [dreg:$0x9]  }
0x25: {  	s27 =	rddreg [dreg:$0x16]  }
0x26: {  	s31 =	simm.s32 $0x100;
	s28 =	rddreg [dreg:$0x17]  }
0x27: {  	s29 =	rddreg [dreg:$0x18];
	p1 =	sgt.s32 s16, $0x0;
	s0 =	smov.u32 s16  }
0x28: {  	s30 =	rddreg [dreg:$0x19];
	s2 =	smul.u32 $0xC4000, s19;
	s0 =	simm.s32 @!p1 $0x0  }
0x29: {  	s3 =	smul.u32 $0xE00, s18;
	s4 =	sshll.u32 s17, $0x4;
	s0 =	sadd.s32 s0, s1  }
0x2a: {  	s23 =	smul.u32 $0x1C00, s15;
	p1 =	sgt.s32 s0, $0x7F;
	s0 =	ssub.s32 $0x80, s0  }
0x2b: {  	s24 =	sshrl.u32 s16, $0x3;
	s25 =	sand.u32 $0x7, s16;
	s0 =	simm.s32 @p1 $0x0  }
0x2c: {  	s4 =	sand.u32 $0x10, s4;
	s2 =	sadd.s32 s5, s2;
	s0 =	smul.u32 s0, s20  }
0x2d: {  	s1 =	smul.u32 $0x4080, s22;
	s22 =	rddreg [dreg:$0x11];
	s2 =	sadd.s32 s3, s2  }
0x2e: {  	s3 =	sand.u32 $0xF, s24;
	s24 =	rddreg [dreg:$0x13];
	s0 =	smul.u32 s21, s0  }
0x2f: {  	s2 =	sadd.s32 s4, s2;
	s4 =	sshll.u32 s25, $0x12;
	s25 =	rddreg [dreg:$0x14]  }
0x30: {  	s1 =	sor.u32 $0x8000, s1;
	s20 =	rddreg [dreg:$0xf];
	s0 =	smul.u32 $0x70, s0  }
0x31: {  	s2 =	sadd.s32 s23, s2;
	s26 =	sor.u32 $0x80, s4;
	s23 =	rddreg [dreg:$0x12]  }
0x32: {  	s2 =	sadd.s32 s3, s2;
	s21 =	rddreg [dreg:$0x10];
	s0 =	sand.u32 $0x3FFFFFF0, s0  }
0x33: {  	[hbm4b:s2+s26] =	stream.strided.scatter [tilespmem:s1], [sflag:$0x2], s0, s31, s26, $0x20;
	[tilespmem:$0x10100] =	vst v63  }
0x34: {  	s26 =	rddreg [dreg:$0x15]  }
.LBB1_22:
0x35: {  	p1 =	slt.u32 s25, $0x2;
	s0 =	smov.u32 s30;
	s2 =	smov.u32 s28  }
0x36: {  	s4 =	smov.u32 s27;
	s5 =	smov.u32 s21;
	s6 =	sadd.s32 $0x2, s24  }
0x37: {  	s7 =	smov.u32 s24;
	p0 =	por !p0, !p0;
	p2 =	sgt.s32 @!p1 s30, $0x1  }
0x38: {  	s1 =	sshra.s32 @!p1 s30, $0x1F;
	s3 =	sshra.s32 @!p1 s28, $0x1F;
	p4 =	sgt.s32 @!p1 s29, $0x1  }
0x39: {  	p2 =	por !p2, p1;
	s1 =	sand.u32 @!p1 s1, s30;
	p4 =	por !p4, p1  }
0x3a: {  	s30 =	smov.u32 s19;
	s0 =	simm.s32 @p2 $0x1;
	p2 =	sgt.s32 @!p1 s28, $0x6F  }
0x3b: {  	s19 =	smov.u32 s24;
	s1 =	sxor.u32 @!p1 $0xFFFFFFFF, s1;
	p2 =	por !p2, p1  }
0x3c: {  	s0 =	sadd.s32 @!p1 s1, s0;
	s1 =	sand.u32 @!p1 s3, s28;
	s3 =	sshra.s32 @!p1 s29, $0x1F  }
0x3d: {  	s2 =	simm.s32 @p2 $0x6F;
	p3 =	sgt.s32 @!p1 s0, $0x0;
	s3 =	sand.u32 @!p1 s3, s29  }
0x3e: {  	s0 =	ssub.s32 @!p1 $0x1, s0;
	s1 =	ssub.s32 @!p1 s2, s1;
	s3 =	sxor.u32 @!p1 $0xFFFFFFFF, s3  }
0x3f: {  	s0 =	smul.u32 @!p1 $0x70, s0;
	p3 =	por !p3, p1;
	s2 =	sadd.s32 @!p1 $0xFFFFFF91, s1  }
0x40: {  	s1 =	ssub.s32 @!p1 $0x70, s1;
	p2 =	sgt.s32 @!p1 s2, $0x0;
	s2 =	smov.u32 s29  }
0x41: {  	s0 =	simm.s32 @!p3 $0x0;
	s2 =	simm.s32 @p4 $0x1;
	p4 =	sgt.s32 @!p1 s27, $0x1  }
0x42: {  	s2 =	sadd.s32 @!p1 s3, s2;
	s3 =	sshra.s32 @!p1 s27, $0x1F;
	p4 =	por !p4, p1  }
0x43: {  	p5 =	sgt.s32 @!p1 s2, $0x0;
	s3 =	sand.u32 @!p1 s3, s27;
	s2 =	ssub.s32 @!p1 $0x1, s2  }
0x44: {  	s4 =	simm.s32 @p4 $0x1;
	s3 =	sxor.u32 @!p1 $0xFFFFFFFF, s3;
	p4 =	por !p5, p1  }
0x45: {  	p2 =	por !p2, p1;
	s3 =	sadd.s32 @!p1 s3, s4;
	s2 =	simm.s32 @!p4 $0x0  }
0x46: {  	s4 =	ssub.s32 @!p1 $0x0, s26;
	p4 =	sgt.s32 @!p1 s3, $0x0;
	s3 =	ssub.s32 @!p1 $0x1, s3  }
0x47: {  	s4 =	smin.u32 @!p1 s26, s4;
	s0 =	smul.u32 @!p1 s2, s0;
	p3 =	por !p4, p1  }
0x48: {  	s2 =	ssub.s32 @!p1 $0x80, s4;
	s3 =	simm.s32 @!p3 $0x0;
	p3 =	sgt.s32 @!p1 s4, $0x7F  }
0x49: {  	p3 =	por !p3, p1;
	s0 =	smul.u32 @!p1 s3, s0;
	s3 =	sadd.s32 $0x4, s20  }
0x4a: {  	s4 =	sadd.s32 $0x80, s21;
	s2 =	simm.s32 @!p3 $0x0;
	p3 =	sgt.s32 s3, $0x6F  }
0x4b: {  	s1 =	simm.s32 @!p2 $0x0;
	s0 =	smul.u32 @!p1 s2, s0;
	s5 =	smov.u32 @p3 s4  }
0x4c: {  	s2 =	sadd.s32 $0x2, s22;
	s4 =	smov.u32 s22;
	p2 =	sgt.s32 s5, $0x5F  }
0x4d: {  	s28 =	smov.u32 s15;
	s0 =	smul.u32 @!p1 s1, s0;
	s4 =	smov.u32 @p2 s2  }
0x4e: {  	s1 =	sadd.s32 $0x2, s23;
	s2 =	smov.u32 s23;
	p4 =	sgt.s32 s4, $0x1  }
0x4f: {  	s15 =	smov.u32 s20;
	s29 =	smov.u32 s18;
	s2 =	smov.u32 @p4 s1  }
0x50: {  	s18 =	smov.u32 s23;
	s27 =	smov.u32 s17;
	p5 =	sgt.s32 s2, $0x1  }
0x51: {  	s17 =	smov.u32 s22;
	s26 =	smov.u32 s16;
	s7 =	smov.u32 @p5 s6  }
0x52: {  	s16 =	smov.u32 s21;
	s5 =	simm.s32 @p2 $0x0;
	p2 =	sgt.s32 s7, $0x1  }
0x53: {  	s3 =	smov.u32 @p3 s13;
	s7 =	smov.u32 @p2 s9;
	p2 =	sne.s32 s25, s14  }
.Ltmp1:
0x54: {  	s0 =	sand.u32 @!p1 $0x3FFFFFF0, s0;
	s1 =	simm.s32 @!p1 $0x2;
	(pc) =	sbr.rel @!p2 .LBB1_23-.Ltmp1, $4  }
0x55: {  	s20 =	smov.u32 s3;
	s21 =	smov.u32 s5;
	_ =	swait.ge @!p1 [sflag:s1], s0  }
0x56: {  	s4 =	smov.u32 @p4 s11;
	s0 =	ssub.s32 @!p1 $0x0, s0;
	[sflag:s1] =	ssyncset.done @!p1 $0x0  }
0x57: {  	s22 =	smov.u32 s4;
	s2 =	smov.u32 @p5 s10;
	[sflag:s1] =	ssyncadd.s32 @!p1 s0  }
0x58: {  	s23 =	smov.u32 s2;
	s25 =	sadd.s32 $0x1, s25;
	s24 =	smov.u32 s7  }
.LBB1_1:
0x59: {  	p1 =	sge.u32 s25, s12  }
.Ltmp2:
0x5a: {  	_ = 	snop;
	(pc) =	sbr.rel @p1 .LBB1_3-.Ltmp2, $1  }
0x5b: {  	_ =	sdelay $0x3  }
0x5c: {  	s0 =	sand.u32 $0x1FFFFFF, s20;
	p1 =	sgt.s32 s24, $0x1;
	s2 =	smov.u32 s24  }
0x5d: {  	s3 =	sshra.s32 s24, $0x1F;
	s4 =	sshra.s32 s23, $0x1F;
	s5 =	smov.u32 s23  }
0x5e: {  	s8 =	sshra.s32 s22, $0x1F;
	p2 =	sgt.s32 s22, $0x1;
	s6 =	sshra.s32 s21, $0x1F  }
0x5f: {  	s31 =	sshra.s32 s20, $0x1F;
	s1 =	smulhi.u32 $0x2492493, s0;
	s2 =	simm.s32 @!p1 $0x1  }
0x60: {  	s3 =	sand.u32 s3, s24;
	p1 =	sgt.s32 s23, $0x1;
	s4 =	sand.u32 s4, s23  }
0x61: {  	s6 =	sand.u32 s6, s21;
	s3 =	sxor.u32 $0xFFFFFFFF, s3;
	s5 =	simm.s32 @!p1 $0x1  }
0x62: {  	s4 =	sxor.u32 $0xFFFFFFFF, s4;
	s1 =	smul.u32 $0x70, s1;
	s2 =	sadd.s32 s3, s2  }
0x63: {  	s7 =	sadd.s32 s4, s5;
	s5 =	smov.u32 s22;
	s4 =	sand.u32 s8, s22  }
0x64: {  	p1 =	sgt.s32 s7, $0x0;
	s3 =	ssub.s32 $0x1, s7;
	s5 =	simm.s32 @!p2 $0x1  }
0x65: {  	s4 =	sxor.u32 $0xFFFFFFFF, s4;
	p2 =	sgt.s32 s2, $0x0;
	s2 =	sshll.u32 s2, $0x7  }
0x66: {  	s7 =	sand.u32 s31, s20;
	s31 =	smul.u32 $0x54000, s23;
	s3 =	simm.s32 @p1 $0x0  }
0x67: {  	s4 =	sadd.s32 s4, s5;
	p1 =	sgt.s32 s21, $0xFFFFFFE0;
	s5 =	smov.u32 s21  }
0x68: {  	s2 =	ssub.s32 $0x80, s2;
	s5 =	simm.s32 @!p1 $0xFFFFFFE0;
	p1 =	sgt.s32 s4, $0x0  }
0x69: {  	s2 =	simm.s32 @p2 $0x0;
	s4 =	ssub.s32 $0x1, s4;
	p2 =	sgt.s32 s20, $0x6F  }
0x6a: {  	s5 =	ssub.s32 s5, s6;
	s2 =	smul.u32 s3, s2;
	s4 =	simm.s32 @p1 $0x0  }
0x6b: {  	s6 =	sadd.s32 $0x20, s5;
	s3 =	ssub.s32 $0x60, s5;
	s5 =	smov.u32 s20  }
0x6c: {  	s2 =	smul.u32 s4, s2;
	s5 =	simm.s32 @!p2 $0x6F  }
0x6d: {  	p1 =	sgt.s32 s6, $0x7F;
	s4 =	ssub.s32 s5, s7;
	s5 =	smul.u32 $0xA8000, s24  }
0x6e: {  	s3 =	simm.s32 @p1 $0x0;
	s7 =	smul.u32 $0x2A000, s22  }
0x6f: {  	s0 =	ssub.s32 s0, s1;
	s2 =	smul.u32 s3, s2;
	s8 =	sadd.s32 $0xFFFFFF91, s4  }
0x70: {  	s4 =	ssub.s32 $0x70, s4;
	p1 =	sgt.s32 s8, $0x0;
	s8 =	rddreg [dreg:$0x0]  }
0x71: {  	s5 =	sadd.s32 s8, s5;
	s4 =	simm.s32 @p1 $0x0;
	s8 =	smul.u32 $0x700, s21  }
0x72: {  	s6 =	sxor.u32 $0xFFFFFFFF, s25;
	s3 =	sadd.s32 s31, s5;
	s31 =	smul.u32 s4, s2  }
0x73: {  	s0 =	sshll.u32 s0, $0x4;
	s4 =	sadd.s32 s7, s3;
	s7 =	sshll.u32 s6, $0xE  }
0x74: {  	s2 =	sadd.s32 s8, s4;
	s3 =	sand.u32 $0x4000, s7;
	s1 =	sand.u32 $0x3FFFFF80, s31  }
0x75: {  	s8 =	simm.s32 $0x80;
	s31 =	simm.s32 $0x3800;
	s0 =	sadd.s32 s0, s2  }
0x76: {  	[tilespmem:s3], [sflag:$0x1] =	stream.strided.gather [hbm4b:s0+s8], s1, s31, s8, $0x38;
	[tilespmem:$0x10100] =	vst v63  }
.LBB1_3:
0x77: {  	s0 =	sadd.s32 $0xFFFFFFFF, s25  }
0x78: {  	p1 =	sge.u32 s0, s12  }
.Ltmp3:
0x79: {  	_ = 	snop;
	(pc) =	sbr.rel @p1 .LBB1_22-.Ltmp3, $1  }
0x7a: {  	_ =	sdelay $0x3  }
0x7b: {  	[dreg:$0x19] =	wrdreg s30  }
0x7c: {  	[dreg:$0x18] =	wrdreg s29  }
0x7d: {  	[dreg:$0x17] =	wrdreg s28  }
0x7e: {  	[dreg:$0x16] =	wrdreg s27  }
0x7f: {  	[dreg:$0x15] =	wrdreg s26  }
0x80: {  	[dreg:$0x13] =	wrdreg s24  }
0x81: {  	[dreg:$0x12] =	wrdreg s23  }
0x82: {  	[dreg:$0x11] =	wrdreg s22  }
0x83: {  	[dreg:$0x10] =	wrdreg s21  }
0x84: {  	[dreg:$0xf] =	wrdreg s20;
	s0 =	sshra.s32 s19, $0x1F;
	p1 =	sgt.s32 s19, $0x1  }
0x85: {  	s1 =	smov.u32 s19;
	p2 =	sgt.s32 s18, $0x1;
	s2 =	sshra.s32 s18, $0x1F  }
0x86: {  	[dreg:$0xd] =	wrdreg s18;
	s3 =	smov.u32 s17;
	s4 =	sshra.s32 s17, $0x1F  }
0x87: {  	s23 =	ssub.s32 $0x0, s16;
	s5 =	sshra.s32 s16, $0x1F;
	s26 =	sshra.s32 s15, $0x1F  }
0x88: {  	s0 =	sand.u32 s0, s19;
	s1 =	simm.s32 @!p1 $0x1;
	s2 =	sand.u32 s2, s18  }
0x89: {  	s22 =	sand.u32 s4, s17;
	s4 =	sand.u32 s23, s5;
	s0 =	sxor.u32 $0xFFFFFFFF, s0  }
0x8a: {  	s2 =	sxor.u32 $0xFFFFFFFF, s2;
	s0 =	sadd.s32 s0, s1;
	s1 =	smov.u32 s18  }
0x8b: {  	p1 =	sgt.s32 s0, $0x0;
	s0 =	ssub.s32 $0x1, s0;
	s1 =	simm.s32 @!p2 $0x1  }
0x8c: {  	s0 =	simm.s32 @p1 $0x0;
	p1 =	sgt.s32 s17, $0x1;
	s1 =	sadd.s32 s2, s1  }
0x8d: {  	s3 =	simm.s32 @!p1 $0x1;
	p1 =	sgt.s32 s1, $0x0;
	s1 =	ssub.s32 $0x1, s1  }
0x8e: {  	s27 =	sand.u32 s26, s15;
	s2 =	sxor.u32 $0xFFFFFFFF, s22;
	s1 =	simm.s32 @p1 $0x0  }
0x8f: {  	s2 =	sadd.s32 s2, s3;
	p1 =	sgt.s32 s16, $0xFFFFFFE0;
	s3 =	smov.u32 s16  }
0x90: {  	s3 =	simm.s32 @!p1 $0xFFFFFFE0;
	p1 =	sgt.s32 s2, $0x0;
	s2 =	ssub.s32 $0x1, s2  }
0x91: {  	[dreg:$0x1a] =	wrdreg s4;
	s0 =	smul.u32 s0, s1;
	s2 =	simm.s32 @p1 $0x0  }
0x92: {  	s24 =	sadd.s32 s4, s3;
	p1 =	sgt.s32 s15, $0x6F;
	s4 =	smov.u32 s15  }
0x93: {  	s3 =	sadd.s32 $0x20, s24;
	s4 =	simm.s32 @!p1 $0x6F;
	s1 =	ssub.s32 $0x60, s24  }
0x94: {  	s2 =	smul.u32 s2, s0;
	p1 =	sgt.s32 s3, $0x7F;
	s3 =	ssub.s32 s4, s27  }
0x95: {  	s1 =	simm.s32 @p1 $0x0;
	s28 =	sadd.s32 $0xFFFFFF91, s3;
	s3 =	ssub.s32 $0x70, s3  }
0x96: {  	p1 =	sgt.s32 s28, $0x0;
	s29 =	smul.u32 s1, s2;
	s1 =	sadd.s32 $0x1, s19  }
0x97: {  	[dreg:$0xc] =	wrdreg s17;
	s3 =	simm.s32 @p1 $0x0;
	p1 =	slt.s32 s1, $0x2  }
0x98: {  	[dreg:$0xb] =	wrdreg s16;
	s0 =	smul.u32 s3, s29;
	s1 =	simm.s32 @!p1 $0x2  }
0x99: {  	[dreg:$0xa] =	wrdreg s15;
	s30 =	simm.s32 $0x1;
	s1 =	ssub.s32 s1, s19  }
0x9a: {  	[dreg:$0x1b] =	wrdreg s2;
	s0 =	sshll.u32 s0, $0x7;
	p1 =	slt.s32 s1, $0x1  }
.Ltmp4:
0x9b: {  	[dreg:$0x1c] =	wrdreg s3;
	s0 =	sand.u32 $0x3FFFFF80, s0;
	(pc) =	sbr.rel @p1 .LBB1_21-.Ltmp4, $4  }
0x9c: {  	_ =	swait.ge [sflag:s30], s0;
	[dreg:$0xe] =	wrdreg s19  }
0x9d: {  	s31 =	sand.u32 $0x1, s25;
	[dreg:$0x1e] =	wrdreg s1  }
0x9e: {  	s0 =	ssub.s32 $0x0, s0;
	[dreg:$0x14] =	wrdreg s25;
	[sflag:s30] =	ssyncset.done $0x0  }
0x9f: {  	[dreg:$0x1d] =	wrdreg s31;
	[sflag:s30] =	ssyncadd.s32 s0  }
0xa0: {  	s8 =	rddreg [dreg:$0xd]  }
0xa1: {  	s0 =	simm.s32 $0x1;
	s7 =	rddreg [dreg:$0xc]  }
0xa2: {  	s6 =	rddreg [dreg:$0xb];
	s0 =	simm.s32 @!p0 $0x0  }
0xa3: {  	s5 =	rddreg [dreg:$0xa];
	s0 =	smul.u32 $0x10200, s0  }
0xa4: {  	s30 =	rddreg [dreg:$0x1d];
	s31 =	simm.s32 $0x0  }
0xa5: {  	s3 =	sadd.s32 $0x80, s6;
	s4 =	sadd.s32 $0x1, s5;
	s0 =	sshrl.u32 s0, $0x2  }
0xa6: {  	[smem:$0x7FD] =	sst s31;
	p2 =	slt.s32 s3, $0x60;
	s1 =	sor.u32 $0x8000, s0  }
0xa7: {  	s3 =	simm.s32 @!p2 $0x60;
	s26 =	sadd.s32 $0x8810, s0;
	[dreg:$0x1f] =	wrdreg s1  }
0xa8: {  	s3 =	ssub.s32 s3, s6;
	s27 =	sadd.s32 $0x9020, s0;
	[smem:$0x7F4] =	sst s26  }
0xa9: {  	s28 =	sadd.s32 $0x9830, s0;
	s2 =	sadd.s32 $0xA040, s0;
	[smem:$0x7F5] =	sst s27  }
0xaa: {  	s29 =	sadd.s32 $0xA850, s0;
	p5 =	slt.s32 s3, $0x1;
	[smem:$0x7F6] =	sst s28  }
0xab: {  	s0 =	sadd.s32 $0xB060, s0;
	s1 =	sadd.s32 $0x1, s8;
	[smem:$0x7F7] =	sst s2  }
0xac: {  	[smem:$0x7F8] =	sst s29;
	s2 =	sadd.s32 $0x1, s7;
	p1 =	slt.s32 s1, $0x2  }
0xad: {  	[smem:$0x7FA] =	sst s0;
	s1 =	simm.s32 @!p1 $0x2;
	p1 =	slt.s32 s2, $0x2  }
0xae: {  	s0 =	sshll.u32 s30, $0xE;
	s2 =	simm.s32 @!p1 $0x2;
	p1 =	slt.s32 s4, $0x70  }
.Ltmp5:
0xaf: {  	s2 =	ssub.s32 s2, s7;
	s4 =	simm.s32 @!p1 $0x70;
	(pc) =	sbr.rel .LBB1_6-.Ltmp5, $4  }
0xb0: {  	[smem:$0x7FC] =	sst s0;
	s4 =	ssub.s32 s4, s5;
	p4 =	slt.s32 s2, $0x1  }
0xb1: {  	s1 =	ssub.s32 s1, s8;
	p3 =	slt.s32 s4, $0x1;
	p1 =	por p4, p5  }
0xb2: {  	[smem:$0x7FB] =	sst s1;
	p6 =	slt.s32 s1, $0x1;
	p1 =	por p1, p3  }
0xb3: {  	[smem:$0x7F9] =	sst s2;
	p1 =	por p6, p1  }
.LBB1_20:
0xb4: {  	s1 =	sld [smem:$0x7FD]  }
0xb5: {  	s0 =	rddreg [dreg:$0x1f]  }
0xb6: {  	s25 =	sld [smem:$0x7F4]  }
0xb7: {  	s26 =	sld [smem:$0x7F5]  }
0xb8: {  	s27 =	sld [smem:$0x7F6]  }
0xb9: {  	s28 =	rddreg [dreg:$0x1e]  }
0xba: {  	s29 =	sld [smem:$0x7F7]  }
0xbb: {  	s30 =	sld [smem:$0x7F8]  }
0xbc: {  	s31 =	sld [smem:$0x7FA];
	s0 =	sadd.s32 $0x4080, s0  }
0xbd: {  	[dreg:$0x1f] =	wrdreg s0;
	s0 =	sadd.s32 $0x4080, s25  }
0xbe: {  	s1 =	sadd.s32 $0x1, s1;
	[smem:$0x7F4] =	sst s0  }
0xbf: {  	s0 =	sadd.s32 $0x4080, s26;
	[smem:$0x7FD] =	sst s1;
	p2 =	sne.s32 s1, s28  }
.Ltmp6:
0xc0: {  	[smem:$0x7F5] =	sst s0;
	s0 =	sadd.s32 $0x4080, s27;
	(pc) =	sbr.rel @!p2 .LBB1_21-.Ltmp6, $4  }
0xc1: {  	[smem:$0x7F6] =	sst s0;
	s0 =	sadd.s32 $0x4080, s29  }
0xc2: {  	[smem:$0x7F7] =	sst s0;
	s0 =	sadd.s32 $0x4080, s30  }
0xc3: {  	[smem:$0x7F8] =	sst s0;
	s0 =	sadd.s32 $0x4080, s31  }
0xc4: {  	[smem:$0x7FA] =	sst s0  }
.LBB1_6:
.Ltmp7:
0xc5: {  	(pc) =	sbr.rel @p1 .LBB1_20-.Ltmp7, $1  }
0xc6: {  	_ =	sdelay $0x3  }
0xc7: {  	s0 =	sld [smem:$0x7FA]  }
0xc8: {  	s31 =	sld [smem:$0x7F8]  }
0xc9: {  	s7 =	sld [smem:$0x7F7]  }
0xca: {  	s6 =	sld [smem:$0x7F6]  }
.Ltmp8:
0xcb: {  	s13 =	sld [smem:$0x7F5];
	(pc) =	sbr.rel .LBB1_8-.Ltmp8, $4  }
0xcc: {  	s12 =	sld [smem:$0x7F4]  }
0xcd: {  	s11 =	rddreg [dreg:$0x1f]  }
0xce: {  	[smem:$0x7F2] =	sst s0  }
0xcf: {  	s1 =	simm.s32 $0x0;
	[smem:$0x7F3] =	sst s31  }
.LBB1_19:
0xd0: {  	s1 =	sld [smem:$0x7F0]  }
0xd1: {  	s0 =	sld [smem:$0x7FB];
	_ =	sdelay $0x1  }
0xd2: {  	s1 =	sadd.s32 $0x1, s1  }
0xd3: {  	s30 =	sld [smem:$0x7F3];
	p2 =	sne.s32 s1, s0  }
.Ltmp9:
0xd4: {  	s31 =	sld [smem:$0x7F2];
	(pc) =	sbr.rel @!p2 .LBB1_20-.Ltmp9, $4  }
0xd5: {  	_ = 	snop  }
0xd6: {  	s11 =	sadd.s32 $0x4080, s11;
	s12 =	sadd.s32 $0x4080, s12;
	s0 =	sadd.s32 $0x4080, s30  }
0xd7: {  	s13 =	sadd.s32 $0x4080, s13;
	[smem:$0x7F3] =	sst s0;
	s0 =	sadd.s32 $0x4080, s31  }
0xd8: {  	s6 =	sadd.s32 $0x4080, s6;
	s7 =	sadd.s32 $0x4080, s7;
	[smem:$0x7F2] =	sst s0  }
.LBB1_8:
.Ltmp10:
0xd9: {  	s0 =	sld [smem:$0x7FD];
	(pc) =	sbr.rel .LBB1_9-.Ltmp10, $3  }
0xda: {  	_ =	sdelay $0x1  }
0xdb: {  	[smem:$0x7F0] =	sst s1;
	s0 =	sadd.s32 s0, s1  }
0xdc: {  	s27 =	simm.s32 $0x0;
	[smem:$0x7F1] =	sst s0  }
.LBB1_18:
0xdd: {  	s0 =	sld [smem:$0x7F9];
	_ =	sdelay $0x1  }
0xde: {  	s27 =	sadd.s32 $0x1, s27  }
0xdf: {  	p2 =	sne.s32 s27, s0  }
.Ltmp11:
0xe0: {  	_ = 	snop;
	(pc) =	sbr.rel @!p2 .LBB1_19-.Ltmp11, $1  }
0xe1: {  	_ =	sdelay $0x3  }
.LBB1_9:
0xe2: {  	s0 =	sld [smem:$0x7F1]  }
0xe3: {  	s2 =	sld [smem:$0x7FC]  }
0xe4: {  	s1 =	sand.u32 $0x1, s27;
	s26 =	sld [smem:$0x7F3]  }
0xe5: {  	s29 =	sld [smem:$0x7F2];
	p2 =	seq.s32 s1, $0x1;
	s1 =	simm.s32 $0x81  }
0xe6: {  	s18 =	simm.s32 $0x0;
	s1 =	simm.s32 @!p2 $0x0;
	s0 =	sadd.s32 s27, s0  }
0xe7: {  	s25 =	sadd.s32 s1, s11;
	s14 =	sadd.s32 s1, s12;
	s31 =	sadd.s32 s1, s13  }
0xe8: {  	s30 =	sadd.s32 s1, s7;
	s9 =	sadd.s32 s1, s26;
	s0 =	sshll.u32 s0, $0x10  }
0xe9: {  	s5 =	sadd.s32 s1, s29;
	s26 =	simm.s32 $0x0;
	s0 =	sshra.s32 s0, $0x2  }
0xea: {  	s28 =	sadd.s32 s0, s2;
	s2 =	sadd.s32 s1, s6;
	s1 =	simm.s32 $0x0  }
.LBB1_10:
0xeb: {  	s0 =	sshll.u32 s26, $0x9  }
0xec: {  	s0 =	sshra.s32 s0, $0x2  }
0xed: {  	p4 =	sne.s32 s4, $0x1;
	s0 =	sadd.s32 s0, s28  }
.Ltmp12:
0xee: {  	v0 =	vmov s0;
	(pc) =	sbr.rel @!p4 .LBB1_11-.Ltmp12, $4  }
0xef: {  	_ = 	snop  }
0xf0: {  	s8 =	sand.u32 $0x7F, s18  }
0xf1: {  	s16 =	sand.u32 $0x380, s1;
	p2 =	por $0x0, $0x0;
	s8 =	sshll.u32 s8, $0x2  }
0xf2: {  	p3 =	por $0x0, $0x0;
	s17 =	sshrl.u32 s8, $0x2;
	s0 =	sadd.s32 $0xFFFFFFFF, s4  }
0xf3: {  	_ =	sdelay $0x3  }
0xf4: {  	v7 =	vld.idx.msk [tilespmem:v0+s16+$0x60 ss:$0x1], $0xffff  }
0xf5: {  	v6 =	vld.idx.msk [tilespmem:v0+s16+$0x0 ss:$0x1], $0xffff;
	p4 =	sne.s32 s0, $0x1  }
.Ltmp13:
0xf6: {  	v5 =	vld.idx.msk [tilespmem:v0+s16+$0x10 ss:$0x1], $0xffff;
	(pc) =	sbr.rel @!p4 .LBB1_13-.Ltmp13, $4  }
0xf7: {  	v3 =	vld.idx.msk [tilespmem:v0+s16+$0x20 ss:$0x1], $0xffff  }
0xf8: {  	v1 =	vld.idx.msk [tilespmem:v0+s16+$0x30 ss:$0x1], $0xffff  }
0xf9: {  	s8 =	simm.s32 $0x80;
	v2 =	vld.idx.msk [tilespmem:v0+s16+$0x40 ss:$0x1], $0xffff;
	s19 =	sadd.s32 s17, s5;
	p2 =	por $0x1, $0x1  }
0xfa: {  	v4 =	vld.idx.msk [tilespmem:v0+s16+$0x50 ss:$0x1], $0xffff;
	s15 =	sand.u32 $0x380, s8;
	s8 =	sadd.s32 $0xFFFFFFFF, s0;
	s0 =	sadd.s32 s17, s25;
	[tilespmem:s19+$0x0 ss:$0x81] =	vst.msk $0xffff, v7  }
0xfb: {  	_ =	sdelay $0x3  }
0xfc: {  	v7 =	vld.idx.msk [tilespmem:v0+s15+$0x60 ss:$0x1], $0xffff;
	[tilespmem:s0+$0x0 ss:$0x81] =	vst.msk $0xffff, v6;
	s21 =	sadd.s32 s17, s14;
	s22 =	sadd.s32 s17, s31  }
0xfd: {  	v6 =	vld.idx.msk [tilespmem:v0+s15+$0x0 ss:$0x1], $0xffff;
	s23 =	sadd.s32 s17, s2;
	p4 =	sne.s32 s8, $0x1;
	s24 =	sadd.s32 s17, s30;
	[tilespmem:s21+$0x0 ss:$0x81] =	vst.msk $0xffff, v5  }
.Ltmp14:
0xfe: {  	s16 =	sadd.s32 s17, s9;
	s29 =	sadd.s32 $0x4080, s25;
	v5 =	vld.idx.msk [tilespmem:v0+s15+$0x10 ss:$0x1], $0xffff;
	[tilespmem:s22+$0x0 ss:$0x81] =	vst.msk $0xffff, v3;
	(pc) =	sbr.rel @!p4 .LBB1_15-.Ltmp14, $4  }
0xff: {  	s19 =	simm.s32 $0x100;
	s20 =	sadd.s32 $0x4080, s14;
	s8 =	sadd.s32 $0xFFFFFFFF, s8;
	v3 =	vld.idx.msk [tilespmem:v0+s15+$0x20 ss:$0x1], $0xffff;
	[tilespmem:s23+$0x0 ss:$0x81] =	vst.msk $0xffff, v1  }
0x100: {  	p3 =	por $0x1, $0x1;
	s0 =	sadd.s32 s17, s29;
	v1 =	vld.idx.msk [tilespmem:v0+s15+$0x30 ss:$0x1], $0xffff;
	[tilespmem:s24+$0x0 ss:$0x81] =	vst.msk $0xffff, v2;
	s24 =	sadd.s32 $0x4080, s5  }
0x101: {  	s22 =	smov.u32 s2;
	s23 =	smov.u32 s30;
	v2 =	vld.idx.msk [tilespmem:v0+s15+$0x40 ss:$0x1], $0xffff;
	s21 =	sadd.s32 s17, s24;
	[tilespmem:s16+$0x0 ss:$0x81] =	vst.msk $0xffff, v4  }
0x102: {  	s16 =	sand.u32 $0x380, s19;
	v4 =	vld.idx.msk [tilespmem:v0+s15+$0x50 ss:$0x1], $0xffff;
	s15 =	smov.u32 s9;
	[tilespmem:s21+$0x0 ss:$0x81] =	vst.msk $0xffff, v7;
	s21 =	smov.u32 s31  }
.LBB1_16:
0x103: {  	p4 =	sne.s32 s8, $0x1;
	v7 =	vld.idx.msk [tilespmem:v0+s16+$0x60 ss:$0x1], $0xffff;
	[tilespmem:s0+$0x0 ss:$0x81] =	vst.msk $0xffff, v6;
	s0 =	sadd.s32 s17, s20;
	s21 =	sadd.s32 $0x4080, s21  }
0x104: {  	s22 =	sadd.s32 $0x4080, s22;
	v6 =	vld.idx.msk [tilespmem:v0+s16+$0x0 ss:$0x1], $0xffff;
	[tilespmem:s0+$0x0 ss:$0x81] =	vst.msk $0xffff, v5;
	s0 =	sadd.s32 s17, s21  }
.Ltmp15:
0x105: {  	s23 =	sadd.s32 $0x4080, s23;
	v5 =	vld.idx.msk [tilespmem:v0+s16+$0x10 ss:$0x1], $0xffff;
	[tilespmem:s0+$0x0 ss:$0x81] =	vst.msk $0xffff, v3;
	s0 =	sadd.s32 s17, s22;
	(pc) =	sbr.rel @p4 .LBB1_16-.Ltmp15, $4  }
0x106: {  	s15 =	sadd.s32 $0x4080, s15;
	v3 =	vld.idx.msk [tilespmem:v0+s16+$0x20 ss:$0x1], $0xffff;
	[tilespmem:s0+$0x0 ss:$0x81] =	vst.msk $0xffff, v1;
	s0 =	sadd.s32 s17, s23  }
0x107: {  	s29 =	sadd.s32 $0x4080, s29;
	s24 =	sadd.s32 $0x4080, s24;
	v1 =	vld.idx.msk [tilespmem:v0+s16+$0x30 ss:$0x1], $0xffff;
	[tilespmem:s0+$0x0 ss:$0x81] =	vst.msk $0xffff, v2;
	s0 =	sadd.s32 s17, s15  }
0x108: {  	s19 =	sadd.s32 $0x80, s19;
	s20 =	sadd.s32 $0x4080, s20;
	s10 =	sadd.s32 s17, s24;
	v2 =	vld.idx.msk [tilespmem:v0+s16+$0x40 ss:$0x1], $0xffff;
	[tilespmem:s0+$0x0 ss:$0x81] =	vst.msk $0xffff, v4  }
0x109: {  	s8 =	sadd.s32 $0xFFFFFFFF, s8;
	s0 =	sadd.s32 s17, s29;
	v4 =	vld.idx.msk [tilespmem:v0+s16+$0x50 ss:$0x1], $0xffff;
	s16 =	sand.u32 $0x380, s19;
	[tilespmem:s10+$0x0 ss:$0x81] =	vst.msk $0xffff, v7  }
.LBB1_17:
0x10a: {  	_ =	sdelay $0x3  }
0x10b: {  	v57 =	vld.idx.msk [tilespmem:v0+s16+$0x60 ss:$0x1], $0xffff  }
0x10c: {  	v58 =	vld.idx.msk [tilespmem:v0+s16+$0x0 ss:$0x1], $0xffff  }
0x10d: {  	v59 =	vld.idx.msk [tilespmem:v0+s16+$0x10 ss:$0x1], $0xffff  }
0x10e: {  	v60 =	vld.idx.msk [tilespmem:v0+s16+$0x20 ss:$0x1], $0xffff  }
0x10f: {  	s8 =	sadd.s32 @p3 $0x4080, s21;
	s10 =	smov.u32 s31;
	v61 =	vld.idx.msk [tilespmem:v0+s16+$0x30 ss:$0x1], $0xffff  }
0x110: {  	[tilespmem:s0+$0x0 ss:$0x81] =	vst.msk @p2 $0xffff, v6;
	s0 =	sadd.s32 @p2 s17, s20;
	s19 =	smov.u32 s2;
	s21 =	smov.u32 s30;
	v62 =	vld.idx.msk [tilespmem:v0+s16+$0x40 ss:$0x1], $0xffff  }
0x111: {  	v63 =	vld.idx.msk [tilespmem:v0+s16+$0x50 ss:$0x1], $0xffff;
	s16 =	smov.u32 s2;
	s10 =	smov.u32 @p3 s8;
	s8 =	sadd.s32 @p3 $0x4080, s22  }
0x112: {  	s26 =	sadd.s32 $0x1, s26;
	[tilespmem:s0+$0x0 ss:$0x81] =	vst.msk @p2 $0xffff, v5;
	s0 =	sadd.s32 @p2 s17, s10;
	s19 =	smov.u32 @p3 s8  }
0x113: {  	s22 =	smov.u32 s5;
	s8 =	sadd.s32 @p3 $0x4080, s23;
	[tilespmem:s0+$0x0 ss:$0x81] =	vst.msk @p2 $0xffff, v3;
	s0 =	sadd.s32 @p2 s17, s19  }
0x114: {  	s21 =	smov.u32 @p3 s8;
	s8 =	sadd.s32 @p3 $0x4080, s15;
	s15 =	smov.u32 s9  }
0x115: {  	[tilespmem:s0+$0x0 ss:$0x81] =	vst.msk @p2 $0xffff, v1;
	s0 =	sadd.s32 @p2 s17, s21;
	s15 =	smov.u32 @p3 s8;
	s8 =	sadd.s32 @p2 $0x4080, s24  }
0x116: {  	s23 =	sadd.s32 @p2 $0x4080, s29;
	[tilespmem:s0+$0x0 ss:$0x81] =	vst.msk @p2 $0xffff, v2;
	s0 =	sadd.s32 @p2 s17, s15;
	s22 =	smov.u32 @p2 s8  }
0x117: {  	s8 =	smov.u32 s25;
	[tilespmem:s0+$0x0 ss:$0x81] =	vst.msk @p2 $0xffff, v4;
	s0 =	sadd.s32 @p2 $0x4080, s20;
	s20 =	smov.u32 s14  }
0x118: {  	s20 =	smov.u32 @p2 s0;
	s0 =	sadd.s32 @p2 $0x4080, s10;
	s10 =	smov.u32 s31  }
0x119: {  	s22 =	sadd.s32 s17, s22;
	s8 =	smov.u32 @p2 s23;
	s10 =	smov.u32 @p2 s0  }
0x11a: {  	s8 =	sadd.s32 s17, s8;
	s0 =	sadd.s32 @p2 $0x4080, s19;
	s23 =	sadd.s32 s17, s10  }
0x11b: {  	s16 =	smov.u32 @p2 s0;
	s0 =	sadd.s32 @p2 $0x4080, s21;
	s10 =	smov.u32 s30  }
0x11c: {  	[tilespmem:s22+$0x0 ss:$0x81] =	vst.msk $0xffff, v57;
	s10 =	smov.u32 @p2 s0;
	s0 =	sadd.s32 @p2 $0x4080, s15;
	s15 =	smov.u32 s9  }
0x11d: {  	[tilespmem:s8+$0x0 ss:$0x81] =	vst.msk $0xffff, v58;
	s22 =	sadd.s32 s17, s20;
	s15 =	smov.u32 @p2 s0;
	p2 =	sne.s32 s26, s3  }
.Ltmp16:
0x11e: {  	[tilespmem:s22+$0x0 ss:$0x81] =	vst.msk $0xffff, v59;
	(pc) =	sbr.rel @p2 .LBB1_10-.Ltmp16, $4  }
.Ltmp17:
0x11f: {  	[tilespmem:s23+$0x0 ss:$0x81] =	vst.msk $0xffff, v60;
	s24 =	sadd.s32 s17, s16;
	(pc) =	sbr.rel @!p2 .LBB1_18-.Ltmp17, $4  }
0x120: {  	[tilespmem:s24+$0x0 ss:$0x81] =	vst.msk $0xffff, v61;
	s29 =	sadd.s32 s17, s10  }
0x121: {  	[tilespmem:s29+$0x0 ss:$0x81] =	vst.msk $0xffff, v62;
	s0 =	sadd.s32 s17, s15  }
0x122: {  	s18 =	sadd.s32 $0x1, s18;
	[tilespmem:s0+$0x0 ss:$0x81] =	vst.msk $0xffff, v63  }
0x123: {  	_ = 	snop  }
.LBB1_11:
.Ltmp18:
0x124: {  	(pc) =	sbr.rel .LBB1_17-.Ltmp18, $4  }
0x125: {  	_ = 	snop  }
0x126: {  	s20 =	smov.u32 s14  }
0x127: {  	s21 =	smov.u32 s31;
	s22 =	smov.u32 s2;
	s23 =	smov.u32 s30  }
0x128: {  	s15 =	smov.u32 s9;
	s29 =	smov.u32 s25;
	s24 =	smov.u32 s5  }
.LBB1_13:
.Ltmp19:
0x129: {  	(pc) =	sbr.rel .LBB1_17-.Ltmp19, $4  }
0x12a: {  	_ = 	snop  }
0x12b: {  	s16 =	smov.u32 s15;
	s20 =	smov.u32 s14  }
0x12c: {  	s21 =	smov.u32 s31;
	s22 =	smov.u32 s2;
	s23 =	smov.u32 s30  }
0x12d: {  	s15 =	smov.u32 s9;
	s29 =	smov.u32 s25;
	s24 =	smov.u32 s5  }
.LBB1_15:
.Ltmp20:
0x12e: {  	(pc) =	sbr.rel .LBB1_17-.Ltmp20, $3  }
0x12f: {  	_ =	sdelay $0x1  }
0x130: {  	s21 =	smov.u32 s31  }
0x131: {  	s22 =	smov.u32 s2;
	s23 =	smov.u32 s30;
	s15 =	smov.u32 s9  }
.LBB1_23:
0x132: {  	_ =	sfence.sel $0x180000  }
0x133: {  	s0 =	simm.s32 $0x1;
	[bflag:$0x0] =	sbarrier.arrive $0xFFFF  }
0x134: {  	s30 =	simm.s32 $0x2;
	[sflag:s0] =	ssyncpa.u1 $0x1  }
0x135: {  	[sflag:s30] =	ssyncpa.u1 $0x1  }
0x136: {  	_ =	strace $0x90000056  }
0x137: {  	s31 =	stileid.u32;
	[bflag:$0x2] =	sbarrier.arrive $0xFFFF  }
0x138: {  	p0 =	sne.s32 s31, $0x0;
	s0 =	rddreg [dreg:$0x2]  }
0x139: {  	s0 =	sadd.s32 @!p0 $0x100000, s0  }
0x13a: {  	[sflag:s0] =	ssyncadd.tile.s32 @!p0 $0x1;
	_ =	shalt  }
.Lfunc_end1:
_tile_overlayer_lowered:
.L_overlay_start_2:
0x13b: {  	(tag) =	ssettag $0x2  }
0x13c: {  	s0 =	rddreg [dreg:$0x0];
	s2 =	stileid.u32  }
0x13d: {  	s1 =	rddreg [dreg:$0x1];
	p0 =	sne.s32 s2, $0x0  }
0x13e: {  	s3 =	rddreg [dreg:$0x2];
	[bflag:$0x3] =	sbarrier.arrive $0xFFFF;
	s2 =	simm.s32 @!p0 $0x1C01  }
0x13f: {  	[timem:s3], [sflag:s2] =	dma.local @!p0 [hbm:s0], s1  }
0x140: {  	s0 =	simm.s32 @!p0 $0x1  }
0x141: {  	_ =	swait.ge @!p0 [sflag:s0], s1  }
0x142: {  	s1 =	ssub.s32 @!p0 $0x0, s1;
	[sflag:s0] =	ssyncset.done @!p0 $0x0  }
0x143: {  	[sflag:s0] =	ssyncadd.s32 @!p0 s1  }
0x144: {  	[bflag:$0x3] =	sbarrier.arrive $0xFFFF  }
0x145: {  	_ =	shalt  }

// kernel: sparse-core-data-format-call.2.cloned.1.call-start
scs
called_computation.2_lowered:
.L_overlay_start_0:
0x0: {  	s2 =	sld [smem:$0x3FD9]  }
0x1: {  	s3 =	sld [smem:$0x3FFE];
	_ =	sdelay $0x1  }
0x2: {  	s1 =	srdreg.scid  }
0x3: {  	s0 =	sand.u32 $0x1, s1  }
0x4: {  	s18 =	sshll.u32 s0, $0xA;
	s2 =	sadd.s32 s3, s2  }
0x5: {  	s2 =	sadd.s32 s2, s18  }
0x6: {  	[smem:$0x3FBD] =	sst s2  }
0x7: {  	_ = 	snop  }
0x8: {  	s2 =	sld [smem:$0x3FD0];
	(tm) =	ssettm $0x1  }
0x9: {  	s19 =	sld [smem:$0x3FFB];
	_ =	sdelay $0x3  }
0xa: {  	_ =	strace s19  }
0xb: {  	s3 =	sld [smem:$0x3FFC];
	_ =	sdelay $0x3  }
0xc: {  	_ =	strace s3  }
0xd: {  	s3 =	sld [smem:$0x3FFD];
	_ =	sdelay $0x3  }
0xe: {  	_ =	strace s3  }
0xf: {  	_ =	strace $0x8FFFFFFF  }
0x10: {  	s20 =	sld [smem:$0x3FDB];
	_ =	sdelay $0x1  }
0x11: {  	s4 =	simm.s32 $_scs_section_size  }
0x12: {  	s5 =	simm.s32 $_size__tile_overlayer_lowered;
	s6 =	simm.s32 $_tile_overlayer_lowered  }
0x13: {  	s23 =	simm.s32 $0x1BFF;
	s22 =	sshll.u32 s6, $0x1;
	s3 =	sadd.s32 s4, s20  }
0x14: {  	s7 =	simm.s32 $0x0;
	s21 =	sshll.u32 s5, $0x1;
	s5 =	sadd.s32 s22, s3  }
0x15: {  	[timem:s7], [sflag:s23] =	dma.local [hbm:s5], s21  }
0x16: {  	_ =	swait.ge [sflag:s23], s21  }
0x17: {  	s4 =	ssub.s32 $0x0, s21;
	[sflag:s23] =	ssyncset.done $0x0  }
0x18: {  	[sflag:s23] =	ssyncadd.s32 s4;
	_ =	sdelay $0x1  }
0x19: {  	s24 =	simm.s32 $0x1B8B  }
0x1a: {  	_ =	swait.ge [sflag:s24], $0x1  }
0x1b: {  	[sflag:s24] =	ssyncset.done $0x0  }
0x1c: {  	s26 =	simm.s32 $0x1B8E;
	s25 =	sld [smem:$0x3FFE];
	[sflag:s24] =	ssyncadd.s32 $0xFFFFFFFF  }
0x1d: {  	s27 =	simm.s32 $execute0_lowered;
	[smem:$0x3FD2] =	sst s26  }
0x1e: {  	s5 =	sshll.u32 s27, $0x1;
	_ =	strace $0x8000004C;
	[dreg:$0x1] =	wrdreg $0xFFFFFFFF  }
0x1f: {  	s28 =	simm.s32 $_size_execute0_lowered;
	s3 =	sadd.s32 s3, s5;
	[dreg:$0x0] =	wrdreg $0x0  }
0x20: {  	s5 =	sshll.u32 s28, $0x1;
	[dreg:$0x2] =	wrdreg s3  }
0x21: {  	[dreg:$0x3] =	wrdreg s5  }
0x22: {  	[dreg:$0x4] =	wrdreg $0xC0  }
0x23: {  	_ =	task [dreg:s7], $0x5FFFF  }
0x24: {  	[dreg:$0x1] =	wrdreg $0xFFFFFFFF  }
0x25: {  	[dreg:$0x0] =	wrdreg $0x60  }
0x26: {  	[dreg:$0x2] =	wrdreg s2  }
0x27: {  	[dreg:$0x3] =	wrdreg s25  }
0x28: {  	[dreg:$0x4] =	wrdreg $0x9  }
0x29: {  	_ =	task.clear_ibuf [dreg:s7], $0x5FFFF;
	_ =	strace $0x9000004C  }
0x2a: {  	s29 =	simm.s32 $0x9;
	_ =	strace $0x8000004E  }
0x2b: {  	_ =	swait.ge [sflag:s29], $0x1  }
0x2c: {  	[sflag:s29] =	ssyncadd.s32 $0xFFFFFFFF  }
0x2d: {  	_ =	strace $0x9000004E  }
0x2e: {  	_ =	sfence  }
0x2f: {  	s30 =	sld [smem:$0x0];
	_ =	sdelay $0x2  }
0x30: {  	s31 =	sshll.u32 s1, $0xD;
	s1 =	sshrl.u32 s1, $0x2  }
0x31: {  	s3 =	sand.u32 $0x4000, s31;
	s1 =	sadd.s32 s1, s30  }
0x32: {  	s0 =	sor.u32 s3, s0;
	s1 =	sshll.u32 s1, $0x11  }
0x33: {  	s0 =	sor.u32 s1, s0  }
0x34: {  	s0 =	sadd.s32 $0x8F2B, s0  }
0x35: {  	[sflag:s0] =	ssyncadd.remote.s32 $0x1  }
0x36: {  	_ =	sfence.sel $0xFFFF  }
0x37: {  	[dreg:$0x0] =	wrdreg $0xFFFFFFFF;
	(pc) =	sbr.abs _section_cstart, $3  }
0x38: {  	[dreg:$0x1] =	wrdreg $0xFFFFFFFF  }
0x39: {  	_ =	task.clear_ibuf [dreg:s7], $0x2FFFF;
	_ =	strace $0x9FFFFFFF  }
0x3a: {  	(tm) =	ssettm $0x7FFFFFFF  }
0x3b: {  	_ =	shalt  }
tec
execute0_lowered:
.L_overlay_start_1:
0x0: {  	(tag) =	ssettag $0x1  }
0x1: {  	s0 =	stileid.u32;
	s1 =	srdreg.scid  }
0x2: {  	s5 =	rddreg [dreg:$0x1];
	s31 =	simm.s32 $0x2;
	s16 =	simm.s32 $0x0  }
0x3: {  	s10 =	simm.s32 $0x400;
	s15 =	simm.s32 $0x0;
	s17 =	simm.s32 $0x0  }
0x4: {  	s14 =	simm.s32 $0x0;
	s2 =	sshll.u32 s0, $0x4;
	s1 =	sshll.u32 s1, $0x8  }
0x5: {  	s4 =	sand.u32 $0x1, s0;
	s5 =	sadd.s32 $0x4000, s5;
	s1 =	sor.u32 s2, s1  }
0x6: {  	s30 =	sshll.u32 s0, $0x6;
	s2 =	rddreg [dreg:$0x0];
	s3 =	sand.u32 $0x180, s1  }
0x7: {  	s7 =	ssub.s32 $0x2, s4;
	s13 =	smov.u32 s4;
	s6 =	ssub.s32 $0x3100, s3  }
0x8: {  	s1 =	rddreg [dreg:$0x2];
	s9 =	sshrl.u32 s7, $0x1;
	s8 =	sand.u32 $0x180, s6  }
0x9: {  	s7 =	sand.u32 $0x1, s7;
	p0 =	sne.s32 s8, $0x0;
	s8 =	simm.s32 $0x1  }
.Ltmp0:
0xa: {  	s6 =	sshrl.u32 s6, $0x9;
	s8 =	simm.s32 @!p0 $0x0;
	(pc) =	sbr.rel .LBB1_1-.Ltmp0, $4  }
0xb: {  	_ =	strace $0x8000004D;
	s7 =	sadd.s32 s7, s9;
	s8 =	sadd.s32 s8, s6  }
0xc: {  	s11 =	smov.u32 s3;
	s6 =	simm.s32 $0x1;
	s7 =	smul.u32 s7, s8  }
0xd: {  	p0 =	por $0x0, $0x0;
	[sflag:s6] =	ssyncpa.u1 $0x0;
	s8 =	sand.u32 $0x180, s30  }
0xe: {  	[sflag:s31] =	ssyncpa.u1 $0x0;
	s12 =	smov.u32 s8;
	s9 =	sadd.s32 $0x1, s7  }
.LBB1_4:
0xf: {  	v5 =	vld [tilespmem:s21+$0xFFFFFFD0];
	[tilespmem:s20+$0x2040 ss:$0x81] =	vst.msk $0xffff, v1  }
0x10: {  	v58 =	vld [tilespmem:s21+$0xFFFFFFE0];
	[tilespmem:s20+$0x2850 ss:$0x81] =	vst.msk $0xffff, v2  }
0x11: {  	s22 =	sshra.s32 s22, $0x2;
	v59 =	vld [tilespmem:s21+$0xFFFFFFF0];
	[tilespmem:s20+$0x3060 ss:$0x81] =	vst.msk $0xffff, v3  }
0x12: {  	v60 =	vld [tilespmem:s21+$0x0];
	[tilespmem:s20+$0x0 ss:$0x81] =	vst.msk $0xffff, v0;
	s19 =	sadd.s32 s22, s19  }
0x13: {  	v61 =	vld [tilespmem:s21+$0x10];
	[tilespmem:s19+$0x3870 ss:$0x81] =	vst.msk $0xffff, v4  }
0x14: {  	v62 =	vld [tilespmem:s21+$0x20];
	[tilespmem:s19+$0x810 ss:$0x81] =	vst.msk $0xffff, v5  }
0x15: {  	s17 =	sshll.u32 s17, $0x7;
	v63 =	vld [tilespmem:s21+$0xFFFFFFC0];
	s28 =	sand.u32 $0x78, s15;
	s29 =	sshll.u32 s15, $0x1;
	[tilespmem:s19+$0x1020 ss:$0x81] =	vst.msk $0xffff, v58  }
0x16: {  	s16 =	sshll.u32 s16, $0x7;
	s30 =	sshrl.u32 s15, $0x2;
	s17 =	sand.u32 $0x80, s17;
	[tilespmem:s19+$0x1830 ss:$0x81] =	vst.msk $0xffff, v59  }
0x17: {  	s31 =	sand.u32 $0x7, s15;
	s21 =	sand.u32 $0x100, s29;
	s17 =	sor.u32 s17, s28;
	[tilespmem:s19+$0x2040 ss:$0x81] =	vst.msk $0xffff, v60  }
0x18: {  	s20 =	sand.u32 $0x40, s30;
	s16 =	sadd.s32 s5, s16;
	s17 =	sor.u32 s21, s17;
	[tilespmem:s19+$0x2850 ss:$0x81] =	vst.msk $0xffff, v61  }
0x19: {  	s15 =	sshll.u32 s31, $0x12;
	s16 =	sadd.s32 s20, s16;
	s17 =	sshrl.u32 s17, $0x3;
	[tilespmem:s19+$0x3060 ss:$0x81] =	vst.msk $0xffff, v62  }
0x1a: {  	s15 =	sor.u32 $0x80, s15;
	[tilespmem:s19+$0x0 ss:$0x81] =	vst.msk $0xffff, v63;
	s16 =	sadd.s32 s17, s16  }
0x1b: {  	[hbm4b:s16+s15] =	stream.strided.scatter [tilespmem:s18], [sflag:$0x2], $0x4000, s10, s15, $0x20;
	[tilespmem:$0x10100] =	vst v63  }
.LBB1_5:
0x1c: {  	s18 =	sadd.s32 $0x200, s11  }
0x1d: {  	s15 =	sadd.s32 $0x200, s12;
	s19 =	smov.u32 s12;
	p2 =	sgt.s32 s18, $0x30FF  }
0x1e: {  	s19 =	smov.u32 @p2 s15  }
0x1f: {  	s21 =	smov.u32 s13;
	s15 =	sadd.s32 $0x2, s13;
	p3 =	sgt.s32 s19, $0x187  }
0x20: {  	s21 =	smov.u32 @p3 s15  }
0x21: {  	s18 =	smov.u32 @p2 s3;
	p2 =	sgt.s32 s21, $0x1  }
0x22: {  	p1 =	slt.u32 s14, $0x2;
	s21 =	smov.u32 @p2 s4;
	p2 =	sne.s32 s14, s9  }
.Ltmp1:
0x23: {  	s20 =	simm.s32 @!p1 $0x2;
	(pc) =	sbr.rel @!p2 .LBB1_6-.Ltmp1, $4  }
0x24: {  	s16 =	smov.u32 s11;
	s17 =	smov.u32 s13;
	_ =	swait.ge @!p1 [sflag:s20], $0x4000  }
0x25: {  	p0 =	por !p0, !p0;
	[sflag:s20] =	ssyncset.done @!p1 $0x0;
	s11 =	smov.u32 s18  }
0x26: {  	s19 =	smov.u32 @p3 s8;
	s15 =	smov.u32 s12;
	[sflag:s20] =	ssyncadd.s32 @!p1 $0xFFFFC000  }
0x27: {  	s12 =	smov.u32 s19;
	s14 =	sadd.s32 $0x1, s14;
	s13 =	smov.u32 s21  }
.LBB1_1:
0x28: {  	p1 =	sge.u32 s14, s7;
	s21 =	smov.u32 s13;
	s23 =	smov.u32 s11  }
0x29: {  	s18 =	sshrl.u32 @!p1 s12, $0x3;
	s19 =	sshll.u32 @!p1 s11, $0x3;
	p2 =	sgt.s32 @!p1 s13, $0x1  }
0x2a: {  	s20 =	sshra.s32 @!p1 s13, $0x1F;
	s18 =	smul.u32 @!p1 $0x18800, s18;
	p2 =	por !p2, p1  }
0x2b: {  	s19 =	sand.u32 @!p1 $0xFFFFFC00, s19;
	s20 =	sand.u32 @!p1 s20, s13;
	s21 =	simm.s32 @p2 $0x1  }
0x2c: {  	p2 =	sgt.s32 @!p1 s12, $0x108;
	s18 =	sadd.s32 @!p1 s18, s19;
	s19 =	sshll.u32 @!p1 s12, $0x7  }
0x2d: {  	s20 =	sxor.u32 @!p1 $0xFFFFFFFF, s20;
	p2 =	por !p2, p1;
	s19 =	sand.u32 @!p1 $0x380, s19  }
0x2e: {  	s18 =	sor.u32 @!p1 s19, s18;
	s19 =	sadd.s32 @!p1 s20, s21;
	s20 =	smov.u32 s12  }
0x2f: {  	s21 =	sshra.s32 @!p1 s12, $0x1F;
	s20 =	simm.s32 @p2 $0x108;
	p2 =	sgt.s32 @!p1 s19, $0x0  }
0x30: {  	s19 =	ssub.s32 @!p1 $0x1, s19;
	s21 =	sand.u32 @!p1 s21, s12;
	p2 =	por !p2, p1  }
0x31: {  	s20 =	ssub.s32 @!p1 s20, s21;
	s19 =	simm.s32 @!p2 $0x0;
	p2 =	sgt.s32 @!p1 s11, $0x3080  }
0x32: {  	s21 =	smulhi.u32 @!p1 $0x5397829D, s18;
	s22 =	sadd.s32 @!p1 $0xFFFFFEF8, s20;
	p2 =	por !p2, p1  }
0x33: {  	s23 =	simm.s32 @p2 $0x3080;
	p2 =	sgt.s32 @!p1 s22, $0x7F;
	s22 =	sshra.s32 @!p1 s11, $0x1F  }
0x34: {  	s20 =	ssub.s32 @!p1 $0x188, s20;
	p2 =	por !p2, p1;
	s22 =	sand.u32 @!p1 s22, s11  }
0x35: {  	s21 =	sshrl.u32 @!p1 s21, $0xC;
	s22 =	ssub.s32 @!p1 s23, s22;
	s20 =	simm.s32 @!p2 $0x0  }
0x36: {  	s23 =	sand.u32 @!p1 $0x7F, s11;
	s19 =	smul.u32 @!p1 s19, s20;
	s20 =	sadd.s32 @!p1 $0xFFFFCF80, s22  }
0x37: {  	s18 =	sor.u32 @!p1 s23, s18;
	s23 =	smulhi.u32 @!p1 $0xA72F06, s21;
	p2 =	sgt.s32 @!p1 s20, $0x7F  }
0x38: {  	s22 =	ssub.s32 @!p1 $0x3100, s22;
	s20 =	smulhi.u32 @!p1 $0x5397829D, s18;
	p2 =	por !p2, p1  }
0x39: {  	s23 =	smul.u32 @!p1 $0x188, s23;
	s22 =	simm.s32 @!p2 $0x0  }
0x3a: {  	s20 =	sshrl.u32 @!p1 s20, $0xC;
	s19 =	smul.u32 @!p1 s22, s19  }
0x3b: {  	s31 =	sadd.s32 $0xFFFFFFFF, s14;
	s22 =	sxor.u32 @!p1 $0xFFFFFFFF, s14;
	s20 =	smul.u32 @!p1 $0x3100, s20  }
0x3c: {  	s21 =	ssub.s32 @!p1 s21, s23;
	s23 =	smul.u32 @!p1 $0x96100, s13;
	s22 =	sshll.u32 @!p1 s22, $0xE  }
0x3d: {  	s22 =	sand.u32 @!p1 $0x4000, s22;
	s18 =	ssub.s32 @!p1 s18, s20;
	s20 =	smul.u32 @!p1 $0x620, s21  }
0x3e: {  	s19 =	sand.u32 @!p1 $0x3FFFFFFF, s19;
	s21 =	sadd.s32 @!p1 s2, s23;
	s23 =	sand.u32 @!p1 $0x7, s18  }
0x3f: {  	s18 =	sshrl.u32 @!p1 s18, $0x3;
	s20 =	sadd.s32 @!p1 s20, s21;
	s21 =	sshll.u32 @!p1 s23, $0x12  }
0x40: {  	s18 =	sadd.s32 @!p1 s18, s20;
	s20 =	sor.u32 @!p1 $0x400, s21;
	s21 =	simm.s32 @!p1 $0x18800  }
0x41: {  	[tilespmem:s22], [sflag:$0x1] =	stream.strided.gather @!p1 [hbm4b:s18+s20], s19, s21, s20, $0x38;
	[tilespmem:$0x10100] =	vst v63  }
0x42: {  	p1 =	sge.u32 s31, s7  }
.Ltmp2:
0x43: {  	_ = 	snop;
	(pc) =	sbr.rel @p1 .LBB1_5-.Ltmp2, $1  }
0x44: {  	_ =	sdelay $0x3  }
0x45: {  	s18 =	sshra.s32 s17, $0x1F;
	p1 =	sgt.s32 s17, $0x1;
	s19 =	smov.u32 s17  }
0x46: {  	p2 =	sgt.s32 s15, $0x108;
	s20 =	sshra.s32 s15, $0x1F;
	s18 =	sand.u32 s18, s17  }
0x47: {  	s21 =	sshra.s32 s16, $0x1F;
	s19 =	simm.s32 @!p1 $0x1;
	s18 =	sxor.u32 $0xFFFFFFFF, s18  }
0x48: {  	s20 =	sand.u32 s20, s15;
	s18 =	sadd.s32 s18, s19;
	s19 =	smov.u32 s15  }
0x49: {  	s21 =	sand.u32 s21, s16;
	p1 =	sgt.s32 s18, $0x0;
	s19 =	simm.s32 @!p2 $0x108  }
0x4a: {  	p2 =	sgt.s32 s16, $0x3080;
	s19 =	ssub.s32 s19, s20;
	s20 =	smov.u32 s16  }
0x4b: {  	s18 =	ssub.s32 $0x1, s18;
	s22 =	sadd.s32 $0xFFFFFEF8, s19;
	s20 =	simm.s32 @!p2 $0x3080  }
0x4c: {  	s19 =	ssub.s32 $0x188, s19;
	p2 =	sgt.s32 s22, $0x7F;
	s20 =	ssub.s32 s20, s21  }
0x4d: {  	s18 =	simm.s32 @p1 $0x0;
	s19 =	simm.s32 @p2 $0x0;
	s21 =	sadd.s32 $0xFFFFCF80, s20  }
0x4e: {  	s18 =	smul.u32 s18, s19;
	p1 =	sgt.s32 s21, $0x7F;
	s19 =	ssub.s32 $0x3100, s20  }
0x4f: {  	s19 =	simm.s32 @p1 $0x0  }
0x50: {  	s18 =	smul.u32 s19, s18;
	_ =	sdelay $0x1  }
0x51: {  	s19 =	simm.s32 $0x1;
	s18 =	sand.u32 $0x3FFFFFFF, s18  }
0x52: {  	s19 =	simm.s32 @!p0 $0x0;
	_ =	swait.ge [sflag:s6], s18  }
0x53: {  	s28 =	sshll.u32 s19, $0xE;
	s18 =	ssub.s32 $0x0, s18;
	[sflag:s6] =	ssyncset.done $0x0  }
0x54: {  	s29 =	sor.u32 $0x40, s28;
	[sflag:s6] =	ssyncadd.s32 s18  }
0x55: {  	s30 =	smul.u32 $0x10200, s19;
	v0 =	vld [tilespmem:s29+$0x30]  }
0x56: {  	v3 =	vld [tilespmem:s29+$0xFFFFFFD0]  }
0x57: {  	s18 =	sshrl.u32 s30, $0x2;
	v4 =	vld [tilespmem:s29+$0xFFFFFFE0]  }
0x58: {  	s19 =	sor.u32 $0x8000, s18;
	v5 =	vld [tilespmem:s29+$0xFFFFFFF0]  }
0x59: {  	s31 =	sand.u32 $0x1, s14;
	v1 =	vld [tilespmem:s29+$0x0];
	s20 =	sadd.s32 $0x0, s19  }
0x5a: {  	s18 =	smul.u32 $0x10200, s31;
	v2 =	vld [tilespmem:s29+$0x10];
	[tilespmem:s20+$0x3870 ss:$0x81] =	vst.msk $0xffff, v0  }
0x5b: {  	[tilespmem:s20+$0x810 ss:$0x81] =	vst.msk $0xffff, v3;
	v3 =	vld [tilespmem:s29+$0x20]  }
0x5c: {  	s21 =	sadd.s32 $0x80, s29;
	s18 =	sshrl.u32 s18, $0x2;
	v0 =	vld [tilespmem:s29+$0xFFFFFFC0];
	[tilespmem:s20+$0x1020 ss:$0x81] =	vst.msk $0xffff, v4  }
0x5d: {  	s23 =	simm.s32 $0x8;
	s22 =	simm.s32 $0x4;
	s18 =	sor.u32 $0x8000, s18;
	v4 =	vld [tilespmem:s21+$0x30];
	[tilespmem:s20+$0x1830 ss:$0x81] =	vst.msk $0xffff, v5  }
.LBB1_3:
0x5e: {  	p1 =	sne.s32 s23, $0x1FC;
	v5 =	vld [tilespmem:s21+$0xFFFFFFD0];
	[tilespmem:s20+$0x2040 ss:$0x81] =	vst.msk $0xffff, v1  }
0x5f: {  	v6 =	vld [tilespmem:s21+$0xFFFFFFE0];
	[tilespmem:s20+$0x2850 ss:$0x81] =	vst.msk $0xffff, v2  }
0x60: {  	s24 =	sshra.s32 s22, $0x2;
	s22 =	smov.u32 s23;
	v7 =	vld [tilespmem:s21+$0xFFFFFFF0];
	[tilespmem:s20+$0x3060 ss:$0x81] =	vst.msk $0xffff, v3  }
.Ltmp3:
0x61: {  	v1 =	vld [tilespmem:s21+$0x0];
	[tilespmem:s20+$0x0 ss:$0x81] =	vst.msk $0xffff, v0;
	s20 =	sadd.s32 s24, s19;
	(pc) =	sbr.rel @p1 .LBB1_3-.Ltmp3, $4  }
0x62: {  	v2 =	vld [tilespmem:s21+$0x10];
	[tilespmem:s20+$0x3870 ss:$0x81] =	vst.msk $0xffff, v4  }
0x63: {  	[tilespmem:s20+$0x810 ss:$0x81] =	vst.msk $0xffff, v5;
	v3 =	vld [tilespmem:s21+$0x20]  }
0x64: {  	v0 =	vld [tilespmem:s21+$0xFFFFFFC0];
	[tilespmem:s20+$0x1020 ss:$0x81] =	vst.msk $0xffff, v6;
	s21 =	sadd.s32 $0x80, s21  }
0x65: {  	s23 =	sadd.s32 $0x4, s23;
	v4 =	vld [tilespmem:s21+$0x30];
	[tilespmem:s20+$0x1830 ss:$0x81] =	vst.msk $0xffff, v7  }
.Ltmp4:
0x66: {  	_ = 	snop;
	(pc) =	sbr.rel .LBB1_4-.Ltmp4, $1  }
0x67: {  	_ =	sdelay $0x3  }
.LBB1_6:
0x68: {  	_ =	sfence.sel $0x180000  }
0x69: {  	s2 =	simm.s32 $0x1;
	[bflag:$0x0] =	sbarrier.arrive $0xFFFF  }
0x6a: {  	s31 =	simm.s32 $0x2;
	[sflag:s2] =	ssyncpa.u1 $0x1  }
0x6b: {  	[sflag:s31] =	ssyncpa.u1 $0x1  }
0x6c: {  	p0 =	sne.s32 s0, $0x0;
	_ =	strace $0x9000004D  }
0x6d: {  	s0 =	sadd.s32 @!p0 $0x100000, s1;
	[bflag:$0x2] =	sbarrier.arrive $0xFFFF  }
0x6e: {  	[sflag:s0] =	ssyncadd.tile.s32 @!p0 $0x1;
	_ =	shalt  }
.Lfunc_end1:
_tile_overlayer_lowered:
.L_overlay_start_2:
0x6f: {  	(tag) =	ssettag $0x2  }
0x70: {  	s0 =	rddreg [dreg:$0x0];
	s2 =	stileid.u32  }
0x71: {  	s1 =	rddreg [dreg:$0x1];
	p0 =	sne.s32 s2, $0x0  }
0x72: {  	s3 =	rddreg [dreg:$0x2];
	[bflag:$0x3] =	sbarrier.arrive $0xFFFF;
	s2 =	simm.s32 @!p0 $0x1C01  }
0x73: {  	[timem:s3], [sflag:s2] =	dma.local @!p0 [hbm:s0], s1  }
0x74: {  	s0 =	simm.s32 @!p0 $0x1  }
0x75: {  	_ =	swait.ge @!p0 [sflag:s0], s1  }
0x76: {  	s1 =	ssub.s32 @!p0 $0x0, s1;
	[sflag:s0] =	ssyncset.done @!p0 $0x0  }
0x77: {  	[sflag:s0] =	ssyncadd.s32 @!p0 s1  }
0x78: {  	[bflag:$0x3] =	sbarrier.arrive $0xFFFF  }
0x79: {  	_ =	shalt  }

// kernel: sparse-core-data-format-call.3.cloned.1.call-start
scs
called_computation.3_lowered:
.L_overlay_start_0:
0x0: {  	s1 =	sld [smem:$0x3FD9]  }
0x1: {  	s2 =	sld [smem:$0x3FFE];
	_ =	sdelay $0x1  }
0x2: {  	s3 =	srdreg.scid  }
0x3: {  	s0 =	sand.u32 $0x1, s3  }
0x4: {  	s17 =	sshll.u32 s0, $0xA;
	s1 =	sadd.s32 s2, s1  }
0x5: {  	s1 =	sadd.s32 s1, s17  }
0x6: {  	[smem:$0x3FBD] =	sst s1  }
0x7: {  	_ = 	snop  }
0x8: {  	(tm) =	ssettm $0x1  }
0x9: {  	s18 =	sld [smem:$0x3FFB];
	_ =	sdelay $0x3  }
0xa: {  	_ =	strace s18  }
0xb: {  	s1 =	sld [smem:$0x3FFC];
	_ =	sdelay $0x3  }
0xc: {  	_ =	strace s1  }
0xd: {  	s1 =	sld [smem:$0x3FFD];
	_ =	sdelay $0x3  }
0xe: {  	_ =	strace s1  }
0xf: {  	_ =	strace $0x8FFFFFFF  }
0x10: {  	s19 =	sld [smem:$0x3FDB];
	_ =	sdelay $0x1  }
0x11: {  	s20 =	simm.s32 $_scs_section_size  }
0x12: {  	s4 =	simm.s32 $_size__tile_overlayer_lowered;
	s5 =	simm.s32 $_tile_overlayer_lowered  }
0x13: {  	s23 =	simm.s32 $0x1BFF;
	s22 =	sshll.u32 s5, $0x1;
	s1 =	sadd.s32 s20, s19  }
0x14: {  	s6 =	simm.s32 $0x0;
	s21 =	sshll.u32 s4, $0x1;
	s4 =	sadd.s32 s22, s1  }
0x15: {  	[timem:s6], [sflag:s23] =	dma.local [hbm:s4], s21  }
0x16: {  	_ =	swait.ge [sflag:s23], s21  }
0x17: {  	s2 =	ssub.s32 $0x0, s21;
	[sflag:s23] =	ssyncset.done $0x0  }
0x18: {  	[sflag:s23] =	ssyncadd.s32 s2;
	_ =	sdelay $0x1  }
0x19: {  	s24 =	simm.s32 $0x1B8B  }
0x1a: {  	_ =	swait.ge [sflag:s24], $0x1  }
0x1b: {  	[sflag:s24] =	ssyncset.done $0x0  }
0x1c: {  	s26 =	simm.s32 $0x1B8E;
	s25 =	sld [smem:$0x3FFE];
	[sflag:s24] =	ssyncadd.s32 $0xFFFFFFFF  }
0x1d: {  	s27 =	simm.s32 $execute0_lowered;
	[smem:$0x3FD2] =	sst s26  }
0x1e: {  	s4 =	sshll.u32 s27, $0x1;
	_ =	strace $0x80000049;
	[dreg:$0x1] =	wrdreg $0xFFFFFFFF  }
0x1f: {  	s28 =	simm.s32 $_size_execute0_lowered;
	s1 =	sadd.s32 s1, s4;
	[dreg:$0x0] =	wrdreg $0x0  }
0x20: {  	s4 =	sshll.u32 s28, $0x1;
	[dreg:$0x2] =	wrdreg s1  }
0x21: {  	[dreg:$0x3] =	wrdreg s4  }
0x22: {  	[dreg:$0x4] =	wrdreg $0xC0  }
0x23: {  	_ =	task [dreg:s6], $0x5FFFF  }
0x24: {  	[dreg:$0x1] =	wrdreg $0xFFFFFFFF  }
0x25: {  	[dreg:$0x0] =	wrdreg $0x60  }
0x26: {  	[dreg:$0x2] =	wrdreg s25  }
0x27: {  	[dreg:$0x3] =	wrdreg $0x9  }
0x28: {  	_ =	task.clear_ibuf [dreg:s6], $0x4FFFF;
	_ =	strace $0x90000049  }
0x29: {  	s29 =	simm.s32 $0x9;
	_ =	strace $0x8000004B  }
0x2a: {  	_ =	swait.ge [sflag:s29], $0x1  }
0x2b: {  	[sflag:s29] =	ssyncadd.s32 $0xFFFFFFFF  }
0x2c: {  	_ =	strace $0x9000004B  }
0x2d: {  	_ =	sfence  }
0x2e: {  	s30 =	sld [smem:$0x0];
	_ =	sdelay $0x2  }
0x2f: {  	s31 =	sshll.u32 s3, $0xD;
	s3 =	sshrl.u32 s3, $0x2  }
0x30: {  	s2 =	sand.u32 $0x4000, s31;
	s1 =	sadd.s32 s3, s30  }
0x31: {  	s0 =	sor.u32 s2, s0;
	s1 =	sshll.u32 s1, $0x11  }
0x32: {  	s0 =	sor.u32 s1, s0  }
0x33: {  	s0 =	sadd.s32 $0x8F2B, s0  }
0x34: {  	[sflag:s0] =	ssyncadd.remote.s32 $0x1  }
0x35: {  	_ =	sfence.sel $0xFFFF  }
0x36: {  	[dreg:$0x0] =	wrdreg $0xFFFFFFFF;
	(pc) =	sbr.abs _section_cstart, $3  }
0x37: {  	[dreg:$0x1] =	wrdreg $0xFFFFFFFF  }
0x38: {  	_ =	task.clear_ibuf [dreg:s6], $0x2FFFF;
	_ =	strace $0x9FFFFFFF  }
0x39: {  	(tm) =	ssettm $0x7FFFFFFF  }
tec
execute0_lowered:
.L_overlay_start_1:
0x0: {  	(tag) =	ssettag $0x1  }
0x1: {  	s9 =	stileid.u32  }
0x2: {  	s0 =	rddreg [dreg:$0x0];
	s4 =	srdreg.scid;
	_ =	strace $0x8000004A  }
0x3: {  	s30 =	simm.s32 $0x2;
	s18 =	simm.s32 $0x0;
	p0 =	por $0x0, $0x0  }
0x4: {  	s19 =	simm.s32 $0x0;
	s20 =	simm.s32 $0x0;
	s2 =	sand.u32 $0x1, s9  }
0x5: {  	s21 =	simm.s32 $0x0;
	s1 =	sshrl.u32 s9, $0x3;
	s5 =	ssub.s32 $0x2, s2  }
0x6: {  	s4 =	sand.u32 $0x1, s4;
	s7 =	ssub.s32 $0x2, s1;
	s6 =	sshrl.u32 s5, $0x1  }
0x7: {  	s5 =	sand.u32 $0x1, s5;
	s8 =	sshrl.u32 s7, $0x1;
	s7 =	sand.u32 $0x1, s7  }
0x8: {  	s27 =	ssub.s32 $0x2, s4;
	s5 =	sadd.s32 s5, s6;
	s26 =	sadd.s32 s7, s8  }
0x9: {  	s13 =	simm.s32 $0x0;
	s28 =	sshrl.u32 s27, $0x1;
	s6 =	smul.u32 s26, s5  }
0xa: {  	s14 =	simm.s32 $0x0;
	s3 =	smul.u32 $0xE00, s1;
	s7 =	ssub.s32 s27, s28  }
0xb: {  	s17 =	simm.s32 $0x0;
	s29 =	sshrl.u32 s9, $0x1;
	s7 =	smul.u32 s7, s6  }
.Ltmp0:
0xc: {  	s10 =	sshll.u32 s4, $0x4;
	s16 =	smov.u32 s2;
	(pc) =	sbr.rel .LBB1_1-.Ltmp0, $4  }
0xd: {  	s3 =	sadd.s32 s3, s0;
	s0 =	sadd.s32 $0x4000, s0;
	s8 =	sand.u32 $0x3, s29  }
0xe: {  	s5 =	simm.s32 $0x1;
	[dreg:$0x2] =	wrdreg s0;
	s7 =	smul.u32 $0x1C, s7  }
0xf: {  	s31 =	sadd.s32 s10, s3;
	s15 =	smov.u32 s8;
	[sflag:s5] =	ssyncpa.u1 $0x0  }
0x10: {  	s9 =	sadd.s32 $0x15B000, s31;
	[sflag:s30] =	ssyncpa.u1 $0x0;
	s10 =	sor.u32 $0x1, s7  }
.LBB1_9:
0x11: {  	s11 =	smul.u32 $0xAB800, s14  }
0x12: {  	s0 =	sand.u32 $0x1FFFFFF, s13;
	s12 =	smul.u32 $0xE00, s21  }
0x13: {  	s6 =	smulhi.u32 $0x2492493, s0  }
0x14: {  	s20 =	smul.u32 $0x700, s20  }
0x15: {  	s3 =	sand.u32 $0x1, s17;
	s28 =	rddreg [dreg:$0x2];
	s6 =	smul.u32 $0x70, s6  }
0x16: {  	s29 =	smul.u32 $0x3100, s22;
	s30 =	simm.s32 $0x80;
	s11 =	sadd.s32 s28, s11  }
0x17: {  	s3 =	smul.u32 $0x4080, s3;
	s11 =	sadd.s32 s12, s11;
	s0 =	ssub.s32 s0, s6  }
0x18: {  	s31 =	simm.s32 $0xE000;
	s11 =	sadd.s32 s20, s11;
	s0 =	sshll.u32 s0, $0x4  }
0x19: {  	s3 =	sor.u32 $0x8000, s3;
	s6 =	sand.u32 $0x3FFFFF00, s29;
	s0 =	sadd.s32 s0, s11  }
0x1a: {  	[hbm4b:s0+s30] =	stream.strided.scatter [tilespmem:s3], [sflag:$0x2], s6, s31, s30, $0x20;
	[tilespmem:$0x10100] =	vst v63  }
.LBB1_10:
0x1b: {  	p1 =	slt.u32 s17, $0x2  }
0x1c: {  	p2 =	sgt.s32 @!p1 s19, $0x1  }
0x1d: {  	s0 =	smov.u32 s19;
	s6 =	smov.u32 s18;
	p2 =	por !p2, p1  }
0x1e: {  	s3 =	sshra.s32 @!p1 s19, $0x1F;
	s0 =	simm.s32 @p2 $0x1;
	p2 =	sgt.s32 @!p1 s18, $0x6F  }
0x1f: {  	s11 =	sshra.s32 @!p1 s18, $0x1F;
	s3 =	sand.u32 @!p1 s3, s19;
	p2 =	por !p2, p1  }
0x20: {  	s11 =	sand.u32 @!p1 s11, s18;
	s3 =	sxor.u32 @!p1 $0xFFFFFFFF, s3;
	s6 =	simm.s32 @p2 $0x6F  }
0x21: {  	s0 =	sadd.s32 @!p1 s3, s0;
	s3 =	ssub.s32 @!p1 s6, s11  }
0x22: {  	s6 =	ssub.s32 @!p1 $0x1, s0;
	s11 =	sadd.s32 @!p1 $0xFFFFFF91, s3  }
0x23: {  	p2 =	sgt.s32 @!p1 s0, $0x0;
	s0 =	smul.u32 @!p1 $0x3100, s6;
	p3 =	sgt.s32 @!p1 s11, $0x0  }
0x24: {  	p2 =	por !p2, p1;
	s3 =	ssub.s32 @!p1 $0x70, s3;
	p3 =	por !p3, p1  }
0x25: {  	s0 =	simm.s32 @!p2 $0x0;
	s3 =	simm.s32 @!p3 $0x0  }
0x26: {  	s0 =	smul.u32 @!p1 s3, s0;
	s3 =	sadd.s32 $0x4, s15  }
0x27: {  	s12 =	smov.u32 s16;
	s11 =	sadd.s32 $0x2, s16;
	p2 =	sgt.s32 s3, $0x6F  }
0x28: {  	s12 =	smov.u32 @p2 s11  }
0x29: {  	p0 =	por !p0, !p0;
	s3 =	smov.u32 @p2 s8;
	p2 =	sgt.s32 s12, $0x1  }
0x2a: {  	s20 =	smov.u32 s4;
	s12 =	smov.u32 @p2 s2;
	p2 =	sne.s32 s17, s10  }
.Ltmp1:
0x2b: {  	s21 =	smov.u32 s1;
	s19 =	smov.u32 s14;
	(pc) =	sbr.rel @!p2 .LBB1_11-.Ltmp1, $4  }
0x2c: {  	s14 =	smov.u32 s16;
	s6 =	simm.s32 @!p1 $0x2;
	s0 =	sand.u32 @!p1 $0x3FFFFF00, s0  }
0x2d: {  	s18 =	smov.u32 s13;
	s13 =	smov.u32 s15;
	_ =	swait.ge @!p1 [sflag:s6], s0  }
0x2e: {  	s0 =	ssub.s32 @!p1 $0x0, s0;
	s15 =	smov.u32 s3;
	[sflag:s6] =	ssyncset.done @!p1 $0x0  }
0x2f: {  	s17 =	sadd.s32 $0x1, s17;
	[sflag:s6] =	ssyncadd.s32 @!p1 s0;
	s16 =	smov.u32 s12  }
.LBB1_1:
0x30: {  	p1 =	sge.u32 s17, s7  }
0x31: {  	p2 =	sgt.s32 @!p1 s16, $0x1  }
0x32: {  	s0 =	smov.u32 s16;
	s11 =	smov.u32 s15;
	p2 =	por !p2, p1  }
0x33: {  	s3 =	sshra.s32 @!p1 s16, $0x1F;
	s0 =	simm.s32 @p2 $0x1;
	p2 =	sgt.s32 @!p1 s15, $0x6F  }
0x34: {  	s12 =	sshra.s32 @!p1 s15, $0x1F;
	s3 =	sand.u32 @!p1 s3, s16;
	p2 =	por !p2, p1  }
0x35: {  	s12 =	sand.u32 @!p1 s12, s15;
	s3 =	sxor.u32 @!p1 $0xFFFFFFFF, s3;
	s11 =	simm.s32 @p2 $0x6F  }
0x36: {  	s31 =	sadd.s32 $0xFFFFFFFF, s17;
	s0 =	sadd.s32 @!p1 s3, s0;
	s3 =	ssub.s32 @!p1 s11, s12  }
0x37: {  	p2 =	sgt.s32 @!p1 s0, $0x0;
	s11 =	ssub.s32 @!p1 $0x1, s0;
	s12 =	sadd.s32 @!p1 $0xFFFFFF91, s3  }
0x38: {  	p2 =	por !p2, p1;
	s0 =	smul.u32 @!p1 $0x3800, s11;
	p3 =	sgt.s32 @!p1 s12, $0x0  }
0x39: {  	s3 =	ssub.s32 @!p1 $0x70, s3;
	s11 =	smul.u32 @!p1 $0xC4000, s16;
	p3 =	por !p3, p1  }
0x3a: {  	s12 =	smul.u32 @!p1 $0x1C00, s15;
	s0 =	simm.s32 @!p2 $0x0;
	s3 =	simm.s32 @!p3 $0x0  }
0x3b: {  	s11 =	sadd.s32 @!p1 s11, s9;
	s0 =	smul.u32 @!p1 s3, s0;
	s3 =	sxor.u32 @!p1 $0xFFFFFFFF, s17  }
0x3c: {  	s22 =	simm.s32 @!p1 $0x100;
	s11 =	sadd.s32 @!p1 s12, s11;
	s3 =	sshll.u32 @!p1 s3, $0xE  }
0x3d: {  	s12 =	simm.s32 @!p1 $0x80;
	s3 =	sand.u32 @!p1 $0x4000, s3;
	s0 =	sand.u32 @!p1 $0x3FFFF800, s0  }
0x3e: {  	[tilespmem:s3], [sflag:$0x1] =	stream.strided.gather @!p1 [hbm4b:s11+s12], s0, s22, s12, $0x38;
	[tilespmem:$0x10100] =	vst v63  }
0x3f: {  	p1 =	sge.u32 s31, s7  }
.Ltmp2:
0x40: {  	_ = 	snop;
	(pc) =	sbr.rel @p1 .LBB1_10-.Ltmp2, $1  }
0x41: {  	_ =	sdelay $0x3  }
0x42: {  	p1 =	sgt.s32 s14, $0x1;
	s0 =	smov.u32 s14  }
0x43: {  	s3 =	sshra.s32 s14, $0x1F;
	s11 =	smov.u32 s13;
	s12 =	sshra.s32 s13, $0x1F  }
0x44: {  	s0 =	simm.s32 @!p1 $0x1;
	s3 =	sand.u32 s3, s14;
	p1 =	sgt.s32 s13, $0x6F  }
0x45: {  	s12 =	sand.u32 s12, s13;
	s3 =	sxor.u32 $0xFFFFFFFF, s3;
	s11 =	simm.s32 @!p1 $0x6F  }
0x46: {  	s0 =	sadd.s32 s3, s0;
	s29 =	ssub.s32 s11, s12  }
0x47: {  	p1 =	sgt.s32 s0, $0x0;
	s11 =	sadd.s32 $0xFFFFFF91, s29  }
0x48: {  	s0 =	ssub.s32 $0x1, s0;
	s3 =	ssub.s32 $0x70, s29;
	p2 =	sgt.s32 s11, $0x0  }
0x49: {  	s0 =	simm.s32 @p1 $0x0;
	s3 =	simm.s32 @p2 $0x0  }
0x4a: {  	s22 =	smul.u32 s0, s3;
	s0 =	sadd.s32 $0x1, s14  }
0x4b: {  	s3 =	sadd.s32 $0x1, s13;
	p1 =	slt.s32 s0, $0x2  }
0x4c: {  	s0 =	simm.s32 @!p1 $0x2;
	p1 =	slt.s32 s3, $0x70  }
0x4d: {  	s23 =	ssub.s32 s0, s14;
	s3 =	simm.s32 @!p1 $0x70  }
0x4e: {  	s24 =	ssub.s32 s3, s13;
	p1 =	slt.s32 s23, $0x1  }
0x4f: {  	p2 =	slt.s32 @!p1 s24, $0x1  }
0x50: {  	s30 =	smul.u32 $0x3800, s22;
	p1 =	por p1, p2  }
.Ltmp3:
0x51: {  	_ = 	snop;
	(pc) =	sbr.rel @p1 .LBB1_9-.Ltmp3, $4  }
0x52: {  	s31 =	sand.u32 $0x3FFFF800, s30  }
0x53: {  	_ =	swait.ge [sflag:s5], s31  }
0x54: {  	s0 =	ssub.s32 $0x0, s31;
	[sflag:s5] =	ssyncset.done $0x0  }
0x55: {  	[sflag:s5] =	ssyncadd.s32 s0  }
0x56: {  	s0 =	simm.s32 $0x1  }
0x57: {  	s0 =	simm.s32 @!p0 $0x0  }
0x58: {  	s3 =	smul.u32 $0x10200, s0;
	_ =	sdelay $0x1  }
0x59: {  	s0 =	sshll.u32 s0, $0xE;
	s3 =	sshrl.u32 s3, $0x2  }
0x5a: {  	s27 =	simm.s32 $0x0;
	s26 =	sor.u32 $0x30, s0;
	s25 =	sor.u32 $0x8000, s3  }
.LBB1_4:
0x5b: {  	s28 =	smov.u32 s26;
	s29 =	simm.s32 $0x0;
	s30 =	simm.s32 $0x0  }
.LBB1_5:
0x5c: {  	s0 =	sand.u32 $0x7, s29  }
0x5d: {  	v1 =	vld [tilespmem:s28+$0x30];
	s0 =	smul.u32 $0x204, s0  }
0x5e: {  	v2 =	vld [tilespmem:s28+$0xFFFFFFD0]  }
0x5f: {  	v5 =	vld [tilespmem:s28+$0xFFFFFFE0];
	s0 =	sshrl.u32 s0, $0x2  }
0x60: {  	v3 =	vld [tilespmem:s28+$0xFFFFFFF0];
	s31 =	sadd.s32 s0, s25  }
0x61: {  	v4 =	vld [tilespmem:s28+$0x0];
	s3 =	sadd.s32 $0x0, s31  }
0x62: {  	v0 =	vld [tilespmem:s28+$0x10];
	[tilespmem:s3+$0x3060 ss:$0x81] =	vst.msk $0xffff, v1  }
0x63: {  	s0 =	sadd.s32 $0x80, s28;
	[tilespmem:s3+$0x0 ss:$0x81] =	vst.msk $0xffff, v2;
	v1 =	vld [tilespmem:s28+$0x20]  }
0x64: {  	s11 =	simm.s32 $0x4;
	s12 =	simm.s32 $0x8;
	v2 =	vld [tilespmem:s0+$0x30];
	[tilespmem:s3+$0x810 ss:$0x81] =	vst.msk $0xffff, v5  }
.LBB1_6:
0x65: {  	p1 =	sne.s32 s12, $0x1BC;
	v5 =	vld [tilespmem:s0+$0xFFFFFFD0];
	[tilespmem:s3+$0x1020 ss:$0x81] =	vst.msk $0xffff, v3  }
0x66: {  	v6 =	vld [tilespmem:s0+$0xFFFFFFE0];
	[tilespmem:s3+$0x1830 ss:$0x81] =	vst.msk $0xffff, v4  }
.Ltmp4:
0x67: {  	s6 =	sshra.s32 s11, $0x2;
	s11 =	smov.u32 s12;
	v3 =	vld [tilespmem:s0+$0xFFFFFFF0];
	[tilespmem:s3+$0x2040 ss:$0x81] =	vst.msk $0xffff, v0;
	(pc) =	sbr.rel @p1 .LBB1_6-.Ltmp4, $4  }
0x68: {  	v4 =	vld [tilespmem:s0+$0x0];
	[tilespmem:s3+$0x2850 ss:$0x81] =	vst.msk $0xffff, v1;
	s3 =	sadd.s32 s6, s31  }
0x69: {  	v0 =	vld [tilespmem:s0+$0x10];
	[tilespmem:s3+$0x3060 ss:$0x81] =	vst.msk $0xffff, v2  }
0x6a: {  	[tilespmem:s3+$0x0 ss:$0x81] =	vst.msk $0xffff, v5;
	v1 =	vld [tilespmem:s0+$0x20];
	s0 =	sadd.s32 $0x80, s0  }
0x6b: {  	s12 =	sadd.s32 $0x4, s12;
	v2 =	vld [tilespmem:s0+$0x30];
	[tilespmem:s3+$0x810 ss:$0x81] =	vst.msk $0xffff, v6  }
0x6c: {  	v5 =	vld [tilespmem:s0+$0xFFFFFFD0];
	[tilespmem:s3+$0x1020 ss:$0x81] =	vst.msk $0xffff, v3  }
0x6d: {  	v59 =	vld [tilespmem:s0+$0xFFFFFFE0];
	[tilespmem:s3+$0x1830 ss:$0x81] =	vst.msk $0xffff, v4  }
0x6e: {  	s6 =	sshra.s32 s11, $0x2;
	v60 =	vld [tilespmem:s0+$0xFFFFFFF0];
	[tilespmem:s3+$0x2040 ss:$0x81] =	vst.msk $0xffff, v0  }
0x6f: {  	v61 =	vld [tilespmem:s0+$0x0];
	s6 =	sadd.s32 s6, s31;
	[tilespmem:s3+$0x2850 ss:$0x81] =	vst.msk $0xffff, v1  }
0x70: {  	v62 =	vld [tilespmem:s0+$0x10];
	s30 =	sadd.s32 $0x1, s30;
	[tilespmem:s6+$0x3060 ss:$0x81] =	vst.msk $0xffff, v2  }
0x71: {  	v63 =	vld [tilespmem:s0+$0x20];
	p1 =	sne.s32 s30, s24;
	[tilespmem:s6+$0x0 ss:$0x81] =	vst.msk $0xffff, v5  }
.Ltmp5:
0x72: {  	[tilespmem:s6+$0x810 ss:$0x81] =	vst.msk $0xffff, v59;
	(pc) =	sbr.rel @p1 .LBB1_5-.Ltmp5, $4  }
0x73: {  	[tilespmem:s6+$0x1020 ss:$0x81] =	vst.msk $0xffff, v60  }
0x74: {  	[tilespmem:s6+$0x1830 ss:$0x81] =	vst.msk $0xffff, v61  }
0x75: {  	[tilespmem:s6+$0x2040 ss:$0x81] =	vst.msk $0xffff, v62  }
0x76: {  	s29 =	sadd.s32 $0x1, s29;
	s28 =	sadd.s32 $0x4000, s28;
	[tilespmem:s6+$0x2850 ss:$0x81] =	vst.msk $0xffff, v63  }
0x77: {  	s27 =	sadd.s32 $0x1, s27  }
0x78: {  	p1 =	sne.s32 s27, s23  }
.Ltmp6:
0x79: {  	_ = 	snop;
	(pc) =	sbr.rel @p1 .LBB1_4-.Ltmp6, $4  }
.Ltmp7:
0x7a: {  	_ = 	snop;
	(pc) =	sbr.rel @!p1 .LBB1_9-.Ltmp7, $4  }
0x7b: {  	_ = 	snop  }
0x7c: {  	_ = 	snop  }
0x7d: {  	s25 =	sadd.s32 $0x4080, s25;
	s26 =	sadd.s32 $0x4000, s26  }
0x7e: {  	_ = 	snop  }
.LBB1_11:
0x7f: {  	_ =	sfence.sel $0x180000  }
0x80: {  	s0 =	simm.s32 $0x1;
	[bflag:$0x0] =	sbarrier.arrive $0xFFFF  }
0x81: {  	s30 =	simm.s32 $0x2;
	[sflag:s0] =	ssyncpa.u1 $0x1  }
0x82: {  	[sflag:s30] =	ssyncpa.u1 $0x1  }
0x83: {  	_ =	strace $0x9000004A  }
0x84: {  	s31 =	stileid.u32;
	[bflag:$0x2] =	sbarrier.arrive $0xFFFF  }
0x85: {  	p0 =	sne.s32 s31, $0x0;
	s0 =	rddreg [dreg:$0x1]  }
0x86: {  	s0 =	sadd.s32 @!p0 $0x100000, s0  }
0x87: {  	[sflag:s0] =	ssyncadd.tile.s32 @!p0 $0x1;
	_ =	shalt  }
.Lfunc_end1:
_tile_overlayer_lowered:
.L_overlay_start_2:
0x88: {  	(tag) =	ssettag $0x2  }
0x89: {  	s0 =	rddreg [dreg:$0x0];
	s2 =	stileid.u32  }
0x8a: {  	s1 =	rddreg [dreg:$0x1];
	p0 =	sne.s32 s2, $0x0  }
0x8b: {  	s3 =	rddreg [dreg:$0x2];
	[bflag:$0x3] =	sbarrier.arrive $0xFFFF;
	s2 =	simm.s32 @!p0 $0x1C01  }
0x8c: {  	[timem:s3], [sflag:s2] =	dma.local @!p0 [hbm:s0], s1  }
0x8d: {  	s0 =	simm.s32 @!p0 $0x1  }
0x8e: {  	_ =	swait.ge @!p0 [sflag:s0], s1  }
0x8f: {  	s1 =	ssub.s32 @!p0 $0x0, s1;
	[sflag:s0] =	ssyncset.done @!p0 $0x0  }
0x90: {  	[sflag:s0] =	ssyncadd.s32 @!p0 s1  }
0x91: {  	[bflag:$0x3] =	sbarrier.arrive $0xFFFF  }
0x92: {  	_ =	shalt  }

// kernel: sparse-core-data-format-call.4.cloned.1.call-start
scs
called_computation.4_lowered:
.L_overlay_start_0:
0x0: {  	s1 =	sld [smem:$0x3FD9]  }
0x1: {  	s2 =	sld [smem:$0x3FFE];
	_ =	sdelay $0x1  }
0x2: {  	s3 =	srdreg.scid  }
0x3: {  	s0 =	sand.u32 $0x1, s3  }
0x4: {  	s17 =	sshll.u32 s0, $0xA;
	s1 =	sadd.s32 s2, s1  }
0x5: {  	s1 =	sadd.s32 s1, s17  }
0x6: {  	[smem:$0x3FBD] =	sst s1  }
0x7: {  	_ = 	snop  }
0x8: {  	(tm) =	ssettm $0x1  }
0x9: {  	s18 =	sld [smem:$0x3FFB];
	_ =	sdelay $0x3  }
0xa: {  	_ =	strace s18  }
0xb: {  	s1 =	sld [smem:$0x3FFC];
	_ =	sdelay $0x3  }
0xc: {  	_ =	strace s1  }
0xd: {  	s1 =	sld [smem:$0x3FFD];
	_ =	sdelay $0x3  }
0xe: {  	_ =	strace s1  }
0xf: {  	_ =	strace $0x8FFFFFFF  }
0x10: {  	s19 =	sld [smem:$0x3FDB];
	_ =	sdelay $0x1  }
0x11: {  	s20 =	simm.s32 $_scs_section_size  }
0x12: {  	s4 =	simm.s32 $_size__tile_overlayer_lowered;
	s5 =	simm.s32 $_tile_overlayer_lowered  }
0x13: {  	s23 =	simm.s32 $0x1BFF;
	s22 =	sshll.u32 s5, $0x1;
	s1 =	sadd.s32 s20, s19  }
0x14: {  	s6 =	simm.s32 $0x0;
	s21 =	sshll.u32 s4, $0x1;
	s4 =	sadd.s32 s22, s1  }
0x15: {  	[timem:s6], [sflag:s23] =	dma.local [hbm:s4], s21  }
0x16: {  	_ =	swait.ge [sflag:s23], s21  }
0x17: {  	s2 =	ssub.s32 $0x0, s21;
	[sflag:s23] =	ssyncset.done $0x0  }
0x18: {  	[sflag:s23] =	ssyncadd.s32 s2;
	_ =	sdelay $0x1  }
0x19: {  	s24 =	simm.s32 $0x1B8B  }
0x1a: {  	_ =	swait.ge [sflag:s24], $0x1  }
0x1b: {  	[sflag:s24] =	ssyncset.done $0x0  }
0x1c: {  	s26 =	simm.s32 $0x1B8E;
	s25 =	sld [smem:$0x3FFE];
	[sflag:s24] =	ssyncadd.s32 $0xFFFFFFFF  }
0x1d: {  	s27 =	simm.s32 $execute0_lowered;
	[smem:$0x3FD2] =	sst s26  }
0x1e: {  	s4 =	sshll.u32 s27, $0x1;
	_ =	strace $0x80000046;
	[dreg:$0x1] =	wrdreg $0xFFFFFFFF  }
0x1f: {  	s28 =	simm.s32 $_size_execute0_lowered;
	s1 =	sadd.s32 s1, s4;
	[dreg:$0x0] =	wrdreg $0x0  }
0x20: {  	s4 =	sshll.u32 s28, $0x1;
	[dreg:$0x2] =	wrdreg s1  }
0x21: {  	[dreg:$0x3] =	wrdreg s4  }
0x22: {  	[dreg:$0x4] =	wrdreg $0xC0  }
0x23: {  	_ =	task [dreg:s6], $0x5FFFF  }
0x24: {  	[dreg:$0x1] =	wrdreg $0xFFFFFFFF  }
0x25: {  	[dreg:$0x0] =	wrdreg $0x60  }
0x26: {  	[dreg:$0x2] =	wrdreg s25  }
0x27: {  	[dreg:$0x3] =	wrdreg $0x9  }
0x28: {  	_ =	task.clear_ibuf [dreg:s6], $0x4FFFF;
	_ =	strace $0x90000046  }
0x29: {  	s29 =	simm.s32 $0x9;
	_ =	strace $0x80000048  }
0x2a: {  	_ =	swait.ge [sflag:s29], $0x1  }
0x2b: {  	[sflag:s29] =	ssyncadd.s32 $0xFFFFFFFF  }
0x2c: {  	_ =	strace $0x90000048  }
0x2d: {  	_ =	sfence  }
0x2e: {  	s30 =	sld [smem:$0x0];
	_ =	sdelay $0x2  }
0x2f: {  	s31 =	sshll.u32 s3, $0xD;
	s3 =	sshrl.u32 s3, $0x2  }
0x30: {  	s2 =	sand.u32 $0x4000, s31;
	s1 =	sadd.s32 s3, s30  }
0x31: {  	s0 =	sor.u32 s2, s0;
	s1 =	sshll.u32 s1, $0x11  }
0x32: {  	s0 =	sor.u32 s1, s0  }
0x33: {  	s0 =	sadd.s32 $0x8F2B, s0  }
0x34: {  	[sflag:s0] =	ssyncadd.remote.s32 $0x1  }
0x35: {  	_ =	sfence.sel $0xFFFF  }
0x36: {  	[dreg:$0x0] =	wrdreg $0xFFFFFFFF;
	(pc) =	sbr.abs _section_cstart, $3  }
0x37: {  	[dreg:$0x1] =	wrdreg $0xFFFFFFFF  }
0x38: {  	_ =	task.clear_ibuf [dreg:s6], $0x2FFFF;
	_ =	strace $0x9FFFFFFF  }
0x39: {  	(tm) =	ssettm $0x7FFFFFFF  }
tec
execute0_lowered:
.L_overlay_start_1:
0x0: {  	(tag) =	ssettag $0x1  }
0x1: {  	s0 =	rddreg [dreg:$0x0];
	s4 =	stileid.u32  }
0x2: {  	_ =	strace $0x80000047;
	s2 =	srdreg.scid;
	s30 =	simm.s32 $0x1  }
0x3: {  	s31 =	simm.s32 $0x2;
	s21 =	simm.s32 $0x0;
	s23 =	simm.s32 $0x0  }
0x4: {  	s22 =	simm.s32 $0x0;
	s24 =	simm.s32 $0x0;
	s12 =	simm.s32 $0x0  }
0x5: {  	s13 =	simm.s32 $0x0;
	s14 =	simm.s32 $0x0;
	s16 =	simm.s32 $0x0  }
0x6: {  	s15 =	simm.s32 $0x0;
	s18 =	simm.s32 $0x0;
	s1 =	sadd.s32 $0x4000, s0  }
0x7: {  	s8 =	sand.u32 $0x1, s4;
	s0 =	sadd.s32 $0x15B000, s0;
	[dreg:$0x3] =	wrdreg s1  }
0x8: {  	s29 =	sshll.u32 s2, $0x4;
	s28 =	ssub.s32 $0x2, s8;
	[dreg:$0x4] =	wrdreg s0  }
0x9: {  	s0 =	sand.u32 $0x10, s29;
	s3 =	sshrl.u32 s28, $0x1;
	s1 =	sand.u32 $0x1, s28  }
.Ltmp0:
0xa: {  	s0 =	sor.u32 s4, s0;
	s1 =	sadd.s32 s1, s3;
	(pc) =	sbr.rel .LBB1_1-.Ltmp0, $4  }
0xb: {  	[dreg:$0x2] =	wrdreg s8;
	s10 =	sshrl.u32 s0, $0x1;
	s9 =	smul.u32 $0x1C, s1  }
0xc: {  	s20 =	simm.s32 $0x0;
	[sflag:s30] =	ssyncpa.u1 $0x0;
	[dreg:$0x6] =	wrdreg s10  }
0xd: {  	[sflag:s31] =	ssyncpa.u1 $0x0;
	s11 =	sor.u32 $0x1, s9;
	[dreg:$0x5] =	wrdreg s9  }
0xe: {  	s19 =	smov.u32 s8;
	s17 =	smov.u32 s10;
	[dreg:$0x7] =	wrdreg s11  }
.LBB1_18:
0xf: {  	s12 =	rddreg [dreg:$0x8]  }
0x10: {  	s14 =	rddreg [dreg:$0xa]  }
0x11: {  	s22 =	rddreg [dreg:$0x16]  }
0x12: {  	s4 =	rddreg [dreg:$0x15]  }
0x13: {  	s24 =	rddreg [dreg:$0x18]  }
0x14: {  	s5 =	rddreg [dreg:$0x17]  }
0x15: {  	s16 =	rddreg [dreg:$0xc]  }
0x16: {  	s13 =	rddreg [dreg:$0x9]  }
0x17: {  	s6 =	rddreg [dreg:$0x4]  }
0x18: {  	s30 =	rddreg [dreg:$0x19]  }
0x19: {  	s8 =	rddreg [dreg:$0x2]  }
0x1a: {  	s9 =	rddreg [dreg:$0x5]  }
0x1b: {  	s10 =	rddreg [dreg:$0x6]  }
0x1c: {  	s11 =	rddreg [dreg:$0x7]  }
0x1d: {  	s15 =	rddreg [dreg:$0xb]  }
0x1e: {  	s17 =	rddreg [dreg:$0xd]  }
0x1f: {  	s18 =	rddreg [dreg:$0xe]  }
0x20: {  	s19 =	rddreg [dreg:$0xf]  }
0x21: {  	s20 =	rddreg [dreg:$0x10]  }
0x22: {  	s21 =	rddreg [dreg:$0x11]  }
0x23: {  	s0 =	sshll.u32 s12, $0x7;
	s1 =	sshll.u32 s14, $0x3;
	p0 =	sgt.s32 s14, $0x0  }
0x24: {  	s3 =	smov.u32 s12;
	s2 =	sand.u32 $0xFFFFFC00, s0;
	s1 =	sand.u32 $0xFFFFFC00, s1  }
0x25: {  	s25 =	smul.u32 $0xC4000, s16;
	s1 =	sadd.s32 s1, s2;
	s2 =	smov.u32 s14  }
0x26: {  	s26 =	smul.u32 $0xE00, s13;
	s0 =	sand.u32 $0x380, s0;
	s2 =	simm.s32 @!p0 $0x0  }
0x27: {  	s27 =	sshrl.u32 s14, $0x3;
	s0 =	sor.u32 s0, s1;
	s1 =	sadd.s32 s2, s22  }
0x28: {  	s0 =	sshrl.u32 s0, $0x7;
	p0 =	sgt.s32 s1, $0x7F;
	s1 =	ssub.s32 $0x80, s1  }
0x29: {  	s23 =	smulhi.u32 $0x2492493, s0;
	s1 =	simm.s32 @p0 $0x0;
	p0 =	sgt.s32 s12, $0x60  }
0x2a: {  	s31 =	sand.u32 $0x7, s14;
	s28 =	sand.u32 $0xF, s27;
	s3 =	simm.s32 @!p0 $0x60  }
0x2b: {  	s2 =	sshrl.u32 s23, $0x1;
	s1 =	smul.u32 s4, s1;
	s3 =	sadd.s32 s24, s3  }
0x2c: {  	s22 =	rddreg [dreg:$0x12];
	s2 =	smul.u32 $0xE0, s2;
	s4 =	sadd.s32 $0xFFFFFFA0, s3  }
0x2d: {  	s1 =	smul.u32 s5, s1;
	s3 =	ssub.s32 $0xE0, s3;
	p0 =	sgt.s32 s4, $0x7F  }
0x2e: {  	s23 =	rddreg [dreg:$0x13];
	s4 =	sadd.s32 s6, s25;
	s3 =	simm.s32 @p0 $0x0  }
0x2f: {  	s0 =	ssub.s32 s0, s2;
	s29 =	sadd.s32 s26, s4;
	s1 =	smul.u32 s3, s1  }
0x30: {  	s24 =	rddreg [dreg:$0x14];
	s0 =	sshll.u32 s0, $0x4;
	s2 =	sadd.s32 s28, s29  }
0x31: {  	s3 =	sor.u32 $0x8000, s30;
	s0 =	sadd.s32 s0, s2;
	s1 =	sand.u32 $0x3FFFFFFF, s1  }
0x32: {  	[hbm4b:s0+s31] =	stream.linear.scatter [tilespmem:s3], [sflag:$0x2], s1, $0x20;
	[tilespmem:$0x10100] =	vst v63  }
.LBB1_19:
0x33: {  	p0 =	slt.u32 s20, $0x2  }
0x34: {  	s0 =	smov.u32 s24;
	s2 =	smov.u32 s23;
	s5 =	smov.u32 s17  }
0x35: {  	p1 =	sgt.s32 @!p0 s24, $0x1;
	s1 =	sshra.s32 @!p0 s24, $0x1F;
	s3 =	sshra.s32 @!p0 s23, $0x1F  }
0x36: {  	p2 =	sgt.s32 @!p0 s21, $0x60;
	s4 =	sshra.s32 @!p0 s21, $0x1F;
	p1 =	por !p1, p0  }
0x37: {  	s1 =	sand.u32 @!p0 s1, s24;
	p2 =	por !p2, p0;
	s4 =	sand.u32 @!p0 s4, s21  }
0x38: {  	s0 =	simm.s32 @p1 $0x1;
	p1 =	sgt.s32 @!p0 s23, $0xDF;
	s1 =	sxor.u32 @!p0 $0xFFFFFFFF, s1  }
0x39: {  	s24 =	smov.u32 s16;
	p1 =	por !p1, p0;
	s0 =	sadd.s32 @!p0 s1, s0  }
0x3a: {  	s1 =	sand.u32 @!p0 s3, s23;
	s3 =	smov.u32 s21;
	s2 =	simm.s32 @p1 $0xDF  }
0x3b: {  	p1 =	sgt.s32 @!p0 s0, $0x0;
	s0 =	ssub.s32 @!p0 $0x1, s0;
	s1 =	ssub.s32 @!p0 s2, s1  }
0x3c: {  	s3 =	simm.s32 @p2 $0x60;
	p1 =	por !p1, p0;
	s2 =	sadd.s32 @!p0 $0xFFFFFF21, s1  }
0x3d: {  	s0 =	simm.s32 @!p1 $0x0;
	p1 =	sgt.s32 @!p0 s2, $0x0;
	s2 =	ssub.s32 @!p0 $0x0, s22  }
0x3e: {  	s16 =	smov.u32 s19;
	s3 =	ssub.s32 @!p0 s3, s4;
	s2 =	smin.u32 @!p0 s22, s2  }
0x3f: {  	s1 =	ssub.s32 @!p0 $0xE0, s1;
	s4 =	sadd.s32 @!p0 $0xFFFFFFA0, s3;
	p2 =	sgt.s32 @!p0 s2, $0x7F  }
0x40: {  	p1 =	por !p1, p0;
	s2 =	ssub.s32 @!p0 $0x80, s2;
	p2 =	por !p2, p0  }
0x41: {  	s3 =	ssub.s32 @!p0 $0xE0, s3;
	s1 =	simm.s32 @!p1 $0x0;
	s2 =	simm.s32 @!p2 $0x0  }
0x42: {  	p1 =	sgt.s32 @!p0 s4, $0x7F;
	s0 =	smul.u32 @!p0 s0, s2;
	s2 =	sadd.s32 $0x80, s15  }
0x43: {  	s4 =	sadd.s32 $0x10, s17;
	p1 =	por !p1, p0;
	p2 =	sgt.s32 s2, $0xDF  }
0x44: {  	s3 =	simm.s32 @!p1 $0x0;
	s0 =	smul.u32 @!p0 s1, s0;
	s5 =	smov.u32 @p2 s4  }
0x45: {  	s1 =	sadd.s32 $0x80, s18;
	s4 =	smov.u32 s18;
	p1 =	sgt.s32 s5, $0xDF  }
0x46: {  	s2 =	simm.s32 @p2 $0x0;
	s0 =	smul.u32 @!p0 s3, s0;
	s4 =	smov.u32 @p1 s1  }
0x47: {  	s1 =	sadd.s32 $0x2, s19;
	s3 =	smov.u32 s19;
	p2 =	sgt.s32 s4, $0x61  }
0x48: {  	s21 =	smov.u32 s12;
	s23 =	smov.u32 s13;
	s3 =	smov.u32 @p2 s1  }
0x49: {  	s12 =	smov.u32 s15;
	s5 =	smov.u32 @p1 s10;
	p1 =	sgt.s32 s3, $0x1  }
0x4a: {  	s13 =	smov.u32 s17;
	s3 =	smov.u32 @p1 s8;
	p1 =	sne.s32 s20, s11  }
.Ltmp1:
0x4b: {  	s22 =	smov.u32 s14;
	s14 =	smov.u32 s18;
	(pc) =	sbr.rel @!p1 .LBB1_20-.Ltmp1, $4  }
0x4c: {  	s15 =	smov.u32 s2;
	s0 =	sand.u32 @!p0 $0x3FFFFFFF, s0;
	s1 =	simm.s32 @!p0 $0x2  }
0x4d: {  	s17 =	smov.u32 s5;
	s4 =	simm.s32 @p2 $0x0;
	_ =	swait.ge @!p0 [sflag:s1], s0  }
0x4e: {  	s0 =	ssub.s32 @!p0 $0x0, s0;
	s18 =	smov.u32 s4;
	[sflag:s1] =	ssyncset.done @!p0 $0x0  }
0x4f: {  	s20 =	sadd.s32 $0x1, s20;
	[sflag:s1] =	ssyncadd.s32 @!p0 s0;
	s19 =	smov.u32 s3  }
.LBB1_1:
0x50: {  	p0 =	sge.u32 s20, s9  }
.Ltmp2:
0x51: {  	_ = 	snop;
	(pc) =	sbr.rel @p0 .LBB1_3-.Ltmp2, $1  }
0x52: {  	_ =	sdelay $0x3  }
0x53: {  	s0 =	sand.u32 $0x78, s15;
	s1 =	sshll.u32 s17, $0x8;
	s2 =	sshll.u32 s15, $0x3  }
0x54: {  	s3 =	sshll.u32 s17, $0x7;
	p0 =	sgt.s32 s19, $0x1;
	s25 =	sshra.s32 s19, $0x1F  }
0x55: {  	s4 =	smov.u32 s18;
	s5 =	sshra.s32 s18, $0x1F;
	s27 =	sshra.s32 s17, $0x1F  }
0x56: {  	s29 =	sshra.s32 s15, $0x1F;
	s30 =	sxor.u32 $0xFFFFFFFF, s20;
	s1 =	sand.u32 $0xFFFFF800, s1  }
0x57: {  	s2 =	sand.u32 $0xFFFFFC00, s2;
	s7 =	sand.u32 $0x300, s3;
	s3 =	sand.u32 $0x80, s3  }
0x58: {  	s5 =	sand.u32 s5, s18;
	s28 =	sand.u32 s27, s17;
	s27 =	rddreg [dreg:$0x3]  }
0x59: {  	s1 =	sadd.s32 s1, s2;
	s0 =	sor.u32 s0, s3;
	s2 =	smov.u32 s19  }
0x5a: {  	s3 =	sand.u32 s25, s19;
	s25 =	smul.u32 $0x1C00, s18;
	s1 =	sor.u32 s7, s1  }
0x5b: {  	s2 =	simm.s32 @!p0 $0x1;
	p0 =	sgt.s32 s18, $0xFFFFFFE2;
	s3 =	sxor.u32 $0xFFFFFFFF, s3  }
0x5c: {  	s0 =	sshrl.u32 s0, $0x3;
	s1 =	sshrl.u32 s1, $0x8;
	s4 =	simm.s32 @!p0 $0xFFFFFFE2  }
0x5d: {  	s2 =	sadd.s32 s3, s2;
	s6 =	smulhi.u32 $0x124924A, s1;
	s26 =	ssub.s32 s4, s5  }
0x5e: {  	p0 =	sgt.s32 s2, $0x0;
	s2 =	ssub.s32 $0x1, s2;
	s4 =	sadd.s32 $0x1E, s26  }
0x5f: {  	s2 =	simm.s32 @p0 $0x0;
	s3 =	ssub.s32 $0x62, s26;
	p0 =	sgt.s32 s4, $0x7F  }
0x60: {  	s5 =	sand.u32 s29, s15;
	s6 =	smul.u32 $0xE0, s6;
	s3 =	simm.s32 @p0 $0x0  }
0x61: {  	s4 =	smov.u32 s17;
	p0 =	sgt.s32 s17, $0xDF;
	s2 =	smul.u32 s2, s3  }
0x62: {  	s4 =	simm.s32 @!p0 $0xDF;
	p0 =	sgt.s32 s15, $0x80;
	s1 =	ssub.s32 s1, s6  }
0x63: {  	s3 =	ssub.s32 s4, s28;
	s4 =	smov.u32 s15;
	s28 =	sand.u32 $0x7, s15  }
0x64: {  	s1 =	sshll.u32 s1, $0x5;
	s7 =	sadd.s32 $0xFFFFFF21, s3;
	s4 =	simm.s32 @!p0 $0x80  }
0x65: {  	s3 =	ssub.s32 $0xE0, s3;
	p0 =	sgt.s32 s7, $0x0;
	s4 =	ssub.s32 s4, s5  }
0x66: {  	s7 =	smul.u32 $0xAB800, s19;
	s3 =	simm.s32 @p0 $0x0;
	s31 =	sadd.s32 $0xFFFFFF80, s4  }
0x67: {  	s2 =	smul.u32 s3, s2;
	p0 =	sgt.s32 s31, $0x7F;
	s3 =	ssub.s32 $0x100, s4  }
0x68: {  	s29 =	sshll.u32 s28, $0x12;
	s4 =	sadd.s32 s27, s7;
	s3 =	simm.s32 @p0 $0x0  }
0x69: {  	s5 =	sshll.u32 s30, $0xE;
	s4 =	sadd.s32 s25, s4;
	s2 =	smul.u32 s3, s2  }
0x6a: {  	s30 =	sor.u32 $0x80, s29;
	s26 =	sand.u32 $0x4000, s5;
	s0 =	sadd.s32 s0, s4  }
0x6b: {  	s31 =	simm.s32 $0xE000;
	s0 =	sadd.s32 s1, s0;
	s2 =	sand.u32 $0x3FFFFFFF, s2  }
0x6c: {  	[tilespmem:s26], [sflag:$0x1] =	stream.strided.gather [hbm4b:s0+s30], s2, s31, s30, $0x38;
	[tilespmem:$0x10100] =	vst v63  }
.LBB1_3:
0x6d: {  	s0 =	sadd.s32 $0xFFFFFFFF, s20  }
0x6e: {  	p0 =	sge.u32 s0, s9  }
.Ltmp3:
0x6f: {  	_ = 	snop;
	(pc) =	sbr.rel @p0 .LBB1_19-.Ltmp3, $1  }
0x70: {  	_ =	sdelay $0x3  }
0x71: {  	[dreg:$0x14] =	wrdreg s24  }
0x72: {  	[dreg:$0x13] =	wrdreg s23  }
0x73: {  	[dreg:$0x12] =	wrdreg s22  }
0x74: {  	[dreg:$0x11] =	wrdreg s21  }
0x75: {  	[dreg:$0xf] =	wrdreg s19  }
0x76: {  	[dreg:$0xe] =	wrdreg s18  }
0x77: {  	[dreg:$0xd] =	wrdreg s17  }
0x78: {  	[dreg:$0xb] =	wrdreg s15;
	s0 =	sshra.s32 s16, $0x1F  }
0x79: {  	p0 =	sgt.s32 s16, $0x1;
	s1 =	smov.u32 s16;
	s18 =	ssub.s32 $0x0, s14  }
0x7a: {  	s2 =	sshra.s32 s14, $0x1F;
	p1 =	sgt.s32 s13, $0xDF;
	s3 =	smov.u32 s13  }
0x7b: {  	s4 =	sshra.s32 s13, $0x1F;
	p2 =	sgt.s32 s14, $0xFFFFFFE2;
	[dreg:$0x8] =	wrdreg s12  }
0x7c: {  	s5 =	smov.u32 s14;
	s24 =	ssub.s32 $0x0, s12;
	[dreg:$0xc] =	wrdreg s16  }
0x7d: {  	s25 =	sshra.s32 s12, $0x1F;
	[dreg:$0xa] =	wrdreg s14;
	s0 =	sand.u32 s0, s16  }
0x7e: {  	s1 =	simm.s32 @!p0 $0x1;
	s3 =	simm.s32 @!p1 $0xDF;
	s4 =	sand.u32 s4, s13  }
0x7f: {  	s2 =	sand.u32 s18, s2;
	s5 =	simm.s32 @!p2 $0xFFFFFFE2;
	p1 =	sgt.s32 s12, $0x80  }
0x80: {  	s26 =	sand.u32 s24, s25;
	s0 =	sxor.u32 $0xFFFFFFFF, s0;
	s19 =	ssub.s32 s3, s4  }
0x81: {  	[dreg:$0x16] =	wrdreg s2;
	s21 =	sadd.s32 s2, s5;
	s5 =	smov.u32 s12  }
0x82: {  	s2 =	sadd.s32 $0x1, s16;
	s0 =	sadd.s32 s0, s1;
	s22 =	sadd.s32 $0xFFFFFF21, s19  }
0x83: {  	s23 =	sadd.s32 $0x1E, s21;
	s7 =	ssub.s32 $0xE0, s19;
	s5 =	simm.s32 @!p1 $0x80  }
0x84: {  	p0 =	sgt.s32 s0, $0x0;
	s6 =	ssub.s32 $0x1, s0;
	p1 =	sgt.s32 s23, $0x7F  }
0x85: {  	s1 =	sadd.s32 s26, s5;
	s6 =	simm.s32 @p0 $0x0;
	p0 =	sgt.s32 s22, $0x0  }
0x86: {  	s0 =	ssub.s32 $0x62, s21;
	s27 =	sadd.s32 $0xFFFFFF80, s1;
	s7 =	simm.s32 @p0 $0x0  }
0x87: {  	s1 =	ssub.s32 $0x100, s1;
	p0 =	sgt.s32 s27, $0x7F;
	s28 =	smul.u32 s6, s7  }
0x88: {  	s0 =	simm.s32 @p1 $0x0;
	s1 =	simm.s32 @p0 $0x0;
	p0 =	slt.s32 s2, $0x2  }
0x89: {  	s3 =	sadd.s32 $0x80, s14;
	s2 =	simm.s32 @!p0 $0x2;
	s0 =	smul.u32 s0, s28  }
0x8a: {  	[dreg:$0x9] =	wrdreg s13;
	p0 =	slt.s32 s3, $0x62;
	s2 =	ssub.s32 s2, s16  }
0x8b: {  	s3 =	simm.s32 @!p0 $0x62;
	s0 =	smul.u32 s1, s0;
	s1 =	sadd.s32 $0x1, s13  }
0x8c: {  	s3 =	ssub.s32 s3, s14;
	p0 =	slt.s32 s2, $0x1;
	p1 =	slt.s32 s1, $0xE0  }
0x8d: {  	[dreg:$0x10] =	wrdreg s20;
	s1 =	simm.s32 @!p1 $0xE0;
	p1 =	slt.s32 @!p0 s3, $0x1  }
0x8e: {  	[dreg:$0x18] =	wrdreg s26;
	s30 =	ssub.s32 s1, s13;
	p1 =	por p0, p1  }
0x8f: {  	[dreg:$0x15] =	wrdreg s6;
	p2 =	slt.s32 @!p1 s30, $0x1  }
0x90: {  	[dreg:$0x17] =	wrdreg s7;
	p1 =	por p1, p2  }
.Ltmp4:
0x91: {  	s29 =	simm.s32 $0x1;
	[dreg:$0x1a] =	wrdreg s2;
	(pc) =	sbr.rel @p1 .LBB1_18-.Ltmp4, $4  }
0x92: {  	[dreg:$0x1b] =	wrdreg s3;
	s0 =	sand.u32 $0x3FFFFFFF, s0;
	s1 =	sand.u32 $0x1, s20  }
0x93: {  	_ =	swait.ge [sflag:s29], s0;
	s31 =	smul.u32 $0x4080, s1  }
0x94: {  	s0 =	ssub.s32 $0x0, s0;
	[sflag:s29] =	ssyncset.done $0x0  }
0x95: {  	[sflag:s29] =	ssyncadd.s32 s0;
	[dreg:$0x19] =	wrdreg s31  }
0x96: {  	s2 =	rddreg [dreg:$0x8]  }
0x97: {  	s0 =	sadd.s32 $0x80, s2  }
0x98: {  	p1 =	slt.s32 s0, $0xE0  }
.Ltmp5:
0x99: {  	s0 =	simm.s32 @!p1 $0xE0;
	(pc) =	sbr.rel .LBB1_6-.Ltmp5, $4  }
0x9a: {  	s1 =	sshll.u32 @!p0 s1, $0xE;
	s0 =	ssub.s32 s0, s2  }
0x9b: {  	s3 =	simm.s32 $0x0;
	[dreg:$0x1c] =	wrdreg s1;
	s2 =	sadd.s32 $0xF, s0  }
0x9c: {  	s1 =	rddreg [dreg:$0x19];
	s31 =	sand.u32 $0xFFFFFFF0, s2;
	s0 =	sand.u32 @!p0 $0xFFFFFF00, s2  }
0x9d: {  	s9 =	sor.u32 @!p0 $0x8000, s1;
	p0 =	slt.s32 s2, $0x100;
	p1 =	sge.s32 s0, s31  }
.LBB1_17:
0x9e: {  	s3 =	sadd.s32 $0x1, s3;
	s1 =	rddreg [dreg:$0x1a]  }
0x9f: {  	p2 =	sne.s32 s3, s1  }
.Ltmp6:
0xa0: {  	_ = 	snop;
	(pc) =	sbr.rel @!p2 .LBB1_18-.Ltmp6, $1  }
0xa1: {  	_ =	sdelay $0x3  }
.LBB1_6:
.Ltmp7:
0xa2: {  	(pc) =	sbr.rel .LBB1_7-.Ltmp7, $4  }
0xa3: {  	_ = 	snop  }
0xa4: {  	s1 =	sshll.u32 s3, $0x10  }
0xa5: {  	s2 =	rddreg [dreg:$0x1c];
	s1 =	sshra.s32 s1, $0x2  }
0xa6: {  	s5 =	simm.s32 $0x0;
	s4 =	sadd.s32 s1, s2  }
.LBB1_16:
0xa7: {  	s5 =	sadd.s32 $0x1, s5;
	s1 =	rddreg [dreg:$0x1b]  }
0xa8: {  	p2 =	sne.s32 s5, s1  }
.Ltmp8:
0xa9: {  	_ = 	snop;
	(pc) =	sbr.rel @!p2 .LBB1_17-.Ltmp8, $1  }
0xaa: {  	_ =	sdelay $0x3  }
.LBB1_7:
0xab: {  	s8 =	sshrl.u32 s5, $0x4  }
0xac: {  	s1 =	sshll.u32 s5, $0x3;
	s2 =	sshll.u32 s5, $0x9;
	s6 =	sand.u32 $0x78, s8  }
0xad: {  	s7 =	sadd.s32 $0x800, s1;
	s11 =	sadd.s32 $0x1000, s1;
	s12 =	sadd.s32 $0x1800, s1  }
0xae: {  	s23 =	sshra.s32 s2, $0x2;
	s26 =	sadd.s32 $0x2800, s1;
	s29 =	sadd.s32 $0x3000, s1  }
0xaf: {  	s10 =	smul.u32 $0x204, s6;
	s7 =	sshrl.u32 s7, $0x7;
	s25 =	sxor.u32 $0x40, s6  }
0xb0: {  	s11 =	sshrl.u32 s11, $0x7;
	s7 =	sand.u32 $0x78, s7;
	s15 =	smul.u32 $0x204, s25  }
0xb1: {  	s22 =	sshrl.u32 s12, $0x7;
	s21 =	sand.u32 $0x78, s11;
	s13 =	smul.u32 $0x204, s7  }
0xb2: {  	s28 =	sshrl.u32 s26, $0x7;
	s24 =	sand.u32 $0x78, s22;
	s14 =	smul.u32 $0x204, s21  }
0xb3: {  	s6 =	sshrl.u32 s29, $0x7;
	s2 =	sand.u32 $0x78, s28;
	s11 =	smul.u32 $0x204, s24  }
0xb4: {  	s1 =	sadd.s32 $0x3800, s1;
	s6 =	sand.u32 $0x78, s6;
	s16 =	smul.u32 $0x204, s2  }
0xb5: {  	s1 =	sshrl.u32 s1, $0x7;
	s17 =	smul.u32 $0x204, s6  }
.Ltmp9:
0xb6: {  	s27 =	simm.s32 $0x0;
	s1 =	sand.u32 $0x78, s1;
	(pc) =	sbr.rel .LBB1_8-.Ltmp9, $4  }
0xb7: {  	s2 =	sand.u32 $0x7F, s5;
	s7 =	sadd.s32 s23, s4;
	s1 =	smul.u32 $0x204, s1  }
0xb8: {  	s24 =	sshrl.u32 s10, $0x2;
	s6 =	sadd.s32 s2, s9;
	s20 =	sshrl.u32 s15, $0x2  }
0xb9: {  	s26 =	sshrl.u32 s13, $0x2;
	s23 =	sshrl.u32 s14, $0x2;
	s25 =	sshrl.u32 s11, $0x2  }
0xba: {  	s19 =	sshrl.u32 s16, $0x2;
	s11 =	sshrl.u32 s17, $0x2;
	s14 =	sshrl.u32 s1, $0x2  }
.LBB1_15:
0xbb: {  	s27 =	sadd.s32 $0x1, s27  }
0xbc: {  	p2 =	sne.s32 s27, s30  }
.Ltmp10:
0xbd: {  	_ = 	snop;
	(pc) =	sbr.rel @!p2 .LBB1_16-.Ltmp10, $1  }
0xbe: {  	_ =	sdelay $0x3  }
.LBB1_8:
.Ltmp11:
0xbf: {  	(pc) =	sbr.rel @p0 .LBB1_12-.Ltmp11, $2  }
0xc0: {  	_ =	sdelay $0x2  }
0xc1: {  	s21 =	sshll.u32 s27, $0x7;
	s22 =	sadd.s32 s3, s27  }
0xc2: {  	s1 =	smul.u32 $0x10200, s22;
	s10 =	sand.u32 $0x380, s21  }
0xc3: {  	s10 =	sadd.s32 s10, s7  }
0xc4: {  	s1 =	sshra.s32 s1, $0x2;
	v1 =	vld [tilespmem:s10+$0x50]  }
0xc5: {  	v2 =	vld [tilespmem:s10+$0x40];
	s1 =	sadd.s32 s1, s9  }
0xc6: {  	v4 =	vld [tilespmem:s10+$0x30];
	s12 =	sadd.s32 s24, s1;
	s15 =	sadd.s32 s26, s1  }
0xc7: {  	v5 =	vld [tilespmem:s10+$0x20];
	s28 =	sadd.s32 s20, s1;
	s13 =	sadd.s32 s2, s12;
	s12 =	sadd.s32 s19, s1  }
0xc8: {  	v6 =	vld [tilespmem:s10+$0x10];
	s16 =	sadd.s32 s2, s15;
	s15 =	sadd.s32 s23, s1;
	s12 =	sadd.s32 s2, s12  }
0xc9: {  	v7 =	vld [tilespmem:s10+$0x0];
	s17 =	sadd.s32 s25, s1;
	s18 =	sadd.s32 s2, s15;
	s15 =	sadd.s32 s2, s28;
	[tilespmem:s12+$0x0 ss:$0x81] =	vst.msk $0xffff, v1  }
0xca: {  	s17 =	sadd.s32 s2, s17;
	[tilespmem:s15+$0x0 ss:$0x81] =	vst.msk $0xffff, v2  }
0xcb: {  	[tilespmem:s17+$0x0 ss:$0x81] =	vst.msk $0xffff, v4  }
0xcc: {  	[tilespmem:s18+$0x0 ss:$0x81] =	vst.msk $0xffff, v5  }
0xcd: {  	v0 =	vld [tilespmem:s10+$0x70];
	[tilespmem:s16+$0x0 ss:$0x81] =	vst.msk $0xffff, v6  }
0xce: {  	p2 =	sgt.s32 s0, $0x100;
	v3 =	vld [tilespmem:s10+$0x60];
	[tilespmem:s13+$0x0 ss:$0x81] =	vst.msk $0xffff, v7  }
.Ltmp12:
0xcf: {  	[tilespmem:s13+$0x0 ss:$0x81] =	vst.msk $0xffff, v7;
	(pc) =	sbr.rel @!p2 .LBB1_11-.Ltmp12, $4  }
0xd0: {  	s28 =	sadd.s32 s11, s1;
	s1 =	sadd.s32 s14, s1;
	[tilespmem:s16+$0x0 ss:$0x81] =	vst.msk $0xffff, v6  }
0xd1: {  	s1 =	sadd.s32 s2, s1;
	[tilespmem:s18+$0x0 ss:$0x81] =	vst.msk $0xffff, v5  }
0xd2: {  	s28 =	sadd.s32 s2, s28;
	[tilespmem:s1+$0x0 ss:$0x81] =	vst.msk $0xffff, v0  }
0xd3: {  	s29 =	simm.s32 $0x100;
	[tilespmem:s28+$0x0 ss:$0x81] =	vst.msk $0xffff, v3  }
.LBB1_10:
0xd4: {  	v5 =	vld [tilespmem:s10+$0x70];
	[tilespmem:s17+$0x0 ss:$0x81] =	vst.msk $0xffff, v4  }
0xd5: {  	v6 =	vld [tilespmem:s10+$0x60];
	[tilespmem:s15+$0x0 ss:$0x81] =	vst.msk $0xffff, v2  }
0xd6: {  	[tilespmem:s12+$0x0 ss:$0x81] =	vst.msk $0xffff, v1;
	v1 =	vld [tilespmem:s10+$0x50]  }
0xd7: {  	v2 =	vld [tilespmem:s10+$0x40];
	[tilespmem:s28+$0x0 ss:$0x81] =	vst.msk $0xffff, v3  }
0xd8: {  	v4 =	vld [tilespmem:s10+$0x30];
	[tilespmem:s1+$0x0 ss:$0x81] =	vst.msk $0xffff, v0  }
0xd9: {  	v7 =	vld [tilespmem:s10+$0x20];
	[tilespmem:s1+$0x0 ss:$0x81] =	vst.msk $0xffff, v5;
	v0 =	vmov v5  }
0xda: {  	v5 =	vld [tilespmem:s10+$0x10];
	[tilespmem:s28+$0x0 ss:$0x81] =	vst.msk $0xffff, v6;
	v3 =	vmov v6  }
0xdb: {  	s29 =	sadd.s32 $0x100, s29;
	v6 =	vld [tilespmem:s10+$0x0];
	[tilespmem:s12+$0x0 ss:$0x81] =	vst.msk $0xffff, v1  }
0xdc: {  	p2 =	slt.s32 s29, s0;
	[tilespmem:s15+$0x0 ss:$0x81] =	vst.msk $0xffff, v2  }
0xdd: {  	[tilespmem:s17+$0x0 ss:$0x81] =	vst.msk $0xffff, v4  }
0xde: {  	[tilespmem:s18+$0x0 ss:$0x81] =	vst.msk $0xffff, v7  }
.Ltmp13:
0xdf: {  	[tilespmem:s16+$0x0 ss:$0x81] =	vst.msk $0xffff, v5;
	(pc) =	sbr.rel @p2 .LBB1_10-.Ltmp13, $4  }
0xe0: {  	[tilespmem:s13+$0x0 ss:$0x81] =	vst.msk $0xffff, v6  }
0xe1: {  	[tilespmem:s13+$0x0 ss:$0x81] =	vst.msk $0xffff, v6  }
0xe2: {  	[tilespmem:s16+$0x0 ss:$0x81] =	vst.msk $0xffff, v5  }
0xe3: {  	[tilespmem:s18+$0x0 ss:$0x81] =	vst.msk $0xffff, v7  }
.LBB1_11:
0xe4: {  	[tilespmem:s17+$0x0 ss:$0x81] =	vst.msk $0xffff, v4  }
0xe5: {  	[tilespmem:s15+$0x0 ss:$0x81] =	vst.msk $0xffff, v2  }
0xe6: {  	[tilespmem:s12+$0x0 ss:$0x81] =	vst.msk $0xffff, v1  }
0xe7: {  	[tilespmem:s28+$0x0 ss:$0x81] =	vst.msk $0xffff, v3  }
0xe8: {  	[tilespmem:s1+$0x0 ss:$0x81] =	vst.msk $0xffff, v0  }
.LBB1_12:
.Ltmp14:
0xe9: {  	(pc) =	sbr.rel @p1 .LBB1_15-.Ltmp14, $1  }
0xea: {  	_ =	sdelay $0x3  }
0xeb: {  	s10 =	sand.u32 $0x380, s21  }
0xec: {  	s1 =	smul.u32 $0x10200, s22;
	s10 =	sadd.s32 s10, s7  }
0xed: {  	v0 =	vmov s10  }
0xee: {  	s1 =	sshra.s32 s1, $0x2  }
0xef: {  	s10 =	smov.u32 s0;
	s1 =	sadd.s32 s1, s6  }
.LBB1_14:
0xf0: {  	s13 =	sadd.s32 s10, s8  }
0xf1: {  	s12 =	sand.u32 $0x70, s10;
	s10 =	sadd.s32 $0x10, s10;
	s29 =	sand.u32 $0x78, s13  }
0xf2: {  	v1 =	vld.idx.msk [tilespmem:v0+s12+$0x0 ss:$0x1], $0xffff;
	p2 =	slt.s32 s10, s31;
	s12 =	smul.u32 $0x204, s29  }
.Ltmp15:
0xf3: {  	_ = 	snop;
	(pc) =	sbr.rel @p2 .LBB1_14-.Ltmp15, $4  }
0xf4: {  	_ = 	snop  }
0xf5: {  	s12 =	sshrl.u32 s12, $0x2  }
0xf6: {  	s12 =	sadd.s32 s12, s1  }
0xf7: {  	[tilespmem:s12+$0x0 ss:$0x81] =	vst.msk $0xffff, v1  }
.Ltmp16:
0xf8: {  	_ = 	snop;
	(pc) =	sbr.rel .LBB1_15-.Ltmp16, $1  }
0xf9: {  	_ =	sdelay $0x3  }
.LBB1_20:
0xfa: {  	_ =	sfence.sel $0x180000  }
0xfb: {  	s0 =	simm.s32 $0x1;
	[bflag:$0x0] =	sbarrier.arrive $0xFFFF  }
0xfc: {  	s30 =	simm.s32 $0x2;
	[sflag:s0] =	ssyncpa.u1 $0x1  }
0xfd: {  	[sflag:s30] =	ssyncpa.u1 $0x1  }
0xfe: {  	_ =	strace $0x90000047  }
0xff: {  	s31 =	stileid.u32;
	[bflag:$0x2] =	sbarrier.arrive $0xFFFF  }
0x100: {  	p0 =	sne.s32 s31, $0x0;
	s0 =	rddreg [dreg:$0x1]  }
0x101: {  	s0 =	sadd.s32 @!p0 $0x100000, s0  }
0x102: {  	[sflag:s0] =	ssyncadd.tile.s32 @!p0 $0x1;
	_ =	shalt  }
.Lfunc_end1:
_tile_overlayer_lowered:
.L_overlay_start_2:
0x103: {  	(tag) =	ssettag $0x2  }
0x104: {  	s0 =	rddreg [dreg:$0x0];
	s2 =	stileid.u32  }
0x105: {  	s1 =	rddreg [dreg:$0x1];
	p0 =	sne.s32 s2, $0x0  }
0x106: {  	s3 =	rddreg [dreg:$0x2];
	[bflag:$0x3] =	sbarrier.arrive $0xFFFF;
	s2 =	simm.s32 @!p0 $0x1C01  }
0x107: {  	[timem:s3], [sflag:s2] =	dma.local @!p0 [hbm:s0], s1  }
0x108: {  	s0 =	simm.s32 @!p0 $0x1  }
0x109: {  	_ =	swait.ge @!p0 [sflag:s0], s1  }
0x10a: {  	s1 =	ssub.s32 @!p0 $0x0, s1;
	[sflag:s0] =	ssyncset.done @!p0 $0x0  }
0x10b: {  	[sflag:s0] =	ssyncadd.s32 @!p0 s1  }
0x10c: {  	[bflag:$0x3] =	sbarrier.arrive $0xFFFF  }
0x10d: {  	_ =	shalt  }

// kernel: sparse-core-data-format-call.cloned.1.call-start
scs
called_computation_lowered:
.L_overlay_start_0:
0x0: {  	s2 =	sld [smem:$0x3FD9]  }
0x1: {  	s3 =	sld [smem:$0x3FFE];
	_ =	sdelay $0x1  }
0x2: {  	s1 =	srdreg.scid  }
0x3: {  	s0 =	sand.u32 $0x1, s1  }
0x4: {  	s18 =	sshll.u32 s0, $0xA;
	s2 =	sadd.s32 s3, s2  }
0x5: {  	s2 =	sadd.s32 s2, s18  }
0x6: {  	[smem:$0x3FBD] =	sst s2  }
0x7: {  	_ = 	snop  }
0x8: {  	s2 =	sld [smem:$0x3FD0];
	(tm) =	ssettm $0x1  }
0x9: {  	s19 =	sld [smem:$0x3FFB];
	_ =	sdelay $0x3  }
0xa: {  	_ =	strace s19  }
0xb: {  	s3 =	sld [smem:$0x3FFC];
	_ =	sdelay $0x3  }
0xc: {  	_ =	strace s3  }
0xd: {  	s3 =	sld [smem:$0x3FFD];
	_ =	sdelay $0x3  }
0xe: {  	_ =	strace s3  }
0xf: {  	_ =	strace $0x8FFFFFFF  }
0x10: {  	s20 =	sld [smem:$0x3FDB];
	_ =	sdelay $0x1  }
0x11: {  	s4 =	simm.s32 $_scs_section_size  }
0x12: {  	s5 =	simm.s32 $_size__tile_overlayer_lowered;
	s6 =	simm.s32 $_tile_overlayer_lowered  }
0x13: {  	s23 =	simm.s32 $0x1BFF;
	s22 =	sshll.u32 s6, $0x1;
	s3 =	sadd.s32 s4, s20  }
0x14: {  	s7 =	simm.s32 $0x0;
	s21 =	sshll.u32 s5, $0x1;
	s5 =	sadd.s32 s22, s3  }
0x15: {  	[timem:s7], [sflag:s23] =	dma.local [hbm:s5], s21  }
0x16: {  	_ =	swait.ge [sflag:s23], s21  }
0x17: {  	s4 =	ssub.s32 $0x0, s21;
	[sflag:s23] =	ssyncset.done $0x0  }
0x18: {  	[sflag:s23] =	ssyncadd.s32 s4;
	_ =	sdelay $0x1  }
0x19: {  	s24 =	simm.s32 $0x1B8B  }
0x1a: {  	_ =	swait.ge [sflag:s24], $0x1  }
0x1b: {  	[sflag:s24] =	ssyncset.done $0x0  }
0x1c: {  	s26 =	simm.s32 $0x1B8E;
	s25 =	sld [smem:$0x3FFE];
	[sflag:s24] =	ssyncadd.s32 $0xFFFFFFFF  }
0x1d: {  	s27 =	simm.s32 $execute0_lowered;
	[smem:$0x3FD2] =	sst s26  }
0x1e: {  	s5 =	sshll.u32 s27, $0x1;
	_ =	strace $0x80000058;
	[dreg:$0x1] =	wrdreg $0xFFFFFFFF  }
0x1f: {  	s28 =	simm.s32 $_size_execute0_lowered;
	s3 =	sadd.s32 s3, s5;
	[dreg:$0x0] =	wrdreg $0x0  }
0x20: {  	s5 =	sshll.u32 s28, $0x1;
	[dreg:$0x2] =	wrdreg s3  }
0x21: {  	[dreg:$0x3] =	wrdreg s5  }
0x22: {  	[dreg:$0x4] =	wrdreg $0xC0  }
0x23: {  	_ =	task [dreg:s7], $0x5FFFF  }
0x24: {  	[dreg:$0x1] =	wrdreg $0xFFFFFFFF  }
0x25: {  	[dreg:$0x0] =	wrdreg $0x60  }
0x26: {  	[dreg:$0x2] =	wrdreg s25  }
0x27: {  	[dreg:$0x3] =	wrdreg s2  }
0x28: {  	[dreg:$0x4] =	wrdreg $0x9  }
0x29: {  	_ =	task.clear_ibuf [dreg:s7], $0x5FFFF;
	_ =	strace $0x90000058  }
0x2a: {  	s29 =	simm.s32 $0x9;
	_ =	strace $0x8000005A  }
0x2b: {  	_ =	swait.ge [sflag:s29], $0x1  }
0x2c: {  	[sflag:s29] =	ssyncadd.s32 $0xFFFFFFFF  }
0x2d: {  	_ =	strace $0x9000005A  }
0x2e: {  	_ =	sfence  }
0x2f: {  	s30 =	sld [smem:$0x0];
	_ =	sdelay $0x2  }
0x30: {  	s31 =	sshll.u32 s1, $0xD;
	s1 =	sshrl.u32 s1, $0x2  }
0x31: {  	s3 =	sand.u32 $0x4000, s31;
	s1 =	sadd.s32 s1, s30  }
0x32: {  	s0 =	sor.u32 s3, s0;
	s1 =	sshll.u32 s1, $0x11  }
0x33: {  	s0 =	sor.u32 s1, s0  }
0x34: {  	s0 =	sadd.s32 $0x8F2B, s0  }
0x35: {  	[sflag:s0] =	ssyncadd.remote.s32 $0x1  }
0x36: {  	_ =	sfence.sel $0xFFFF  }
0x37: {  	[dreg:$0x0] =	wrdreg $0xFFFFFFFF;
	(pc) =	sbr.abs _section_cstart, $3  }
0x38: {  	[dreg:$0x1] =	wrdreg $0xFFFFFFFF  }
0x39: {  	_ =	task.clear_ibuf [dreg:s7], $0x2FFFF;
	_ =	strace $0x9FFFFFFF  }
0x3a: {  	(tm) =	ssettm $0x7FFFFFFF  }
0x3b: {  	_ =	shalt  }
tec
execute0_lowered:
.L_overlay_start_1:
0x0: {  	(tag) =	ssettag $0x1  }
0x1: {  	s0 =	rddreg [dreg:$0x0];
	s4 =	stileid.u32;
	_ =	strace $0x80000059  }
0x2: {  	s2 =	srdreg.scid;
	s30 =	simm.s32 $0x1;
	s31 =	simm.s32 $0x2  }
0x3: {  	s18 =	simm.s32 $0x0;
	s19 =	simm.s32 $0x0;
	s20 =	simm.s32 $0x0  }
0x4: {  	s10 =	simm.s32 $0x0;
	s11 =	simm.s32 $0x0;
	s17 =	simm.s32 $0x0  }
0x5: {  	s12 =	simm.s32 $0x0;
	s6 =	sand.u32 $0x1, s4;
	s29 =	sshll.u32 s2, $0x4  }
0x6: {  	s7 =	sadd.s32 $0x4000, s0;
	s1 =	ssub.s32 $0x2, s6;
	s0 =	sand.u32 $0x10, s29  }
0x7: {  	[dreg:$0x3] =	wrdreg s6;
	s3 =	sshrl.u32 s1, $0x1;
	s1 =	sand.u32 $0x1, s1  }
.Ltmp0:
0x8: {  	s0 =	sor.u32 s4, s0;
	s1 =	sadd.s32 s1, s3;
	(pc) =	sbr.rel .LBB1_1-.Ltmp0, $4  }
0x9: {  	[dreg:$0x4] =	wrdreg s7;
	s9 =	sshrl.u32 s0, $0x1;
	s8 =	smul.u32 $0x1C, s1  }
0xa: {  	s16 =	simm.s32 $0x0;
	[sflag:s30] =	ssyncpa.u1 $0x0;
	[dreg:$0x6] =	wrdreg s9  }
0xb: {  	[sflag:s31] =	ssyncpa.u1 $0x0;
	s13 =	sor.u32 $0x1, s8;
	[dreg:$0x5] =	wrdreg s8  }
0xc: {  	s15 =	smov.u32 s6;
	s14 =	smov.u32 s9;
	[dreg:$0x7] =	wrdreg s13  }
.LBB1_13:
0xd: {  	s4 =	rddreg [dreg:$0xd]  }
0xe: {  	s23 =	rddreg [dreg:$0xc]  }
0xf: {  	s17 =	rddreg [dreg:$0x8]  }
0x10: {  	s26 =	rddreg [dreg:$0x1]  }
0x11: {  	s29 =	rddreg [dreg:$0xe]  }
0x12: {  	s0 =	sshll.u32 s11, $0x8;
	s1 =	sshll.u32 s10, $0x3;
	s6 =	rddreg [dreg:$0x3]  }
0x13: {  	p0 =	sgt.s32 s10, $0x80;
	s2 =	smov.u32 s10;
	s7 =	rddreg [dreg:$0x4]  }
0x14: {  	s3 =	sshll.u32 s11, $0x7;
	s24 =	sand.u32 $0x78, s10;
	s8 =	rddreg [dreg:$0x5]  }
0x15: {  	s27 =	sand.u32 $0x7, s10;
	s31 =	simm.s32 $0xE000;
	s9 =	rddreg [dreg:$0x6]  }
0x16: {  	s0 =	sand.u32 $0xFFFFF800, s0;
	s1 =	sand.u32 $0xFFFFFC00, s1;
	s2 =	simm.s32 @!p0 $0x80  }
0x17: {  	s20 =	sand.u32 $0x300, s3;
	s0 =	sadd.s32 s0, s1;
	s2 =	sadd.s32 s4, s2  }
0x18: {  	s5 =	smul.u32 $0xA8000, s17;
	s0 =	sor.u32 s20, s0;
	s21 =	sadd.s32 $0xFFFFFF80, s2  }
0x19: {  	s1 =	ssub.s32 $0x100, s2;
	s0 =	sshrl.u32 s0, $0x8;
	p0 =	sgt.s32 s21, $0x7F  }
0x1a: {  	s13 =	rddreg [dreg:$0x7];
	s22 =	smulhi.u32 $0x124924A, s0;
	s1 =	simm.s32 @p0 $0x0  }
0x1b: {  	s18 =	rddreg [dreg:$0x9];
	s3 =	sand.u32 $0x80, s3;
	s1 =	smul.u32 s1, s23  }
0x1c: {  	s19 =	rddreg [dreg:$0xa];
	s3 =	sor.u32 s24, s3;
	s2 =	smul.u32 $0xE0, s22  }
0x1d: {  	s28 =	sshll.u32 s27, $0x12;
	s4 =	sor.u32 $0x8000, s29;
	s25 =	sshrl.u32 s3, $0x3  }
0x1e: {  	s3 =	sadd.s32 s26, s5;
	s1 =	smul.u32 $0x60, s1;
	s0 =	ssub.s32 s0, s2  }
0x1f: {  	s30 =	sor.u32 $0x80, s28;
	s2 =	sadd.s32 s25, s3;
	s0 =	sshll.u32 s0, $0x5  }
0x20: {  	s20 =	rddreg [dreg:$0xb];
	s1 =	sand.u32 $0x3FFFFFE0, s1;
	s0 =	sadd.s32 s0, s2  }
0x21: {  	[hbm4b:s0+s30] =	stream.strided.scatter [tilespmem:s4], [sflag:$0x2], s1, s31, s30, $0x20;
	[tilespmem:$0x10100] =	vst v63  }
.LBB1_14:
0x22: {  	p0 =	slt.u32 s16, $0x2  }
0x23: {  	s0 =	smov.u32 s20;
	s2 =	smov.u32 s19;
	p1 =	sgt.s32 @!p0 s20, $0x1  }
0x24: {  	s1 =	sshra.s32 @!p0 s20, $0x1F;
	s3 =	sshra.s32 @!p0 s19, $0x1F;
	p1 =	por !p1, p0  }
0x25: {  	s1 =	sand.u32 @!p0 s1, s20;
	s0 =	simm.s32 @p1 $0x1;
	p1 =	sgt.s32 @!p0 s19, $0xDF  }
0x26: {  	p2 =	sgt.s32 @!p0 s18, $0x80;
	s1 =	sxor.u32 @!p0 $0xFFFFFFFF, s1;
	p1 =	por !p1, p0  }
0x27: {  	s0 =	sadd.s32 @!p0 s1, s0;
	s1 =	sand.u32 @!p0 s3, s19;
	s2 =	simm.s32 @p1 $0xDF  }
0x28: {  	p2 =	por !p2, p0;
	s3 =	smov.u32 s18;
	s1 =	ssub.s32 @!p0 s2, s1  }
0x29: {  	p1 =	sgt.s32 @!p0 s0, $0x0;
	s0 =	ssub.s32 @!p0 $0x1, s0;
	s2 =	sadd.s32 @!p0 $0xFFFFFF21, s1  }
0x2a: {  	s3 =	simm.s32 @p2 $0x80;
	p2 =	sgt.s32 @!p0 s2, $0x0;
	s2 =	sshra.s32 @!p0 s18, $0x1F  }
0x2b: {  	s0 =	smul.u32 @!p0 $0x60, s0;
	p1 =	por !p1, p0;
	s2 =	sand.u32 @!p0 s2, s18  }
0x2c: {  	s1 =	ssub.s32 @!p0 $0xE0, s1;
	p2 =	por !p2, p0;
	s2 =	ssub.s32 @!p0 s3, s2  }
0x2d: {  	s0 =	simm.s32 @!p1 $0x0;
	s1 =	simm.s32 @!p2 $0x0;
	s3 =	sadd.s32 @!p0 $0xFFFFFF80, s2  }
0x2e: {  	s4 =	smov.u32 s14;
	s0 =	smul.u32 @!p0 s0, s1;
	p1 =	sgt.s32 @!p0 s3, $0x7F  }
0x2f: {  	s1 =	ssub.s32 @!p0 $0x100, s2;
	s2 =	sadd.s32 $0x80, s12;
	p1 =	por !p1, p0  }
0x30: {  	s3 =	sadd.s32 $0x10, s14;
	s1 =	simm.s32 @!p1 $0x0;
	p1 =	sgt.s32 s2, $0xDF  }
0x31: {  	s0 =	smul.u32 @!p0 s1, s0;
	s4 =	smov.u32 @p1 s3  }
0x32: {  	s1 =	sadd.s32 $0x2, s15;
	s3 =	smov.u32 s15;
	p2 =	sgt.s32 s4, $0xDF  }
0x33: {  	s20 =	smov.u32 s17;
	s3 =	smov.u32 @p2 s1  }
0x34: {  	s17 =	smov.u32 s15;
	s2 =	simm.s32 @p1 $0x0;
	p1 =	sgt.s32 s3, $0x1  }
0x35: {  	s19 =	smov.u32 s11;
	s3 =	smov.u32 @p1 s6;
	p1 =	sne.s32 s16, s13  }
.Ltmp1:
0x36: {  	s11 =	smov.u32 s14;
	s18 =	smov.u32 s10;
	(pc) =	sbr.rel @!p1 .LBB1_15-.Ltmp1, $4  }
0x37: {  	s10 =	smov.u32 s12;
	s0 =	sand.u32 @!p0 $0x3FFFFFE0, s0;
	s1 =	simm.s32 @!p0 $0x2  }
0x38: {  	s12 =	smov.u32 s2;
	s4 =	smov.u32 @p2 s9;
	_ =	swait.ge @!p0 [sflag:s1], s0  }
0x39: {  	s0 =	ssub.s32 @!p0 $0x0, s0;
	s14 =	smov.u32 s4;
	[sflag:s1] =	ssyncset.done @!p0 $0x0  }
0x3a: {  	s16 =	sadd.s32 $0x1, s16;
	[sflag:s1] =	ssyncadd.s32 @!p0 s0;
	s15 =	smov.u32 s3  }
.LBB1_1:
0x3b: {  	p0 =	sge.u32 s16, s8;
	s2 =	smov.u32 s15;
	s4 =	smov.u32 s14  }
0x3c: {  	s31 =	sadd.s32 $0xFFFFFFFF, s16;
	s0 =	sand.u32 @!p0 $0x1FFFFFF, s12;
	p1 =	sgt.s32 @!p0 s15, $0x1  }
0x3d: {  	s3 =	sshra.s32 @!p0 s15, $0x1F;
	s5 =	sshra.s32 @!p0 s14, $0x1F;
	s1 =	smulhi.u32 @!p0 $0x2492493, s0  }
0x3e: {  	p1 =	por !p1, p0;
	s3 =	sand.u32 @!p0 s3, s15;
	s5 =	sand.u32 @!p0 s5, s14  }
0x3f: {  	s2 =	simm.s32 @p1 $0x1;
	p1 =	sgt.s32 @!p0 s14, $0xDF;
	s3 =	sxor.u32 @!p0 $0xFFFFFFFF, s3  }
0x40: {  	s1 =	sshrl.u32 @!p0 s1, $0x1;
	p1 =	por !p1, p0;
	s2 =	sadd.s32 @!p0 s3, s2  }
0x41: {  	s1 =	smul.u32 @!p0 $0xE0, s1;
	s4 =	simm.s32 @p1 $0xDF;
	p1 =	sgt.s32 @!p0 s12, $0x60  }
0x42: {  	p2 =	sgt.s32 @!p0 s2, $0x0;
	s2 =	sshll.u32 @!p0 s2, $0x7;
	s3 =	ssub.s32 @!p0 s4, s5  }
0x43: {  	p1 =	por !p1, p0;
	s4 =	smov.u32 s12;
	s5 =	sadd.s32 @!p0 $0xFFFFFF21, s3  }
0x44: {  	s4 =	simm.s32 @p1 $0x60;
	p1 =	sgt.s32 @!p0 s5, $0x0;
	s5 =	sshra.s32 @!p0 s12, $0x1F  }
0x45: {  	s2 =	ssub.s32 @!p0 $0x80, s2;
	p2 =	por !p2, p0;
	s5 =	sand.u32 @!p0 s5, s12  }
0x46: {  	s3 =	ssub.s32 @!p0 $0xE0, s3;
	p1 =	por !p1, p0;
	s4 =	ssub.s32 @!p0 s4, s5  }
0x47: {  	s2 =	simm.s32 @!p2 $0x0;
	s3 =	simm.s32 @!p1 $0x0;
	s5 =	sadd.s32 @!p0 $0xFFFFFFA0, s4  }
0x48: {  	s0 =	ssub.s32 @!p0 s0, s1;
	s2 =	smul.u32 @!p0 s3, s2;
	p1 =	sgt.s32 @!p0 s5, $0x7F  }
0x49: {  	s3 =	ssub.s32 @!p0 $0xE0, s4;
	s4 =	smul.u32 @!p0 $0xC4000, s15;
	p1 =	por !p1, p0  }
0x4a: {  	s1 =	smul.u32 @!p0 $0xE00, s14;
	s5 =	sxor.u32 @!p0 $0xFFFFFFFF, s16;
	s3 =	simm.s32 @!p1 $0x0  }
0x4b: {  	s5 =	sshll.u32 @!p0 s5, $0xE;
	s2 =	smul.u32 @!p0 s3, s2;
	s3 =	sadd.s32 @!p0 s7, s4  }
0x4c: {  	s0 =	sshll.u32 @!p0 s0, $0x4;
	s4 =	sand.u32 @!p0 $0x4000, s5;
	s1 =	sadd.s32 @!p0 s1, s3  }
0x4d: {  	s2 =	sand.u32 @!p0 $0x3FFFFF80, s2;
	s0 =	sadd.s32 @!p0 s0, s1;
	s1 =	simm.s32 @!p0 $0x0  }
0x4e: {  	[tilespmem:s4], [sflag:$0x1] =	stream.linear.gather @!p0 [hbm4b:s0+s1], s2, $0x38;
	[tilespmem:$0x10100] =	vst v63  }
0x4f: {  	p0 =	sge.u32 s31, s8  }
.Ltmp2:
0x50: {  	_ = 	snop;
	(pc) =	sbr.rel @p0 .LBB1_14-.Ltmp2, $1  }
0x51: {  	_ =	sdelay $0x3  }
0x52: {  	p0 =	sgt.s32 s17, $0x1  }
0x53: {  	s0 =	sshra.s32 s17, $0x1F;
	p1 =	sgt.s32 s11, $0xDF;
	s1 =	smov.u32 s11  }
0x54: {  	s2 =	sshra.s32 s11, $0x1F;
	s3 =	smov.u32 s17;
	s24 =	ssub.s32 $0x0, s10  }
0x55: {  	s25 =	sshra.s32 s10, $0x1F;
	p2 =	sgt.s32 s10, $0x60;
	s4 =	smov.u32 s10  }
0x56: {  	s0 =	sand.u32 s0, s17;
	s1 =	simm.s32 @!p1 $0xDF;
	s2 =	sand.u32 s2, s11  }
0x57: {  	s3 =	simm.s32 @!p0 $0x1;
	s0 =	sxor.u32 $0xFFFFFFFF, s0;
	s1 =	ssub.s32 s1, s2  }
0x58: {  	s4 =	simm.s32 @!p2 $0x60;
	s0 =	sadd.s32 s0, s3;
	s2 =	sadd.s32 $0xFFFFFF21, s1  }
0x59: {  	s1 =	ssub.s32 $0xE0, s1;
	p0 =	sgt.s32 s0, $0x0;
	s0 =	ssub.s32 $0x1, s0  }
0x5a: {  	p1 =	sgt.s32 s2, $0x0;
	s2 =	sand.u32 s24, s25;
	s0 =	simm.s32 @p0 $0x0  }
0x5b: {  	s1 =	simm.s32 @p1 $0x0;
	[dreg:$0xd] =	wrdreg s2;
	s2 =	sadd.s32 s2, s4  }
0x5c: {  	s26 =	smul.u32 s0, s1;
	s27 =	sadd.s32 $0xFFFFFFA0, s2  }
0x5d: {  	s0 =	ssub.s32 $0xE0, s2;
	s1 =	sadd.s32 $0x1, s17;
	p0 =	sgt.s32 s27, $0x7F  }
0x5e: {  	s2 =	sadd.s32 $0x1, s11;
	s0 =	simm.s32 @p0 $0x0;
	p0 =	slt.s32 s1, $0x2  }
0x5f: {  	s1 =	simm.s32 @!p0 $0x2;
	p0 =	slt.s32 s2, $0xE0  }
0x60: {  	s23 =	ssub.s32 s1, s17;
	s2 =	simm.s32 @!p0 $0xE0;
	s1 =	sadd.s32 $0x80, s10  }
0x61: {  	s24 =	ssub.s32 s2, s11;
	p1 =	slt.s32 s1, $0xE0;
	p0 =	slt.s32 s23, $0x1  }
0x62: {  	[dreg:$0xb] =	wrdreg s20;
	s1 =	simm.s32 @!p1 $0xE0;
	p1 =	slt.s32 @!p0 s24, $0x1  }
0x63: {  	[dreg:$0xa] =	wrdreg s19;
	s25 =	ssub.s32 s1, s10;
	p1 =	por p0, p1  }
0x64: {  	[dreg:$0x9] =	wrdreg s18;
	s0 =	smul.u32 s0, s26;
	p2 =	slt.s32 @!p1 s25, $0x1  }
0x65: {  	[dreg:$0x8] =	wrdreg s17;
	p1 =	por p1, p2  }
.Ltmp3:
0x66: {  	s29 =	simm.s32 $0x1;
	s0 =	sshll.u32 s0, $0x7;
	(pc) =	sbr.rel @p1 .LBB1_13-.Ltmp3, $4  }
0x67: {  	[dreg:$0xc] =	wrdreg s26;
	s28 =	sand.u32 $0x3FFFFF80, s0;
	s0 =	sand.u32 $0x1, s16  }
0x68: {  	_ =	swait.ge [sflag:s29], s28;
	s31 =	smul.u32 $0x4080, s0  }
0x69: {  	s30 =	ssub.s32 $0x0, s28;
	[sflag:s29] =	ssyncset.done $0x0  }
0x6a: {  	[sflag:s29] =	ssyncadd.s32 s30;
	[dreg:$0xe] =	wrdreg s31  }
.Ltmp4:
0x6b: {  	(pc) =	sbr.rel .LBB1_4-.Ltmp4, $3  }
0x6c: {  	_ =	sdelay $0x1  }
0x6d: {  	s26 =	sshll.u32 @!p0 s0, $0xE;
	s0 =	rddreg [dreg:$0xe]  }
0x6e: {  	s28 =	simm.s32 $0x0;
	s27 =	sor.u32 @!p0 $0x8000, s0  }
.LBB1_12:
0x6f: {  	s28 =	sadd.s32 $0x1, s28  }
0x70: {  	p0 =	sne.s32 s28, s23  }
.Ltmp5:
0x71: {  	_ = 	snop;
	(pc) =	sbr.rel @!p0 .LBB1_13-.Ltmp5, $1  }
0x72: {  	_ =	sdelay $0x3  }
.LBB1_4:
0x73: {  	s0 =	smul.u32 $0x10200, s28;
	_ =	sdelay $0x1  }
0x74: {  	s0 =	sshra.s32 s0, $0x2  }
0x75: {  	s29 =	sadd.s32 s0, s27  }
0x76: {  	s9 =	simm.s32 $0x0;
	s30 =	sadd.s32 $0x810, s29;
	s31 =	sadd.s32 $0x1020, s29  }
0x77: {  	s0 =	sadd.s32 $0x1830, s29;
	s1 =	sadd.s32 $0x2040, s29;
	s2 =	sadd.s32 $0x2850, s29  }
.LBB1_5:
0x78: {  	s3 =	sadd.s32 s28, s9  }
0x79: {  	s3 =	sshll.u32 s3, $0x10  }
0x7a: {  	s3 =	sshra.s32 s3, $0x2  }
0x7b: {  	s3 =	sadd.s32 s3, s26  }
0x7c: {  	v0 =	vmov s3;
	_ =	sdelay $0x2  }
0x7d: {  	s17 =	simm.s32 $0x0  }
0x7e: {  	p1 =	sne.s32 s25, $0x1;
	s21 =	sand.u32 $0x3F80, s17  }
.Ltmp6:
0x7f: {  	s22 =	sand.u32 $0x7, s9;
	v8 =	vld.idx.msk [tilespmem:v0+s21+$0x0 ss:$0x1], $0xffff;
	(pc) =	sbr.rel @!p1 .LBB1_6-.Ltmp6, $4  }
0x80: {  	s13 =	simm.s32 $0x1;
	s5 =	smul.u32 $0x81, s22;
	v9 =	vld.idx.msk [tilespmem:v0+s21+$0x10 ss:$0x1], $0xffff  }
0x81: {  	s18 =	simm.s32 $0x80;
	p0 =	por $0x0, $0x0;
	s17 =	sand.u32 $0x7F, s17;
	v10 =	vld.idx.msk [tilespmem:v0+s21+$0x20 ss:$0x1], $0xffff  }
0x82: {  	s6 =	sadd.s32 s5, s29;
	s7 =	sadd.s32 s5, s31;
	s8 =	sadd.s32 s5, s0;
	v11 =	vld.idx.msk [tilespmem:v0+s21+$0x30 ss:$0x1], $0xffff  }
0x83: {  	s4 =	sadd.s32 s5, s1;
	s3 =	sadd.s32 s5, s30;
	s5 =	sadd.s32 s5, s2;
	v7 =	vld.idx.msk [tilespmem:v0+s21+$0x40 ss:$0x1], $0xffff  }
0x84: {  	_ =	sdelay $0x3  }
0x85: {  	s20 =	sand.u32 $0x3F80, s18;
	s19 =	sadd.s32 s17, s6;
	v1 =	vld.idx.msk [tilespmem:v0+s21+$0x50 ss:$0x1], $0xffff;
	p1 =	sne.s32 s25, $0x2  }
.Ltmp7:
0x86: {  	s22 =	sadd.s32 s17, s3;
	v2 =	vld.idx.msk [tilespmem:v0+s20+$0x0 ss:$0x1], $0xffff;
	[tilespmem:s19+$0x0 ss:$0x81] =	vst.msk $0xffff, v8;
	(pc) =	sbr.rel @!p1 .LBB1_8-.Ltmp7, $4  }
0x87: {  	v3 =	vld.idx.msk [tilespmem:v0+s20+$0x10 ss:$0x1], $0xffff;
	[tilespmem:s22+$0x0 ss:$0x81] =	vst.msk $0xffff, v9;
	s19 =	sadd.s32 s17, s7  }
0x88: {  	v4 =	vld.idx.msk [tilespmem:v0+s20+$0x20 ss:$0x1], $0xffff;
	s22 =	sadd.s32 s17, s8;
	[tilespmem:s19+$0x0 ss:$0x81] =	vst.msk $0xffff, v10  }
0x89: {  	s21 =	simm.s32 $0x2;
	s18 =	sadd.s32 s17, s5;
	v5 =	vld.idx.msk [tilespmem:v0+s20+$0x30 ss:$0x1], $0xffff;
	s19 =	sadd.s32 s17, s4;
	[tilespmem:s22+$0x0 ss:$0x81] =	vst.msk $0xffff, v11  }
0x8a: {  	p0 =	por $0x1, $0x1;
	v6 =	vld.idx.msk [tilespmem:v0+s20+$0x40 ss:$0x1], $0xffff;
	s22 =	sand.u32 $0x7F, s13;
	s13 =	simm.s32 $0x100;
	[tilespmem:s19+$0x0 ss:$0x81] =	vst.msk $0xffff, v7  }
.LBB1_9:
0x8b: {  	s19 =	smov.u32 s21;
	s21 =	sadd.s32 $0x1, s21  }
0x8c: {  	s17 =	sadd.s32 s22, s6;
	[tilespmem:s18+$0x0 ss:$0x81] =	vst.msk $0xffff, v1;
	v1 =	vld.idx.msk [tilespmem:v0+s20+$0x50 ss:$0x1], $0xffff;
	s20 =	sand.u32 $0x3F80, s13;
	p1 =	sne.s32 s25, s21  }
.Ltmp8:
0x8d: {  	[tilespmem:s17+$0x0 ss:$0x81] =	vst.msk $0xffff, v2;
	v2 =	vld.idx.msk [tilespmem:v0+s20+$0x0 ss:$0x1], $0xffff;
	s17 =	sadd.s32 s22, s3;
	(pc) =	sbr.rel @p1 .LBB1_9-.Ltmp8, $4  }
0x8e: {  	[tilespmem:s17+$0x0 ss:$0x81] =	vst.msk $0xffff, v3;
	v3 =	vld.idx.msk [tilespmem:v0+s20+$0x10 ss:$0x1], $0xffff;
	s17 =	sadd.s32 s22, s7  }
0x8f: {  	[tilespmem:s17+$0x0 ss:$0x81] =	vst.msk $0xffff, v4;
	v4 =	vld.idx.msk [tilespmem:v0+s20+$0x20 ss:$0x1], $0xffff;
	s17 =	sadd.s32 s22, s8  }
0x90: {  	[tilespmem:s17+$0x0 ss:$0x81] =	vst.msk $0xffff, v5;
	v5 =	vld.idx.msk [tilespmem:v0+s20+$0x30 ss:$0x1], $0xffff;
	s17 =	sadd.s32 s22, s4  }
0x91: {  	s13 =	sadd.s32 $0x80, s13;
	s18 =	sadd.s32 s22, s5;
	s22 =	sand.u32 $0x7F, s19;
	[tilespmem:s17+$0x0 ss:$0x81] =	vst.msk $0xffff, v6;
	v6 =	vld.idx.msk [tilespmem:v0+s20+$0x40 ss:$0x1], $0xffff  }
0x92: {  	_ =	sdelay $0x3  }
0x93: {  	s17 =	smov.u32 s22;
	s21 =	smov.u32 s20;
	v8 =	vmovc v2;
	v9 =	vmovc v3;
	v10 =	vmov v4;
	v11 =	vmov v5;
	v7 =	vmov v6  }
.LBB1_11:
0x94: {  	_ =	sdelay $0x2  }
0x95: {  	s6 =	sadd.s32 s17, s6;
	[tilespmem:s18+$0x0 ss:$0x81] =	vst.msk @p0 $0xffff, v1;
	s9 =	sadd.s32 $0x1, s9  }
0x96: {  	v0 =	vld.idx.msk [tilespmem:v0+s21+$0x50 ss:$0x1], $0xffff;
	s3 =	sadd.s32 s17, s3;
	[tilespmem:s6+$0x0 ss:$0x81] =	vst.msk $0xffff, v8;
	p0 =	sne.s32 s9, s24  }
.Ltmp9:
0x97: {  	s19 =	sadd.s32 s17, s7;
	[tilespmem:s3+$0x0 ss:$0x81] =	vst.msk $0xffff, v9;
	(pc) =	sbr.rel @p0 .LBB1_5-.Ltmp9, $4  }
.Ltmp10:
0x98: {  	s20 =	sadd.s32 s17, s8;
	[tilespmem:s19+$0x0 ss:$0x81] =	vst.msk $0xffff, v10;
	(pc) =	sbr.rel @!p0 .LBB1_12-.Ltmp10, $4  }
0x99: {  	s21 =	sadd.s32 s17, s4;
	[tilespmem:s20+$0x0 ss:$0x81] =	vst.msk $0xffff, v11  }
0x9a: {  	s22 =	sadd.s32 s17, s5;
	[tilespmem:s21+$0x0 ss:$0x81] =	vst.msk $0xffff, v7  }
0x9b: {  	[tilespmem:s22+$0x0 ss:$0x81] =	vst.msk $0xffff, v0  }
0x9c: {  	_ = 	snop  }
.LBB1_6:
.Ltmp11:
0x9d: {  	(pc) =	sbr.rel .LBB1_11-.Ltmp11, $2  }
0x9e: {  	_ =	sdelay $0x2  }
0x9f: {  	_ = 	snop  }
.LBB1_8:
.Ltmp12:
0xa0: {  	_ = 	snop;
	(pc) =	sbr.rel .LBB1_11-.Ltmp12, $2  }
0xa1: {  	_ =	sdelay $0x2  }
0xa2: {  	s17 =	smov.u32 s22;
	s21 =	smov.u32 s20;
	v8 =	vmovc v2;
	v9 =	vmovc v3;
	v10 =	vmov v4;
	v11 =	vmov v5;
	v7 =	vmov v6  }
.LBB1_15:
0xa3: {  	_ =	sfence.sel $0x180000  }
0xa4: {  	s0 =	simm.s32 $0x1;
	[bflag:$0x0] =	sbarrier.arrive $0xFFFF  }
0xa5: {  	s30 =	simm.s32 $0x2;
	[sflag:s0] =	ssyncpa.u1 $0x1  }
0xa6: {  	[sflag:s30] =	ssyncpa.u1 $0x1  }
0xa7: {  	_ =	strace $0x90000059  }
0xa8: {  	s31 =	stileid.u32;
	[bflag:$0x2] =	sbarrier.arrive $0xFFFF  }
0xa9: {  	p0 =	sne.s32 s31, $0x0;
	s0 =	rddreg [dreg:$0x2]  }
0xaa: {  	s0 =	sadd.s32 @!p0 $0x100000, s0  }
0xab: {  	[sflag:s0] =	ssyncadd.tile.s32 @!p0 $0x1;
	_ =	shalt  }
.Lfunc_end1:
_tile_overlayer_lowered:
.L_overlay_start_2:
0xac: {  	(tag) =	ssettag $0x2  }
0xad: {  	s0 =	rddreg [dreg:$0x0];
	s2 =	stileid.u32  }
0xae: {  	s1 =	rddreg [dreg:$0x1];
	p0 =	sne.s32 s2, $0x0  }
0xaf: {  	s3 =	rddreg [dreg:$0x2];
	[bflag:$0x3] =	sbarrier.arrive $0xFFFF;
	s2 =	simm.s32 @!p0 $0x1C01  }
0xb0: {  	[timem:s3], [sflag:s2] =	dma.local @!p0 [hbm:s0], s1  }
0xb1: {  	s0 =	simm.s32 @!p0 $0x1  }
0xb2: {  	_ =	swait.ge @!p0 [sflag:s0], s1  }
0xb3: {  	s1 =	ssub.s32 @!p0 $0x0, s1;
	[sflag:s0] =	ssyncset.done @!p0 $0x0  }
0xb4: {  	[sflag:s0] =	ssyncadd.s32 @!p0 s1  }
0xb5: {  	[bflag:$0x3] =	sbarrier.arrive $0xFFFF  }
0xb6: {  	_ =	shalt  }

</sc_bundles>
